<compile_context>
chip_gen: v7x
topology: tpu7x:2x2x1
jax: 0.10.2.dev20260603
libtpu: 0.0.44.dev20260713+nightly
codegen_flags: <defaults>
</compile_context>

<pallas_src>
import functools

import jax
import jax.numpy as jnp
from jax import lax
from jax.experimental import pallas as pl
from jax.experimental.pallas import tpu as pltpu
from jax.experimental.pallas import tpu_sc as plsc

_NC, _NS = 2, 16
_NW = _NC * _NS
_CH = 128
_GI = 16
_NB = 4
_WCH = 128
_RPT = 640
_BN = 1000
_BNP = 1024


def _scatter_halves(h2, row3, col3, zslab):
    Dh = h2.shape[2]
    nchunk = col3.shape[1]
    rpt = _RPT
    npad = _NS * _RPT
    nwch = rpt // _WCH
    ngroup = nchunk // _GI

    mesh = plsc.VectorSubcoreMesh(core_axis_name="c", subcore_axis_name="s")

    @functools.partial(
        pl.kernel,
        out_type=jax.ShapeDtypeStruct((_NC, npad, Dh), jnp.float32),
        mesh=mesh,
        scratch_types=[
            [pltpu.VMEM((_GI, _CH), jnp.int32) for _ in range(2)],
            [pltpu.VMEM((_GI, _CH), jnp.int32) for _ in range(2)],
            [pltpu.VMEM((_CH, Dh), jnp.float32) for _ in range(_NB)],
            pltpu.VMEM_SHARED((npad, Dh), jnp.float32),
            pltpu.VMEM_SHARED((npad, Dh), jnp.float32),
            [pltpu.SemaphoreType.DMA for _ in range(_NB)],
            [pltpu.SemaphoreType.DMA for _ in range(2)],
        ],
        compiler_params=pltpu.CompilerParams(use_tc_tiling_on_sc=False),
    )
    def k(h_hbm, row_hbm, col_hbm, z_hbm, out_hbm, cbuf, rbuf,
          bufs, hsp, acc, gsem, isem):
        c = lax.axis_index("c")
        s = lax.axis_index("s")
        rbase = s * rpt

        for j in range(nwch):
            r0 = rbase + j * _WCH
            pltpu.async_copy(h_hbm.at[c, pl.ds(r0, _WCH)],
                             hsp.at[pl.ds(r0, _WCH)], gsem[0])
            pltpu.async_copy(z_hbm, acc.at[pl.ds(r0, _WCH)], gsem[1])
        for j in range(nwch):
            r0 = rbase + j * _WCH
            pltpu.make_async_copy(h_hbm.at[c, pl.ds(r0, _WCH)],
                                  hsp.at[pl.ds(r0, _WCH)], gsem[0]).wait()
            pltpu.make_async_copy(z_hbm, acc.at[pl.ds(r0, _WCH)],
                                  gsem[1]).wait()

        def load_group(gi, p):
            pltpu.async_copy(col_hbm.at[s, pl.ds(gi * _GI, _GI)], cbuf[p],
                             isem[p])
            pltpu.async_copy(row_hbm.at[s, pl.ds(gi * _GI, _GI)], rbuf[p],
                             isem[p])

        def wait_group(gi, p):
            pltpu.make_async_copy(col_hbm.at[s, pl.ds(gi * _GI, _GI)],
                                  cbuf[p], isem[p]).wait()
            pltpu.make_async_copy(row_hbm.at[s, pl.ds(gi * _GI, _GI)],
                                  rbuf[p], isem[p]).wait()

        load_group(0, 0)
        load_group(1, 1)
        plsc.subcore_barrier()
        wait_group(0, 0)

        for b in range(_NB):
            pltpu.async_copy(hsp.at[cbuf[0].at[b]], bufs[b], gsem[b])

        def body(t, carry):
            for p in range(2):
                gi = 2 * t + p

                @pl.when(gi + 1 < ngroup)
                def _():
                    wait_group(gi + 1, 1 - p)

                for b8 in range(_GI):
                    b = b8 % _NB
                    g = gi * _GI + b8
                    pltpu.make_async_copy(hsp.at[cbuf[p].at[b8]],
                                          bufs[b], gsem[b]).wait()
                    pltpu.sync_copy(bufs[b], acc.at[rbuf[p].at[b8]], add=True)

                    nxt = b8 + _NB
                    if nxt < _GI:
                        @pl.when(g + _NB < nchunk)
                        def _():
                            pltpu.async_copy(hsp.at[cbuf[p].at[nxt]],
                                             bufs[b], gsem[b])
                    else:
                        @pl.when(g + _NB < nchunk)
                        def _():
                            pltpu.async_copy(
                                hsp.at[cbuf[1 - p].at[nxt - _GI]],
                                bufs[b], gsem[b])

                @pl.when(gi + 2 < ngroup)
                def _():
                    load_group(gi + 2, p)
            return carry

        lax.fori_loop(0, ngroup // 2, body, 0)
        plsc.subcore_barrier()

        for j in range(nwch):
            r0 = rbase + j * _WCH
            pltpu.async_copy(acc.at[pl.ds(r0, _WCH)],
                             out_hbm.at[c, pl.ds(r0, _WCH)], gsem[2])
        for j in range(nwch):
            r0 = rbase + j * _WCH
            pltpu.make_async_copy(acc.at[pl.ds(r0, _WCH)],
                                  out_hbm.at[c, pl.ds(r0, _WCH)],
                                  gsem[2]).wait()

    return k(h2, row3, col3, zslab)


def _matmul(x, W, Np):
    D = x.shape[1]
    H = W.shape[1]
    Hh = H // 2

    def kfn(x_ref, w_ref, o_ref):
        r = jnp.dot(x_ref[...], w_ref[...], preferred_element_type=jnp.float32)
        o_ref[0] = r[:, :Hh]
        o_ref[1] = r[:, Hh:]

    return pl.pallas_call(
        kfn,
        grid=(Np // _BNP,),
        in_specs=[
            pl.BlockSpec((_BNP, D), lambda i: (i, 0)),
            pl.BlockSpec((D, H), lambda i: (0, 0)),
        ],
        out_specs=pl.BlockSpec((2, _BNP, Hh), lambda i: (0, i, 0)),
        out_shape=jax.ShapeDtypeStruct((2, Np, Hh), jnp.float32),
    )(x, W)


def _mid(p, b1, g1, be1, W2):
    Np, Hh = p.shape[1], p.shape[2]
    H = 2 * Hh
    D2 = W2.shape[1]
    D2h = D2 // 2

    def kfn(p_ref, b_ref, g_ref, be_ref, w_ref, o_ref):
        s = jnp.concatenate([p_ref[0], p_ref[1]], axis=-1) + b_ref[...]
        mu = jnp.mean(s, axis=-1, keepdims=True)
        var = jnp.mean((s - mu) ** 2, axis=-1, keepdims=True)
        t = (s - mu) * lax.rsqrt(var + 1e-5) * g_ref[...] + be_ref[...]
        t = jnp.maximum(t, 0.0)
        r = jnp.dot(t, w_ref[...], preferred_element_type=jnp.float32)
        o_ref[0] = r[:, :D2h]
        o_ref[1] = r[:, D2h:]

    vec = lambda i: (0, 0)
    return pl.pallas_call(
        kfn,
        grid=(Np // _BNP,),
        in_specs=[
            pl.BlockSpec((2, _BNP, Hh), lambda i: (0, i, 0)),
            pl.BlockSpec((1, H), vec),
            pl.BlockSpec((1, H), vec),
            pl.BlockSpec((1, H), vec),
            pl.BlockSpec((H, D2), vec),
        ],
        out_specs=pl.BlockSpec((2, _BNP, D2h), lambda i: (0, i, 0)),
        out_shape=jax.ShapeDtypeStruct((2, Np, D2h), jnp.float32),
    )(p, b1.reshape(1, H), g1.reshape(1, H), be1.reshape(1, H), W2)


def _final(p, b2, g2, be2, x):
    N, D = x.shape
    Dh = p.shape[2]

    def kfn(p_ref, b_ref, g_ref, be_ref, x_ref, o_ref):
        s = jnp.concatenate([p_ref[0], p_ref[1]], axis=-1) + b_ref[...]
        mu = jnp.mean(s, axis=-1, keepdims=True)
        var = jnp.mean((s - mu) ** 2, axis=-1, keepdims=True)
        t = (s - mu) * lax.rsqrt(var + 1e-5) * g_ref[...] + be_ref[...]
        o_ref[...] = t + x_ref[...]

    vec = lambda i: (0, 0)
    return pl.pallas_call(
        kfn,
        grid=(N // _BN,),
        in_specs=[
            pl.BlockSpec((2, _BN, Dh), lambda i: (0, i, 0)),
            pl.BlockSpec((1, D), vec),
            pl.BlockSpec((1, D), vec),
            pl.BlockSpec((1, D), vec),
            pl.BlockSpec((_BN, D), lambda i: (i, 0)),
        ],
        out_specs=pl.BlockSpec((_BN, D), lambda i: (i, 0)),
        out_shape=jax.ShapeDtypeStruct((N, D), jnp.float32),
    )(p, b2.reshape(1, D), g2.reshape(1, D), be2.reshape(1, D), x)


def kernel(x, edge_index, W1, b1, g1, be1, W2, b2, g2, be2):
    N, D = x.shape
    H = W1.shape[1]
    E = edge_index.shape[1]
    zslab = jnp.zeros((_WCH, H // 2), jnp.float32)

    ept = E // _NS
    eptp = -(-ept // (2 * _GI * _CH)) * (2 * _GI * _CH)
    npad = _NS * _RPT
    row3 = jnp.full((_NS, eptp), npad - 1, jnp.int32)
    row3 = row3.at[:, :ept].set(edge_index[0].reshape(_NS, ept))
    row3 = row3.reshape(_NS, eptp // _CH, _CH)
    col3 = jnp.zeros((_NS, eptp), jnp.int32)
    col3 = col3.at[:, :ept].set(edge_index[1].reshape(_NS, ept))
    col3 = col3.reshape(_NS, eptp // _CH, _CH)

    h1 = _matmul(x, W1, npad)
    p1 = _scatter_halves(h1, row3, col3, zslab)
    h2 = _mid(p1, b1, g1, be1, W2)
    p2 = _scatter_halves(h2, row3, col3, zslab)
    return _final(p2, b2, g2, be2, x)

# --- scband reference (transcript-rebuilt; emitter-appended) ---
"""Pipeline reference for scband-gcnblock-14061722927711 (READ-ONLY COPY).

The authoritative reference and input builder live on the scoring server;
editing this copy changes nothing except your own understanding.
"""

import jax, jax.numpy as jnp
import numpy as np


def layer_norm(x, g, b, eps=1e-5):
    mu = jnp.mean(x, axis=-1, keepdims=True)
    var = jnp.mean((x - mu) ** 2, axis=-1, keepdims=True)
    return (x - mu) / jnp.sqrt(var + eps) * g + b


def setup_inputs(seed: int = 0) -> dict:
    key = jax.random.key(seed)
    ks = jax.random.split(key, 8)
    N, D, H, E = 10000, 128, 128, 320000
    x = jax.random.normal(ks[0], (N, D), dtype=jnp.float32)
    edge_index = jax.random.randint(ks[1], (2, E), 0, N, dtype=jnp.int32)
    # GraphConvolution 1: in=D, out=H (kaiming-uniform-like init)
    bound1 = float(np.sqrt(6.0 / D))
    W1 = jax.random.uniform(ks[2], (D, H), minval=-bound1, maxval=bound1, dtype=jnp.float32)
    b1 = jnp.zeros((H,), dtype=jnp.float32)
    # GraphConvolution 2: in=H, out=D
    bound2 = float(np.sqrt(6.0 / H))
    W2 = jax.random.uniform(ks[3], (H, D), minval=-bound2, maxval=bound2, dtype=jnp.float32)
    b2 = jnp.zeros((D,), dtype=jnp.float32)
    # LayerNorm params
    g1 = jnp.ones((H,), dtype=jnp.float32)
    be1 = jnp.zeros((H,), dtype=jnp.float32)
    g2 = jnp.ones((D,), dtype=jnp.float32)
    be2 = jnp.zeros((D,), dtype=jnp.float32)
    return {"x": x, "edge_index": edge_index, "W1": W1, "b1": b1, "g1": g1,
            "be1": be1, "W2": W2, "b2": b2, "g2": g2, "be2": be2}


def graph_conv(x, edge_index, W, b):
    h = x @ W
    row = edge_index[0]
    col = edge_index[1]
    out = jnp.zeros_like(h).at[row].add(h[col])
    return out + b


def reference(x, edge_index, W1, b1, g1, be1, W2, b2, g2, be2):
    residual = x
    h = graph_conv(x, edge_index, W1, b1)
    h = jax.nn.relu(layer_norm(h, g1, be1))
    h = graph_conv(h, edge_index, W2, b2)
    h = layer_norm(h, g2, be2)
    return h + residual

if __name__ == "__main__":
    import jax
    _d = setup_inputs()
    print(jax.jit(kernel)(*tuple(_d.values())))

</pallas_src>

<mosaic_0001>
#map = affine_map<(d0, d1) -> (0, 0, 0)>
#map1 = affine_map<(d0, d1) -> (0, 0)>
module attributes {stable_mosaic.version = 14 : i64} {
  func.func @k(%arg0: i32, %arg1: i32, %arg2: memref<2x10240x64xf32, #tpu.memory_space<hbm>>, %arg3: memref<16x160x128xi32, #tpu.memory_space<hbm>>, %arg4: memref<16x160x128xi32, #tpu.memory_space<hbm>>, %arg5: memref<128x64xf32, #tpu.memory_space<hbm>>, %arg6: memref<2x10240x64xf32, #tpu.memory_space<hbm>>, %arg7: memref<16x128xi32, #tpu.memory_space<vmem>>, %arg8: memref<16x128xi32, #tpu.memory_space<vmem>>, %arg9: memref<16x128xi32, #tpu.memory_space<vmem>>, %arg10: memref<16x128xi32, #tpu.memory_space<vmem>>, %arg11: memref<128x64xf32, #tpu.memory_space<vmem>>, %arg12: memref<128x64xf32, #tpu.memory_space<vmem>>, %arg13: memref<128x64xf32, #tpu.memory_space<vmem>>, %arg14: memref<128x64xf32, #tpu.memory_space<vmem>>, %arg15: memref<10240x64xf32, #tpu.memory_space<vmem_shared>>, %arg16: memref<10240x64xf32, #tpu.memory_space<vmem_shared>>, %arg17: memref<!tpu.dma_semaphore, #tpu.memory_space<semaphore_mem>>, %arg18: memref<!tpu.dma_semaphore, #tpu.memory_space<semaphore_mem>>, %arg19: memref<!tpu.dma_semaphore, #tpu.memory_space<semaphore_mem>>, %arg20: memref<!tpu.dma_semaphore, #tpu.memory_space<semaphore_mem>>, %arg21: memref<!tpu.dma_semaphore, #tpu.memory_space<semaphore_mem>>, %arg22: memref<!tpu.dma_semaphore, #tpu.memory_space<semaphore_mem>>) attributes {dimension_semantics = [#tpu.dimension_semantics<core_parallel>, #tpu.dimension_semantics<subcore_parallel>], iteration_bounds = array<i64: 2, 16>, scalar_prefetch = 0 : i64, scratch_operands = 16 : i64, tpu.core_type = #tpu.core_type<sc_vector_subcore>, window_params = [{transform_indices = #map}, {transform_indices = #map}, {transform_indices = #map}, {transform_indices = #map1}, {transform_indices = #map}]} {
    %mul3A = arith.constant 640 : i32
    %mul3A_0 = arith.muli %arg1, %mul3A : i32
    %add3A = arith.constant 0 : i32
    %add3A_1 = arith.addi %mul3A_0, %add3A : i32
    %dma_start3A = arith.constant 0 : i32
    %dma_start3A_2 = tpu.memref_slice %arg15[%add3A_1, %dma_start3A] : memref<10240x64xf32, #tpu.memory_space<vmem_shared>> -> memref<128x64xf32, #tpu.memory_space<vmem_shared>>
    %dma_start3A_3 = arith.constant 0 : i32
    %dma_start3A_4 = tpu.memref_slice %arg2[%arg0, %add3A_1, %dma_start3A_3] : memref<2x10240x64xf32, #tpu.memory_space<hbm>> -> memref<1x128x64xf32, #tpu.memory_space<hbm>>
    %dma_start3A_5 = tpu.memref_squeeze %dma_start3A_4 : memref<1x128x64xf32, #tpu.memory_space<hbm>> -> memref<128x64xf32, #tpu.memory_space<hbm>>
    tpu.enqueue_dma source(%dma_start3A_5 : memref<128x64xf32, #tpu.memory_space<hbm>>) target(%dma_start3A_2 : memref<128x64xf32, #tpu.memory_space<vmem_shared>>) target_semaphore(%arg17 : memref<!tpu.dma_semaphore, #tpu.memory_space<semaphore_mem>>)
    %dma_start3A_6 = arith.constant 0 : i32
    %dma_start3A_7 = tpu.memref_slice %arg16[%add3A_1, %dma_start3A_6] : memref<10240x64xf32, #tpu.memory_space<vmem_shared>> -> memref<128x64xf32, #tpu.memory_space<vmem_shared>>
    tpu.enqueue_dma source(%arg5 : memref<128x64xf32, #tpu.memory_space<hbm>>) target(%dma_start3A_7 : memref<128x64xf32, #tpu.memory_space<vmem_shared>>) target_semaphore(%arg18 : memref<!tpu.dma_semaphore, #tpu.memory_space<semaphore_mem>>)
    %add3A_8 = arith.constant 128 : i32
    %add3A_9 = arith.addi %mul3A_0, %add3A_8 : i32
    %dma_start3A_10 = arith.constant 0 : i32
    %dma_start3A_11 = tpu.memref_slice %arg15[%add3A_9, %dma_start3A_10] : memref<10240x64xf32, #tpu.memory_space<vmem_shared>> -> memref<128x64xf32, #tpu.memory_space<vmem_shared>>
    %dma_start3A_12 = arith.constant 0 : i32
    %dma_start3A_13 = tpu.memref_slice %arg2[%arg0, %add3A_9, %dma_start3A_12] : memref<2x10240x64xf32, #tpu.memory_space<hbm>> -> memref<1x128x64xf32, #tpu.memory_space<hbm>>
    %dma_start3A_14 = tpu.memref_squeeze %dma_start3A_13 : memref<1x128x64xf32, #tpu.memory_space<hbm>> -> memref<128x64xf32, #tpu.memory_space<hbm>>
    tpu.enqueue_dma source(%dma_start3A_14 : memref<128x64xf32, #tpu.memory_space<hbm>>) target(%dma_start3A_11 : memref<128x64xf32, #tpu.memory_space<vmem_shared>>) target_semaphore(%arg17 : memref<!tpu.dma_semaphore, #tpu.memory_space<semaphore_mem>>)
    %dma_start3A_15 = arith.constant 0 : i32
    %dma_start3A_16 = tpu.memref_slice %arg16[%add3A_9, %dma_start3A_15] : memref<10240x64xf32, #tpu.memory_space<vmem_shared>> -> memref<128x64xf32, #tpu.memory_space<vmem_shared>>
    tpu.enqueue_dma source(%arg5 : memref<128x64xf32, #tpu.memory_space<hbm>>) target(%dma_start3A_16 : memref<128x64xf32, #tpu.memory_space<vmem_shared>>) target_semaphore(%arg18 : memref<!tpu.dma_semaphore, #tpu.memory_space<semaphore_mem>>)
    %add3A_17 = arith.constant 256 : i32
    %add3A_18 = arith.addi %mul3A_0, %add3A_17 : i32
    %dma_start3A_19 = arith.constant 0 : i32
    %dma_start3A_20 = tpu.memref_slice %arg15[%add3A_18, %dma_start3A_19] : memref<10240x64xf32, #tpu.memory_space<vmem_shared>> -> memref<128x64xf32, #tpu.memory_space<vmem_shared>>
    %dma_start3A_21 = arith.constant 0 : i32
    %dma_start3A_22 = tpu.memref_slice %arg2[%arg0, %add3A_18, %dma_start3A_21] : memref<2x10240x64xf32, #tpu.memory_space<hbm>> -> memref<1x128x64xf32, #tpu.memory_space<hbm>>
    %dma_start3A_23 = tpu.memref_squeeze %dma_start3A_22 : memref<1x128x64xf32, #tpu.memory_space<hbm>> -> memref<128x64xf32, #tpu.memory_space<hbm>>
    tpu.enqueue_dma source(%dma_start3A_23 : memref<128x64xf32, #tpu.memory_space<hbm>>) target(%dma_start3A_20 : memref<128x64xf32, #tpu.memory_space<vmem_shared>>) target_semaphore(%arg17 : memref<!tpu.dma_semaphore, #tpu.memory_space<semaphore_mem>>)
    %dma_start3A_24 = arith.constant 0 : i32
    %dma_start3A_25 = tpu.memref_slice %arg16[%add3A_18, %dma_start3A_24] : memref<10240x64xf32, #tpu.memory_space<vmem_shared>> -> memref<128x64xf32, #tpu.memory_space<vmem_shared>>
    tpu.enqueue_dma source(%arg5 : memref<128x64xf32, #tpu.memory_space<hbm>>) target(%dma_start3A_25 : memref<128x64xf32, #tpu.memory_space<vmem_shared>>) target_semaphore(%arg18 : memref<!tpu.dma_semaphore, #tpu.memory_space<semaphore_mem>>)
    %add3A_26 = arith.constant 384 : i32
    %add3A_27 = arith.addi %mul3A_0, %add3A_26 : i32
    %dma_start3A_28 = arith.constant 0 : i32
    %dma_start3A_29 = tpu.memref_slice %arg15[%add3A_27, %dma_start3A_28] : memref<10240x64xf32, #tpu.memory_space<vmem_shared>> -> memref<128x64xf32, #tpu.memory_space<vmem_shared>>
    %dma_start3A_30 = arith.constant 0 : i32
    %dma_start3A_31 = tpu.memref_slice %arg2[%arg0, %add3A_27, %dma_start3A_30] : memref<2x10240x64xf32, #tpu.memory_space<hbm>> -> memref<1x128x64xf32, #tpu.memory_space<hbm>>
    %dma_start3A_32 = tpu.memref_squeeze %dma_start3A_31 : memref<1x128x64xf32, #tpu.memory_space<hbm>> -> memref<128x64xf32, #tpu.memory_space<hbm>>
    tpu.enqueue_dma source(%dma_start3A_32 : memref<128x64xf32, #tpu.memory_space<hbm>>) target(%dma_start3A_29 : memref<128x64xf32, #tpu.memory_space<vmem_shared>>) target_semaphore(%arg17 : memref<!tpu.dma_semaphore, #tpu.memory_space<semaphore_mem>>)
    %dma_start3A_33 = arith.constant 0 : i32
    %dma_start3A_34 = tpu.memref_slice %arg16[%add3A_27, %dma_start3A_33] : memref<10240x64xf32, #tpu.memory_space<vmem_shared>> -> memref<128x64xf32, #tpu.memory_space<vmem_shared>>
    tpu.enqueue_dma source(%arg5 : memref<128x64xf32, #tpu.memory_space<hbm>>) target(%dma_start3A_34 : memref<128x64xf32, #tpu.memory_space<vmem_shared>>) target_semaphore(%arg18 : memref<!tpu.dma_semaphore, #tpu.memory_space<semaphore_mem>>)
    %add3A_35 = arith.constant 512 : i32
    %add3A_36 = arith.addi %mul3A_0, %add3A_35 : i32
    %dma_start3A_37 = arith.constant 0 : i32
    %dma_start3A_38 = tpu.memref_slice %arg15[%add3A_36, %dma_start3A_37] : memref<10240x64xf32, #tpu.memory_space<vmem_shared>> -> memref<128x64xf32, #tpu.memory_space<vmem_shared>>
    %dma_start3A_39 = arith.constant 0 : i32
    %dma_start3A_40 = tpu.memref_slice %arg2[%arg0, %add3A_36, %dma_start3A_39] : memref<2x10240x64xf32, #tpu.memory_space<hbm>> -> memref<1x128x64xf32, #tpu.memory_space<hbm>>
    %dma_start3A_41 = tpu.memref_squeeze %dma_start3A_40 : memref<1x128x64xf32, #tpu.memory_space<hbm>> -> memref<128x64xf32, #tpu.memory_space<hbm>>
    tpu.enqueue_dma source(%dma_start3A_41 : memref<128x64xf32, #tpu.memory_space<hbm>>) target(%dma_start3A_38 : memref<128x64xf32, #tpu.memory_space<vmem_shared>>) target_semaphore(%arg17 : memref<!tpu.dma_semaphore, #tpu.memory_space<semaphore_mem>>)
    %dma_start3A_42 = arith.constant 0 : i32
    %dma_start3A_43 = tpu.memref_slice %arg16[%add3A_36, %dma_start3A_42] : memref<10240x64xf32, #tpu.memory_space<vmem_shared>> -> memref<128x64xf32, #tpu.memory_space<vmem_shared>>
    tpu.enqueue_dma source(%arg5 : memref<128x64xf32, #tpu.memory_space<hbm>>) target(%dma_start3A_43 : memref<128x64xf32, #tpu.memory_space<vmem_shared>>) target_semaphore(%arg18 : memref<!tpu.dma_semaphore, #tpu.memory_space<semaphore_mem>>)
    %add3A_44 = arith.constant 0 : i32
    %add3A_45 = arith.addi %mul3A_0, %add3A_44 : i32
    %dma_wait3A = arith.constant 0 : i32
    %dma_wait3A_46 = tpu.memref_slice %arg15[%add3A_45, %dma_wait3A] : memref<10240x64xf32, #tpu.memory_space<vmem_shared>> -> memref<128x64xf32, #tpu.memory_space<vmem_shared>>
    %dma_wait3A_47 = arith.constant 0 : i32
    %dma_wait3A_48 = tpu.memref_slice %arg2[%arg0, %add3A_45, %dma_wait3A_47] : memref<2x10240x64xf32, #tpu.memory_space<hbm>> -> memref<1x128x64xf32, #tpu.memory_space<hbm>>
    %dma_wait3A_49 = tpu.memref_squeeze %dma_wait3A_48 : memref<1x128x64xf32, #tpu.memory_space<hbm>> -> memref<128x64xf32, #tpu.memory_space<hbm>>
    tpu.wait_dma2 semaphore(%arg17 : memref<!tpu.dma_semaphore, #tpu.memory_space<semaphore_mem>>) src(%dma_wait3A_49 : memref<128x64xf32, #tpu.memory_space<hbm>>) dst(%dma_wait3A_46 : memref<128x64xf32, #tpu.memory_space<vmem_shared>>)
    %dma_wait3A_50 = arith.constant 0 : i32
    %dma_wait3A_51 = tpu.memref_slice %arg16[%add3A_45, %dma_wait3A_50] : memref<10240x64xf32, #tpu.memory_space<vmem_shared>> -> memref<128x64xf32, #tpu.memory_space<vmem_shared>>
    tpu.wait_dma2 semaphore(%arg18 : memref<!tpu.dma_semaphore, #tpu.memory_space<semaphore_mem>>) src(%arg5 : memref<128x64xf32, #tpu.memory_space<hbm>>) dst(%dma_wait3A_51 : memref<128x64xf32, #tpu.memory_space<vmem_shared>>)
    %add3A_52 = arith.constant 128 : i32
    %add3A_53 = arith.addi %mul3A_0, %add3A_52 : i32
    %dma_wait3A_54 = arith.constant 0 : i32
    %dma_wait3A_55 = tpu.memref_slice %arg15[%add3A_53, %dma_wait3A_54] : memref<10240x64xf32, #tpu.memory_space<vmem_shared>> -> memref<128x64xf32, #tpu.memory_space<vmem_shared>>
    %dma_wait3A_56 = arith.constant 0 : i32
    %dma_wait3A_57 = tpu.memref_slice %arg2[%arg0, %add3A_53, %dma_wait3A_56] : memref<2x10240x64xf32, #tpu.memory_space<hbm>> -> memref<1x128x64xf32, #tpu.memory_space<hbm>>
    %dma_wait3A_58 = tpu.memref_squeeze %dma_wait3A_57 : memref<1x128x64xf32, #tpu.memory_space<hbm>> -> memref<128x64xf32, #tpu.memory_space<hbm>>
    tpu.wait_dma2 semaphore(%arg17 : memref<!tpu.dma_semaphore, #tpu.memory_space<semaphore_mem>>) src(%dma_wait3A_58 : memref<128x64xf32, #tpu.memory_space<hbm>>) dst(%dma_wait3A_55 : memref<128x64xf32, #tpu.memory_space<vmem_shared>>)
    %dma_wait3A_59 = arith.constant 0 : i32
    %dma_wait3A_60 = tpu.memref_slice %arg16[%add3A_53, %dma_wait3A_59] : memref<10240x64xf32, #tpu.memory_space<vmem_shared>> -> memref<128x64xf32, #tpu.memory_space<vmem_shared>>
    tpu.wait_dma2 semaphore(%arg18 : memref<!tpu.dma_semaphore, #tpu.memory_space<semaphore_mem>>) src(%arg5 : memref<128x64xf32, #tpu.memory_space<hbm>>) dst(%dma_wait3A_60 : memref<128x64xf32, #tpu.memory_space<vmem_shared>>)
    %add3A_61 = arith.constant 256 : i32
    %add3A_62 = arith.addi %mul3A_0, %add3A_61 : i32
    %dma_wait3A_63 = arith.constant 0 : i32
    %dma_wait3A_64 = tpu.memref_slice %arg15[%add3A_62, %dma_wait3A_63] : memref<10240x64xf32, #tpu.memory_space<vmem_shared>> -> memref<128x64xf32, #tpu.memory_space<vmem_shared>>
    %dma_wait3A_65 = arith.constant 0 : i32
    %dma_wait3A_66 = tpu.memref_slice %arg2[%arg0, %add3A_62, %dma_wait3A_65] : memref<2x10240x64xf32, #tpu.memory_space<hbm>> -> memref<1x128x64xf32, #tpu.memory_space<hbm>>
    %dma_wait3A_67 = tpu.memref_squeeze %dma_wait3A_66 : memref<1x128x64xf32, #tpu.memory_space<hbm>> -> memref<128x64xf32, #tpu.memory_space<hbm>>
    tpu.wait_dma2 semaphore(%arg17 : memref<!tpu.dma_semaphore, #tpu.memory_space<semaphore_mem>>) src(%dma_wait3A_67 : memref<128x64xf32, #tpu.memory_space<hbm>>) dst(%dma_wait3A_64 : memref<128x64xf32, #tpu.memory_space<vmem_shared>>)
    %dma_wait3A_68 = arith.constant 0 : i32
    %dma_wait3A_69 = tpu.memref_slice %arg16[%add3A_62, %dma_wait3A_68] : memref<10240x64xf32, #tpu.memory_space<vmem_shared>> -> memref<128x64xf32, #tpu.memory_space<vmem_shared>>
    tpu.wait_dma2 semaphore(%arg18 : memref<!tpu.dma_semaphore, #tpu.memory_space<semaphore_mem>>) src(%arg5 : memref<128x64xf32, #tpu.memory_space<hbm>>) dst(%dma_wait3A_69 : memref<128x64xf32, #tpu.memory_space<vmem_shared>>)
    %add3A_70 = arith.constant 384 : i32
    %add3A_71 = arith.addi %mul3A_0, %add3A_70 : i32
    %dma_wait3A_72 = arith.constant 0 : i32
    %dma_wait3A_73 = tpu.memref_slice %arg15[%add3A_71, %dma_wait3A_72] : memref<10240x64xf32, #tpu.memory_space<vmem_shared>> -> memref<128x64xf32, #tpu.memory_space<vmem_shared>>
    %dma_wait3A_74 = arith.constant 0 : i32
    %dma_wait3A_75 = tpu.memref_slice %arg2[%arg0, %add3A_71, %dma_wait3A_74] : memref<2x10240x64xf32, #tpu.memory_space<hbm>> -> memref<1x128x64xf32, #tpu.memory_space<hbm>>
    %dma_wait3A_76 = tpu.memref_squeeze %dma_wait3A_75 : memref<1x128x64xf32, #tpu.memory_space<hbm>> -> memref<128x64xf32, #tpu.memory_space<hbm>>
    tpu.wait_dma2 semaphore(%arg17 : memref<!tpu.dma_semaphore, #tpu.memory_space<semaphore_mem>>) src(%dma_wait3A_76 : memref<128x64xf32, #tpu.memory_space<hbm>>) dst(%dma_wait3A_73 : memref<128x64xf32, #tpu.memory_space<vmem_shared>>)
    %dma_wait3A_77 = arith.constant 0 : i32
    %dma_wait3A_78 = tpu.memref_slice %arg16[%add3A_71, %dma_wait3A_77] : memref<10240x64xf32, #tpu.memory_space<vmem_shared>> -> memref<128x64xf32, #tpu.memory_space<vmem_shared>>
    tpu.wait_dma2 semaphore(%arg18 : memref<!tpu.dma_semaphore, #tpu.memory_space<semaphore_mem>>) src(%arg5 : memref<128x64xf32, #tpu.memory_space<hbm>>) dst(%dma_wait3A_78 : memref<128x64xf32, #tpu.memory_space<vmem_shared>>)
    %add3A_79 = arith.constant 512 : i32
    %add3A_80 = arith.addi %mul3A_0, %add3A_79 : i32
    %dma_wait3A_81 = arith.constant 0 : i32
    %dma_wait3A_82 = tpu.memref_slice %arg15[%add3A_80, %dma_wait3A_81] : memref<10240x64xf32, #tpu.memory_space<vmem_shared>> -> memref<128x64xf32, #tpu.memory_space<vmem_shared>>
    %dma_wait3A_83 = arith.constant 0 : i32
    %dma_wait3A_84 = tpu.memref_slice %arg2[%arg0, %add3A_80, %dma_wait3A_83] : memref<2x10240x64xf32, #tpu.memory_space<hbm>> -> memref<1x128x64xf32, #tpu.memory_space<hbm>>
    %dma_wait3A_85 = tpu.memref_squeeze %dma_wait3A_84 : memref<1x128x64xf32, #tpu.memory_space<hbm>> -> memref<128x64xf32, #tpu.memory_space<hbm>>
    tpu.wait_dma2 semaphore(%arg17 : memref<!tpu.dma_semaphore, #tpu.memory_space<semaphore_mem>>) src(%dma_wait3A_85 : memref<128x64xf32, #tpu.memory_space<hbm>>) dst(%dma_wait3A_82 : memref<128x64xf32, #tpu.memory_space<vmem_shared>>)
    %dma_wait3A_86 = arith.constant 0 : i32
    %dma_wait3A_87 = tpu.memref_slice %arg16[%add3A_80, %dma_wait3A_86] : memref<10240x64xf32, #tpu.memory_space<vmem_shared>> -> memref<128x64xf32, #tpu.memory_space<vmem_shared>>
    tpu.wait_dma2 semaphore(%arg18 : memref<!tpu.dma_semaphore, #tpu.memory_space<semaphore_mem>>) src(%arg5 : memref<128x64xf32, #tpu.memory_space<hbm>>) dst(%dma_wait3A_87 : memref<128x64xf32, #tpu.memory_space<vmem_shared>>)
    %dma_start3A_88 = arith.constant 0 : i32
    %dma_start3A_89 = arith.constant 0 : i32
    %dma_start3A_90 = tpu.memref_slice %arg4[%arg1, %dma_start3A_88, %dma_start3A_89] : memref<16x160x128xi32, #tpu.memory_space<hbm>> -> memref<1x16x128xi32, #tpu.memory_space<hbm>>
    %dma_start3A_91 = tpu.memref_squeeze %dma_start3A_90 : memref<1x16x128xi32, #tpu.memory_space<hbm>> -> memref<16x128xi32, #tpu.memory_space<hbm>>
    %dma_start3A_92 = arith.constant 0 : i32
    %dma_start3A_93 = arith.constant 0 : i32
    %dma_start3A_94 = tpu.memref_slice %arg4[%arg1, %dma_start3A_92, %dma_start3A_93] : memref<16x160x128xi32, #tpu.memory_space<hbm>> -> memref<1x16x128xi32, #tpu.memory_space<hbm>>
    %dma_start3A_95 = tpu.memref_squeeze %dma_start3A_94 : memref<1x16x128xi32, #tpu.memory_space<hbm>> -> memref<16x128xi32, #tpu.memory_space<hbm>>
    tpu.enqueue_dma source(%dma_start3A_95 : memref<16x128xi32, #tpu.memory_space<hbm>>) target(%arg7 : memref<16x128xi32, #tpu.memory_space<vmem>>) target_semaphore(%arg21 : memref<!tpu.dma_semaphore, #tpu.memory_space<semaphore_mem>>)
    %dma_start3A_96 = arith.constant 0 : i32
    %dma_start3A_97 = arith.constant 0 : i32
    %dma_start3A_98 = tpu.memref_slice %arg3[%arg1, %dma_start3A_96, %dma_start3A_97] : memref<16x160x128xi32, #tpu.memory_space<hbm>> -> memref<1x16x128xi32, #tpu.memory_space<hbm>>
    %dma_start3A_99 = tpu.memref_squeeze %dma_start3A_98 : memref<1x16x128xi32, #tpu.memory_space<hbm>> -> memref<16x128xi32, #tpu.memory_space<hbm>>
    %dma_start3A_100 = arith.constant 0 : i32
    %dma_start3A_101 = arith.constant 0 : i32
    %dma_start3A_102 = tpu.memref_slice %arg3[%arg1, %dma_start3A_100, %dma_start3A_101] : memref<16x160x128xi32, #tpu.memory_space<hbm>> -> memref<1x16x128xi32, #tpu.memory_space<hbm>>
    %dma_start3A_103 = tpu.memref_squeeze %dma_start3A_102 : memref<1x16x128xi32, #tpu.memory_space<hbm>> -> memref<16x128xi32, #tpu.memory_space<hbm>>
    tpu.enqueue_dma source(%dma_start3A_103 : memref<16x128xi32, #tpu.memory_space<hbm>>) target(%arg9 : memref<16x128xi32, #tpu.memory_space<vmem>>) target_semaphore(%arg21 : memref<!tpu.dma_semaphore, #tpu.memory_space<semaphore_mem>>)
    %dma_start3A_104 = arith.constant 16 : i32
    %dma_start3A_105 = arith.constant 0 : i32
    %dma_start3A_106 = tpu.memref_slice %arg4[%arg1, %dma_start3A_104, %dma_start3A_105] : memref<16x160x128xi32, #tpu.memory_space<hbm>> -> memref<1x16x128xi32, #tpu.memory_space<hbm>>
    %dma_start3A_107 = tpu.memref_squeeze %dma_start3A_106 : memref<1x16x128xi32, #tpu.memory_space<hbm>> -> memref<16x128xi32, #tpu.memory_space<hbm>>
    %dma_start3A_108 = arith.constant 16 : i32
    %dma_start3A_109 = arith.constant 0 : i32
    %dma_start3A_110 = tpu.memref_slice %arg4[%arg1, %dma_start3A_108, %dma_start3A_109] : memref<16x160x128xi32, #tpu.memory_space<hbm>> -> memref<1x16x128xi32, #tpu.memory_space<hbm>>
    %dma_start3A_111 = tpu.memref_squeeze %dma_start3A_110 : memref<1x16x128xi32, #tpu.memory_space<hbm>> -> memref<16x128xi32, #tpu.memory_space<hbm>>
    tpu.enqueue_dma source(%dma_start3A_111 : memref<16x128xi32, #tpu.memory_space<hbm>>) target(%arg8 : memref<16x128xi32, #tpu.memory_space<vmem>>) target_semaphore(%arg22 : memref<!tpu.dma_semaphore, #tpu.memory_space<semaphore_mem>>)
    %dma_start3A_112 = arith.constant 16 : i32
    %dma_start3A_113 = arith.constant 0 : i32
    %dma_start3A_114 = tpu.memref_slice %arg3[%arg1, %dma_start3A_112, %dma_start3A_113] : memref<16x160x128xi32, #tpu.memory_space<hbm>> -> memref<1x16x128xi32, #tpu.memory_space<hbm>>
    %dma_start3A_115 = tpu.memref_squeeze %dma_start3A_114 : memref<1x16x128xi32, #tpu.memory_space<hbm>> -> memref<16x128xi32, #tpu.memory_space<hbm>>
    %dma_start3A_116 = arith.constant 16 : i32
    %dma_start3A_117 = arith.constant 0 : i32
    %dma_start3A_118 = tpu.memref_slice %arg3[%arg1, %dma_start3A_116, %dma_start3A_117] : memref<16x160x128xi32, #tpu.memory_space<hbm>> -> memref<1x16x128xi32, #tpu.memory_space<hbm>>
    %dma_start3A_119 = tpu.memref_squeeze %dma_start3A_118 : memref<1x16x128xi32, #tpu.memory_space<hbm>> -> memref<16x128xi32, #tpu.memory_space<hbm>>
    tpu.enqueue_dma source(%dma_start3A_119 : memref<16x128xi32, #tpu.memory_space<hbm>>) target(%arg10 : memref<16x128xi32, #tpu.memory_space<vmem>>) target_semaphore(%arg22 : memref<!tpu.dma_semaphore, #tpu.memory_space<semaphore_mem>>)
    %barrier3A = arith.constant 0 : index
    tpu.barrier barrier_id(%barrier3A)
    %dma_wait3A_120 = arith.constant 0 : i32
    %dma_wait3A_121 = arith.constant 0 : i32
    %dma_wait3A_122 = tpu.memref_slice %arg4[%arg1, %dma_wait3A_120, %dma_wait3A_121] : memref<16x160x128xi32, #tpu.memory_space<hbm>> -> memref<1x16x128xi32, #tpu.memory_space<hbm>>
    %dma_wait3A_123 = tpu.memref_squeeze %dma_wait3A_122 : memref<1x16x128xi32, #tpu.memory_space<hbm>> -> memref<16x128xi32, #tpu.memory_space<hbm>>
    %dma_wait3A_124 = arith.constant 0 : i32
    %dma_wait3A_125 = arith.constant 0 : i32
    %dma_wait3A_126 = tpu.memref_slice %arg4[%arg1, %dma_wait3A_124, %dma_wait3A_125] : memref<16x160x128xi32, #tpu.memory_space<hbm>> -> memref<1x16x128xi32, #tpu.memory_space<hbm>>
    %dma_wait3A_127 = tpu.memref_squeeze %dma_wait3A_126 : memref<1x16x128xi32, #tpu.memory_space<hbm>> -> memref<16x128xi32, #tpu.memory_space<hbm>>
    tpu.wait_dma2 semaphore(%arg21 : memref<!tpu.dma_semaphore, #tpu.memory_space<semaphore_mem>>) src(%dma_wait3A_127 : memref<16x128xi32, #tpu.memory_space<hbm>>) dst(%arg7 : memref<16x128xi32, #tpu.memory_space<vmem>>)
    %dma_wait3A_128 = arith.constant 0 : i32
    %dma_wait3A_129 = arith.constant 0 : i32
    %dma_wait3A_130 = tpu.memref_slice %arg3[%arg1, %dma_wait3A_128, %dma_wait3A_129] : memref<16x160x128xi32, #tpu.memory_space<hbm>> -> memref<1x16x128xi32, #tpu.memory_space<hbm>>
    %dma_wait3A_131 = tpu.memref_squeeze %dma_wait3A_130 : memref<1x16x128xi32, #tpu.memory_space<hbm>> -> memref<16x128xi32, #tpu.memory_space<hbm>>
    %dma_wait3A_132 = arith.constant 0 : i32
    %dma_wait3A_133 = arith.constant 0 : i32
    %dma_wait3A_134 = tpu.memref_slice %arg3[%arg1, %dma_wait3A_132, %dma_wait3A_133] : memref<16x160x128xi32, #tpu.memory_space<hbm>> -> memref<1x16x128xi32, #tpu.memory_space<hbm>>
    %dma_wait3A_135 = tpu.memref_squeeze %dma_wait3A_134 : memref<1x16x128xi32, #tpu.memory_space<hbm>> -> memref<16x128xi32, #tpu.memory_space<hbm>>
    tpu.wait_dma2 semaphore(%arg21 : memref<!tpu.dma_semaphore, #tpu.memory_space<semaphore_mem>>) src(%dma_wait3A_135 : memref<16x128xi32, #tpu.memory_space<hbm>>) dst(%arg9 : memref<16x128xi32, #tpu.memory_space<vmem>>)
    %dma_start3A_136 = arith.constant 0 : i32
    %dma_start3A_137 = arith.constant 0 : i32
    %dma_start3A_138 = tpu.memref_slice %arg7[%dma_start3A_136, %dma_start3A_137] : memref<16x128xi32, #tpu.memory_space<vmem>> -> memref<1x128xi32, #tpu.memory_space<vmem>>
    %dma_start3A_139 = tpu.memref_squeeze %dma_start3A_138 : memref<1x128xi32, #tpu.memory_space<vmem>> -> memref<128xi32, #tpu.memory_space<vmem>>
    %dma_start3A_140 = arith.constant 0 : i32
    %dma_start3A_141 = arith.constant 0 : i32
    %dma_start3A_142 = tpu.memref_slice %arg15[%dma_start3A_140, %dma_start3A_141] : memref<10240x64xf32, #tpu.memory_space<vmem_shared>> -> memref<10240x64xf32, #tpu.memory_space<vmem_shared>>
    tpu.enqueue_indirect_dma source(%dma_start3A_142 : memref<10240x64xf32, #tpu.memory_space<vmem_shared>>) target(%arg11 : memref<128x64xf32, #tpu.memory_space<vmem>>) offsets(%dma_start3A_139 : memref<128xi32, #tpu.memory_space<vmem>>) semaphore(%arg17 : memref<!tpu.dma_semaphore, #tpu.memory_space<semaphore_mem>>)
    %dma_start3A_143 = arith.constant 1 : i32
    %dma_start3A_144 = arith.constant 0 : i32
    %dma_start3A_145 = tpu.memref_slice %arg7[%dma_start3A_143, %dma_start3A_144] : memref<16x128xi32, #tpu.memory_space<vmem>> -> memref<1x128xi32, #tpu.memory_space<vmem>>
    %dma_start3A_146 = tpu.memref_squeeze %dma_start3A_145 : memref<1x128xi32, #tpu.memory_space<vmem>> -> memref<128xi32, #tpu.memory_space<vmem>>
    %dma_start3A_147 = arith.constant 0 : i32
    %dma_start3A_148 = arith.constant 0 : i32
    %dma_start3A_149 = tpu.memref_slice %arg15[%dma_start3A_147, %dma_start3A_148] : memref<10240x64xf32, #tpu.memory_space<vmem_shared>> -> memref<10240x64xf32, #tpu.memory_space<vmem_shared>>
    tpu.enqueue_indirect_dma source(%dma_start3A_149 : memref<10240x64xf32, #tpu.memory_space<vmem_shared>>) target(%arg12 : memref<128x64xf32, #tpu.memory_space<vmem>>) offsets(%dma_start3A_146 : memref<128xi32, #tpu.memory_space<vmem>>) semaphore(%arg18 : memref<!tpu.dma_semaphore, #tpu.memory_space<semaphore_mem>>)
    %dma_start3A_150 = arith.constant 2 : i32
    %dma_start3A_151 = arith.constant 0 : i32
    %dma_start3A_152 = tpu.memref_slice %arg7[%dma_start3A_150, %dma_start3A_151] : memref<16x128xi32, #tpu.memory_space<vmem>> -> memref<1x128xi32, #tpu.memory_space<vmem>>
    %dma_start3A_153 = tpu.memref_squeeze %dma_start3A_152 : memref<1x128xi32, #tpu.memory_space<vmem>> -> memref<128xi32, #tpu.memory_space<vmem>>
    %dma_start3A_154 = arith.constant 0 : i32
    %dma_start3A_155 = arith.constant 0 : i32
    %dma_start3A_156 = tpu.memref_slice %arg15[%dma_start3A_154, %dma_start3A_155] : memref<10240x64xf32, #tpu.memory_space<vmem_shared>> -> memref<10240x64xf32, #tpu.memory_space<vmem_shared>>
    tpu.enqueue_indirect_dma source(%dma_start3A_156 : memref<10240x64xf32, #tpu.memory_space<vmem_shared>>) target(%arg13 : memref<128x64xf32, #tpu.memory_space<vmem>>) offsets(%dma_start3A_153 : memref<128xi32, #tpu.memory_space<vmem>>) semaphore(%arg19 : memref<!tpu.dma_semaphore, #tpu.memory_space<semaphore_mem>>)
    %dma_start3A_157 = arith.constant 3 : i32
    %dma_start3A_158 = arith.constant 0 : i32
    %dma_start3A_159 = tpu.memref_slice %arg7[%dma_start3A_157, %dma_start3A_158] : memref<16x128xi32, #tpu.memory_space<vmem>> -> memref<1x128xi32, #tpu.memory_space<vmem>>
    %dma_start3A_160 = tpu.memref_squeeze %dma_start3A_159 : memref<1x128xi32, #tpu.memory_space<vmem>> -> memref<128xi32, #tpu.memory_space<vmem>>
    %dma_start3A_161 = arith.constant 0 : i32
    %dma_start3A_162 = arith.constant 0 : i32
    %dma_start3A_163 = tpu.memref_slice %arg15[%dma_start3A_161, %dma_start3A_162] : memref<10240x64xf32, #tpu.memory_space<vmem_shared>> -> memref<10240x64xf32, #tpu.memory_space<vmem_shared>>
    tpu.enqueue_indirect_dma source(%dma_start3A_163 : memref<10240x64xf32, #tpu.memory_space<vmem_shared>>) target(%arg14 : memref<128x64xf32, #tpu.memory_space<vmem>>) offsets(%dma_start3A_160 : memref<128xi32, #tpu.memory_space<vmem>>) semaphore(%arg20 : memref<!tpu.dma_semaphore, #tpu.memory_space<semaphore_mem>>)
    %scan3A = arith.constant 0 : i32
    %scan3A_164 = arith.constant 0 : i32
    %scan3A_165 = arith.constant 5 : i32
    %scan3A_166 = arith.addi %scan3A_164, %scan3A_165 : i32
    %scan3A_167 = arith.constant 1 : i32
    scf.for %scan3A_240 = %scan3A_164 to %scan3A_166 step %scan3A_167  : i32 {
      %mul3A_241 = arith.constant 2 : i32
      %mul3A_242 = arith.muli %mul3A_241, %scan3A_240 : i32
      %add3A_243 = arith.constant 0 : i32
      %add3A_244 = arith.addi %mul3A_242, %add3A_243 : i32
      %add3A_245 = arith.constant 1 : i32
      %add3A_246 = arith.addi %add3A_244, %add3A_245 : i32
      %lt3A = arith.constant 10 : i32
      %lt3A_247 = arith.cmpi slt, %add3A_246, %lt3A : i32
      %convert_element_type3A = arith.extui %lt3A_247 : i1 to i32
      %cond3A = arith.constant 0 : i32
      %cond3A_248 = arith.cmpi ne, %convert_element_type3A, %cond3A : i32
      scf.if %cond3A_248 {
        %add3A_881 = arith.constant 1 : i32
        %add3A_882 = arith.addi %add3A_244, %add3A_881 : i32
        %mul3A_883 = arith.constant 16 : i32
        %mul3A_884 = arith.muli %add3A_882, %mul3A_883 : i32
        %dma_wait3A_885 = arith.constant 0 : i32
        %dma_wait3A_886 = tpu.memref_slice %arg4[%arg1, %mul3A_884, %dma_wait3A_885] : memref<16x160x128xi32, #tpu.memory_space<hbm>> -> memref<1x16x128xi32, #tpu.memory_space<hbm>>
        %dma_wait3A_887 = tpu.memref_squeeze %dma_wait3A_886 : memref<1x16x128xi32, #tpu.memory_space<hbm>> -> memref<16x128xi32, #tpu.memory_space<hbm>>
        %dma_wait3A_888 = arith.constant 0 : i32
        %dma_wait3A_889 = tpu.memref_slice %arg4[%arg1, %mul3A_884, %dma_wait3A_888] : memref<16x160x128xi32, #tpu.memory_space<hbm>> -> memref<1x16x128xi32, #tpu.memory_space<hbm>>
        %dma_wait3A_890 = tpu.memref_squeeze %dma_wait3A_889 : memref<1x16x128xi32, #tpu.memory_space<hbm>> -> memref<16x128xi32, #tpu.memory_space<hbm>>
        tpu.wait_dma2 semaphore(%arg22 : memref<!tpu.dma_semaphore, #tpu.memory_space<semaphore_mem>>) src(%dma_wait3A_890 : memref<16x128xi32, #tpu.memory_space<hbm>>) dst(%arg8 : memref<16x128xi32, #tpu.memory_space<vmem>>)
        %mul3A_891 = arith.constant 16 : i32
        %mul3A_892 = arith.muli %add3A_882, %mul3A_891 : i32
        %dma_wait3A_893 = arith.constant 0 : i32
        %dma_wait3A_894 = tpu.memref_slice %arg3[%arg1, %mul3A_892, %dma_wait3A_893] : memref<16x160x128xi32, #tpu.memory_space<hbm>> -> memref<1x16x128xi32, #tpu.memory_space<hbm>>
        %dma_wait3A_895 = tpu.memref_squeeze %dma_wait3A_894 : memref<1x16x128xi32, #tpu.memory_space<hbm>> -> memref<16x128xi32, #tpu.memory_space<hbm>>
        %dma_wait3A_896 = arith.constant 0 : i32
        %dma_wait3A_897 = tpu.memref_slice %arg3[%arg1, %mul3A_892, %dma_wait3A_896] : memref<16x160x128xi32, #tpu.memory_space<hbm>> -> memref<1x16x128xi32, #tpu.memory_space<hbm>>
        %dma_wait3A_898 = tpu.memref_squeeze %dma_wait3A_897 : memref<1x16x128xi32, #tpu.memory_space<hbm>> -> memref<16x128xi32, #tpu.memory_space<hbm>>
        tpu.wait_dma2 semaphore(%arg22 : memref<!tpu.dma_semaphore, #tpu.memory_space<semaphore_mem>>) src(%dma_wait3A_898 : memref<16x128xi32, #tpu.memory_space<hbm>>) dst(%arg10 : memref<16x128xi32, #tpu.memory_space<vmem>>)
      } else {
      }
      %mul3A_249 = arith.constant 16 : i32
      %mul3A_250 = arith.muli %add3A_244, %mul3A_249 : i32
      %add3A_251 = arith.constant 0 : i32
      %add3A_252 = arith.addi %mul3A_250, %add3A_251 : i32
      %dma_wait3A_253 = arith.constant 0 : i32
      %dma_wait3A_254 = arith.constant 0 : i32
      %dma_wait3A_255 = tpu.memref_slice %arg7[%dma_wait3A_253, %dma_wait3A_254] : memref<16x128xi32, #tpu.memory_space<vmem>> -> memref<1x128xi32, #tpu.memory_space<vmem>>
      %dma_wait3A_256 = tpu.memref_squeeze %dma_wait3A_255 : memref<1x128xi32, #tpu.memory_space<vmem>> -> memref<128xi32, #tpu.memory_space<vmem>>
      %dma_wait3A_257 = arith.constant 0 : i32
      %dma_wait3A_258 = arith.constant 0 : i32
      %dma_wait3A_259 = tpu.memref_slice %arg15[%dma_wait3A_257, %dma_wait3A_258] : memref<10240x64xf32, #tpu.memory_space<vmem_shared>> -> memref<10240x64xf32, #tpu.memory_space<vmem_shared>>
      tpu.wait_indirect_dma semaphore(%arg17 : memref<!tpu.dma_semaphore, #tpu.memory_space<semaphore_mem>>) src(%dma_wait3A_259 : memref<10240x64xf32, #tpu.memory_space<vmem_shared>>) dst(%arg11 : memref<128x64xf32, #tpu.memory_space<vmem>>)
      %run_scoped3A = arith.constant 0 : i32
      "tpu.region"() ({
        %run_scoped3A_881 = tpu.sem_alloc : memref<!tpu.dma_semaphore, #tpu.memory_space<semaphore_mem>>
        %dma_start3A_882 = arith.constant 0 : i32
        %dma_start3A_883 = tpu.memref_slice %arg9[%run_scoped3A, %dma_start3A_882] : memref<16x128xi32, #tpu.memory_space<vmem>> -> memref<1x128xi32, #tpu.memory_space<vmem>>
        %dma_start3A_884 = tpu.memref_squeeze %dma_start3A_883 : memref<1x128xi32, #tpu.memory_space<vmem>> -> memref<128xi32, #tpu.memory_space<vmem>>
        %dma_start3A_885 = arith.constant 0 : i32
        %dma_start3A_886 = arith.constant 0 : i32
        %dma_start3A_887 = tpu.memref_slice %arg16[%dma_start3A_885, %dma_start3A_886] : memref<10240x64xf32, #tpu.memory_space<vmem_shared>> -> memref<10240x64xf32, #tpu.memory_space<vmem_shared>>
        tpu.enqueue_indirect_dma source(%arg11 : memref<128x64xf32, #tpu.memory_space<vmem>>) target(%dma_start3A_887 : memref<10240x64xf32, #tpu.memory_space<vmem_shared>>) offsets(%dma_start3A_884 : memref<128xi32, #tpu.memory_space<vmem>>) semaphore(%run_scoped3A_881 : memref<!tpu.dma_semaphore, #tpu.memory_space<semaphore_mem>>) {add = true}
        %dma_wait3A_888 = arith.constant 0 : i32
        %dma_wait3A_889 = tpu.memref_slice %arg9[%run_scoped3A, %dma_wait3A_888] : memref<16x128xi32, #tpu.memory_space<vmem>> -> memref<1x128xi32, #tpu.memory_space<vmem>>
        %dma_wait3A_890 = tpu.memref_squeeze %dma_wait3A_889 : memref<1x128xi32, #tpu.memory_space<vmem>> -> memref<128xi32, #tpu.memory_space<vmem>>
        %dma_wait3A_891 = arith.constant 0 : i32
        %dma_wait3A_892 = arith.constant 0 : i32
        %dma_wait3A_893 = tpu.memref_slice %arg16[%dma_wait3A_891, %dma_wait3A_892] : memref<10240x64xf32, #tpu.memory_space<vmem_shared>> -> memref<10240x64xf32, #tpu.memory_space<vmem_shared>>
        tpu.wait_indirect_dma semaphore(%run_scoped3A_881 : memref<!tpu.dma_semaphore, #tpu.memory_space<semaphore_mem>>) src(%arg11 : memref<128x64xf32, #tpu.memory_space<vmem>>) dst(%dma_wait3A_893 : memref<10240x64xf32, #tpu.memory_space<vmem_shared>>)
        tpu.yield
      }) : () -> ()
      %add3A_260 = arith.constant 4 : i32
      %add3A_261 = arith.addi %add3A_252, %add3A_260 : i32
      %lt3A_262 = arith.constant 160 : i32
      %lt3A_263 = arith.cmpi slt, %add3A_261, %lt3A_262 : i32
      %convert_element_type3A_264 = arith.extui %lt3A_263 : i1 to i32
      %cond3A_265 = arith.constant 0 : i32
      %cond3A_266 = arith.cmpi ne, %convert_element_type3A_264, %cond3A_265 : i32
      scf.if %cond3A_266 {
        %dma_start3A_881 = arith.constant 4 : i32
        %dma_start3A_882 = arith.constant 0 : i32
        %dma_start3A_883 = tpu.memref_slice %arg7[%dma_start3A_881, %dma_start3A_882] : memref<16x128xi32, #tpu.memory_space<vmem>> -> memref<1x128xi32, #tpu.memory_space<vmem>>
        %dma_start3A_884 = tpu.memref_squeeze %dma_start3A_883 : memref<1x128xi32, #tpu.memory_space<vmem>> -> memref<128xi32, #tpu.memory_space<vmem>>
        %dma_start3A_885 = arith.constant 0 : i32
        %dma_start3A_886 = arith.constant 0 : i32
        %dma_start3A_887 = tpu.memref_slice %arg15[%dma_start3A_885, %dma_start3A_886] : memref<10240x64xf32, #tpu.memory_space<vmem_shared>> -> memref<10240x64xf32, #tpu.memory_space<vmem_shared>>
        tpu.enqueue_indirect_dma source(%dma_start3A_887 : memref<10240x64xf32, #tpu.memory_space<vmem_shared>>) target(%arg11 : memref<128x64xf32, #tpu.memory_space<vmem>>) offsets(%dma_start3A_884 : memref<128xi32, #tpu.memory_space<vmem>>) semaphore(%arg17 : memref<!tpu.dma_semaphore, #tpu.memory_space<semaphore_mem>>)
      } else {
      }
      %mul3A_267 = arith.constant 16 : i32
      %mul3A_268 = arith.muli %add3A_244, %mul3A_267 : i32
      %add3A_269 = arith.constant 1 : i32
      %add3A_270 = arith.addi %mul3A_268, %add3A_269 : i32
      %dma_wait3A_271 = arith.constant 1 : i32
      %dma_wait3A_272 = arith.constant 0 : i32
      %dma_wait3A_273 = tpu.memref_slice %arg7[%dma_wait3A_271, %dma_wait3A_272] : memref<16x128xi32, #tpu.memory_space<vmem>> -> memref<1x128xi32, #tpu.memory_space<vmem>>
      %dma_wait3A_274 = tpu.memref_squeeze %dma_wait3A_273 : memref<1x128xi32, #tpu.memory_space<vmem>> -> memref<128xi32, #tpu.memory_space<vmem>>
      %dma_wait3A_275 = arith.constant 0 : i32
      %dma_wait3A_276 = arith.constant 0 : i32
      %dma_wait3A_277 = tpu.memref_slice %arg15[%dma_wait3A_275, %dma_wait3A_276] : memref<10240x64xf32, #tpu.memory_space<vmem_shared>> -> memref<10240x64xf32, #tpu.memory_space<vmem_shared>>
      tpu.wait_indirect_dma semaphore(%arg18 : memref<!tpu.dma_semaphore, #tpu.memory_space<semaphore_mem>>) src(%dma_wait3A_277 : memref<10240x64xf32, #tpu.memory_space<vmem_shared>>) dst(%arg12 : memref<128x64xf32, #tpu.memory_space<vmem>>)
      %run_scoped3A_278 = arith.constant 1 : i32
      "tpu.region"() ({
        %run_scoped3A_881 = tpu.sem_alloc : memref<!tpu.dma_semaphore, #tpu.memory_space<semaphore_mem>>
        %dma_start3A_882 = arith.constant 0 : i32
        %dma_start3A_883 = tpu.memref_slice %arg9[%run_scoped3A_278, %dma_start3A_882] : memref<16x128xi32, #tpu.memory_space<vmem>> -> memref<1x128xi32, #tpu.memory_space<vmem>>
        %dma_start3A_884 = tpu.memref_squeeze %dma_start3A_883 : memref<1x128xi32, #tpu.memory_space<vmem>> -> memref<128xi32, #tpu.memory_space<vmem>>
        %dma_start3A_885 = arith.constant 0 : i32
        %dma_start3A_886 = arith.constant 0 : i32
        %dma_start3A_887 = tpu.memref_slice %arg16[%dma_start3A_885, %dma_start3A_886] : memref<10240x64xf32, #tpu.memory_space<vmem_shared>> -> memref<10240x64xf32, #tpu.memory_space<vmem_shared>>
        tpu.enqueue_indirect_dma source(%arg12 : memref<128x64xf32, #tpu.memory_space<vmem>>) target(%dma_start3A_887 : memref<10240x64xf32, #tpu.memory_space<vmem_shared>>) offsets(%dma_start3A_884 : memref<128xi32, #tpu.memory_space<vmem>>) semaphore(%run_scoped3A_881 : memref<!tpu.dma_semaphore, #tpu.memory_space<semaphore_mem>>) {add = true}
        %dma_wait3A_888 = arith.constant 0 : i32
        %dma_wait3A_889 = tpu.memref_slice %arg9[%run_scoped3A_278, %dma_wait3A_888] : memref<16x128xi32, #tpu.memory_space<vmem>> -> memref<1x128xi32, #tpu.memory_space<vmem>>
        %dma_wait3A_890 = tpu.memref_squeeze %dma_wait3A_889 : memref<1x128xi32, #tpu.memory_space<vmem>> -> memref<128xi32, #tpu.memory_space<vmem>>
        %dma_wait3A_891 = arith.constant 0 : i32
        %dma_wait3A_892 = arith.constant 0 : i32
        %dma_wait3A_893 = tpu.memref_slice %arg16[%dma_wait3A_891, %dma_wait3A_892] : memref<10240x64xf32, #tpu.memory_space<vmem_shared>> -> memref<10240x64xf32, #tpu.memory_space<vmem_shared>>
        tpu.wait_indirect_dma semaphore(%run_scoped3A_881 : memref<!tpu.dma_semaphore, #tpu.memory_space<semaphore_mem>>) src(%arg12 : memref<128x64xf32, #tpu.memory_space<vmem>>) dst(%dma_wait3A_893 : memref<10240x64xf32, #tpu.memory_space<vmem_shared>>)
        tpu.yield
      }) : () -> ()
      %add3A_279 = arith.constant 4 : i32
      %add3A_280 = arith.addi %add3A_270, %add3A_279 : i32
      %lt3A_281 = arith.constant 160 : i32
      %lt3A_282 = arith.cmpi slt, %add3A_280, %lt3A_281 : i32
      %convert_element_type3A_283 = arith.extui %lt3A_282 : i1 to i32
      %cond3A_284 = arith.constant 0 : i32
      %cond3A_285 = arith.cmpi ne, %convert_element_type3A_283, %cond3A_284 : i32
      scf.if %cond3A_285 {
        %dma_start3A_881 = arith.constant 5 : i32
        %dma_start3A_882 = arith.constant 0 : i32
        %dma_start3A_883 = tpu.memref_slice %arg7[%dma_start3A_881, %dma_start3A_882] : memref<16x128xi32, #tpu.memory_space<vmem>> -> memref<1x128xi32, #tpu.memory_space<vmem>>
        %dma_start3A_884 = tpu.memref_squeeze %dma_start3A_883 : memref<1x128xi32, #tpu.memory_space<vmem>> -> memref<128xi32, #tpu.memory_space<vmem>>
        %dma_start3A_885 = arith.constant 0 : i32
        %dma_start3A_886 = arith.constant 0 : i32
        %dma_start3A_887 = tpu.memref_slice %arg15[%dma_start3A_885, %dma_start3A_886] : memref<10240x64xf32, #tpu.memory_space<vmem_shared>> -> memref<10240x64xf32, #tpu.memory_space<vmem_shared>>
        tpu.enqueue_indirect_dma source(%dma_start3A_887 : memref<10240x64xf32, #tpu.memory_space<vmem_shared>>) target(%arg12 : memref<128x64xf32, #tpu.memory_space<vmem>>) offsets(%dma_start3A_884 : memref<128xi32, #tpu.memory_space<vmem>>) semaphore(%arg18 : memref<!tpu.dma_semaphore, #tpu.memory_space<semaphore_mem>>)
      } else {
      }
      %mul3A_286 = arith.constant 16 : i32
      %mul3A_287 = arith.muli %add3A_244, %mul3A_286 : i32
      %add3A_288 = arith.constant 2 : i32
      %add3A_289 = arith.addi %mul3A_287, %add3A_288 : i32
      %dma_wait3A_290 = arith.constant 2 : i32
      %dma_wait3A_291 = arith.constant 0 : i32
      %dma_wait3A_292 = tpu.memref_slice %arg7[%dma_wait3A_290, %dma_wait3A_291] : memref<16x128xi32, #tpu.memory_space<vmem>> -> memref<1x128xi32, #tpu.memory_space<vmem>>
      %dma_wait3A_293 = tpu.memref_squeeze %dma_wait3A_292 : memref<1x128xi32, #tpu.memory_space<vmem>> -> memref<128xi32, #tpu.memory_space<vmem>>
      %dma_wait3A_294 = arith.constant 0 : i32
      %dma_wait3A_295 = arith.constant 0 : i32
      %dma_wait3A_296 = tpu.memref_slice %arg15[%dma_wait3A_294, %dma_wait3A_295] : memref<10240x64xf32, #tpu.memory_space<vmem_shared>> -> memref<10240x64xf32, #tpu.memory_space<vmem_shared>>
      tpu.wait_indirect_dma semaphore(%arg19 : memref<!tpu.dma_semaphore, #tpu.memory_space<semaphore_mem>>) src(%dma_wait3A_296 : memref<10240x64xf32, #tpu.memory_space<vmem_shared>>) dst(%arg13 : memref<128x64xf32, #tpu.memory_space<vmem>>)
      %run_scoped3A_297 = arith.constant 2 : i32
      "tpu.region"() ({
        %run_scoped3A_881 = tpu.sem_alloc : memref<!tpu.dma_semaphore, #tpu.memory_space<semaphore_mem>>
        %dma_start3A_882 = arith.constant 0 : i32
        %dma_start3A_883 = tpu.memref_slice %arg9[%run_scoped3A_297, %dma_start3A_882] : memref<16x128xi32, #tpu.memory_space<vmem>> -> memref<1x128xi32, #tpu.memory_space<vmem>>
        %dma_start3A_884 = tpu.memref_squeeze %dma_start3A_883 : memref<1x128xi32, #tpu.memory_space<vmem>> -> memref<128xi32, #tpu.memory_space<vmem>>
        %dma_start3A_885 = arith.constant 0 : i32
        %dma_start3A_886 = arith.constant 0 : i32
        %dma_start3A_887 = tpu.memref_slice %arg16[%dma_start3A_885, %dma_start3A_886] : memref<10240x64xf32, #tpu.memory_space<vmem_shared>> -> memref<10240x64xf32, #tpu.memory_space<vmem_shared>>
        tpu.enqueue_indirect_dma source(%arg13 : memref<128x64xf32, #tpu.memory_space<vmem>>) target(%dma_start3A_887 : memref<10240x64xf32, #tpu.memory_space<vmem_shared>>) offsets(%dma_start3A_884 : memref<128xi32, #tpu.memory_space<vmem>>) semaphore(%run_scoped3A_881 : memref<!tpu.dma_semaphore, #tpu.memory_space<semaphore_mem>>) {add = true}
        %dma_wait3A_888 = arith.constant 0 : i32
        %dma_wait3A_889 = tpu.memref_slice %arg9[%run_scoped3A_297, %dma_wait3A_888] : memref<16x128xi32, #tpu.memory_space<vmem>> -> memref<1x128xi32, #tpu.memory_space<vmem>>
        %dma_wait3A_890 = tpu.memref_squeeze %dma_wait3A_889 : memref<1x128xi32, #tpu.memory_space<vmem>> -> memref<128xi32, #tpu.memory_space<vmem>>
        %dma_wait3A_891 = arith.constant 0 : i32
        %dma_wait3A_892 = arith.constant 0 : i32
        %dma_wait3A_893 = tpu.memref_slice %arg16[%dma_wait3A_891, %dma_wait3A_892] : memref<10240x64xf32, #tpu.memory_space<vmem_shared>> -> memref<10240x64xf32, #tpu.memory_space<vmem_shared>>
        tpu.wait_indirect_dma semaphore(%run_scoped3A_881 : memref<!tpu.dma_semaphore, #tpu.memory_space<semaphore_mem>>) src(%arg13 : memref<128x64xf32, #tpu.memory_space<vmem>>) dst(%dma_wait3A_893 : memref<10240x64xf32, #tpu.memory_space<vmem_shared>>)
        tpu.yield
      }) : () -> ()
      %add3A_298 = arith.constant 4 : i32
      %add3A_299 = arith.addi %add3A_289, %add3A_298 : i32
      %lt3A_300 = arith.constant 160 : i32
      %lt3A_301 = arith.cmpi slt, %add3A_299, %lt3A_300 : i32
      %convert_element_type3A_302 = arith.extui %lt3A_301 : i1 to i32
      %cond3A_303 = arith.constant 0 : i32
      %cond3A_304 = arith.cmpi ne, %convert_element_type3A_302, %cond3A_303 : i32
      scf.if %cond3A_304 {
        %dma_start3A_881 = arith.constant 6 : i32
        %dma_start3A_882 = arith.constant 0 : i32
        %dma_start3A_883 = tpu.memref_slice %arg7[%dma_start3A_881, %dma_start3A_882] : memref<16x128xi32, #tpu.memory_space<vmem>> -> memref<1x128xi32, #tpu.memory_space<vmem>>
        %dma_start3A_884 = tpu.memref_squeeze %dma_start3A_883 : memref<1x128xi32, #tpu.memory_space<vmem>> -> memref<128xi32, #tpu.memory_space<vmem>>
        %dma_start3A_885 = arith.constant 0 : i32
        %dma_start3A_886 = arith.constant 0 : i32
        %dma_start3A_887 = tpu.memref_slice %arg15[%dma_start3A_885, %dma_start3A_886] : memref<10240x64xf32, #tpu.memory_space<vmem_shared>> -> memref<10240x64xf32, #tpu.memory_space<vmem_shared>>
        tpu.enqueue_indirect_dma source(%dma_start3A_887 : memref<10240x64xf32, #tpu.memory_space<vmem_shared>>) target(%arg13 : memref<128x64xf32, #tpu.memory_space<vmem>>) offsets(%dma_start3A_884 : memref<128xi32, #tpu.memory_space<vmem>>) semaphore(%arg19 : memref<!tpu.dma_semaphore, #tpu.memory_space<semaphore_mem>>)
      } else {
      }
      %mul3A_305 = arith.constant 16 : i32
      %mul3A_306 = arith.muli %add3A_244, %mul3A_305 : i32
      %add3A_307 = arith.constant 3 : i32
      %add3A_308 = arith.addi %mul3A_306, %add3A_307 : i32
      %dma_wait3A_309 = arith.constant 3 : i32
      %dma_wait3A_310 = arith.constant 0 : i32
      %dma_wait3A_311 = tpu.memref_slice %arg7[%dma_wait3A_309, %dma_wait3A_310] : memref<16x128xi32, #tpu.memory_space<vmem>> -> memref<1x128xi32, #tpu.memory_space<vmem>>
      %dma_wait3A_312 = tpu.memref_squeeze %dma_wait3A_311 : memref<1x128xi32, #tpu.memory_space<vmem>> -> memref<128xi32, #tpu.memory_space<vmem>>
      %dma_wait3A_313 = arith.constant 0 : i32
      %dma_wait3A_314 = arith.constant 0 : i32
      %dma_wait3A_315 = tpu.memref_slice %arg15[%dma_wait3A_313, %dma_wait3A_314] : memref<10240x64xf32, #tpu.memory_space<vmem_shared>> -> memref<10240x64xf32, #tpu.memory_space<vmem_shared>>
      tpu.wait_indirect_dma semaphore(%arg20 : memref<!tpu.dma_semaphore, #tpu.memory_space<semaphore_mem>>) src(%dma_wait3A_315 : memref<10240x64xf32, #tpu.memory_space<vmem_shared>>) dst(%arg14 : memref<128x64xf32, #tpu.memory_space<vmem>>)
      %run_scoped3A_316 = arith.constant 3 : i32
      "tpu.region"() ({
        %run_scoped3A_881 = tpu.sem_alloc : memref<!tpu.dma_semaphore, #tpu.memory_space<semaphore_mem>>
        %dma_start3A_882 = arith.constant 0 : i32
        %dma_start3A_883 = tpu.memref_slice %arg9[%run_scoped3A_316, %dma_start3A_882] : memref<16x128xi32, #tpu.memory_space<vmem>> -> memref<1x128xi32, #tpu.memory_space<vmem>>
        %dma_start3A_884 = tpu.memref_squeeze %dma_start3A_883 : memref<1x128xi32, #tpu.memory_space<vmem>> -> memref<128xi32, #tpu.memory_space<vmem>>
        %dma_start3A_885 = arith.constant 0 : i32
        %dma_start3A_886 = arith.constant 0 : i32
        %dma_start3A_887 = tpu.memref_slice %arg16[%dma_start3A_885, %dma_start3A_886] : memref<10240x64xf32, #tpu.memory_space<vmem_shared>> -> memref<10240x64xf32, #tpu.memory_space<vmem_shared>>
        tpu.enqueue_indirect_dma source(%arg14 : memref<128x64xf32, #tpu.memory_space<vmem>>) target(%dma_start3A_887 : memref<10240x64xf32, #tpu.memory_space<vmem_shared>>) offsets(%dma_start3A_884 : memref<128xi32, #tpu.memory_space<vmem>>) semaphore(%run_scoped3A_881 : memref<!tpu.dma_semaphore, #tpu.memory_space<semaphore_mem>>) {add = true}
        %dma_wait3A_888 = arith.constant 0 : i32
        %dma_wait3A_889 = tpu.memref_slice %arg9[%run_scoped3A_316, %dma_wait3A_888] : memref<16x128xi32, #tpu.memory_space<vmem>> -> memref<1x128xi32, #tpu.memory_space<vmem>>
        %dma_wait3A_890 = tpu.memref_squeeze %dma_wait3A_889 : memref<1x128xi32, #tpu.memory_space<vmem>> -> memref<128xi32, #tpu.memory_space<vmem>>
        %dma_wait3A_891 = arith.constant 0 : i32
        %dma_wait3A_892 = arith.constant 0 : i32
        %dma_wait3A_893 = tpu.memref_slice %arg16[%dma_wait3A_891, %dma_wait3A_892] : memref<10240x64xf32, #tpu.memory_space<vmem_shared>> -> memref<10240x64xf32, #tpu.memory_space<vmem_shared>>
        tpu.wait_indirect_dma semaphore(%run_scoped3A_881 : memref<!tpu.dma_semaphore, #tpu.memory_space<semaphore_mem>>) src(%arg14 : memref<128x64xf32, #tpu.memory_space<vmem>>) dst(%dma_wait3A_893 : memref<10240x64xf32, #tpu.memory_space<vmem_shared>>)
        tpu.yield
      }) : () -> ()
      %add3A_317 = arith.constant 4 : i32
      %add3A_318 = arith.addi %add3A_308, %add3A_317 : i32
      %lt3A_319 = arith.constant 160 : i32
      %lt3A_320 = arith.cmpi slt, %add3A_318, %lt3A_319 : i32
      %convert_element_type3A_321 = arith.extui %lt3A_320 : i1 to i32
      %cond3A_322 = arith.constant 0 : i32
      %cond3A_323 = arith.cmpi ne, %convert_element_type3A_321, %cond3A_322 : i32
      scf.if %cond3A_323 {
        %dma_start3A_881 = arith.constant 7 : i32
        %dma_start3A_882 = arith.constant 0 : i32
        %dma_start3A_883 = tpu.memref_slice %arg7[%dma_start3A_881, %dma_start3A_882] : memref<16x128xi32, #tpu.memory_space<vmem>> -> memref<1x128xi32, #tpu.memory_space<vmem>>
        %dma_start3A_884 = tpu.memref_squeeze %dma_start3A_883 : memref<1x128xi32, #tpu.memory_space<vmem>> -> memref<128xi32, #tpu.memory_space<vmem>>
        %dma_start3A_885 = arith.constant 0 : i32
        %dma_start3A_886 = arith.constant 0 : i32
        %dma_start3A_887 = tpu.memref_slice %arg15[%dma_start3A_885, %dma_start3A_886] : memref<10240x64xf32, #tpu.memory_space<vmem_shared>> -> memref<10240x64xf32, #tpu.memory_space<vmem_shared>>
        tpu.enqueue_indirect_dma source(%dma_start3A_887 : memref<10240x64xf32, #tpu.memory_space<vmem_shared>>) target(%arg14 : memref<128x64xf32, #tpu.memory_space<vmem>>) offsets(%dma_start3A_884 : memref<128xi32, #tpu.memory_space<vmem>>) semaphore(%arg20 : memref<!tpu.dma_semaphore, #tpu.memory_space<semaphore_mem>>)
      } else {
      }
      %mul3A_324 = arith.constant 16 : i32
      %mul3A_325 = arith.muli %add3A_244, %mul3A_324 : i32
      %add3A_326 = arith.constant 4 : i32
      %add3A_327 = arith.addi %mul3A_325, %add3A_326 : i32
      %dma_wait3A_328 = arith.constant 4 : i32
      %dma_wait3A_329 = arith.constant 0 : i32
      %dma_wait3A_330 = tpu.memref_slice %arg7[%dma_wait3A_328, %dma_wait3A_329] : memref<16x128xi32, #tpu.memory_space<vmem>> -> memref<1x128xi32, #tpu.memory_space<vmem>>
      %dma_wait3A_331 = tpu.memref_squeeze %dma_wait3A_330 : memref<1x128xi32, #tpu.memory_space<vmem>> -> memref<128xi32, #tpu.memory_space<vmem>>
      %dma_wait3A_332 = arith.constant 0 : i32
      %dma_wait3A_333 = arith.constant 0 : i32
      %dma_wait3A_334 = tpu.memref_slice %arg15[%dma_wait3A_332, %dma_wait3A_333] : memref<10240x64xf32, #tpu.memory_space<vmem_shared>> -> memref<10240x64xf32, #tpu.memory_space<vmem_shared>>
      tpu.wait_indirect_dma semaphore(%arg17 : memref<!tpu.dma_semaphore, #tpu.memory_space<semaphore_mem>>) src(%dma_wait3A_334 : memref<10240x64xf32, #tpu.memory_space<vmem_shared>>) dst(%arg11 : memref<128x64xf32, #tpu.memory_space<vmem>>)
      %run_scoped3A_335 = arith.constant 4 : i32
      "tpu.region"() ({
        %run_scoped3A_881 = tpu.sem_alloc : memref<!tpu.dma_semaphore, #tpu.memory_space<semaphore_mem>>
        %dma_start3A_882 = arith.constant 0 : i32
        %dma_start3A_883 = tpu.memref_slice %arg9[%run_scoped3A_335, %dma_start3A_882] : memref<16x128xi32, #tpu.memory_space<vmem>> -> memref<1x128xi32, #tpu.memory_space<vmem>>
        %dma_start3A_884 = tpu.memref_squeeze %dma_start3A_883 : memref<1x128xi32, #tpu.memory_space<vmem>> -> memref<128xi32, #tpu.memory_space<vmem>>
        %dma_start3A_885 = arith.constant 0 : i32
        %dma_start3A_886 = arith.constant 0 : i32
        %dma_start3A_887 = tpu.memref_slice %arg16[%dma_start3A_885, %dma_start3A_886] : memref<10240x64xf32, #tpu.memory_space<vmem_shared>> -> memref<10240x64xf32, #tpu.memory_space<vmem_shared>>
        tpu.enqueue_indirect_dma source(%arg11 : memref<128x64xf32, #tpu.memory_space<vmem>>) target(%dma_start3A_887 : memref<10240x64xf32, #tpu.memory_space<vmem_shared>>) offsets(%dma_start3A_884 : memref<128xi32, #tpu.memory_space<vmem>>) semaphore(%run_scoped3A_881 : memref<!tpu.dma_semaphore, #tpu.memory_space<semaphore_mem>>) {add = true}
        %dma_wait3A_888 = arith.constant 0 : i32
        %dma_wait3A_889 = tpu.memref_slice %arg9[%run_scoped3A_335, %dma_wait3A_888] : memref<16x128xi32, #tpu.memory_space<vmem>> -> memref<1x128xi32, #tpu.memory_space<vmem>>
        %dma_wait3A_890 = tpu.memref_squeeze %dma_wait3A_889 : memref<1x128xi32, #tpu.memory_space<vmem>> -> memref<128xi32, #tpu.memory_space<vmem>>
        %dma_wait3A_891 = arith.constant 0 : i32
        %dma_wait3A_892 = arith.constant 0 : i32
        %dma_wait3A_893 = tpu.memref_slice %arg16[%dma_wait3A_891, %dma_wait3A_892] : memref<10240x64xf32, #tpu.memory_space<vmem_shared>> -> memref<10240x64xf32, #tpu.memory_space<vmem_shared>>
        tpu.wait_indirect_dma semaphore(%run_scoped3A_881 : memref<!tpu.dma_semaphore, #tpu.memory_space<semaphore_mem>>) src(%arg11 : memref<128x64xf32, #tpu.memory_space<vmem>>) dst(%dma_wait3A_893 : memref<10240x64xf32, #tpu.memory_space<vmem_shared>>)
        tpu.yield
      }) : () -> ()
      %add3A_336 = arith.constant 4 : i32
      %add3A_337 = arith.addi %add3A_327, %add3A_336 : i32
      %lt3A_338 = arith.constant 160 : i32
      %lt3A_339 = arith.cmpi slt, %add3A_337, %lt3A_338 : i32
      %convert_element_type3A_340 = arith.extui %lt3A_339 : i1 to i32
      %cond3A_341 = arith.constant 0 : i32
      %cond3A_342 = arith.cmpi ne, %convert_element_type3A_340, %cond3A_341 : i32
      scf.if %cond3A_342 {
        %dma_start3A_881 = arith.constant 8 : i32
        %dma_start3A_882 = arith.constant 0 : i32
        %dma_start3A_883 = tpu.memref_slice %arg7[%dma_start3A_881, %dma_start3A_882] : memref<16x128xi32, #tpu.memory_space<vmem>> -> memref<1x128xi32, #tpu.memory_space<vmem>>
        %dma_start3A_884 = tpu.memref_squeeze %dma_start3A_883 : memref<1x128xi32, #tpu.memory_space<vmem>> -> memref<128xi32, #tpu.memory_space<vmem>>
        %dma_start3A_885 = arith.constant 0 : i32
        %dma_start3A_886 = arith.constant 0 : i32
        %dma_start3A_887 = tpu.memref_slice %arg15[%dma_start3A_885, %dma_start3A_886] : memref<10240x64xf32, #tpu.memory_space<vmem_shared>> -> memref<10240x64xf32, #tpu.memory_space<vmem_shared>>
        tpu.enqueue_indirect_dma source(%dma_start3A_887 : memref<10240x64xf32, #tpu.memory_space<vmem_shared>>) target(%arg11 : memref<128x64xf32, #tpu.memory_space<vmem>>) offsets(%dma_start3A_884 : memref<128xi32, #tpu.memory_space<vmem>>) semaphore(%arg17 : memref<!tpu.dma_semaphore, #tpu.memory_space<semaphore_mem>>)
      } else {
      }
      %mul3A_343 = arith.constant 16 : i32
      %mul3A_344 = arith.muli %add3A_244, %mul3A_343 : i32
      %add3A_345 = arith.constant 5 : i32
      %add3A_346 = arith.addi %mul3A_344, %add3A_345 : i32
      %dma_wait3A_347 = arith.constant 5 : i32
      %dma_wait3A_348 = arith.constant 0 : i32
      %dma_wait3A_349 = tpu.memref_slice %arg7[%dma_wait3A_347, %dma_wait3A_348] : memref<16x128xi32, #tpu.memory_space<vmem>> -> memref<1x128xi32, #tpu.memory_space<vmem>>
      %dma_wait3A_350 = tpu.memref_squeeze %dma_wait3A_349 : memref<1x128xi32, #tpu.memory_space<vmem>> -> memref<128xi32, #tpu.memory_space<vmem>>
      %dma_wait3A_351 = arith.constant 0 : i32
      %dma_wait3A_352 = arith.constant 0 : i32
      %dma_wait3A_353 = tpu.memref_slice %arg15[%dma_wait3A_351, %dma_wait3A_352] : memref<10240x64xf32, #tpu.memory_space<vmem_shared>> -> memref<10240x64xf32, #tpu.memory_space<vmem_shared>>
      tpu.wait_indirect_dma semaphore(%arg18 : memref<!tpu.dma_semaphore, #tpu.memory_space<semaphore_mem>>) src(%dma_wait3A_353 : memref<10240x64xf32, #tpu.memory_space<vmem_shared>>) dst(%arg12 : memref<128x64xf32, #tpu.memory_space<vmem>>)
      %run_scoped3A_354 = arith.constant 5 : i32
      "tpu.region"() ({
        %run_scoped3A_881 = tpu.sem_alloc : memref<!tpu.dma_semaphore, #tpu.memory_space<semaphore_mem>>
        %dma_start3A_882 = arith.constant 0 : i32
        %dma_start3A_883 = tpu.memref_slice %arg9[%run_scoped3A_354, %dma_start3A_882] : memref<16x128xi32, #tpu.memory_space<vmem>> -> memref<1x128xi32, #tpu.memory_space<vmem>>
        %dma_start3A_884 = tpu.memref_squeeze %dma_start3A_883 : memref<1x128xi32, #tpu.memory_space<vmem>> -> memref<128xi32, #tpu.memory_space<vmem>>
        %dma_start3A_885 = arith.constant 0 : i32
        %dma_start3A_886 = arith.constant 0 : i32
        %dma_start3A_887 = tpu.memref_slice %arg16[%dma_start3A_885, %dma_start3A_886] : memref<10240x64xf32, #tpu.memory_space<vmem_shared>> -> memref<10240x64xf32, #tpu.memory_space<vmem_shared>>
        tpu.enqueue_indirect_dma source(%arg12 : memref<128x64xf32, #tpu.memory_space<vmem>>) target(%dma_start3A_887 : memref<10240x64xf32, #tpu.memory_space<vmem_shared>>) offsets(%dma_start3A_884 : memref<128xi32, #tpu.memory_space<vmem>>) semaphore(%run_scoped3A_881 : memref<!tpu.dma_semaphore, #tpu.memory_space<semaphore_mem>>) {add = true}
        %dma_wait3A_888 = arith.constant 0 : i32
        %dma_wait3A_889 = tpu.memref_slice %arg9[%run_scoped3A_354, %dma_wait3A_888] : memref<16x128xi32, #tpu.memory_space<vmem>> -> memref<1x128xi32, #tpu.memory_space<vmem>>
        %dma_wait3A_890 = tpu.memref_squeeze %dma_wait3A_889 : memref<1x128xi32, #tpu.memory_space<vmem>> -> memref<128xi32, #tpu.memory_space<vmem>>
        %dma_wait3A_891 = arith.constant 0 : i32
        %dma_wait3A_892 = arith.constant 0 : i32
        %dma_wait3A_893 = tpu.memref_slice %arg16[%dma_wait3A_891, %dma_wait3A_892] : memref<10240x64xf32, #tpu.memory_space<vmem_shared>> -> memref<10240x64xf32, #tpu.memory_space<vmem_shared>>
        tpu.wait_indirect_dma semaphore(%run_scoped3A_881 : memref<!tpu.dma_semaphore, #tpu.memory_space<semaphore_mem>>) src(%arg12 : memref<128x64xf32, #tpu.memory_space<vmem>>) dst(%dma_wait3A_893 : memref<10240x64xf32, #tpu.memory_space<vmem_shared>>)
        tpu.yield
      }) : () -> ()
      %add3A_355 = arith.constant 4 : i32
      %add3A_356 = arith.addi %add3A_346, %add3A_355 : i32
      %lt3A_357 = arith.constant 160 : i32
      %lt3A_358 = arith.cmpi slt, %add3A_356, %lt3A_357 : i32
      %convert_element_type3A_359 = arith.extui %lt3A_358 : i1 to i32
      %cond3A_360 = arith.constant 0 : i32
      %cond3A_361 = arith.cmpi ne, %convert_element_type3A_359, %cond3A_360 : i32
      scf.if %cond3A_361 {
        %dma_start3A_881 = arith.constant 9 : i32
        %dma_start3A_882 = arith.constant 0 : i32
        %dma_start3A_883 = tpu.memref_slice %arg7[%dma_start3A_881, %dma_start3A_882] : memref<16x128xi32, #tpu.memory_space<vmem>> -> memref<1x128xi32, #tpu.memory_space<vmem>>
        %dma_start3A_884 = tpu.memref_squeeze %dma_start3A_883 : memref<1x128xi32, #tpu.memory_space<vmem>> -> memref<128xi32, #tpu.memory_space<vmem>>
        %dma_start3A_885 = arith.constant 0 : i32
        %dma_start3A_886 = arith.constant 0 : i32
        %dma_start3A_887 = tpu.memref_slice %arg15[%dma_start3A_885, %dma_start3A_886] : memref<10240x64xf32, #tpu.memory_space<vmem_shared>> -> memref<10240x64xf32, #tpu.memory_space<vmem_shared>>
        tpu.enqueue_indirect_dma source(%dma_start3A_887 : memref<10240x64xf32, #tpu.memory_space<vmem_shared>>) target(%arg12 : memref<128x64xf32, #tpu.memory_space<vmem>>) offsets(%dma_start3A_884 : memref<128xi32, #tpu.memory_space<vmem>>) semaphore(%arg18 : memref<!tpu.dma_semaphore, #tpu.memory_space<semaphore_mem>>)
      } else {
      }
      %mul3A_362 = arith.constant 16 : i32
      %mul3A_363 = arith.muli %add3A_244, %mul3A_362 : i32
      %add3A_364 = arith.constant 6 : i32
      %add3A_365 = arith.addi %mul3A_363, %add3A_364 : i32
      %dma_wait3A_366 = arith.constant 6 : i32
      %dma_wait3A_367 = arith.constant 0 : i32
      %dma_wait3A_368 = tpu.memref_slice %arg7[%dma_wait3A_366, %dma_wait3A_367] : memref<16x128xi32, #tpu.memory_space<vmem>> -> memref<1x128xi32, #tpu.memory_space<vmem>>
      %dma_wait3A_369 = tpu.memref_squeeze %dma_wait3A_368 : memref<1x128xi32, #tpu.memory_space<vmem>> -> memref<128xi32, #tpu.memory_space<vmem>>
      %dma_wait3A_370 = arith.constant 0 : i32
      %dma_wait3A_371 = arith.constant 0 : i32
      %dma_wait3A_372 = tpu.memref_slice %arg15[%dma_wait3A_370, %dma_wait3A_371] : memref<10240x64xf32, #tpu.memory_space<vmem_shared>> -> memref<10240x64xf32, #tpu.memory_space<vmem_shared>>
      tpu.wait_indirect_dma semaphore(%arg19 : memref<!tpu.dma_semaphore, #tpu.memory_space<semaphore_mem>>) src(%dma_wait3A_372 : memref<10240x64xf32, #tpu.memory_space<vmem_shared>>) dst(%arg13 : memref<128x64xf32, #tpu.memory_space<vmem>>)
      %run_scoped3A_373 = arith.constant 6 : i32
      "tpu.region"() ({
        %run_scoped3A_881 = tpu.sem_alloc : memref<!tpu.dma_semaphore, #tpu.memory_space<semaphore_mem>>
        %dma_start3A_882 = arith.constant 0 : i32
        %dma_start3A_883 = tpu.memref_slice %arg9[%run_scoped3A_373, %dma_start3A_882] : memref<16x128xi32, #tpu.memory_space<vmem>> -> memref<1x128xi32, #tpu.memory_space<vmem>>
        %dma_start3A_884 = tpu.memref_squeeze %dma_start3A_883 : memref<1x128xi32, #tpu.memory_space<vmem>> -> memref<128xi32, #tpu.memory_space<vmem>>
        %dma_start3A_885 = arith.constant 0 : i32
        %dma_start3A_886 = arith.constant 0 : i32
        %dma_start3A_887 = tpu.memref_slice %arg16[%dma_start3A_885, %dma_start3A_886] : memref<10240x64xf32, #tpu.memory_space<vmem_shared>> -> memref<10240x64xf32, #tpu.memory_space<vmem_shared>>
        tpu.enqueue_indirect_dma source(%arg13 : memref<128x64xf32, #tpu.memory_space<vmem>>) target(%dma_start3A_887 : memref<10240x64xf32, #tpu.memory_space<vmem_shared>>) offsets(%dma_start3A_884 : memref<128xi32, #tpu.memory_space<vmem>>) semaphore(%run_scoped3A_881 : memref<!tpu.dma_semaphore, #tpu.memory_space<semaphore_mem>>) {add = true}
        %dma_wait3A_888 = arith.constant 0 : i32
        %dma_wait3A_889 = tpu.memref_slice %arg9[%run_scoped3A_373, %dma_wait3A_888] : memref<16x128xi32, #tpu.memory_space<vmem>> -> memref<1x128xi32, #tpu.memory_space<vmem>>
        %dma_wait3A_890 = tpu.memref_squeeze %dma_wait3A_889 : memref<1x128xi32, #tpu.memory_space<vmem>> -> memref<128xi32, #tpu.memory_space<vmem>>
        %dma_wait3A_891 = arith.constant 0 : i32
        %dma_wait3A_892 = arith.constant 0 : i32
        %dma_wait3A_893 = tpu.memref_slice %arg16[%dma_wait3A_891, %dma_wait3A_892] : memref<10240x64xf32, #tpu.memory_space<vmem_shared>> -> memref<10240x64xf32, #tpu.memory_space<vmem_shared>>
        tpu.wait_indirect_dma semaphore(%run_scoped3A_881 : memref<!tpu.dma_semaphore, #tpu.memory_space<semaphore_mem>>) src(%arg13 : memref<128x64xf32, #tpu.memory_space<vmem>>) dst(%dma_wait3A_893 : memref<10240x64xf32, #tpu.memory_space<vmem_shared>>)
        tpu.yield
      }) : () -> ()
      %add3A_374 = arith.constant 4 : i32
      %add3A_375 = arith.addi %add3A_365, %add3A_374 : i32
      %lt3A_376 = arith.constant 160 : i32
      %lt3A_377 = arith.cmpi slt, %add3A_375, %lt3A_376 : i32
      %convert_element_type3A_378 = arith.extui %lt3A_377 : i1 to i32
      %cond3A_379 = arith.constant 0 : i32
      %cond3A_380 = arith.cmpi ne, %convert_element_type3A_378, %cond3A_379 : i32
      scf.if %cond3A_380 {
        %dma_start3A_881 = arith.constant 10 : i32
        %dma_start3A_882 = arith.constant 0 : i32
        %dma_start3A_883 = tpu.memref_slice %arg7[%dma_start3A_881, %dma_start3A_882] : memref<16x128xi32, #tpu.memory_space<vmem>> -> memref<1x128xi32, #tpu.memory_space<vmem>>
        %dma_start3A_884 = tpu.memref_squeeze %dma_start3A_883 : memref<1x128xi32, #tpu.memory_space<vmem>> -> memref<128xi32, #tpu.memory_space<vmem>>
        %dma_start3A_885 = arith.constant 0 : i32
        %dma_start3A_886 = arith.constant 0 : i32
        %dma_start3A_887 = tpu.memref_slice %arg15[%dma_start3A_885, %dma_start3A_886] : memref<10240x64xf32, #tpu.memory_space<vmem_shared>> -> memref<10240x64xf32, #tpu.memory_space<vmem_shared>>
        tpu.enqueue_indirect_dma source(%dma_start3A_887 : memref<10240x64xf32, #tpu.memory_space<vmem_shared>>) target(%arg13 : memref<128x64xf32, #tpu.memory_space<vmem>>) offsets(%dma_start3A_884 : memref<128xi32, #tpu.memory_space<vmem>>) semaphore(%arg19 : memref<!tpu.dma_semaphore, #tpu.memory_space<semaphore_mem>>)
      } else {
      }
      %mul3A_381 = arith.constant 16 : i32
      %mul3A_382 = arith.muli %add3A_244, %mul3A_381 : i32
      %add3A_383 = arith.constant 7 : i32
      %add3A_384 = arith.addi %mul3A_382, %add3A_383 : i32
      %dma_wait3A_385 = arith.constant 7 : i32
      %dma_wait3A_386 = arith.constant 0 : i32
      %dma_wait3A_387 = tpu.memref_slice %arg7[%dma_wait3A_385, %dma_wait3A_386] : memref<16x128xi32, #tpu.memory_space<vmem>> -> memref<1x128xi32, #tpu.memory_space<vmem>>
      %dma_wait3A_388 = tpu.memref_squeeze %dma_wait3A_387 : memref<1x128xi32, #tpu.memory_space<vmem>> -> memref<128xi32, #tpu.memory_space<vmem>>
      %dma_wait3A_389 = arith.constant 0 : i32
      %dma_wait3A_390 = arith.constant 0 : i32
      %dma_wait3A_391 = tpu.memref_slice %arg15[%dma_wait3A_389, %dma_wait3A_390] : memref<10240x64xf32, #tpu.memory_space<vmem_shared>> -> memref<10240x64xf32, #tpu.memory_space<vmem_shared>>
      tpu.wait_indirect_dma semaphore(%arg20 : memref<!tpu.dma_semaphore, #tpu.memory_space<semaphore_mem>>) src(%dma_wait3A_391 : memref<10240x64xf32, #tpu.memory_space<vmem_shared>>) dst(%arg14 : memref<128x64xf32, #tpu.memory_space<vmem>>)
      %run_scoped3A_392 = arith.constant 7 : i32
      "tpu.region"() ({
        %run_scoped3A_881 = tpu.sem_alloc : memref<!tpu.dma_semaphore, #tpu.memory_space<semaphore_mem>>
        %dma_start3A_882 = arith.constant 0 : i32
        %dma_start3A_883 = tpu.memref_slice %arg9[%run_scoped3A_392, %dma_start3A_882] : memref<16x128xi32, #tpu.memory_space<vmem>> -> memref<1x128xi32, #tpu.memory_space<vmem>>
        %dma_start3A_884 = tpu.memref_squeeze %dma_start3A_883 : memref<1x128xi32, #tpu.memory_space<vmem>> -> memref<128xi32, #tpu.memory_space<vmem>>
        %dma_start3A_885 = arith.constant 0 : i32
        %dma_start3A_886 = arith.constant 0 : i32
        %dma_start3A_887 = tpu.memref_slice %arg16[%dma_start3A_885, %dma_start3A_886] : memref<10240x64xf32, #tpu.memory_space<vmem_shared>> -> memref<10240x64xf32, #tpu.memory_space<vmem_shared>>
        tpu.enqueue_indirect_dma source(%arg14 : memref<128x64xf32, #tpu.memory_space<vmem>>) target(%dma_start3A_887 : memref<10240x64xf32, #tpu.memory_space<vmem_shared>>) offsets(%dma_start3A_884 : memref<128xi32, #tpu.memory_space<vmem>>) semaphore(%run_scoped3A_881 : memref<!tpu.dma_semaphore, #tpu.memory_space<semaphore_mem>>) {add = true}
        %dma_wait3A_888 = arith.constant 0 : i32
        %dma_wait3A_889 = tpu.memref_slice %arg9[%run_scoped3A_392, %dma_wait3A_888] : memref<16x128xi32, #tpu.memory_space<vmem>> -> memref<1x128xi32, #tpu.memory_space<vmem>>
        %dma_wait3A_890 = tpu.memref_squeeze %dma_wait3A_889 : memref<1x128xi32, #tpu.memory_space<vmem>> -> memref<128xi32, #tpu.memory_space<vmem>>
        %dma_wait3A_891 = arith.constant 0 : i32
        %dma_wait3A_892 = arith.constant 0 : i32
        %dma_wait3A_893 = tpu.memref_slice %arg16[%dma_wait3A_891, %dma_wait3A_892] : memref<10240x64xf32, #tpu.memory_space<vmem_shared>> -> memref<10240x64xf32, #tpu.memory_space<vmem_shared>>
        tpu.wait_indirect_dma semaphore(%run_scoped3A_881 : memref<!tpu.dma_semaphore, #tpu.memory_space<semaphore_mem>>) src(%arg14 : memref<128x64xf32, #tpu.memory_space<vmem>>) dst(%dma_wait3A_893 : memref<10240x64xf32, #tpu.memory_space<vmem_shared>>)
        tpu.yield
      }) : () -> ()
      %add3A_393 = arith.constant 4 : i32
      %add3A_394 = arith.addi %add3A_384, %add3A_393 : i32
      %lt3A_395 = arith.constant 160 : i32
      %lt3A_396 = arith.cmpi slt, %add3A_394, %lt3A_395 : i32
      %convert_element_type3A_397 = arith.extui %lt3A_396 : i1 to i32
      %cond3A_398 = arith.constant 0 : i32
      %cond3A_399 = arith.cmpi ne, %convert_element_type3A_397, %cond3A_398 : i32
      scf.if %cond3A_399 {
        %dma_start3A_881 = arith.constant 11 : i32
        %dma_start3A_882 = arith.constant 0 : i32
        %dma_start3A_883 = tpu.memref_slice %arg7[%dma_start3A_881, %dma_start3A_882] : memref<16x128xi32, #tpu.memory_space<vmem>> -> memref<1x128xi32, #tpu.memory_space<vmem>>
        %dma_start3A_884 = tpu.memref_squeeze %dma_start3A_883 : memref<1x128xi32, #tpu.memory_space<vmem>> -> memref<128xi32, #tpu.memory_space<vmem>>
        %dma_start3A_885 = arith.constant 0 : i32
        %dma_start3A_886 = arith.constant 0 : i32
        %dma_start3A_887 = tpu.memref_slice %arg15[%dma_start3A_885, %dma_start3A_886] : memref<10240x64xf32, #tpu.memory_space<vmem_shared>> -> memref<10240x64xf32, #tpu.memory_space<vmem_shared>>
        tpu.enqueue_indirect_dma source(%dma_start3A_887 : memref<10240x64xf32, #tpu.memory_space<vmem_shared>>) target(%arg14 : memref<128x64xf32, #tpu.memory_space<vmem>>) offsets(%dma_start3A_884 : memref<128xi32, #tpu.memory_space<vmem>>) semaphore(%arg20 : memref<!tpu.dma_semaphore, #tpu.memory_space<semaphore_mem>>)
      } else {
      }
      %mul3A_400 = arith.constant 16 : i32
      %mul3A_401 = arith.muli %add3A_244, %mul3A_400 : i32
      %add3A_402 = arith.constant 8 : i32
      %add3A_403 = arith.addi %mul3A_401, %add3A_402 : i32
      %dma_wait3A_404 = arith.constant 8 : i32
      %dma_wait3A_405 = arith.constant 0 : i32
      %dma_wait3A_406 = tpu.memref_slice %arg7[%dma_wait3A_404, %dma_wait3A_405] : memref<16x128xi32, #tpu.memory_space<vmem>> -> memref<1x128xi32, #tpu.memory_space<vmem>>
      %dma_wait3A_407 = tpu.memref_squeeze %dma_wait3A_406 : memref<1x128xi32, #tpu.memory_space<vmem>> -> memref<128xi32, #tpu.memory_space<vmem>>
      %dma_wait3A_408 = arith.constant 0 : i32
      %dma_wait3A_409 = arith.constant 0 : i32
      %dma_wait3A_410 = tpu.memref_slice %arg15[%dma_wait3A_408, %dma_wait3A_409] : memref<10240x64xf32, #tpu.memory_space<vmem_shared>> -> memref<10240x64xf32, #tpu.memory_space<vmem_shared>>
      tpu.wait_indirect_dma semaphore(%arg17 : memref<!tpu.dma_semaphore, #tpu.memory_space<semaphore_mem>>) src(%dma_wait3A_410 : memref<10240x64xf32, #tpu.memory_space<vmem_shared>>) dst(%arg11 : memref<128x64xf32, #tpu.memory_space<vmem>>)
      %run_scoped3A_411 = arith.constant 8 : i32
      "tpu.region"() ({
        %run_scoped3A_881 = tpu.sem_alloc : memref<!tpu.dma_semaphore, #tpu.memory_space<semaphore_mem>>
        %dma_start3A_882 = arith.constant 0 : i32
        %dma_start3A_883 = tpu.memref_slice %arg9[%run_scoped3A_411, %dma_start3A_882] : memref<16x128xi32, #tpu.memory_space<vmem>> -> memref<1x128xi32, #tpu.memory_space<vmem>>
        %dma_start3A_884 = tpu.memref_squeeze %dma_start3A_883 : memref<1x128xi32, #tpu.memory_space<vmem>> -> memref<128xi32, #tpu.memory_space<vmem>>
        %dma_start3A_885 = arith.constant 0 : i32
        %dma_start3A_886 = arith.constant 0 : i32
        %dma_start3A_887 = tpu.memref_slice %arg16[%dma_start3A_885, %dma_start3A_886] : memref<10240x64xf32, #tpu.memory_space<vmem_shared>> -> memref<10240x64xf32, #tpu.memory_space<vmem_shared>>
        tpu.enqueue_indirect_dma source(%arg11 : memref<128x64xf32, #tpu.memory_space<vmem>>) target(%dma_start3A_887 : memref<10240x64xf32, #tpu.memory_space<vmem_shared>>) offsets(%dma_start3A_884 : memref<128xi32, #tpu.memory_space<vmem>>) semaphore(%run_scoped3A_881 : memref<!tpu.dma_semaphore, #tpu.memory_space<semaphore_mem>>) {add = true}
        %dma_wait3A_888 = arith.constant 0 : i32
        %dma_wait3A_889 = tpu.memref_slice %arg9[%run_scoped3A_411, %dma_wait3A_888] : memref<16x128xi32, #tpu.memory_space<vmem>> -> memref<1x128xi32, #tpu.memory_space<vmem>>
        %dma_wait3A_890 = tpu.memref_squeeze %dma_wait3A_889 : memref<1x128xi32, #tpu.memory_space<vmem>> -> memref<128xi32, #tpu.memory_space<vmem>>
        %dma_wait3A_891 = arith.constant 0 : i32
        %dma_wait3A_892 = arith.constant 0 : i32
        %dma_wait3A_893 = tpu.memref_slice %arg16[%dma_wait3A_891, %dma_wait3A_892] : memref<10240x64xf32, #tpu.memory_space<vmem_shared>> -> memref<10240x64xf32, #tpu.memory_space<vmem_shared>>
        tpu.wait_indirect_dma semaphore(%run_scoped3A_881 : memref<!tpu.dma_semaphore, #tpu.memory_space<semaphore_mem>>) src(%arg11 : memref<128x64xf32, #tpu.memory_space<vmem>>) dst(%dma_wait3A_893 : memref<10240x64xf32, #tpu.memory_space<vmem_shared>>)
        tpu.yield
      }) : () -> ()
      %add3A_412 = arith.constant 4 : i32
      %add3A_413 = arith.addi %add3A_403, %add3A_412 : i32
      %lt3A_414 = arith.constant 160 : i32
      %lt3A_415 = arith.cmpi slt, %add3A_413, %lt3A_414 : i32
      %convert_element_type3A_416 = arith.extui %lt3A_415 : i1 to i32
      %cond3A_417 = arith.constant 0 : i32
      %cond3A_418 = arith.cmpi ne, %convert_element_type3A_416, %cond3A_417 : i32
      scf.if %cond3A_418 {
        %dma_start3A_881 = arith.constant 12 : i32
        %dma_start3A_882 = arith.constant 0 : i32
        %dma_start3A_883 = tpu.memref_slice %arg7[%dma_start3A_881, %dma_start3A_882] : memref<16x128xi32, #tpu.memory_space<vmem>> -> memref<1x128xi32, #tpu.memory_space<vmem>>
        %dma_start3A_884 = tpu.memref_squeeze %dma_start3A_883 : memref<1x128xi32, #tpu.memory_space<vmem>> -> memref<128xi32, #tpu.memory_space<vmem>>
        %dma_start3A_885 = arith.constant 0 : i32
        %dma_start3A_886 = arith.constant 0 : i32
        %dma_start3A_887 = tpu.memref_slice %arg15[%dma_start3A_885, %dma_start3A_886] : memref<10240x64xf32, #tpu.memory_space<vmem_shared>> -> memref<10240x64xf32, #tpu.memory_space<vmem_shared>>
        tpu.enqueue_indirect_dma source(%dma_start3A_887 : memref<10240x64xf32, #tpu.memory_space<vmem_shared>>) target(%arg11 : memref<128x64xf32, #tpu.memory_space<vmem>>) offsets(%dma_start3A_884 : memref<128xi32, #tpu.memory_space<vmem>>) semaphore(%arg17 : memref<!tpu.dma_semaphore, #tpu.memory_space<semaphore_mem>>)
      } else {
      }
      %mul3A_419 = arith.constant 16 : i32
      %mul3A_420 = arith.muli %add3A_244, %mul3A_419 : i32
      %add3A_421 = arith.constant 9 : i32
      %add3A_422 = arith.addi %mul3A_420, %add3A_421 : i32
      %dma_wait3A_423 = arith.constant 9 : i32
      %dma_wait3A_424 = arith.constant 0 : i32
      %dma_wait3A_425 = tpu.memref_slice %arg7[%dma_wait3A_423, %dma_wait3A_424] : memref<16x128xi32, #tpu.memory_space<vmem>> -> memref<1x128xi32, #tpu.memory_space<vmem>>
      %dma_wait3A_426 = tpu.memref_squeeze %dma_wait3A_425 : memref<1x128xi32, #tpu.memory_space<vmem>> -> memref<128xi32, #tpu.memory_space<vmem>>
      %dma_wait3A_427 = arith.constant 0 : i32
      %dma_wait3A_428 = arith.constant 0 : i32
      %dma_wait3A_429 = tpu.memref_slice %arg15[%dma_wait3A_427, %dma_wait3A_428] : memref<10240x64xf32, #tpu.memory_space<vmem_shared>> -> memref<10240x64xf32, #tpu.memory_space<vmem_shared>>
      tpu.wait_indirect_dma semaphore(%arg18 : memref<!tpu.dma_semaphore, #tpu.memory_space<semaphore_mem>>) src(%dma_wait3A_429 : memref<10240x64xf32, #tpu.memory_space<vmem_shared>>) dst(%arg12 : memref<128x64xf32, #tpu.memory_space<vmem>>)
      %run_scoped3A_430 = arith.constant 9 : i32
      "tpu.region"() ({
        %run_scoped3A_881 = tpu.sem_alloc : memref<!tpu.dma_semaphore, #tpu.memory_space<semaphore_mem>>
        %dma_start3A_882 = arith.constant 0 : i32
        %dma_start3A_883 = tpu.memref_slice %arg9[%run_scoped3A_430, %dma_start3A_882] : memref<16x128xi32, #tpu.memory_space<vmem>> -> memref<1x128xi32, #tpu.memory_space<vmem>>
        %dma_start3A_884 = tpu.memref_squeeze %dma_start3A_883 : memref<1x128xi32, #tpu.memory_space<vmem>> -> memref<128xi32, #tpu.memory_space<vmem>>
        %dma_start3A_885 = arith.constant 0 : i32
        %dma_start3A_886 = arith.constant 0 : i32
        %dma_start3A_887 = tpu.memref_slice %arg16[%dma_start3A_885, %dma_start3A_886] : memref<10240x64xf32, #tpu.memory_space<vmem_shared>> -> memref<10240x64xf32, #tpu.memory_space<vmem_shared>>
        tpu.enqueue_indirect_dma source(%arg12 : memref<128x64xf32, #tpu.memory_space<vmem>>) target(%dma_start3A_887 : memref<10240x64xf32, #tpu.memory_space<vmem_shared>>) offsets(%dma_start3A_884 : memref<128xi32, #tpu.memory_space<vmem>>) semaphore(%run_scoped3A_881 : memref<!tpu.dma_semaphore, #tpu.memory_space<semaphore_mem>>) {add = true}
        %dma_wait3A_888 = arith.constant 0 : i32
        %dma_wait3A_889 = tpu.memref_slice %arg9[%run_scoped3A_430, %dma_wait3A_888] : memref<16x128xi32, #tpu.memory_space<vmem>> -> memref<1x128xi32, #tpu.memory_space<vmem>>
        %dma_wait3A_890 = tpu.memref_squeeze %dma_wait3A_889 : memref<1x128xi32, #tpu.memory_space<vmem>> -> memref<128xi32, #tpu.memory_space<vmem>>
        %dma_wait3A_891 = arith.constant 0 : i32
        %dma_wait3A_892 = arith.constant 0 : i32
        %dma_wait3A_893 = tpu.memref_slice %arg16[%dma_wait3A_891, %dma_wait3A_892] : memref<10240x64xf32, #tpu.memory_space<vmem_shared>> -> memref<10240x64xf32, #tpu.memory_space<vmem_shared>>
        tpu.wait_indirect_dma semaphore(%run_scoped3A_881 : memref<!tpu.dma_semaphore, #tpu.memory_space<semaphore_mem>>) src(%arg12 : memref<128x64xf32, #tpu.memory_space<vmem>>) dst(%dma_wait3A_893 : memref<10240x64xf32, #tpu.memory_space<vmem_shared>>)
        tpu.yield
      }) : () -> ()
      %add3A_431 = arith.constant 4 : i32
      %add3A_432 = arith.addi %add3A_422, %add3A_431 : i32
      %lt3A_433 = arith.constant 160 : i32
      %lt3A_434 = arith.cmpi slt, %add3A_432, %lt3A_433 : i32
      %convert_element_type3A_435 = arith.extui %lt3A_434 : i1 to i32
      %cond3A_436 = arith.constant 0 : i32
      %cond3A_437 = arith.cmpi ne, %convert_element_type3A_435, %cond3A_436 : i32
      scf.if %cond3A_437 {
        %dma_start3A_881 = arith.constant 13 : i32
        %dma_start3A_882 = arith.constant 0 : i32
        %dma_start3A_883 = tpu.memref_slice %arg7[%dma_start3A_881, %dma_start3A_882] : memref<16x128xi32, #tpu.memory_space<vmem>> -> memref<1x128xi32, #tpu.memory_space<vmem>>
        %dma_start3A_884 = tpu.memref_squeeze %dma_start3A_883 : memref<1x128xi32, #tpu.memory_space<vmem>> -> memref<128xi32, #tpu.memory_space<vmem>>
        %dma_start3A_885 = arith.constant 0 : i32
        %dma_start3A_886 = arith.constant 0 : i32
        %dma_start3A_887 = tpu.memref_slice %arg15[%dma_start3A_885, %dma_start3A_886] : memref<10240x64xf32, #tpu.memory_space<vmem_shared>> -> memref<10240x64xf32, #tpu.memory_space<vmem_shared>>
        tpu.enqueue_indirect_dma source(%dma_start3A_887 : memref<10240x64xf32, #tpu.memory_space<vmem_shared>>) target(%arg12 : memref<128x64xf32, #tpu.memory_space<vmem>>) offsets(%dma_start3A_884 : memref<128xi32, #tpu.memory_space<vmem>>) semaphore(%arg18 : memref<!tpu.dma_semaphore, #tpu.memory_space<semaphore_mem>>)
      } else {
      }
      %mul3A_438 = arith.constant 16 : i32
      %mul3A_439 = arith.muli %add3A_244, %mul3A_438 : i32
      %add3A_440 = arith.constant 10 : i32
      %add3A_441 = arith.addi %mul3A_439, %add3A_440 : i32
      %dma_wait3A_442 = arith.constant 10 : i32
      %dma_wait3A_443 = arith.constant 0 : i32
      %dma_wait3A_444 = tpu.memref_slice %arg7[%dma_wait3A_442, %dma_wait3A_443] : memref<16x128xi32, #tpu.memory_space<vmem>> -> memref<1x128xi32, #tpu.memory_space<vmem>>
      %dma_wait3A_445 = tpu.memref_squeeze %dma_wait3A_444 : memref<1x128xi32, #tpu.memory_space<vmem>> -> memref<128xi32, #tpu.memory_space<vmem>>
      %dma_wait3A_446 = arith.constant 0 : i32
      %dma_wait3A_447 = arith.constant 0 : i32
      %dma_wait3A_448 = tpu.memref_slice %arg15[%dma_wait3A_446, %dma_wait3A_447] : memref<10240x64xf32, #tpu.memory_space<vmem_shared>> -> memref<10240x64xf32, #tpu.memory_space<vmem_shared>>
      tpu.wait_indirect_dma semaphore(%arg19 : memref<!tpu.dma_semaphore, #tpu.memory_space<semaphore_mem>>) src(%dma_wait3A_448 : memref<10240x64xf32, #tpu.memory_space<vmem_shared>>) dst(%arg13 : memref<128x64xf32, #tpu.memory_space<vmem>>)
      %run_scoped3A_449 = arith.constant 10 : i32
      "tpu.region"() ({
        %run_scoped3A_881 = tpu.sem_alloc : memref<!tpu.dma_semaphore, #tpu.memory_space<semaphore_mem>>
        %dma_start3A_882 = arith.constant 0 : i32
        %dma_start3A_883 = tpu.memref_slice %arg9[%run_scoped3A_449, %dma_start3A_882] : memref<16x128xi32, #tpu.memory_space<vmem>> -> memref<1x128xi32, #tpu.memory_space<vmem>>
        %dma_start3A_884 = tpu.memref_squeeze %dma_start3A_883 : memref<1x128xi32, #tpu.memory_space<vmem>> -> memref<128xi32, #tpu.memory_space<vmem>>
        %dma_start3A_885 = arith.constant 0 : i32
        %dma_start3A_886 = arith.constant 0 : i32
        %dma_start3A_887 = tpu.memref_slice %arg16[%dma_start3A_885, %dma_start3A_886] : memref<10240x64xf32, #tpu.memory_space<vmem_shared>> -> memref<10240x64xf32, #tpu.memory_space<vmem_shared>>
        tpu.enqueue_indirect_dma source(%arg13 : memref<128x64xf32, #tpu.memory_space<vmem>>) target(%dma_start3A_887 : memref<10240x64xf32, #tpu.memory_space<vmem_shared>>) offsets(%dma_start3A_884 : memref<128xi32, #tpu.memory_space<vmem>>) semaphore(%run_scoped3A_881 : memref<!tpu.dma_semaphore, #tpu.memory_space<semaphore_mem>>) {add = true}
        %dma_wait3A_888 = arith.constant 0 : i32
        %dma_wait3A_889 = tpu.memref_slice %arg9[%run_scoped3A_449, %dma_wait3A_888] : memref<16x128xi32, #tpu.memory_space<vmem>> -> memref<1x128xi32, #tpu.memory_space<vmem>>
        %dma_wait3A_890 = tpu.memref_squeeze %dma_wait3A_889 : memref<1x128xi32, #tpu.memory_space<vmem>> -> memref<128xi32, #tpu.memory_space<vmem>>
        %dma_wait3A_891 = arith.constant 0 : i32
        %dma_wait3A_892 = arith.constant 0 : i32
        %dma_wait3A_893 = tpu.memref_slice %arg16[%dma_wait3A_891, %dma_wait3A_892] : memref<10240x64xf32, #tpu.memory_space<vmem_shared>> -> memref<10240x64xf32, #tpu.memory_space<vmem_shared>>
        tpu.wait_indirect_dma semaphore(%run_scoped3A_881 : memref<!tpu.dma_semaphore, #tpu.memory_space<semaphore_mem>>) src(%arg13 : memref<128x64xf32, #tpu.memory_space<vmem>>) dst(%dma_wait3A_893 : memref<10240x64xf32, #tpu.memory_space<vmem_shared>>)
        tpu.yield
      }) : () -> ()
      %add3A_450 = arith.constant 4 : i32
      %add3A_451 = arith.addi %add3A_441, %add3A_450 : i32
      %lt3A_452 = arith.constant 160 : i32
      %lt3A_453 = arith.cmpi slt, %add3A_451, %lt3A_452 : i32
      %convert_element_type3A_454 = arith.extui %lt3A_453 : i1 to i32
      %cond3A_455 = arith.constant 0 : i32
      %cond3A_456 = arith.cmpi ne, %convert_element_type3A_454, %cond3A_455 : i32
      scf.if %cond3A_456 {
        %dma_start3A_881 = arith.constant 14 : i32
        %dma_start3A_882 = arith.constant 0 : i32
        %dma_start3A_883 = tpu.memref_slice %arg7[%dma_start3A_881, %dma_start3A_882] : memref<16x128xi32, #tpu.memory_space<vmem>> -> memref<1x128xi32, #tpu.memory_space<vmem>>
        %dma_start3A_884 = tpu.memref_squeeze %dma_start3A_883 : memref<1x128xi32, #tpu.memory_space<vmem>> -> memref<128xi32, #tpu.memory_space<vmem>>
        %dma_start3A_885 = arith.constant 0 : i32
        %dma_start3A_886 = arith.constant 0 : i32
        %dma_start3A_887 = tpu.memref_slice %arg15[%dma_start3A_885, %dma_start3A_886] : memref<10240x64xf32, #tpu.memory_space<vmem_shared>> -> memref<10240x64xf32, #tpu.memory_space<vmem_shared>>
        tpu.enqueue_indirect_dma source(%dma_start3A_887 : memref<10240x64xf32, #tpu.memory_space<vmem_shared>>) target(%arg13 : memref<128x64xf32, #tpu.memory_space<vmem>>) offsets(%dma_start3A_884 : memref<128xi32, #tpu.memory_space<vmem>>) semaphore(%arg19 : memref<!tpu.dma_semaphore, #tpu.memory_space<semaphore_mem>>)
      } else {
      }
      %mul3A_457 = arith.constant 16 : i32
      %mul3A_458 = arith.muli %add3A_244, %mul3A_457 : i32
      %add3A_459 = arith.constant 11 : i32
      %add3A_460 = arith.addi %mul3A_458, %add3A_459 : i32
      %dma_wait3A_461 = arith.constant 11 : i32
      %dma_wait3A_462 = arith.constant 0 : i32
      %dma_wait3A_463 = tpu.memref_slice %arg7[%dma_wait3A_461, %dma_wait3A_462] : memref<16x128xi32, #tpu.memory_space<vmem>> -> memref<1x128xi32, #tpu.memory_space<vmem>>
      %dma_wait3A_464 = tpu.memref_squeeze %dma_wait3A_463 : memref<1x128xi32, #tpu.memory_space<vmem>> -> memref<128xi32, #tpu.memory_space<vmem>>
      %dma_wait3A_465 = arith.constant 0 : i32
      %dma_wait3A_466 = arith.constant 0 : i32
      %dma_wait3A_467 = tpu.memref_slice %arg15[%dma_wait3A_465, %dma_wait3A_466] : memref<10240x64xf32, #tpu.memory_space<vmem_shared>> -> memref<10240x64xf32, #tpu.memory_space<vmem_shared>>
      tpu.wait_indirect_dma semaphore(%arg20 : memref<!tpu.dma_semaphore, #tpu.memory_space<semaphore_mem>>) src(%dma_wait3A_467 : memref<10240x64xf32, #tpu.memory_space<vmem_shared>>) dst(%arg14 : memref<128x64xf32, #tpu.memory_space<vmem>>)
      %run_scoped3A_468 = arith.constant 11 : i32
      "tpu.region"() ({
        %run_scoped3A_881 = tpu.sem_alloc : memref<!tpu.dma_semaphore, #tpu.memory_space<semaphore_mem>>
        %dma_start3A_882 = arith.constant 0 : i32
        %dma_start3A_883 = tpu.memref_slice %arg9[%run_scoped3A_468, %dma_start3A_882] : memref<16x128xi32, #tpu.memory_space<vmem>> -> memref<1x128xi32, #tpu.memory_space<vmem>>
        %dma_start3A_884 = tpu.memref_squeeze %dma_start3A_883 : memref<1x128xi32, #tpu.memory_space<vmem>> -> memref<128xi32, #tpu.memory_space<vmem>>
        %dma_start3A_885 = arith.constant 0 : i32
        %dma_start3A_886 = arith.constant 0 : i32
        %dma_start3A_887 = tpu.memref_slice %arg16[%dma_start3A_885, %dma_start3A_886] : memref<10240x64xf32, #tpu.memory_space<vmem_shared>> -> memref<10240x64xf32, #tpu.memory_space<vmem_shared>>
        tpu.enqueue_indirect_dma source(%arg14 : memref<128x64xf32, #tpu.memory_space<vmem>>) target(%dma_start3A_887 : memref<10240x64xf32, #tpu.memory_space<vmem_shared>>) offsets(%dma_start3A_884 : memref<128xi32, #tpu.memory_space<vmem>>) semaphore(%run_scoped3A_881 : memref<!tpu.dma_semaphore, #tpu.memory_space<semaphore_mem>>) {add = true}
        %dma_wait3A_888 = arith.constant 0 : i32
        %dma_wait3A_889 = tpu.memref_slice %arg9[%run_scoped3A_468, %dma_wait3A_888] : memref<16x128xi32, #tpu.memory_space<vmem>> -> memref<1x128xi32, #tpu.memory_space<vmem>>
        %dma_wait3A_890 = tpu.memref_squeeze %dma_wait3A_889 : memref<1x128xi32, #tpu.memory_space<vmem>> -> memref<128xi32, #tpu.memory_space<vmem>>
        %dma_wait3A_891 = arith.constant 0 : i32
        %dma_wait3A_892 = arith.constant 0 : i32
        %dma_wait3A_893 = tpu.memref_slice %arg16[%dma_wait3A_891, %dma_wait3A_892] : memref<10240x64xf32, #tpu.memory_space<vmem_shared>> -> memref<10240x64xf32, #tpu.memory_space<vmem_shared>>
        tpu.wait_indirect_dma semaphore(%run_scoped3A_881 : memref<!tpu.dma_semaphore, #tpu.memory_space<semaphore_mem>>) src(%arg14 : memref<128x64xf32, #tpu.memory_space<vmem>>) dst(%dma_wait3A_893 : memref<10240x64xf32, #tpu.memory_space<vmem_shared>>)
        tpu.yield
      }) : () -> ()
      %add3A_469 = arith.constant 4 : i32
      %add3A_470 = arith.addi %add3A_460, %add3A_469 : i32
      %lt3A_471 = arith.constant 160 : i32
      %lt3A_472 = arith.cmpi slt, %add3A_470, %lt3A_471 : i32
      %convert_element_type3A_473 = arith.extui %lt3A_472 : i1 to i32
      %cond3A_474 = arith.constant 0 : i32
      %cond3A_475 = arith.cmpi ne, %convert_element_type3A_473, %cond3A_474 : i32
      scf.if %cond3A_475 {
        %dma_start3A_881 = arith.constant 15 : i32
        %dma_start3A_882 = arith.constant 0 : i32
        %dma_start3A_883 = tpu.memref_slice %arg7[%dma_start3A_881, %dma_start3A_882] : memref<16x128xi32, #tpu.memory_space<vmem>> -> memref<1x128xi32, #tpu.memory_space<vmem>>
        %dma_start3A_884 = tpu.memref_squeeze %dma_start3A_883 : memref<1x128xi32, #tpu.memory_space<vmem>> -> memref<128xi32, #tpu.memory_space<vmem>>
        %dma_start3A_885 = arith.constant 0 : i32
        %dma_start3A_886 = arith.constant 0 : i32
        %dma_start3A_887 = tpu.memref_slice %arg15[%dma_start3A_885, %dma_start3A_886] : memref<10240x64xf32, #tpu.memory_space<vmem_shared>> -> memref<10240x64xf32, #tpu.memory_space<vmem_shared>>
        tpu.enqueue_indirect_dma source(%dma_start3A_887 : memref<10240x64xf32, #tpu.memory_space<vmem_shared>>) target(%arg14 : memref<128x64xf32, #tpu.memory_space<vmem>>) offsets(%dma_start3A_884 : memref<128xi32, #tpu.memory_space<vmem>>) semaphore(%arg20 : memref<!tpu.dma_semaphore, #tpu.memory_space<semaphore_mem>>)
      } else {
      }
      %mul3A_476 = arith.constant 16 : i32
      %mul3A_477 = arith.muli %add3A_244, %mul3A_476 : i32
      %add3A_478 = arith.constant 12 : i32
      %add3A_479 = arith.addi %mul3A_477, %add3A_478 : i32
      %dma_wait3A_480 = arith.constant 12 : i32
      %dma_wait3A_481 = arith.constant 0 : i32
      %dma_wait3A_482 = tpu.memref_slice %arg7[%dma_wait3A_480, %dma_wait3A_481] : memref<16x128xi32, #tpu.memory_space<vmem>> -> memref<1x128xi32, #tpu.memory_space<vmem>>
      %dma_wait3A_483 = tpu.memref_squeeze %dma_wait3A_482 : memref<1x128xi32, #tpu.memory_space<vmem>> -> memref<128xi32, #tpu.memory_space<vmem>>
      %dma_wait3A_484 = arith.constant 0 : i32
      %dma_wait3A_485 = arith.constant 0 : i32
      %dma_wait3A_486 = tpu.memref_slice %arg15[%dma_wait3A_484, %dma_wait3A_485] : memref<10240x64xf32, #tpu.memory_space<vmem_shared>> -> memref<10240x64xf32, #tpu.memory_space<vmem_shared>>
      tpu.wait_indirect_dma semaphore(%arg17 : memref<!tpu.dma_semaphore, #tpu.memory_space<semaphore_mem>>) src(%dma_wait3A_486 : memref<10240x64xf32, #tpu.memory_space<vmem_shared>>) dst(%arg11 : memref<128x64xf32, #tpu.memory_space<vmem>>)
      %run_scoped3A_487 = arith.constant 12 : i32
      "tpu.region"() ({
        %run_scoped3A_881 = tpu.sem_alloc : memref<!tpu.dma_semaphore, #tpu.memory_space<semaphore_mem>>
        %dma_start3A_882 = arith.constant 0 : i32
        %dma_start3A_883 = tpu.memref_slice %arg9[%run_scoped3A_487, %dma_start3A_882] : memref<16x128xi32, #tpu.memory_space<vmem>> -> memref<1x128xi32, #tpu.memory_space<vmem>>
        %dma_start3A_884 = tpu.memref_squeeze %dma_start3A_883 : memref<1x128xi32, #tpu.memory_space<vmem>> -> memref<128xi32, #tpu.memory_space<vmem>>
        %dma_start3A_885 = arith.constant 0 : i32
        %dma_start3A_886 = arith.constant 0 : i32
        %dma_start3A_887 = tpu.memref_slice %arg16[%dma_start3A_885, %dma_start3A_886] : memref<10240x64xf32, #tpu.memory_space<vmem_shared>> -> memref<10240x64xf32, #tpu.memory_space<vmem_shared>>
        tpu.enqueue_indirect_dma source(%arg11 : memref<128x64xf32, #tpu.memory_space<vmem>>) target(%dma_start3A_887 : memref<10240x64xf32, #tpu.memory_space<vmem_shared>>) offsets(%dma_start3A_884 : memref<128xi32, #tpu.memory_space<vmem>>) semaphore(%run_scoped3A_881 : memref<!tpu.dma_semaphore, #tpu.memory_space<semaphore_mem>>) {add = true}
        %dma_wait3A_888 = arith.constant 0 : i32
        %dma_wait3A_889 = tpu.memref_slice %arg9[%run_scoped3A_487, %dma_wait3A_888] : memref<16x128xi32, #tpu.memory_space<vmem>> -> memref<1x128xi32, #tpu.memory_space<vmem>>
        %dma_wait3A_890 = tpu.memref_squeeze %dma_wait3A_889 : memref<1x128xi32, #tpu.memory_space<vmem>> -> memref<128xi32, #tpu.memory_space<vmem>>
        %dma_wait3A_891 = arith.constant 0 : i32
        %dma_wait3A_892 = arith.constant 0 : i32
        %dma_wait3A_893 = tpu.memref_slice %arg16[%dma_wait3A_891, %dma_wait3A_892] : memref<10240x64xf32, #tpu.memory_space<vmem_shared>> -> memref<10240x64xf32, #tpu.memory_space<vmem_shared>>
        tpu.wait_indirect_dma semaphore(%run_scoped3A_881 : memref<!tpu.dma_semaphore, #tpu.memory_space<semaphore_mem>>) src(%arg11 : memref<128x64xf32, #tpu.memory_space<vmem>>) dst(%dma_wait3A_893 : memref<10240x64xf32, #tpu.memory_space<vmem_shared>>)
        tpu.yield
      }) : () -> ()
      %add3A_488 = arith.constant 4 : i32
      %add3A_489 = arith.addi %add3A_479, %add3A_488 : i32
      %lt3A_490 = arith.constant 160 : i32
      %lt3A_491 = arith.cmpi slt, %add3A_489, %lt3A_490 : i32
      %convert_element_type3A_492 = arith.extui %lt3A_491 : i1 to i32
      %cond3A_493 = arith.constant 0 : i32
      %cond3A_494 = arith.cmpi ne, %convert_element_type3A_492, %cond3A_493 : i32
      scf.if %cond3A_494 {
        %dma_start3A_881 = arith.constant 0 : i32
        %dma_start3A_882 = arith.constant 0 : i32
        %dma_start3A_883 = tpu.memref_slice %arg8[%dma_start3A_881, %dma_start3A_882] : memref<16x128xi32, #tpu.memory_space<vmem>> -> memref<1x128xi32, #tpu.memory_space<vmem>>
        %dma_start3A_884 = tpu.memref_squeeze %dma_start3A_883 : memref<1x128xi32, #tpu.memory_space<vmem>> -> memref<128xi32, #tpu.memory_space<vmem>>
        %dma_start3A_885 = arith.constant 0 : i32
        %dma_start3A_886 = arith.constant 0 : i32
        %dma_start3A_887 = tpu.memref_slice %arg15[%dma_start3A_885, %dma_start3A_886] : memref<10240x64xf32, #tpu.memory_space<vmem_shared>> -> memref<10240x64xf32, #tpu.memory_space<vmem_shared>>
        tpu.enqueue_indirect_dma source(%dma_start3A_887 : memref<10240x64xf32, #tpu.memory_space<vmem_shared>>) target(%arg11 : memref<128x64xf32, #tpu.memory_space<vmem>>) offsets(%dma_start3A_884 : memref<128xi32, #tpu.memory_space<vmem>>) semaphore(%arg17 : memref<!tpu.dma_semaphore, #tpu.memory_space<semaphore_mem>>)
      } else {
      }
      %mul3A_495 = arith.constant 16 : i32
      %mul3A_496 = arith.muli %add3A_244, %mul3A_495 : i32
      %add3A_497 = arith.constant 13 : i32
      %add3A_498 = arith.addi %mul3A_496, %add3A_497 : i32
      %dma_wait3A_499 = arith.constant 13 : i32
      %dma_wait3A_500 = arith.constant 0 : i32
      %dma_wait3A_501 = tpu.memref_slice %arg7[%dma_wait3A_499, %dma_wait3A_500] : memref<16x128xi32, #tpu.memory_space<vmem>> -> memref<1x128xi32, #tpu.memory_space<vmem>>
      %dma_wait3A_502 = tpu.memref_squeeze %dma_wait3A_501 : memref<1x128xi32, #tpu.memory_space<vmem>> -> memref<128xi32, #tpu.memory_space<vmem>>
      %dma_wait3A_503 = arith.constant 0 : i32
      %dma_wait3A_504 = arith.constant 0 : i32
      %dma_wait3A_505 = tpu.memref_slice %arg15[%dma_wait3A_503, %dma_wait3A_504] : memref<10240x64xf32, #tpu.memory_space<vmem_shared>> -> memref<10240x64xf32, #tpu.memory_space<vmem_shared>>
      tpu.wait_indirect_dma semaphore(%arg18 : memref<!tpu.dma_semaphore, #tpu.memory_space<semaphore_mem>>) src(%dma_wait3A_505 : memref<10240x64xf32, #tpu.memory_space<vmem_shared>>) dst(%arg12 : memref<128x64xf32, #tpu.memory_space<vmem>>)
      %run_scoped3A_506 = arith.constant 13 : i32
      "tpu.region"() ({
        %run_scoped3A_881 = tpu.sem_alloc : memref<!tpu.dma_semaphore, #tpu.memory_space<semaphore_mem>>
        %dma_start3A_882 = arith.constant 0 : i32
        %dma_start3A_883 = tpu.memref_slice %arg9[%run_scoped3A_506, %dma_start3A_882] : memref<16x128xi32, #tpu.memory_space<vmem>> -> memref<1x128xi32, #tpu.memory_space<vmem>>
        %dma_start3A_884 = tpu.memref_squeeze %dma_start3A_883 : memref<1x128xi32, #tpu.memory_space<vmem>> -> memref<128xi32, #tpu.memory_space<vmem>>
        %dma_start3A_885 = arith.constant 0 : i32
        %dma_start3A_886 = arith.constant 0 : i32
        %dma_start3A_887 = tpu.memref_slice %arg16[%dma_start3A_885, %dma_start3A_886] : memref<10240x64xf32, #tpu.memory_space<vmem_shared>> -> memref<10240x64xf32, #tpu.memory_space<vmem_shared>>
        tpu.enqueue_indirect_dma source(%arg12 : memref<128x64xf32, #tpu.memory_space<vmem>>) target(%dma_start3A_887 : memref<10240x64xf32, #tpu.memory_space<vmem_shared>>) offsets(%dma_start3A_884 : memref<128xi32, #tpu.memory_space<vmem>>) semaphore(%run_scoped3A_881 : memref<!tpu.dma_semaphore, #tpu.memory_space<semaphore_mem>>) {add = true}
        %dma_wait3A_888 = arith.constant 0 : i32
        %dma_wait3A_889 = tpu.memref_slice %arg9[%run_scoped3A_506, %dma_wait3A_888] : memref<16x128xi32, #tpu.memory_space<vmem>> -> memref<1x128xi32, #tpu.memory_space<vmem>>
        %dma_wait3A_890 = tpu.memref_squeeze %dma_wait3A_889 : memref<1x128xi32, #tpu.memory_space<vmem>> -> memref<128xi32, #tpu.memory_space<vmem>>
        %dma_wait3A_891 = arith.constant 0 : i32
        %dma_wait3A_892 = arith.constant 0 : i32
        %dma_wait3A_893 = tpu.memref_slice %arg16[%dma_wait3A_891, %dma_wait3A_892] : memref<10240x64xf32, #tpu.memory_space<vmem_shared>> -> memref<10240x64xf32, #tpu.memory_space<vmem_shared>>
        tpu.wait_indirect_dma semaphore(%run_scoped3A_881 : memref<!tpu.dma_semaphore, #tpu.memory_space<semaphore_mem>>) src(%arg12 : memref<128x64xf32, #tpu.memory_space<vmem>>) dst(%dma_wait3A_893 : memref<10240x64xf32, #tpu.memory_space<vmem_shared>>)
        tpu.yield
      }) : () -> ()
      %add3A_507 = arith.constant 4 : i32
      %add3A_508 = arith.addi %add3A_498, %add3A_507 : i32
      %lt3A_509 = arith.constant 160 : i32
      %lt3A_510 = arith.cmpi slt, %add3A_508, %lt3A_509 : i32
      %convert_element_type3A_511 = arith.extui %lt3A_510 : i1 to i32
      %cond3A_512 = arith.constant 0 : i32
      %cond3A_513 = arith.cmpi ne, %convert_element_type3A_511, %cond3A_512 : i32
      scf.if %cond3A_513 {
        %dma_start3A_881 = arith.constant 1 : i32
        %dma_start3A_882 = arith.constant 0 : i32
        %dma_start3A_883 = tpu.memref_slice %arg8[%dma_start3A_881, %dma_start3A_882] : memref<16x128xi32, #tpu.memory_space<vmem>> -> memref<1x128xi32, #tpu.memory_space<vmem>>
        %dma_start3A_884 = tpu.memref_squeeze %dma_start3A_883 : memref<1x128xi32, #tpu.memory_space<vmem>> -> memref<128xi32, #tpu.memory_space<vmem>>
        %dma_start3A_885 = arith.constant 0 : i32
        %dma_start3A_886 = arith.constant 0 : i32
        %dma_start3A_887 = tpu.memref_slice %arg15[%dma_start3A_885, %dma_start3A_886] : memref<10240x64xf32, #tpu.memory_space<vmem_shared>> -> memref<10240x64xf32, #tpu.memory_space<vmem_shared>>
        tpu.enqueue_indirect_dma source(%dma_start3A_887 : memref<10240x64xf32, #tpu.memory_space<vmem_shared>>) target(%arg12 : memref<128x64xf32, #tpu.memory_space<vmem>>) offsets(%dma_start3A_884 : memref<128xi32, #tpu.memory_space<vmem>>) semaphore(%arg18 : memref<!tpu.dma_semaphore, #tpu.memory_space<semaphore_mem>>)
      } else {
      }
      %mul3A_514 = arith.constant 16 : i32
      %mul3A_515 = arith.muli %add3A_244, %mul3A_514 : i32
      %add3A_516 = arith.constant 14 : i32
      %add3A_517 = arith.addi %mul3A_515, %add3A_516 : i32
      %dma_wait3A_518 = arith.constant 14 : i32
      %dma_wait3A_519 = arith.constant 0 : i32
      %dma_wait3A_520 = tpu.memref_slice %arg7[%dma_wait3A_518, %dma_wait3A_519] : memref<16x128xi32, #tpu.memory_space<vmem>> -> memref<1x128xi32, #tpu.memory_space<vmem>>
      %dma_wait3A_521 = tpu.memref_squeeze %dma_wait3A_520 : memref<1x128xi32, #tpu.memory_space<vmem>> -> memref<128xi32, #tpu.memory_space<vmem>>
      %dma_wait3A_522 = arith.constant 0 : i32
      %dma_wait3A_523 = arith.constant 0 : i32
      %dma_wait3A_524 = tpu.memref_slice %arg15[%dma_wait3A_522, %dma_wait3A_523] : memref<10240x64xf32, #tpu.memory_space<vmem_shared>> -> memref<10240x64xf32, #tpu.memory_space<vmem_shared>>
      tpu.wait_indirect_dma semaphore(%arg19 : memref<!tpu.dma_semaphore, #tpu.memory_space<semaphore_mem>>) src(%dma_wait3A_524 : memref<10240x64xf32, #tpu.memory_space<vmem_shared>>) dst(%arg13 : memref<128x64xf32, #tpu.memory_space<vmem>>)
      %run_scoped3A_525 = arith.constant 14 : i32
      "tpu.region"() ({
        %run_scoped3A_881 = tpu.sem_alloc : memref<!tpu.dma_semaphore, #tpu.memory_space<semaphore_mem>>
        %dma_start3A_882 = arith.constant 0 : i32
        %dma_start3A_883 = tpu.memref_slice %arg9[%run_scoped3A_525, %dma_start3A_882] : memref<16x128xi32, #tpu.memory_space<vmem>> -> memref<1x128xi32, #tpu.memory_space<vmem>>
        %dma_start3A_884 = tpu.memref_squeeze %dma_start3A_883 : memref<1x128xi32, #tpu.memory_space<vmem>> -> memref<128xi32, #tpu.memory_space<vmem>>
        %dma_start3A_885 = arith.constant 0 : i32
        %dma_start3A_886 = arith.constant 0 : i32
        %dma_start3A_887 = tpu.memref_slice %arg16[%dma_start3A_885, %dma_start3A_886] : memref<10240x64xf32, #tpu.memory_space<vmem_shared>> -> memref<10240x64xf32, #tpu.memory_space<vmem_shared>>
        tpu.enqueue_indirect_dma source(%arg13 : memref<128x64xf32, #tpu.memory_space<vmem>>) target(%dma_start3A_887 : memref<10240x64xf32, #tpu.memory_space<vmem_shared>>) offsets(%dma_start3A_884 : memref<128xi32, #tpu.memory_space<vmem>>) semaphore(%run_scoped3A_881 : memref<!tpu.dma_semaphore, #tpu.memory_space<semaphore_mem>>) {add = true}
        %dma_wait3A_888 = arith.constant 0 : i32
        %dma_wait3A_889 = tpu.memref_slice %arg9[%run_scoped3A_525, %dma_wait3A_888] : memref<16x128xi32, #tpu.memory_space<vmem>> -> memref<1x128xi32, #tpu.memory_space<vmem>>
        %dma_wait3A_890 = tpu.memref_squeeze %dma_wait3A_889 : memref<1x128xi32, #tpu.memory_space<vmem>> -> memref<128xi32, #tpu.memory_space<vmem>>
        %dma_wait3A_891 = arith.constant 0 : i32
        %dma_wait3A_892 = arith.constant 0 : i32
        %dma_wait3A_893 = tpu.memref_slice %arg16[%dma_wait3A_891, %dma_wait3A_892] : memref<10240x64xf32, #tpu.memory_space<vmem_shared>> -> memref<10240x64xf32, #tpu.memory_space<vmem_shared>>
        tpu.wait_indirect_dma semaphore(%run_scoped3A_881 : memref<!tpu.dma_semaphore, #tpu.memory_space<semaphore_mem>>) src(%arg13 : memref<128x64xf32, #tpu.memory_space<vmem>>) dst(%dma_wait3A_893 : memref<10240x64xf32, #tpu.memory_space<vmem_shared>>)
        tpu.yield
      }) : () -> ()
      %add3A_526 = arith.constant 4 : i32
      %add3A_527 = arith.addi %add3A_517, %add3A_526 : i32
      %lt3A_528 = arith.constant 160 : i32
      %lt3A_529 = arith.cmpi slt, %add3A_527, %lt3A_528 : i32
      %convert_element_type3A_530 = arith.extui %lt3A_529 : i1 to i32
      %cond3A_531 = arith.constant 0 : i32
      %cond3A_532 = arith.cmpi ne, %convert_element_type3A_530, %cond3A_531 : i32
      scf.if %cond3A_532 {
        %dma_start3A_881 = arith.constant 2 : i32
        %dma_start3A_882 = arith.constant 0 : i32
        %dma_start3A_883 = tpu.memref_slice %arg8[%dma_start3A_881, %dma_start3A_882] : memref<16x128xi32, #tpu.memory_space<vmem>> -> memref<1x128xi32, #tpu.memory_space<vmem>>
        %dma_start3A_884 = tpu.memref_squeeze %dma_start3A_883 : memref<1x128xi32, #tpu.memory_space<vmem>> -> memref<128xi32, #tpu.memory_space<vmem>>
        %dma_start3A_885 = arith.constant 0 : i32
        %dma_start3A_886 = arith.constant 0 : i32
        %dma_start3A_887 = tpu.memref_slice %arg15[%dma_start3A_885, %dma_start3A_886] : memref<10240x64xf32, #tpu.memory_space<vmem_shared>> -> memref<10240x64xf32, #tpu.memory_space<vmem_shared>>
        tpu.enqueue_indirect_dma source(%dma_start3A_887 : memref<10240x64xf32, #tpu.memory_space<vmem_shared>>) target(%arg13 : memref<128x64xf32, #tpu.memory_space<vmem>>) offsets(%dma_start3A_884 : memref<128xi32, #tpu.memory_space<vmem>>) semaphore(%arg19 : memref<!tpu.dma_semaphore, #tpu.memory_space<semaphore_mem>>)
      } else {
      }
      %mul3A_533 = arith.constant 16 : i32
      %mul3A_534 = arith.muli %add3A_244, %mul3A_533 : i32
      %add3A_535 = arith.constant 15 : i32
      %add3A_536 = arith.addi %mul3A_534, %add3A_535 : i32
      %dma_wait3A_537 = arith.constant 15 : i32
      %dma_wait3A_538 = arith.constant 0 : i32
      %dma_wait3A_539 = tpu.memref_slice %arg7[%dma_wait3A_537, %dma_wait3A_538] : memref<16x128xi32, #tpu.memory_space<vmem>> -> memref<1x128xi32, #tpu.memory_space<vmem>>
      %dma_wait3A_540 = tpu.memref_squeeze %dma_wait3A_539 : memref<1x128xi32, #tpu.memory_space<vmem>> -> memref<128xi32, #tpu.memory_space<vmem>>
      %dma_wait3A_541 = arith.constant 0 : i32
      %dma_wait3A_542 = arith.constant 0 : i32
      %dma_wait3A_543 = tpu.memref_slice %arg15[%dma_wait3A_541, %dma_wait3A_542] : memref<10240x64xf32, #tpu.memory_space<vmem_shared>> -> memref<10240x64xf32, #tpu.memory_space<vmem_shared>>
      tpu.wait_indirect_dma semaphore(%arg20 : memref<!tpu.dma_semaphore, #tpu.memory_space<semaphore_mem>>) src(%dma_wait3A_543 : memref<10240x64xf32, #tpu.memory_space<vmem_shared>>) dst(%arg14 : memref<128x64xf32, #tpu.memory_space<vmem>>)
      %run_scoped3A_544 = arith.constant 15 : i32
      "tpu.region"() ({
        %run_scoped3A_881 = tpu.sem_alloc : memref<!tpu.dma_semaphore, #tpu.memory_space<semaphore_mem>>
        %dma_start3A_882 = arith.constant 0 : i32
        %dma_start3A_883 = tpu.memref_slice %arg9[%run_scoped3A_544, %dma_start3A_882] : memref<16x128xi32, #tpu.memory_space<vmem>> -> memref<1x128xi32, #tpu.memory_space<vmem>>
        %dma_start3A_884 = tpu.memref_squeeze %dma_start3A_883 : memref<1x128xi32, #tpu.memory_space<vmem>> -> memref<128xi32, #tpu.memory_space<vmem>>
        %dma_start3A_885 = arith.constant 0 : i32
        %dma_start3A_886 = arith.constant 0 : i32
        %dma_start3A_887 = tpu.memref_slice %arg16[%dma_start3A_885, %dma_start3A_886] : memref<10240x64xf32, #tpu.memory_space<vmem_shared>> -> memref<10240x64xf32, #tpu.memory_space<vmem_shared>>
        tpu.enqueue_indirect_dma source(%arg14 : memref<128x64xf32, #tpu.memory_space<vmem>>) target(%dma_start3A_887 : memref<10240x64xf32, #tpu.memory_space<vmem_shared>>) offsets(%dma_start3A_884 : memref<128xi32, #tpu.memory_space<vmem>>) semaphore(%run_scoped3A_881 : memref<!tpu.dma_semaphore, #tpu.memory_space<semaphore_mem>>) {add = true}
        %dma_wait3A_888 = arith.constant 0 : i32
        %dma_wait3A_889 = tpu.memref_slice %arg9[%run_scoped3A_544, %dma_wait3A_888] : memref<16x128xi32, #tpu.memory_space<vmem>> -> memref<1x128xi32, #tpu.memory_space<vmem>>
        %dma_wait3A_890 = tpu.memref_squeeze %dma_wait3A_889 : memref<1x128xi32, #tpu.memory_space<vmem>> -> memref<128xi32, #tpu.memory_space<vmem>>
        %dma_wait3A_891 = arith.constant 0 : i32
        %dma_wait3A_892 = arith.constant 0 : i32
        %dma_wait3A_893 = tpu.memref_slice %arg16[%dma_wait3A_891, %dma_wait3A_892] : memref<10240x64xf32, #tpu.memory_space<vmem_shared>> -> memref<10240x64xf32, #tpu.memory_space<vmem_shared>>
        tpu.wait_indirect_dma semaphore(%run_scoped3A_881 : memref<!tpu.dma_semaphore, #tpu.memory_space<semaphore_mem>>) src(%arg14 : memref<128x64xf32, #tpu.memory_space<vmem>>) dst(%dma_wait3A_893 : memref<10240x64xf32, #tpu.memory_space<vmem_shared>>)
        tpu.yield
      }) : () -> ()
      %add3A_545 = arith.constant 4 : i32
      %add3A_546 = arith.addi %add3A_536, %add3A_545 : i32
      %lt3A_547 = arith.constant 160 : i32
      %lt3A_548 = arith.cmpi slt, %add3A_546, %lt3A_547 : i32
      %convert_element_type3A_549 = arith.extui %lt3A_548 : i1 to i32
      %cond3A_550 = arith.constant 0 : i32
      %cond3A_551 = arith.cmpi ne, %convert_element_type3A_549, %cond3A_550 : i32
      scf.if %cond3A_551 {
        %dma_start3A_881 = arith.constant 3 : i32
        %dma_start3A_882 = arith.constant 0 : i32
        %dma_start3A_883 = tpu.memref_slice %arg8[%dma_start3A_881, %dma_start3A_882] : memref<16x128xi32, #tpu.memory_space<vmem>> -> memref<1x128xi32, #tpu.memory_space<vmem>>
        %dma_start3A_884 = tpu.memref_squeeze %dma_start3A_883 : memref<1x128xi32, #tpu.memory_space<vmem>> -> memref<128xi32, #tpu.memory_space<vmem>>
        %dma_start3A_885 = arith.constant 0 : i32
        %dma_start3A_886 = arith.constant 0 : i32
        %dma_start3A_887 = tpu.memref_slice %arg15[%dma_start3A_885, %dma_start3A_886] : memref<10240x64xf32, #tpu.memory_space<vmem_shared>> -> memref<10240x64xf32, #tpu.memory_space<vmem_shared>>
        tpu.enqueue_indirect_dma source(%dma_start3A_887 : memref<10240x64xf32, #tpu.memory_space<vmem_shared>>) target(%arg14 : memref<128x64xf32, #tpu.memory_space<vmem>>) offsets(%dma_start3A_884 : memref<128xi32, #tpu.memory_space<vmem>>) semaphore(%arg20 : memref<!tpu.dma_semaphore, #tpu.memory_space<semaphore_mem>>)
      } else {
      }
      %add3A_552 = arith.constant 2 : i32
      %add3A_553 = arith.addi %add3A_244, %add3A_552 : i32
      %lt3A_554 = arith.constant 10 : i32
      %lt3A_555 = arith.cmpi slt, %add3A_553, %lt3A_554 : i32
      %convert_element_type3A_556 = arith.extui %lt3A_555 : i1 to i32
      %cond3A_557 = arith.constant 0 : i32
      %cond3A_558 = arith.cmpi ne, %convert_element_type3A_556, %cond3A_557 : i32
      scf.if %cond3A_558 {
        %add3A_881 = arith.constant 2 : i32
        %add3A_882 = arith.addi %add3A_244, %add3A_881 : i32
        %mul3A_883 = arith.constant 16 : i32
        %mul3A_884 = arith.muli %add3A_882, %mul3A_883 : i32
        %dma_start3A_885 = arith.constant 0 : i32
        %dma_start3A_886 = tpu.memref_slice %arg4[%arg1, %mul3A_884, %dma_start3A_885] : memref<16x160x128xi32, #tpu.memory_space<hbm>> -> memref<1x16x128xi32, #tpu.memory_space<hbm>>
        %dma_start3A_887 = tpu.memref_squeeze %dma_start3A_886 : memref<1x16x128xi32, #tpu.memory_space<hbm>> -> memref<16x128xi32, #tpu.memory_space<hbm>>
        %dma_start3A_888 = arith.constant 0 : i32
        %dma_start3A_889 = tpu.memref_slice %arg4[%arg1, %mul3A_884, %dma_start3A_888] : memref<16x160x128xi32, #tpu.memory_space<hbm>> -> memref<1x16x128xi32, #tpu.memory_space<hbm>>
        %dma_start3A_890 = tpu.memref_squeeze %dma_start3A_889 : memref<1x16x128xi32, #tpu.memory_space<hbm>> -> memref<16x128xi32, #tpu.memory_space<hbm>>
        tpu.enqueue_dma source(%dma_start3A_890 : memref<16x128xi32, #tpu.memory_space<hbm>>) target(%arg7 : memref<16x128xi32, #tpu.memory_space<vmem>>) target_semaphore(%arg21 : memref<!tpu.dma_semaphore, #tpu.memory_space<semaphore_mem>>)
        %mul3A_891 = arith.constant 16 : i32
        %mul3A_892 = arith.muli %add3A_882, %mul3A_891 : i32
        %dma_start3A_893 = arith.constant 0 : i32
        %dma_start3A_894 = tpu.memref_slice %arg3[%arg1, %mul3A_892, %dma_start3A_893] : memref<16x160x128xi32, #tpu.memory_space<hbm>> -> memref<1x16x128xi32, #tpu.memory_space<hbm>>
        %dma_start3A_895 = tpu.memref_squeeze %dma_start3A_894 : memref<1x16x128xi32, #tpu.memory_space<hbm>> -> memref<16x128xi32, #tpu.memory_space<hbm>>
        %dma_start3A_896 = arith.constant 0 : i32
        %dma_start3A_897 = tpu.memref_slice %arg3[%arg1, %mul3A_892, %dma_start3A_896] : memref<16x160x128xi32, #tpu.memory_space<hbm>> -> memref<1x16x128xi32, #tpu.memory_space<hbm>>
        %dma_start3A_898 = tpu.memref_squeeze %dma_start3A_897 : memref<1x16x128xi32, #tpu.memory_space<hbm>> -> memref<16x128xi32, #tpu.memory_space<hbm>>
        tpu.enqueue_dma source(%dma_start3A_898 : memref<16x128xi32, #tpu.memory_space<hbm>>) target(%arg9 : memref<16x128xi32, #tpu.memory_space<vmem>>) target_semaphore(%arg21 : memref<!tpu.dma_semaphore, #tpu.memory_space<semaphore_mem>>)
      } else {
      }
      %mul3A_559 = arith.constant 2 : i32
      %mul3A_560 = arith.muli %mul3A_559, %scan3A_240 : i32
      %add3A_561 = arith.constant 1 : i32
      %add3A_562 = arith.addi %mul3A_560, %add3A_561 : i32
      %add3A_563 = arith.constant 1 : i32
      %add3A_564 = arith.addi %add3A_562, %add3A_563 : i32
      %lt3A_565 = arith.constant 10 : i32
      %lt3A_566 = arith.cmpi slt, %add3A_564, %lt3A_565 : i32
      %convert_element_type3A_567 = arith.extui %lt3A_566 : i1 to i32
      %cond3A_568 = arith.constant 0 : i32
      %cond3A_569 = arith.cmpi ne, %convert_element_type3A_567, %cond3A_568 : i32
      scf.if %cond3A_569 {
        %add3A_881 = arith.constant 1 : i32
        %add3A_882 = arith.addi %add3A_562, %add3A_881 : i32
        %mul3A_883 = arith.constant 16 : i32
        %mul3A_884 = arith.muli %add3A_882, %mul3A_883 : i32
        %dma_wait3A_885 = arith.constant 0 : i32
        %dma_wait3A_886 = tpu.memref_slice %arg4[%arg1, %mul3A_884, %dma_wait3A_885] : memref<16x160x128xi32, #tpu.memory_space<hbm>> -> memref<1x16x128xi32, #tpu.memory_space<hbm>>
        %dma_wait3A_887 = tpu.memref_squeeze %dma_wait3A_886 : memref<1x16x128xi32, #tpu.memory_space<hbm>> -> memref<16x128xi32, #tpu.memory_space<hbm>>
        %dma_wait3A_888 = arith.constant 0 : i32
        %dma_wait3A_889 = tpu.memref_slice %arg4[%arg1, %mul3A_884, %dma_wait3A_888] : memref<16x160x128xi32, #tpu.memory_space<hbm>> -> memref<1x16x128xi32, #tpu.memory_space<hbm>>
        %dma_wait3A_890 = tpu.memref_squeeze %dma_wait3A_889 : memref<1x16x128xi32, #tpu.memory_space<hbm>> -> memref<16x128xi32, #tpu.memory_space<hbm>>
        tpu.wait_dma2 semaphore(%arg21 : memref<!tpu.dma_semaphore, #tpu.memory_space<semaphore_mem>>) src(%dma_wait3A_890 : memref<16x128xi32, #tpu.memory_space<hbm>>) dst(%arg7 : memref<16x128xi32, #tpu.memory_space<vmem>>)
        %mul3A_891 = arith.constant 16 : i32
        %mul3A_892 = arith.muli %add3A_882, %mul3A_891 : i32
        %dma_wait3A_893 = arith.constant 0 : i32
        %dma_wait3A_894 = tpu.memref_slice %arg3[%arg1, %mul3A_892, %dma_wait3A_893] : memref<16x160x128xi32, #tpu.memory_space<hbm>> -> memref<1x16x128xi32, #tpu.memory_space<hbm>>
        %dma_wait3A_895 = tpu.memref_squeeze %dma_wait3A_894 : memref<1x16x128xi32, #tpu.memory_space<hbm>> -> memref<16x128xi32, #tpu.memory_space<hbm>>
        %dma_wait3A_896 = arith.constant 0 : i32
        %dma_wait3A_897 = tpu.memref_slice %arg3[%arg1, %mul3A_892, %dma_wait3A_896] : memref<16x160x128xi32, #tpu.memory_space<hbm>> -> memref<1x16x128xi32, #tpu.memory_space<hbm>>
        %dma_wait3A_898 = tpu.memref_squeeze %dma_wait3A_897 : memref<1x16x128xi32, #tpu.memory_space<hbm>> -> memref<16x128xi32, #tpu.memory_space<hbm>>
        tpu.wait_dma2 semaphore(%arg21 : memref<!tpu.dma_semaphore, #tpu.memory_space<semaphore_mem>>) src(%dma_wait3A_898 : memref<16x128xi32, #tpu.memory_space<hbm>>) dst(%arg9 : memref<16x128xi32, #tpu.memory_space<vmem>>)
      } else {
      }
      %mul3A_570 = arith.constant 16 : i32
      %mul3A_571 = arith.muli %add3A_562, %mul3A_570 : i32
      %add3A_572 = arith.constant 0 : i32
      %add3A_573 = arith.addi %mul3A_571, %add3A_572 : i32
      %dma_wait3A_574 = arith.constant 0 : i32
      %dma_wait3A_575 = arith.constant 0 : i32
      %dma_wait3A_576 = tpu.memref_slice %arg8[%dma_wait3A_574, %dma_wait3A_575] : memref<16x128xi32, #tpu.memory_space<vmem>> -> memref<1x128xi32, #tpu.memory_space<vmem>>
      %dma_wait3A_577 = tpu.memref_squeeze %dma_wait3A_576 : memref<1x128xi32, #tpu.memory_space<vmem>> -> memref<128xi32, #tpu.memory_space<vmem>>
      %dma_wait3A_578 = arith.constant 0 : i32
      %dma_wait3A_579 = arith.constant 0 : i32
      %dma_wait3A_580 = tpu.memref_slice %arg15[%dma_wait3A_578, %dma_wait3A_579] : memref<10240x64xf32, #tpu.memory_space<vmem_shared>> -> memref<10240x64xf32, #tpu.memory_space<vmem_shared>>
      tpu.wait_indirect_dma semaphore(%arg17 : memref<!tpu.dma_semaphore, #tpu.memory_space<semaphore_mem>>) src(%dma_wait3A_580 : memref<10240x64xf32, #tpu.memory_space<vmem_shared>>) dst(%arg11 : memref<128x64xf32, #tpu.memory_space<vmem>>)
      %run_scoped3A_581 = arith.constant 0 : i32
      "tpu.region"() ({
        %run_scoped3A_881 = tpu.sem_alloc : memref<!tpu.dma_semaphore, #tpu.memory_space<semaphore_mem>>
        %dma_start3A_882 = arith.constant 0 : i32
        %dma_start3A_883 = tpu.memref_slice %arg10[%run_scoped3A_581, %dma_start3A_882] : memref<16x128xi32, #tpu.memory_space<vmem>> -> memref<1x128xi32, #tpu.memory_space<vmem>>
        %dma_start3A_884 = tpu.memref_squeeze %dma_start3A_883 : memref<1x128xi32, #tpu.memory_space<vmem>> -> memref<128xi32, #tpu.memory_space<vmem>>
        %dma_start3A_885 = arith.constant 0 : i32
        %dma_start3A_886 = arith.constant 0 : i32
        %dma_start3A_887 = tpu.memref_slice %arg16[%dma_start3A_885, %dma_start3A_886] : memref<10240x64xf32, #tpu.memory_space<vmem_shared>> -> memref<10240x64xf32, #tpu.memory_space<vmem_shared>>
        tpu.enqueue_indirect_dma source(%arg11 : memref<128x64xf32, #tpu.memory_space<vmem>>) target(%dma_start3A_887 : memref<10240x64xf32, #tpu.memory_space<vmem_shared>>) offsets(%dma_start3A_884 : memref<128xi32, #tpu.memory_space<vmem>>) semaphore(%run_scoped3A_881 : memref<!tpu.dma_semaphore, #tpu.memory_space<semaphore_mem>>) {add = true}
        %dma_wait3A_888 = arith.constant 0 : i32
        %dma_wait3A_889 = tpu.memref_slice %arg10[%run_scoped3A_581, %dma_wait3A_888] : memref<16x128xi32, #tpu.memory_space<vmem>> -> memref<1x128xi32, #tpu.memory_space<vmem>>
        %dma_wait3A_890 = tpu.memref_squeeze %dma_wait3A_889 : memref<1x128xi32, #tpu.memory_space<vmem>> -> memref<128xi32, #tpu.memory_space<vmem>>
        %dma_wait3A_891 = arith.constant 0 : i32
        %dma_wait3A_892 = arith.constant 0 : i32
        %dma_wait3A_893 = tpu.memref_slice %arg16[%dma_wait3A_891, %dma_wait3A_892] : memref<10240x64xf32, #tpu.memory_space<vmem_shared>> -> memref<10240x64xf32, #tpu.memory_space<vmem_shared>>
        tpu.wait_indirect_dma semaphore(%run_scoped3A_881 : memref<!tpu.dma_semaphore, #tpu.memory_space<semaphore_mem>>) src(%arg11 : memref<128x64xf32, #tpu.memory_space<vmem>>) dst(%dma_wait3A_893 : memref<10240x64xf32, #tpu.memory_space<vmem_shared>>)
        tpu.yield
      }) : () -> ()
      %add3A_582 = arith.constant 4 : i32
      %add3A_583 = arith.addi %add3A_573, %add3A_582 : i32
      %lt3A_584 = arith.constant 160 : i32
      %lt3A_585 = arith.cmpi slt, %add3A_583, %lt3A_584 : i32
      %convert_element_type3A_586 = arith.extui %lt3A_585 : i1 to i32
      %cond3A_587 = arith.constant 0 : i32
      %cond3A_588 = arith.cmpi ne, %convert_element_type3A_586, %cond3A_587 : i32
      scf.if %cond3A_588 {
        %dma_start3A_881 = arith.constant 4 : i32
        %dma_start3A_882 = arith.constant 0 : i32
        %dma_start3A_883 = tpu.memref_slice %arg8[%dma_start3A_881, %dma_start3A_882] : memref<16x128xi32, #tpu.memory_space<vmem>> -> memref<1x128xi32, #tpu.memory_space<vmem>>
        %dma_start3A_884 = tpu.memref_squeeze %dma_start3A_883 : memref<1x128xi32, #tpu.memory_space<vmem>> -> memref<128xi32, #tpu.memory_space<vmem>>
        %dma_start3A_885 = arith.constant 0 : i32
        %dma_start3A_886 = arith.constant 0 : i32
        %dma_start3A_887 = tpu.memref_slice %arg15[%dma_start3A_885, %dma_start3A_886] : memref<10240x64xf32, #tpu.memory_space<vmem_shared>> -> memref<10240x64xf32, #tpu.memory_space<vmem_shared>>
        tpu.enqueue_indirect_dma source(%dma_start3A_887 : memref<10240x64xf32, #tpu.memory_space<vmem_shared>>) target(%arg11 : memref<128x64xf32, #tpu.memory_space<vmem>>) offsets(%dma_start3A_884 : memref<128xi32, #tpu.memory_space<vmem>>) semaphore(%arg17 : memref<!tpu.dma_semaphore, #tpu.memory_space<semaphore_mem>>)
      } else {
      }
      %mul3A_589 = arith.constant 16 : i32
      %mul3A_590 = arith.muli %add3A_562, %mul3A_589 : i32
      %add3A_591 = arith.constant 1 : i32
      %add3A_592 = arith.addi %mul3A_590, %add3A_591 : i32
      %dma_wait3A_593 = arith.constant 1 : i32
      %dma_wait3A_594 = arith.constant 0 : i32
      %dma_wait3A_595 = tpu.memref_slice %arg8[%dma_wait3A_593, %dma_wait3A_594] : memref<16x128xi32, #tpu.memory_space<vmem>> -> memref<1x128xi32, #tpu.memory_space<vmem>>
      %dma_wait3A_596 = tpu.memref_squeeze %dma_wait3A_595 : memref<1x128xi32, #tpu.memory_space<vmem>> -> memref<128xi32, #tpu.memory_space<vmem>>
      %dma_wait3A_597 = arith.constant 0 : i32
      %dma_wait3A_598 = arith.constant 0 : i32
      %dma_wait3A_599 = tpu.memref_slice %arg15[%dma_wait3A_597, %dma_wait3A_598] : memref<10240x64xf32, #tpu.memory_space<vmem_shared>> -> memref<10240x64xf32, #tpu.memory_space<vmem_shared>>
      tpu.wait_indirect_dma semaphore(%arg18 : memref<!tpu.dma_semaphore, #tpu.memory_space<semaphore_mem>>) src(%dma_wait3A_599 : memref<10240x64xf32, #tpu.memory_space<vmem_shared>>) dst(%arg12 : memref<128x64xf32, #tpu.memory_space<vmem>>)
      %run_scoped3A_600 = arith.constant 1 : i32
      "tpu.region"() ({
        %run_scoped3A_881 = tpu.sem_alloc : memref<!tpu.dma_semaphore, #tpu.memory_space<semaphore_mem>>
        %dma_start3A_882 = arith.constant 0 : i32
        %dma_start3A_883 = tpu.memref_slice %arg10[%run_scoped3A_600, %dma_start3A_882] : memref<16x128xi32, #tpu.memory_space<vmem>> -> memref<1x128xi32, #tpu.memory_space<vmem>>
        %dma_start3A_884 = tpu.memref_squeeze %dma_start3A_883 : memref<1x128xi32, #tpu.memory_space<vmem>> -> memref<128xi32, #tpu.memory_space<vmem>>
        %dma_start3A_885 = arith.constant 0 : i32
        %dma_start3A_886 = arith.constant 0 : i32
        %dma_start3A_887 = tpu.memref_slice %arg16[%dma_start3A_885, %dma_start3A_886] : memref<10240x64xf32, #tpu.memory_space<vmem_shared>> -> memref<10240x64xf32, #tpu.memory_space<vmem_shared>>
        tpu.enqueue_indirect_dma source(%arg12 : memref<128x64xf32, #tpu.memory_space<vmem>>) target(%dma_start3A_887 : memref<10240x64xf32, #tpu.memory_space<vmem_shared>>) offsets(%dma_start3A_884 : memref<128xi32, #tpu.memory_space<vmem>>) semaphore(%run_scoped3A_881 : memref<!tpu.dma_semaphore, #tpu.memory_space<semaphore_mem>>) {add = true}
        %dma_wait3A_888 = arith.constant 0 : i32
        %dma_wait3A_889 = tpu.memref_slice %arg10[%run_scoped3A_600, %dma_wait3A_888] : memref<16x128xi32, #tpu.memory_space<vmem>> -> memref<1x128xi32, #tpu.memory_space<vmem>>
        %dma_wait3A_890 = tpu.memref_squeeze %dma_wait3A_889 : memref<1x128xi32, #tpu.memory_space<vmem>> -> memref<128xi32, #tpu.memory_space<vmem>>
        %dma_wait3A_891 = arith.constant 0 : i32
        %dma_wait3A_892 = arith.constant 0 : i32
        %dma_wait3A_893 = tpu.memref_slice %arg16[%dma_wait3A_891, %dma_wait3A_892] : memref<10240x64xf32, #tpu.memory_space<vmem_shared>> -> memref<10240x64xf32, #tpu.memory_space<vmem_shared>>
        tpu.wait_indirect_dma semaphore(%run_scoped3A_881 : memref<!tpu.dma_semaphore, #tpu.memory_space<semaphore_mem>>) src(%arg12 : memref<128x64xf32, #tpu.memory_space<vmem>>) dst(%dma_wait3A_893 : memref<10240x64xf32, #tpu.memory_space<vmem_shared>>)
        tpu.yield
      }) : () -> ()
      %add3A_601 = arith.constant 4 : i32
      %add3A_602 = arith.addi %add3A_592, %add3A_601 : i32
      %lt3A_603 = arith.constant 160 : i32
      %lt3A_604 = arith.cmpi slt, %add3A_602, %lt3A_603 : i32
      %convert_element_type3A_605 = arith.extui %lt3A_604 : i1 to i32
      %cond3A_606 = arith.constant 0 : i32
      %cond3A_607 = arith.cmpi ne, %convert_element_type3A_605, %cond3A_606 : i32
      scf.if %cond3A_607 {
        %dma_start3A_881 = arith.constant 5 : i32
        %dma_start3A_882 = arith.constant 0 : i32
        %dma_start3A_883 = tpu.memref_slice %arg8[%dma_start3A_881, %dma_start3A_882] : memref<16x128xi32, #tpu.memory_space<vmem>> -> memref<1x128xi32, #tpu.memory_space<vmem>>
        %dma_start3A_884 = tpu.memref_squeeze %dma_start3A_883 : memref<1x128xi32, #tpu.memory_space<vmem>> -> memref<128xi32, #tpu.memory_space<vmem>>
        %dma_start3A_885 = arith.constant 0 : i32
        %dma_start3A_886 = arith.constant 0 : i32
        %dma_start3A_887 = tpu.memref_slice %arg15[%dma_start3A_885, %dma_start3A_886] : memref<10240x64xf32, #tpu.memory_space<vmem_shared>> -> memref<10240x64xf32, #tpu.memory_space<vmem_shared>>
        tpu.enqueue_indirect_dma source(%dma_start3A_887 : memref<10240x64xf32, #tpu.memory_space<vmem_shared>>) target(%arg12 : memref<128x64xf32, #tpu.memory_space<vmem>>) offsets(%dma_start3A_884 : memref<128xi32, #tpu.memory_space<vmem>>) semaphore(%arg18 : memref<!tpu.dma_semaphore, #tpu.memory_space<semaphore_mem>>)
      } else {
      }
      %mul3A_608 = arith.constant 16 : i32
      %mul3A_609 = arith.muli %add3A_562, %mul3A_608 : i32
      %add3A_610 = arith.constant 2 : i32
      %add3A_611 = arith.addi %mul3A_609, %add3A_610 : i32
      %dma_wait3A_612 = arith.constant 2 : i32
      %dma_wait3A_613 = arith.constant 0 : i32
      %dma_wait3A_614 = tpu.memref_slice %arg8[%dma_wait3A_612, %dma_wait3A_613] : memref<16x128xi32, #tpu.memory_space<vmem>> -> memref<1x128xi32, #tpu.memory_space<vmem>>
      %dma_wait3A_615 = tpu.memref_squeeze %dma_wait3A_614 : memref<1x128xi32, #tpu.memory_space<vmem>> -> memref<128xi32, #tpu.memory_space<vmem>>
      %dma_wait3A_616 = arith.constant 0 : i32
      %dma_wait3A_617 = arith.constant 0 : i32
      %dma_wait3A_618 = tpu.memref_slice %arg15[%dma_wait3A_616, %dma_wait3A_617] : memref<10240x64xf32, #tpu.memory_space<vmem_shared>> -> memref<10240x64xf32, #tpu.memory_space<vmem_shared>>
      tpu.wait_indirect_dma semaphore(%arg19 : memref<!tpu.dma_semaphore, #tpu.memory_space<semaphore_mem>>) src(%dma_wait3A_618 : memref<10240x64xf32, #tpu.memory_space<vmem_shared>>) dst(%arg13 : memref<128x64xf32, #tpu.memory_space<vmem>>)
      %run_scoped3A_619 = arith.constant 2 : i32
      "tpu.region"() ({
        %run_scoped3A_881 = tpu.sem_alloc : memref<!tpu.dma_semaphore, #tpu.memory_space<semaphore_mem>>
        %dma_start3A_882 = arith.constant 0 : i32
        %dma_start3A_883 = tpu.memref_slice %arg10[%run_scoped3A_619, %dma_start3A_882] : memref<16x128xi32, #tpu.memory_space<vmem>> -> memref<1x128xi32, #tpu.memory_space<vmem>>
        %dma_start3A_884 = tpu.memref_squeeze %dma_start3A_883 : memref<1x128xi32, #tpu.memory_space<vmem>> -> memref<128xi32, #tpu.memory_space<vmem>>
        %dma_start3A_885 = arith.constant 0 : i32
        %dma_start3A_886 = arith.constant 0 : i32
        %dma_start3A_887 = tpu.memref_slice %arg16[%dma_start3A_885, %dma_start3A_886] : memref<10240x64xf32, #tpu.memory_space<vmem_shared>> -> memref<10240x64xf32, #tpu.memory_space<vmem_shared>>
        tpu.enqueue_indirect_dma source(%arg13 : memref<128x64xf32, #tpu.memory_space<vmem>>) target(%dma_start3A_887 : memref<10240x64xf32, #tpu.memory_space<vmem_shared>>) offsets(%dma_start3A_884 : memref<128xi32, #tpu.memory_space<vmem>>) semaphore(%run_scoped3A_881 : memref<!tpu.dma_semaphore, #tpu.memory_space<semaphore_mem>>) {add = true}
        %dma_wait3A_888 = arith.constant 0 : i32
        %dma_wait3A_889 = tpu.memref_slice %arg10[%run_scoped3A_619, %dma_wait3A_888] : memref<16x128xi32, #tpu.memory_space<vmem>> -> memref<1x128xi32, #tpu.memory_space<vmem>>
        %dma_wait3A_890 = tpu.memref_squeeze %dma_wait3A_889 : memref<1x128xi32, #tpu.memory_space<vmem>> -> memref<128xi32, #tpu.memory_space<vmem>>
        %dma_wait3A_891 = arith.constant 0 : i32
        %dma_wait3A_892 = arith.constant 0 : i32
        %dma_wait3A_893 = tpu.memref_slice %arg16[%dma_wait3A_891, %dma_wait3A_892] : memref<10240x64xf32, #tpu.memory_space<vmem_shared>> -> memref<10240x64xf32, #tpu.memory_space<vmem_shared>>
        tpu.wait_indirect_dma semaphore(%run_scoped3A_881 : memref<!tpu.dma_semaphore, #tpu.memory_space<semaphore_mem>>) src(%arg13 : memref<128x64xf32, #tpu.memory_space<vmem>>) dst(%dma_wait3A_893 : memref<10240x64xf32, #tpu.memory_space<vmem_shared>>)
        tpu.yield
      }) : () -> ()
      %add3A_620 = arith.constant 4 : i32
      %add3A_621 = arith.addi %add3A_611, %add3A_620 : i32
      %lt3A_622 = arith.constant 160 : i32
      %lt3A_623 = arith.cmpi slt, %add3A_621, %lt3A_622 : i32
      %convert_element_type3A_624 = arith.extui %lt3A_623 : i1 to i32
      %cond3A_625 = arith.constant 0 : i32
      %cond3A_626 = arith.cmpi ne, %convert_element_type3A_624, %cond3A_625 : i32
      scf.if %cond3A_626 {
        %dma_start3A_881 = arith.constant 6 : i32
        %dma_start3A_882 = arith.constant 0 : i32
        %dma_start3A_883 = tpu.memref_slice %arg8[%dma_start3A_881, %dma_start3A_882] : memref<16x128xi32, #tpu.memory_space<vmem>> -> memref<1x128xi32, #tpu.memory_space<vmem>>
        %dma_start3A_884 = tpu.memref_squeeze %dma_start3A_883 : memref<1x128xi32, #tpu.memory_space<vmem>> -> memref<128xi32, #tpu.memory_space<vmem>>
        %dma_start3A_885 = arith.constant 0 : i32
        %dma_start3A_886 = arith.constant 0 : i32
        %dma_start3A_887 = tpu.memref_slice %arg15[%dma_start3A_885, %dma_start3A_886] : memref<10240x64xf32, #tpu.memory_space<vmem_shared>> -> memref<10240x64xf32, #tpu.memory_space<vmem_shared>>
        tpu.enqueue_indirect_dma source(%dma_start3A_887 : memref<10240x64xf32, #tpu.memory_space<vmem_shared>>) target(%arg13 : memref<128x64xf32, #tpu.memory_space<vmem>>) offsets(%dma_start3A_884 : memref<128xi32, #tpu.memory_space<vmem>>) semaphore(%arg19 : memref<!tpu.dma_semaphore, #tpu.memory_space<semaphore_mem>>)
      } else {
      }
      %mul3A_627 = arith.constant 16 : i32
      %mul3A_628 = arith.muli %add3A_562, %mul3A_627 : i32
      %add3A_629 = arith.constant 3 : i32
      %add3A_630 = arith.addi %mul3A_628, %add3A_629 : i32
      %dma_wait3A_631 = arith.constant 3 : i32
      %dma_wait3A_632 = arith.constant 0 : i32
      %dma_wait3A_633 = tpu.memref_slice %arg8[%dma_wait3A_631, %dma_wait3A_632] : memref<16x128xi32, #tpu.memory_space<vmem>> -> memref<1x128xi32, #tpu.memory_space<vmem>>
      %dma_wait3A_634 = tpu.memref_squeeze %dma_wait3A_633 : memref<1x128xi32, #tpu.memory_space<vmem>> -> memref<128xi32, #tpu.memory_space<vmem>>
      %dma_wait3A_635 = arith.constant 0 : i32
      %dma_wait3A_636 = arith.constant 0 : i32
      %dma_wait3A_637 = tpu.memref_slice %arg15[%dma_wait3A_635, %dma_wait3A_636] : memref<10240x64xf32, #tpu.memory_space<vmem_shared>> -> memref<10240x64xf32, #tpu.memory_space<vmem_shared>>
      tpu.wait_indirect_dma semaphore(%arg20 : memref<!tpu.dma_semaphore, #tpu.memory_space<semaphore_mem>>) src(%dma_wait3A_637 : memref<10240x64xf32, #tpu.memory_space<vmem_shared>>) dst(%arg14 : memref<128x64xf32, #tpu.memory_space<vmem>>)
      %run_scoped3A_638 = arith.constant 3 : i32
      "tpu.region"() ({
        %run_scoped3A_881 = tpu.sem_alloc : memref<!tpu.dma_semaphore, #tpu.memory_space<semaphore_mem>>
        %dma_start3A_882 = arith.constant 0 : i32
        %dma_start3A_883 = tpu.memref_slice %arg10[%run_scoped3A_638, %dma_start3A_882] : memref<16x128xi32, #tpu.memory_space<vmem>> -> memref<1x128xi32, #tpu.memory_space<vmem>>
        %dma_start3A_884 = tpu.memref_squeeze %dma_start3A_883 : memref<1x128xi32, #tpu.memory_space<vmem>> -> memref<128xi32, #tpu.memory_space<vmem>>
        %dma_start3A_885 = arith.constant 0 : i32
        %dma_start3A_886 = arith.constant 0 : i32
        %dma_start3A_887 = tpu.memref_slice %arg16[%dma_start3A_885, %dma_start3A_886] : memref<10240x64xf32, #tpu.memory_space<vmem_shared>> -> memref<10240x64xf32, #tpu.memory_space<vmem_shared>>
        tpu.enqueue_indirect_dma source(%arg14 : memref<128x64xf32, #tpu.memory_space<vmem>>) target(%dma_start3A_887 : memref<10240x64xf32, #tpu.memory_space<vmem_shared>>) offsets(%dma_start3A_884 : memref<128xi32, #tpu.memory_space<vmem>>) semaphore(%run_scoped3A_881 : memref<!tpu.dma_semaphore, #tpu.memory_space<semaphore_mem>>) {add = true}
        %dma_wait3A_888 = arith.constant 0 : i32
        %dma_wait3A_889 = tpu.memref_slice %arg10[%run_scoped3A_638, %dma_wait3A_888] : memref<16x128xi32, #tpu.memory_space<vmem>> -> memref<1x128xi32, #tpu.memory_space<vmem>>
        %dma_wait3A_890 = tpu.memref_squeeze %dma_wait3A_889 : memref<1x128xi32, #tpu.memory_space<vmem>> -> memref<128xi32, #tpu.memory_space<vmem>>
        %dma_wait3A_891 = arith.constant 0 : i32
        %dma_wait3A_892 = arith.constant 0 : i32
        %dma_wait3A_893 = tpu.memref_slice %arg16[%dma_wait3A_891, %dma_wait3A_892] : memref<10240x64xf32, #tpu.memory_space<vmem_shared>> -> memref<10240x64xf32, #tpu.memory_space<vmem_shared>>
        tpu.wait_indirect_dma semaphore(%run_scoped3A_881 : memref<!tpu.dma_semaphore, #tpu.memory_space<semaphore_mem>>) src(%arg14 : memref<128x64xf32, #tpu.memory_space<vmem>>) dst(%dma_wait3A_893 : memref<10240x64xf32, #tpu.memory_space<vmem_shared>>)
        tpu.yield
      }) : () -> ()
      %add3A_639 = arith.constant 4 : i32
      %add3A_640 = arith.addi %add3A_630, %add3A_639 : i32
      %lt3A_641 = arith.constant 160 : i32
      %lt3A_642 = arith.cmpi slt, %add3A_640, %lt3A_641 : i32
      %convert_element_type3A_643 = arith.extui %lt3A_642 : i1 to i32
      %cond3A_644 = arith.constant 0 : i32
      %cond3A_645 = arith.cmpi ne, %convert_element_type3A_643, %cond3A_644 : i32
      scf.if %cond3A_645 {
        %dma_start3A_881 = arith.constant 7 : i32
        %dma_start3A_882 = arith.constant 0 : i32
        %dma_start3A_883 = tpu.memref_slice %arg8[%dma_start3A_881, %dma_start3A_882] : memref<16x128xi32, #tpu.memory_space<vmem>> -> memref<1x128xi32, #tpu.memory_space<vmem>>
        %dma_start3A_884 = tpu.memref_squeeze %dma_start3A_883 : memref<1x128xi32, #tpu.memory_space<vmem>> -> memref<128xi32, #tpu.memory_space<vmem>>
        %dma_start3A_885 = arith.constant 0 : i32
        %dma_start3A_886 = arith.constant 0 : i32
        %dma_start3A_887 = tpu.memref_slice %arg15[%dma_start3A_885, %dma_start3A_886] : memref<10240x64xf32, #tpu.memory_space<vmem_shared>> -> memref<10240x64xf32, #tpu.memory_space<vmem_shared>>
        tpu.enqueue_indirect_dma source(%dma_start3A_887 : memref<10240x64xf32, #tpu.memory_space<vmem_shared>>) target(%arg14 : memref<128x64xf32, #tpu.memory_space<vmem>>) offsets(%dma_start3A_884 : memref<128xi32, #tpu.memory_space<vmem>>) semaphore(%arg20 : memref<!tpu.dma_semaphore, #tpu.memory_space<semaphore_mem>>)
      } else {
      }
      %mul3A_646 = arith.constant 16 : i32
      %mul3A_647 = arith.muli %add3A_562, %mul3A_646 : i32
      %add3A_648 = arith.constant 4 : i32
      %add3A_649 = arith.addi %mul3A_647, %add3A_648 : i32
      %dma_wait3A_650 = arith.constant 4 : i32
      %dma_wait3A_651 = arith.constant 0 : i32
      %dma_wait3A_652 = tpu.memref_slice %arg8[%dma_wait3A_650, %dma_wait3A_651] : memref<16x128xi32, #tpu.memory_space<vmem>> -> memref<1x128xi32, #tpu.memory_space<vmem>>
      %dma_wait3A_653 = tpu.memref_squeeze %dma_wait3A_652 : memref<1x128xi32, #tpu.memory_space<vmem>> -> memref<128xi32, #tpu.memory_space<vmem>>
      %dma_wait3A_654 = arith.constant 0 : i32
      %dma_wait3A_655 = arith.constant 0 : i32
      %dma_wait3A_656 = tpu.memref_slice %arg15[%dma_wait3A_654, %dma_wait3A_655] : memref<10240x64xf32, #tpu.memory_space<vmem_shared>> -> memref<10240x64xf32, #tpu.memory_space<vmem_shared>>
      tpu.wait_indirect_dma semaphore(%arg17 : memref<!tpu.dma_semaphore, #tpu.memory_space<semaphore_mem>>) src(%dma_wait3A_656 : memref<10240x64xf32, #tpu.memory_space<vmem_shared>>) dst(%arg11 : memref<128x64xf32, #tpu.memory_space<vmem>>)
      %run_scoped3A_657 = arith.constant 4 : i32
      "tpu.region"() ({
        %run_scoped3A_881 = tpu.sem_alloc : memref<!tpu.dma_semaphore, #tpu.memory_space<semaphore_mem>>
        %dma_start3A_882 = arith.constant 0 : i32
        %dma_start3A_883 = tpu.memref_slice %arg10[%run_scoped3A_657, %dma_start3A_882] : memref<16x128xi32, #tpu.memory_space<vmem>> -> memref<1x128xi32, #tpu.memory_space<vmem>>
        %dma_start3A_884 = tpu.memref_squeeze %dma_start3A_883 : memref<1x128xi32, #tpu.memory_space<vmem>> -> memref<128xi32, #tpu.memory_space<vmem>>
        %dma_start3A_885 = arith.constant 0 : i32
        %dma_start3A_886 = arith.constant 0 : i32
        %dma_start3A_887 = tpu.memref_slice %arg16[%dma_start3A_885, %dma_start3A_886] : memref<10240x64xf32, #tpu.memory_space<vmem_shared>> -> memref<10240x64xf32, #tpu.memory_space<vmem_shared>>
        tpu.enqueue_indirect_dma source(%arg11 : memref<128x64xf32, #tpu.memory_space<vmem>>) target(%dma_start3A_887 : memref<10240x64xf32, #tpu.memory_space<vmem_shared>>) offsets(%dma_start3A_884 : memref<128xi32, #tpu.memory_space<vmem>>) semaphore(%run_scoped3A_881 : memref<!tpu.dma_semaphore, #tpu.memory_space<semaphore_mem>>) {add = true}
        %dma_wait3A_888 = arith.constant 0 : i32
        %dma_wait3A_889 = tpu.memref_slice %arg10[%run_scoped3A_657, %dma_wait3A_888] : memref<16x128xi32, #tpu.memory_space<vmem>> -> memref<1x128xi32, #tpu.memory_space<vmem>>
        %dma_wait3A_890 = tpu.memref_squeeze %dma_wait3A_889 : memref<1x128xi32, #tpu.memory_space<vmem>> -> memref<128xi32, #tpu.memory_space<vmem>>
        %dma_wait3A_891 = arith.constant 0 : i32
        %dma_wait3A_892 = arith.constant 0 : i32
        %dma_wait3A_893 = tpu.memref_slice %arg16[%dma_wait3A_891, %dma_wait3A_892] : memref<10240x64xf32, #tpu.memory_space<vmem_shared>> -> memref<10240x64xf32, #tpu.memory_space<vmem_shared>>
        tpu.wait_indirect_dma semaphore(%run_scoped3A_881 : memref<!tpu.dma_semaphore, #tpu.memory_space<semaphore_mem>>) src(%arg11 : memref<128x64xf32, #tpu.memory_space<vmem>>) dst(%dma_wait3A_893 : memref<10240x64xf32, #tpu.memory_space<vmem_shared>>)
        tpu.yield
      }) : () -> ()
      %add3A_658 = arith.constant 4 : i32
      %add3A_659 = arith.addi %add3A_649, %add3A_658 : i32
      %lt3A_660 = arith.constant 160 : i32
      %lt3A_661 = arith.cmpi slt, %add3A_659, %lt3A_660 : i32
      %convert_element_type3A_662 = arith.extui %lt3A_661 : i1 to i32
      %cond3A_663 = arith.constant 0 : i32
      %cond3A_664 = arith.cmpi ne, %convert_element_type3A_662, %cond3A_663 : i32
      scf.if %cond3A_664 {
        %dma_start3A_881 = arith.constant 8 : i32
        %dma_start3A_882 = arith.constant 0 : i32
        %dma_start3A_883 = tpu.memref_slice %arg8[%dma_start3A_881, %dma_start3A_882] : memref<16x128xi32, #tpu.memory_space<vmem>> -> memref<1x128xi32, #tpu.memory_space<vmem>>
        %dma_start3A_884 = tpu.memref_squeeze %dma_start3A_883 : memref<1x128xi32, #tpu.memory_space<vmem>> -> memref<128xi32, #tpu.memory_space<vmem>>
        %dma_start3A_885 = arith.constant 0 : i32
        %dma_start3A_886 = arith.constant 0 : i32
        %dma_start3A_887 = tpu.memref_slice %arg15[%dma_start3A_885, %dma_start3A_886] : memref<10240x64xf32, #tpu.memory_space<vmem_shared>> -> memref<10240x64xf32, #tpu.memory_space<vmem_shared>>
        tpu.enqueue_indirect_dma source(%dma_start3A_887 : memref<10240x64xf32, #tpu.memory_space<vmem_shared>>) target(%arg11 : memref<128x64xf32, #tpu.memory_space<vmem>>) offsets(%dma_start3A_884 : memref<128xi32, #tpu.memory_space<vmem>>) semaphore(%arg17 : memref<!tpu.dma_semaphore, #tpu.memory_space<semaphore_mem>>)
      } else {
      }
      %mul3A_665 = arith.constant 16 : i32
      %mul3A_666 = arith.muli %add3A_562, %mul3A_665 : i32
      %add3A_667 = arith.constant 5 : i32
      %add3A_668 = arith.addi %mul3A_666, %add3A_667 : i32
      %dma_wait3A_669 = arith.constant 5 : i32
      %dma_wait3A_670 = arith.constant 0 : i32
      %dma_wait3A_671 = tpu.memref_slice %arg8[%dma_wait3A_669, %dma_wait3A_670] : memref<16x128xi32, #tpu.memory_space<vmem>> -> memref<1x128xi32, #tpu.memory_space<vmem>>
      %dma_wait3A_672 = tpu.memref_squeeze %dma_wait3A_671 : memref<1x128xi32, #tpu.memory_space<vmem>> -> memref<128xi32, #tpu.memory_space<vmem>>
      %dma_wait3A_673 = arith.constant 0 : i32
      %dma_wait3A_674 = arith.constant 0 : i32
      %dma_wait3A_675 = tpu.memref_slice %arg15[%dma_wait3A_673, %dma_wait3A_674] : memref<10240x64xf32, #tpu.memory_space<vmem_shared>> -> memref<10240x64xf32, #tpu.memory_space<vmem_shared>>
      tpu.wait_indirect_dma semaphore(%arg18 : memref<!tpu.dma_semaphore, #tpu.memory_space<semaphore_mem>>) src(%dma_wait3A_675 : memref<10240x64xf32, #tpu.memory_space<vmem_shared>>) dst(%arg12 : memref<128x64xf32, #tpu.memory_space<vmem>>)
      %run_scoped3A_676 = arith.constant 5 : i32
      "tpu.region"() ({
        %run_scoped3A_881 = tpu.sem_alloc : memref<!tpu.dma_semaphore, #tpu.memory_space<semaphore_mem>>
        %dma_start3A_882 = arith.constant 0 : i32
        %dma_start3A_883 = tpu.memref_slice %arg10[%run_scoped3A_676, %dma_start3A_882] : memref<16x128xi32, #tpu.memory_space<vmem>> -> memref<1x128xi32, #tpu.memory_space<vmem>>
        %dma_start3A_884 = tpu.memref_squeeze %dma_start3A_883 : memref<1x128xi32, #tpu.memory_space<vmem>> -> memref<128xi32, #tpu.memory_space<vmem>>
        %dma_start3A_885 = arith.constant 0 : i32
        %dma_start3A_886 = arith.constant 0 : i32
        %dma_start3A_887 = tpu.memref_slice %arg16[%dma_start3A_885, %dma_start3A_886] : memref<10240x64xf32, #tpu.memory_space<vmem_shared>> -> memref<10240x64xf32, #tpu.memory_space<vmem_shared>>
        tpu.enqueue_indirect_dma source(%arg12 : memref<128x64xf32, #tpu.memory_space<vmem>>) target(%dma_start3A_887 : memref<10240x64xf32, #tpu.memory_space<vmem_shared>>) offsets(%dma_start3A_884 : memref<128xi32, #tpu.memory_space<vmem>>) semaphore(%run_scoped3A_881 : memref<!tpu.dma_semaphore, #tpu.memory_space<semaphore_mem>>) {add = true}
        %dma_wait3A_888 = arith.constant 0 : i32
        %dma_wait3A_889 = tpu.memref_slice %arg10[%run_scoped3A_676, %dma_wait3A_888] : memref<16x128xi32, #tpu.memory_space<vmem>> -> memref<1x128xi32, #tpu.memory_space<vmem>>
        %dma_wait3A_890 = tpu.memref_squeeze %dma_wait3A_889 : memref<1x128xi32, #tpu.memory_space<vmem>> -> memref<128xi32, #tpu.memory_space<vmem>>
        %dma_wait3A_891 = arith.constant 0 : i32
        %dma_wait3A_892 = arith.constant 0 : i32
        %dma_wait3A_893 = tpu.memref_slice %arg16[%dma_wait3A_891, %dma_wait3A_892] : memref<10240x64xf32, #tpu.memory_space<vmem_shared>> -> memref<10240x64xf32, #tpu.memory_space<vmem_shared>>
        tpu.wait_indirect_dma semaphore(%run_scoped3A_881 : memref<!tpu.dma_semaphore, #tpu.memory_space<semaphore_mem>>) src(%arg12 : memref<128x64xf32, #tpu.memory_space<vmem>>) dst(%dma_wait3A_893 : memref<10240x64xf32, #tpu.memory_space<vmem_shared>>)
        tpu.yield
      }) : () -> ()
      %add3A_677 = arith.constant 4 : i32
      %add3A_678 = arith.addi %add3A_668, %add3A_677 : i32
      %lt3A_679 = arith.constant 160 : i32
      %lt3A_680 = arith.cmpi slt, %add3A_678, %lt3A_679 : i32
      %convert_element_type3A_681 = arith.extui %lt3A_680 : i1 to i32
      %cond3A_682 = arith.constant 0 : i32
      %cond3A_683 = arith.cmpi ne, %convert_element_type3A_681, %cond3A_682 : i32
      scf.if %cond3A_683 {
        %dma_start3A_881 = arith.constant 9 : i32
        %dma_start3A_882 = arith.constant 0 : i32
        %dma_start3A_883 = tpu.memref_slice %arg8[%dma_start3A_881, %dma_start3A_882] : memref<16x128xi32, #tpu.memory_space<vmem>> -> memref<1x128xi32, #tpu.memory_space<vmem>>
        %dma_start3A_884 = tpu.memref_squeeze %dma_start3A_883 : memref<1x128xi32, #tpu.memory_space<vmem>> -> memref<128xi32, #tpu.memory_space<vmem>>
        %dma_start3A_885 = arith.constant 0 : i32
        %dma_start3A_886 = arith.constant 0 : i32
        %dma_start3A_887 = tpu.memref_slice %arg15[%dma_start3A_885, %dma_start3A_886] : memref<10240x64xf32, #tpu.memory_space<vmem_shared>> -> memref<10240x64xf32, #tpu.memory_space<vmem_shared>>
        tpu.enqueue_indirect_dma source(%dma_start3A_887 : memref<10240x64xf32, #tpu.memory_space<vmem_shared>>) target(%arg12 : memref<128x64xf32, #tpu.memory_space<vmem>>) offsets(%dma_start3A_884 : memref<128xi32, #tpu.memory_space<vmem>>) semaphore(%arg18 : memref<!tpu.dma_semaphore, #tpu.memory_space<semaphore_mem>>)
      } else {
      }
      %mul3A_684 = arith.constant 16 : i32
      %mul3A_685 = arith.muli %add3A_562, %mul3A_684 : i32
      %add3A_686 = arith.constant 6 : i32
      %add3A_687 = arith.addi %mul3A_685, %add3A_686 : i32
      %dma_wait3A_688 = arith.constant 6 : i32
      %dma_wait3A_689 = arith.constant 0 : i32
      %dma_wait3A_690 = tpu.memref_slice %arg8[%dma_wait3A_688, %dma_wait3A_689] : memref<16x128xi32, #tpu.memory_space<vmem>> -> memref<1x128xi32, #tpu.memory_space<vmem>>
      %dma_wait3A_691 = tpu.memref_squeeze %dma_wait3A_690 : memref<1x128xi32, #tpu.memory_space<vmem>> -> memref<128xi32, #tpu.memory_space<vmem>>
      %dma_wait3A_692 = arith.constant 0 : i32
      %dma_wait3A_693 = arith.constant 0 : i32
      %dma_wait3A_694 = tpu.memref_slice %arg15[%dma_wait3A_692, %dma_wait3A_693] : memref<10240x64xf32, #tpu.memory_space<vmem_shared>> -> memref<10240x64xf32, #tpu.memory_space<vmem_shared>>
      tpu.wait_indirect_dma semaphore(%arg19 : memref<!tpu.dma_semaphore, #tpu.memory_space<semaphore_mem>>) src(%dma_wait3A_694 : memref<10240x64xf32, #tpu.memory_space<vmem_shared>>) dst(%arg13 : memref<128x64xf32, #tpu.memory_space<vmem>>)
      %run_scoped3A_695 = arith.constant 6 : i32
      "tpu.region"() ({
        %run_scoped3A_881 = tpu.sem_alloc : memref<!tpu.dma_semaphore, #tpu.memory_space<semaphore_mem>>
        %dma_start3A_882 = arith.constant 0 : i32
        %dma_start3A_883 = tpu.memref_slice %arg10[%run_scoped3A_695, %dma_start3A_882] : memref<16x128xi32, #tpu.memory_space<vmem>> -> memref<1x128xi32, #tpu.memory_space<vmem>>
        %dma_start3A_884 = tpu.memref_squeeze %dma_start3A_883 : memref<1x128xi32, #tpu.memory_space<vmem>> -> memref<128xi32, #tpu.memory_space<vmem>>
        %dma_start3A_885 = arith.constant 0 : i32
        %dma_start3A_886 = arith.constant 0 : i32
        %dma_start3A_887 = tpu.memref_slice %arg16[%dma_start3A_885, %dma_start3A_886] : memref<10240x64xf32, #tpu.memory_space<vmem_shared>> -> memref<10240x64xf32, #tpu.memory_space<vmem_shared>>
        tpu.enqueue_indirect_dma source(%arg13 : memref<128x64xf32, #tpu.memory_space<vmem>>) target(%dma_start3A_887 : memref<10240x64xf32, #tpu.memory_space<vmem_shared>>) offsets(%dma_start3A_884 : memref<128xi32, #tpu.memory_space<vmem>>) semaphore(%run_scoped3A_881 : memref<!tpu.dma_semaphore, #tpu.memory_space<semaphore_mem>>) {add = true}
        %dma_wait3A_888 = arith.constant 0 : i32
        %dma_wait3A_889 = tpu.memref_slice %arg10[%run_scoped3A_695, %dma_wait3A_888] : memref<16x128xi32, #tpu.memory_space<vmem>> -> memref<1x128xi32, #tpu.memory_space<vmem>>
        %dma_wait3A_890 = tpu.memref_squeeze %dma_wait3A_889 : memref<1x128xi32, #tpu.memory_space<vmem>> -> memref<128xi32, #tpu.memory_space<vmem>>
        %dma_wait3A_891 = arith.constant 0 : i32
        %dma_wait3A_892 = arith.constant 0 : i32
        %dma_wait3A_893 = tpu.memref_slice %arg16[%dma_wait3A_891, %dma_wait3A_892] : memref<10240x64xf32, #tpu.memory_space<vmem_shared>> -> memref<10240x64xf32, #tpu.memory_space<vmem_shared>>
        tpu.wait_indirect_dma semaphore(%run_scoped3A_881 : memref<!tpu.dma_semaphore, #tpu.memory_space<semaphore_mem>>) src(%arg13 : memref<128x64xf32, #tpu.memory_space<vmem>>) dst(%dma_wait3A_893 : memref<10240x64xf32, #tpu.memory_space<vmem_shared>>)
        tpu.yield
      }) : () -> ()
      %add3A_696 = arith.constant 4 : i32
      %add3A_697 = arith.addi %add3A_687, %add3A_696 : i32
      %lt3A_698 = arith.constant 160 : i32
      %lt3A_699 = arith.cmpi slt, %add3A_697, %lt3A_698 : i32
      %convert_element_type3A_700 = arith.extui %lt3A_699 : i1 to i32
      %cond3A_701 = arith.constant 0 : i32
      %cond3A_702 = arith.cmpi ne, %convert_element_type3A_700, %cond3A_701 : i32
      scf.if %cond3A_702 {
        %dma_start3A_881 = arith.constant 10 : i32
        %dma_start3A_882 = arith.constant 0 : i32
        %dma_start3A_883 = tpu.memref_slice %arg8[%dma_start3A_881, %dma_start3A_882] : memref<16x128xi32, #tpu.memory_space<vmem>> -> memref<1x128xi32, #tpu.memory_space<vmem>>
        %dma_start3A_884 = tpu.memref_squeeze %dma_start3A_883 : memref<1x128xi32, #tpu.memory_space<vmem>> -> memref<128xi32, #tpu.memory_space<vmem>>
        %dma_start3A_885 = arith.constant 0 : i32
        %dma_start3A_886 = arith.constant 0 : i32
        %dma_start3A_887 = tpu.memref_slice %arg15[%dma_start3A_885, %dma_start3A_886] : memref<10240x64xf32, #tpu.memory_space<vmem_shared>> -> memref<10240x64xf32, #tpu.memory_space<vmem_shared>>
        tpu.enqueue_indirect_dma source(%dma_start3A_887 : memref<10240x64xf32, #tpu.memory_space<vmem_shared>>) target(%arg13 : memref<128x64xf32, #tpu.memory_space<vmem>>) offsets(%dma_start3A_884 : memref<128xi32, #tpu.memory_space<vmem>>) semaphore(%arg19 : memref<!tpu.dma_semaphore, #tpu.memory_space<semaphore_mem>>)
      } else {
      }
      %mul3A_703 = arith.constant 16 : i32
      %mul3A_704 = arith.muli %add3A_562, %mul3A_703 : i32
      %add3A_705 = arith.constant 7 : i32
      %add3A_706 = arith.addi %mul3A_704, %add3A_705 : i32
      %dma_wait3A_707 = arith.constant 7 : i32
      %dma_wait3A_708 = arith.constant 0 : i32
      %dma_wait3A_709 = tpu.memref_slice %arg8[%dma_wait3A_707, %dma_wait3A_708] : memref<16x128xi32, #tpu.memory_space<vmem>> -> memref<1x128xi32, #tpu.memory_space<vmem>>
      %dma_wait3A_710 = tpu.memref_squeeze %dma_wait3A_709 : memref<1x128xi32, #tpu.memory_space<vmem>> -> memref<128xi32, #tpu.memory_space<vmem>>
      %dma_wait3A_711 = arith.constant 0 : i32
      %dma_wait3A_712 = arith.constant 0 : i32
      %dma_wait3A_713 = tpu.memref_slice %arg15[%dma_wait3A_711, %dma_wait3A_712] : memref<10240x64xf32, #tpu.memory_space<vmem_shared>> -> memref<10240x64xf32, #tpu.memory_space<vmem_shared>>
      tpu.wait_indirect_dma semaphore(%arg20 : memref<!tpu.dma_semaphore, #tpu.memory_space<semaphore_mem>>) src(%dma_wait3A_713 : memref<10240x64xf32, #tpu.memory_space<vmem_shared>>) dst(%arg14 : memref<128x64xf32, #tpu.memory_space<vmem>>)
      %run_scoped3A_714 = arith.constant 7 : i32
      "tpu.region"() ({
        %run_scoped3A_881 = tpu.sem_alloc : memref<!tpu.dma_semaphore, #tpu.memory_space<semaphore_mem>>
        %dma_start3A_882 = arith.constant 0 : i32
        %dma_start3A_883 = tpu.memref_slice %arg10[%run_scoped3A_714, %dma_start3A_882] : memref<16x128xi32, #tpu.memory_space<vmem>> -> memref<1x128xi32, #tpu.memory_space<vmem>>
        %dma_start3A_884 = tpu.memref_squeeze %dma_start3A_883 : memref<1x128xi32, #tpu.memory_space<vmem>> -> memref<128xi32, #tpu.memory_space<vmem>>
        %dma_start3A_885 = arith.constant 0 : i32
        %dma_start3A_886 = arith.constant 0 : i32
        %dma_start3A_887 = tpu.memref_slice %arg16[%dma_start3A_885, %dma_start3A_886] : memref<10240x64xf32, #tpu.memory_space<vmem_shared>> -> memref<10240x64xf32, #tpu.memory_space<vmem_shared>>
        tpu.enqueue_indirect_dma source(%arg14 : memref<128x64xf32, #tpu.memory_space<vmem>>) target(%dma_start3A_887 : memref<10240x64xf32, #tpu.memory_space<vmem_shared>>) offsets(%dma_start3A_884 : memref<128xi32, #tpu.memory_space<vmem>>) semaphore(%run_scoped3A_881 : memref<!tpu.dma_semaphore, #tpu.memory_space<semaphore_mem>>) {add = true}
        %dma_wait3A_888 = arith.constant 0 : i32
        %dma_wait3A_889 = tpu.memref_slice %arg10[%run_scoped3A_714, %dma_wait3A_888] : memref<16x128xi32, #tpu.memory_space<vmem>> -> memref<1x128xi32, #tpu.memory_space<vmem>>
        %dma_wait3A_890 = tpu.memref_squeeze %dma_wait3A_889 : memref<1x128xi32, #tpu.memory_space<vmem>> -> memref<128xi32, #tpu.memory_space<vmem>>
        %dma_wait3A_891 = arith.constant 0 : i32
        %dma_wait3A_892 = arith.constant 0 : i32
        %dma_wait3A_893 = tpu.memref_slice %arg16[%dma_wait3A_891, %dma_wait3A_892] : memref<10240x64xf32, #tpu.memory_space<vmem_shared>> -> memref<10240x64xf32, #tpu.memory_space<vmem_shared>>
        tpu.wait_indirect_dma semaphore(%run_scoped3A_881 : memref<!tpu.dma_semaphore, #tpu.memory_space<semaphore_mem>>) src(%arg14 : memref<128x64xf32, #tpu.memory_space<vmem>>) dst(%dma_wait3A_893 : memref<10240x64xf32, #tpu.memory_space<vmem_shared>>)
        tpu.yield
      }) : () -> ()
      %add3A_715 = arith.constant 4 : i32
      %add3A_716 = arith.addi %add3A_706, %add3A_715 : i32
      %lt3A_717 = arith.constant 160 : i32
      %lt3A_718 = arith.cmpi slt, %add3A_716, %lt3A_717 : i32
      %convert_element_type3A_719 = arith.extui %lt3A_718 : i1 to i32
      %cond3A_720 = arith.constant 0 : i32
      %cond3A_721 = arith.cmpi ne, %convert_element_type3A_719, %cond3A_720 : i32
      scf.if %cond3A_721 {
        %dma_start3A_881 = arith.constant 11 : i32
        %dma_start3A_882 = arith.constant 0 : i32
        %dma_start3A_883 = tpu.memref_slice %arg8[%dma_start3A_881, %dma_start3A_882] : memref<16x128xi32, #tpu.memory_space<vmem>> -> memref<1x128xi32, #tpu.memory_space<vmem>>
        %dma_start3A_884 = tpu.memref_squeeze %dma_start3A_883 : memref<1x128xi32, #tpu.memory_space<vmem>> -> memref<128xi32, #tpu.memory_space<vmem>>
        %dma_start3A_885 = arith.constant 0 : i32
        %dma_start3A_886 = arith.constant 0 : i32
        %dma_start3A_887 = tpu.memref_slice %arg15[%dma_start3A_885, %dma_start3A_886] : memref<10240x64xf32, #tpu.memory_space<vmem_shared>> -> memref<10240x64xf32, #tpu.memory_space<vmem_shared>>
        tpu.enqueue_indirect_dma source(%dma_start3A_887 : memref<10240x64xf32, #tpu.memory_space<vmem_shared>>) target(%arg14 : memref<128x64xf32, #tpu.memory_space<vmem>>) offsets(%dma_start3A_884 : memref<128xi32, #tpu.memory_space<vmem>>) semaphore(%arg20 : memref<!tpu.dma_semaphore, #tpu.memory_space<semaphore_mem>>)
      } else {
      }
      %mul3A_722 = arith.constant 16 : i32
      %mul3A_723 = arith.muli %add3A_562, %mul3A_722 : i32
      %add3A_724 = arith.constant 8 : i32
      %add3A_725 = arith.addi %mul3A_723, %add3A_724 : i32
      %dma_wait3A_726 = arith.constant 8 : i32
      %dma_wait3A_727 = arith.constant 0 : i32
      %dma_wait3A_728 = tpu.memref_slice %arg8[%dma_wait3A_726, %dma_wait3A_727] : memref<16x128xi32, #tpu.memory_space<vmem>> -> memref<1x128xi32, #tpu.memory_space<vmem>>
      %dma_wait3A_729 = tpu.memref_squeeze %dma_wait3A_728 : memref<1x128xi32, #tpu.memory_space<vmem>> -> memref<128xi32, #tpu.memory_space<vmem>>
      %dma_wait3A_730 = arith.constant 0 : i32
      %dma_wait3A_731 = arith.constant 0 : i32
      %dma_wait3A_732 = tpu.memref_slice %arg15[%dma_wait3A_730, %dma_wait3A_731] : memref<10240x64xf32, #tpu.memory_space<vmem_shared>> -> memref<10240x64xf32, #tpu.memory_space<vmem_shared>>
      tpu.wait_indirect_dma semaphore(%arg17 : memref<!tpu.dma_semaphore, #tpu.memory_space<semaphore_mem>>) src(%dma_wait3A_732 : memref<10240x64xf32, #tpu.memory_space<vmem_shared>>) dst(%arg11 : memref<128x64xf32, #tpu.memory_space<vmem>>)
      %run_scoped3A_733 = arith.constant 8 : i32
      "tpu.region"() ({
        %run_scoped3A_881 = tpu.sem_alloc : memref<!tpu.dma_semaphore, #tpu.memory_space<semaphore_mem>>
        %dma_start3A_882 = arith.constant 0 : i32
        %dma_start3A_883 = tpu.memref_slice %arg10[%run_scoped3A_733, %dma_start3A_882] : memref<16x128xi32, #tpu.memory_space<vmem>> -> memref<1x128xi32, #tpu.memory_space<vmem>>
        %dma_start3A_884 = tpu.memref_squeeze %dma_start3A_883 : memref<1x128xi32, #tpu.memory_space<vmem>> -> memref<128xi32, #tpu.memory_space<vmem>>
        %dma_start3A_885 = arith.constant 0 : i32
        %dma_start3A_886 = arith.constant 0 : i32
        %dma_start3A_887 = tpu.memref_slice %arg16[%dma_start3A_885, %dma_start3A_886] : memref<10240x64xf32, #tpu.memory_space<vmem_shared>> -> memref<10240x64xf32, #tpu.memory_space<vmem_shared>>
        tpu.enqueue_indirect_dma source(%arg11 : memref<128x64xf32, #tpu.memory_space<vmem>>) target(%dma_start3A_887 : memref<10240x64xf32, #tpu.memory_space<vmem_shared>>) offsets(%dma_start3A_884 : memref<128xi32, #tpu.memory_space<vmem>>) semaphore(%run_scoped3A_881 : memref<!tpu.dma_semaphore, #tpu.memory_space<semaphore_mem>>) {add = true}
        %dma_wait3A_888 = arith.constant 0 : i32
        %dma_wait3A_889 = tpu.memref_slice %arg10[%run_scoped3A_733, %dma_wait3A_888] : memref<16x128xi32, #tpu.memory_space<vmem>> -> memref<1x128xi32, #tpu.memory_space<vmem>>
        %dma_wait3A_890 = tpu.memref_squeeze %dma_wait3A_889 : memref<1x128xi32, #tpu.memory_space<vmem>> -> memref<128xi32, #tpu.memory_space<vmem>>
        %dma_wait3A_891 = arith.constant 0 : i32
        %dma_wait3A_892 = arith.constant 0 : i32
        %dma_wait3A_893 = tpu.memref_slice %arg16[%dma_wait3A_891, %dma_wait3A_892] : memref<10240x64xf32, #tpu.memory_space<vmem_shared>> -> memref<10240x64xf32, #tpu.memory_space<vmem_shared>>
        tpu.wait_indirect_dma semaphore(%run_scoped3A_881 : memref<!tpu.dma_semaphore, #tpu.memory_space<semaphore_mem>>) src(%arg11 : memref<128x64xf32, #tpu.memory_space<vmem>>) dst(%dma_wait3A_893 : memref<10240x64xf32, #tpu.memory_space<vmem_shared>>)
        tpu.yield
      }) : () -> ()
      %add3A_734 = arith.constant 4 : i32
      %add3A_735 = arith.addi %add3A_725, %add3A_734 : i32
      %lt3A_736 = arith.constant 160 : i32
      %lt3A_737 = arith.cmpi slt, %add3A_735, %lt3A_736 : i32
      %convert_element_type3A_738 = arith.extui %lt3A_737 : i1 to i32
      %cond3A_739 = arith.constant 0 : i32
      %cond3A_740 = arith.cmpi ne, %convert_element_type3A_738, %cond3A_739 : i32
      scf.if %cond3A_740 {
        %dma_start3A_881 = arith.constant 12 : i32
        %dma_start3A_882 = arith.constant 0 : i32
        %dma_start3A_883 = tpu.memref_slice %arg8[%dma_start3A_881, %dma_start3A_882] : memref<16x128xi32, #tpu.memory_space<vmem>> -> memref<1x128xi32, #tpu.memory_space<vmem>>
        %dma_start3A_884 = tpu.memref_squeeze %dma_start3A_883 : memref<1x128xi32, #tpu.memory_space<vmem>> -> memref<128xi32, #tpu.memory_space<vmem>>
        %dma_start3A_885 = arith.constant 0 : i32
        %dma_start3A_886 = arith.constant 0 : i32
        %dma_start3A_887 = tpu.memref_slice %arg15[%dma_start3A_885, %dma_start3A_886] : memref<10240x64xf32, #tpu.memory_space<vmem_shared>> -> memref<10240x64xf32, #tpu.memory_space<vmem_shared>>
        tpu.enqueue_indirect_dma source(%dma_start3A_887 : memref<10240x64xf32, #tpu.memory_space<vmem_shared>>) target(%arg11 : memref<128x64xf32, #tpu.memory_space<vmem>>) offsets(%dma_start3A_884 : memref<128xi32, #tpu.memory_space<vmem>>) semaphore(%arg17 : memref<!tpu.dma_semaphore, #tpu.memory_space<semaphore_mem>>)
      } else {
      }
      %mul3A_741 = arith.constant 16 : i32
      %mul3A_742 = arith.muli %add3A_562, %mul3A_741 : i32
      %add3A_743 = arith.constant 9 : i32
      %add3A_744 = arith.addi %mul3A_742, %add3A_743 : i32
      %dma_wait3A_745 = arith.constant 9 : i32
      %dma_wait3A_746 = arith.constant 0 : i32
      %dma_wait3A_747 = tpu.memref_slice %arg8[%dma_wait3A_745, %dma_wait3A_746] : memref<16x128xi32, #tpu.memory_space<vmem>> -> memref<1x128xi32, #tpu.memory_space<vmem>>
      %dma_wait3A_748 = tpu.memref_squeeze %dma_wait3A_747 : memref<1x128xi32, #tpu.memory_space<vmem>> -> memref<128xi32, #tpu.memory_space<vmem>>
      %dma_wait3A_749 = arith.constant 0 : i32
      %dma_wait3A_750 = arith.constant 0 : i32
      %dma_wait3A_751 = tpu.memref_slice %arg15[%dma_wait3A_749, %dma_wait3A_750] : memref<10240x64xf32, #tpu.memory_space<vmem_shared>> -> memref<10240x64xf32, #tpu.memory_space<vmem_shared>>
      tpu.wait_indirect_dma semaphore(%arg18 : memref<!tpu.dma_semaphore, #tpu.memory_space<semaphore_mem>>) src(%dma_wait3A_751 : memref<10240x64xf32, #tpu.memory_space<vmem_shared>>) dst(%arg12 : memref<128x64xf32, #tpu.memory_space<vmem>>)
      %run_scoped3A_752 = arith.constant 9 : i32
      "tpu.region"() ({
        %run_scoped3A_881 = tpu.sem_alloc : memref<!tpu.dma_semaphore, #tpu.memory_space<semaphore_mem>>
        %dma_start3A_882 = arith.constant 0 : i32
        %dma_start3A_883 = tpu.memref_slice %arg10[%run_scoped3A_752, %dma_start3A_882] : memref<16x128xi32, #tpu.memory_space<vmem>> -> memref<1x128xi32, #tpu.memory_space<vmem>>
        %dma_start3A_884 = tpu.memref_squeeze %dma_start3A_883 : memref<1x128xi32, #tpu.memory_space<vmem>> -> memref<128xi32, #tpu.memory_space<vmem>>
        %dma_start3A_885 = arith.constant 0 : i32
        %dma_start3A_886 = arith.constant 0 : i32
        %dma_start3A_887 = tpu.memref_slice %arg16[%dma_start3A_885, %dma_start3A_886] : memref<10240x64xf32, #tpu.memory_space<vmem_shared>> -> memref<10240x64xf32, #tpu.memory_space<vmem_shared>>
        tpu.enqueue_indirect_dma source(%arg12 : memref<128x64xf32, #tpu.memory_space<vmem>>) target(%dma_start3A_887 : memref<10240x64xf32, #tpu.memory_space<vmem_shared>>) offsets(%dma_start3A_884 : memref<128xi32, #tpu.memory_space<vmem>>) semaphore(%run_scoped3A_881 : memref<!tpu.dma_semaphore, #tpu.memory_space<semaphore_mem>>) {add = true}
        %dma_wait3A_888 = arith.constant 0 : i32
        %dma_wait3A_889 = tpu.memref_slice %arg10[%run_scoped3A_752, %dma_wait3A_888] : memref<16x128xi32, #tpu.memory_space<vmem>> -> memref<1x128xi32, #tpu.memory_space<vmem>>
        %dma_wait3A_890 = tpu.memref_squeeze %dma_wait3A_889 : memref<1x128xi32, #tpu.memory_space<vmem>> -> memref<128xi32, #tpu.memory_space<vmem>>
        %dma_wait3A_891 = arith.constant 0 : i32
        %dma_wait3A_892 = arith.constant 0 : i32
        %dma_wait3A_893 = tpu.memref_slice %arg16[%dma_wait3A_891, %dma_wait3A_892] : memref<10240x64xf32, #tpu.memory_space<vmem_shared>> -> memref<10240x64xf32, #tpu.memory_space<vmem_shared>>
        tpu.wait_indirect_dma semaphore(%run_scoped3A_881 : memref<!tpu.dma_semaphore, #tpu.memory_space<semaphore_mem>>) src(%arg12 : memref<128x64xf32, #tpu.memory_space<vmem>>) dst(%dma_wait3A_893 : memref<10240x64xf32, #tpu.memory_space<vmem_shared>>)
        tpu.yield
      }) : () -> ()
      %add3A_753 = arith.constant 4 : i32
      %add3A_754 = arith.addi %add3A_744, %add3A_753 : i32
      %lt3A_755 = arith.constant 160 : i32
      %lt3A_756 = arith.cmpi slt, %add3A_754, %lt3A_755 : i32
      %convert_element_type3A_757 = arith.extui %lt3A_756 : i1 to i32
      %cond3A_758 = arith.constant 0 : i32
      %cond3A_759 = arith.cmpi ne, %convert_element_type3A_757, %cond3A_758 : i32
      scf.if %cond3A_759 {
        %dma_start3A_881 = arith.constant 13 : i32
        %dma_start3A_882 = arith.constant 0 : i32
        %dma_start3A_883 = tpu.memref_slice %arg8[%dma_start3A_881, %dma_start3A_882] : memref<16x128xi32, #tpu.memory_space<vmem>> -> memref<1x128xi32, #tpu.memory_space<vmem>>
        %dma_start3A_884 = tpu.memref_squeeze %dma_start3A_883 : memref<1x128xi32, #tpu.memory_space<vmem>> -> memref<128xi32, #tpu.memory_space<vmem>>
        %dma_start3A_885 = arith.constant 0 : i32
        %dma_start3A_886 = arith.constant 0 : i32
        %dma_start3A_887 = tpu.memref_slice %arg15[%dma_start3A_885, %dma_start3A_886] : memref<10240x64xf32, #tpu.memory_space<vmem_shared>> -> memref<10240x64xf32, #tpu.memory_space<vmem_shared>>
        tpu.enqueue_indirect_dma source(%dma_start3A_887 : memref<10240x64xf32, #tpu.memory_space<vmem_shared>>) target(%arg12 : memref<128x64xf32, #tpu.memory_space<vmem>>) offsets(%dma_start3A_884 : memref<128xi32, #tpu.memory_space<vmem>>) semaphore(%arg18 : memref<!tpu.dma_semaphore, #tpu.memory_space<semaphore_mem>>)
      } else {
      }
      %mul3A_760 = arith.constant 16 : i32
      %mul3A_761 = arith.muli %add3A_562, %mul3A_760 : i32
      %add3A_762 = arith.constant 10 : i32
      %add3A_763 = arith.addi %mul3A_761, %add3A_762 : i32
      %dma_wait3A_764 = arith.constant 10 : i32
      %dma_wait3A_765 = arith.constant 0 : i32
      %dma_wait3A_766 = tpu.memref_slice %arg8[%dma_wait3A_764, %dma_wait3A_765] : memref<16x128xi32, #tpu.memory_space<vmem>> -> memref<1x128xi32, #tpu.memory_space<vmem>>
      %dma_wait3A_767 = tpu.memref_squeeze %dma_wait3A_766 : memref<1x128xi32, #tpu.memory_space<vmem>> -> memref<128xi32, #tpu.memory_space<vmem>>
      %dma_wait3A_768 = arith.constant 0 : i32
      %dma_wait3A_769 = arith.constant 0 : i32
      %dma_wait3A_770 = tpu.memref_slice %arg15[%dma_wait3A_768, %dma_wait3A_769] : memref<10240x64xf32, #tpu.memory_space<vmem_shared>> -> memref<10240x64xf32, #tpu.memory_space<vmem_shared>>
      tpu.wait_indirect_dma semaphore(%arg19 : memref<!tpu.dma_semaphore, #tpu.memory_space<semaphore_mem>>) src(%dma_wait3A_770 : memref<10240x64xf32, #tpu.memory_space<vmem_shared>>) dst(%arg13 : memref<128x64xf32, #tpu.memory_space<vmem>>)
      %run_scoped3A_771 = arith.constant 10 : i32
      "tpu.region"() ({
        %run_scoped3A_881 = tpu.sem_alloc : memref<!tpu.dma_semaphore, #tpu.memory_space<semaphore_mem>>
        %dma_start3A_882 = arith.constant 0 : i32
        %dma_start3A_883 = tpu.memref_slice %arg10[%run_scoped3A_771, %dma_start3A_882] : memref<16x128xi32, #tpu.memory_space<vmem>> -> memref<1x128xi32, #tpu.memory_space<vmem>>
        %dma_start3A_884 = tpu.memref_squeeze %dma_start3A_883 : memref<1x128xi32, #tpu.memory_space<vmem>> -> memref<128xi32, #tpu.memory_space<vmem>>
        %dma_start3A_885 = arith.constant 0 : i32
        %dma_start3A_886 = arith.constant 0 : i32
        %dma_start3A_887 = tpu.memref_slice %arg16[%dma_start3A_885, %dma_start3A_886] : memref<10240x64xf32, #tpu.memory_space<vmem_shared>> -> memref<10240x64xf32, #tpu.memory_space<vmem_shared>>
        tpu.enqueue_indirect_dma source(%arg13 : memref<128x64xf32, #tpu.memory_space<vmem>>) target(%dma_start3A_887 : memref<10240x64xf32, #tpu.memory_space<vmem_shared>>) offsets(%dma_start3A_884 : memref<128xi32, #tpu.memory_space<vmem>>) semaphore(%run_scoped3A_881 : memref<!tpu.dma_semaphore, #tpu.memory_space<semaphore_mem>>) {add = true}
        %dma_wait3A_888 = arith.constant 0 : i32
        %dma_wait3A_889 = tpu.memref_slice %arg10[%run_scoped3A_771, %dma_wait3A_888] : memref<16x128xi32, #tpu.memory_space<vmem>> -> memref<1x128xi32, #tpu.memory_space<vmem>>
        %dma_wait3A_890 = tpu.memref_squeeze %dma_wait3A_889 : memref<1x128xi32, #tpu.memory_space<vmem>> -> memref<128xi32, #tpu.memory_space<vmem>>
        %dma_wait3A_891 = arith.constant 0 : i32
        %dma_wait3A_892 = arith.constant 0 : i32
        %dma_wait3A_893 = tpu.memref_slice %arg16[%dma_wait3A_891, %dma_wait3A_892] : memref<10240x64xf32, #tpu.memory_space<vmem_shared>> -> memref<10240x64xf32, #tpu.memory_space<vmem_shared>>
        tpu.wait_indirect_dma semaphore(%run_scoped3A_881 : memref<!tpu.dma_semaphore, #tpu.memory_space<semaphore_mem>>) src(%arg13 : memref<128x64xf32, #tpu.memory_space<vmem>>) dst(%dma_wait3A_893 : memref<10240x64xf32, #tpu.memory_space<vmem_shared>>)
        tpu.yield
      }) : () -> ()
      %add3A_772 = arith.constant 4 : i32
      %add3A_773 = arith.addi %add3A_763, %add3A_772 : i32
      %lt3A_774 = arith.constant 160 : i32
      %lt3A_775 = arith.cmpi slt, %add3A_773, %lt3A_774 : i32
      %convert_element_type3A_776 = arith.extui %lt3A_775 : i1 to i32
      %cond3A_777 = arith.constant 0 : i32
      %cond3A_778 = arith.cmpi ne, %convert_element_type3A_776, %cond3A_777 : i32
      scf.if %cond3A_778 {
        %dma_start3A_881 = arith.constant 14 : i32
        %dma_start3A_882 = arith.constant 0 : i32
        %dma_start3A_883 = tpu.memref_slice %arg8[%dma_start3A_881, %dma_start3A_882] : memref<16x128xi32, #tpu.memory_space<vmem>> -> memref<1x128xi32, #tpu.memory_space<vmem>>
        %dma_start3A_884 = tpu.memref_squeeze %dma_start3A_883 : memref<1x128xi32, #tpu.memory_space<vmem>> -> memref<128xi32, #tpu.memory_space<vmem>>
        %dma_start3A_885 = arith.constant 0 : i32
        %dma_start3A_886 = arith.constant 0 : i32
        %dma_start3A_887 = tpu.memref_slice %arg15[%dma_start3A_885, %dma_start3A_886] : memref<10240x64xf32, #tpu.memory_space<vmem_shared>> -> memref<10240x64xf32, #tpu.memory_space<vmem_shared>>
        tpu.enqueue_indirect_dma source(%dma_start3A_887 : memref<10240x64xf32, #tpu.memory_space<vmem_shared>>) target(%arg13 : memref<128x64xf32, #tpu.memory_space<vmem>>) offsets(%dma_start3A_884 : memref<128xi32, #tpu.memory_space<vmem>>) semaphore(%arg19 : memref<!tpu.dma_semaphore, #tpu.memory_space<semaphore_mem>>)
      } else {
      }
      %mul3A_779 = arith.constant 16 : i32
      %mul3A_780 = arith.muli %add3A_562, %mul3A_779 : i32
      %add3A_781 = arith.constant 11 : i32
      %add3A_782 = arith.addi %mul3A_780, %add3A_781 : i32
      %dma_wait3A_783 = arith.constant 11 : i32
      %dma_wait3A_784 = arith.constant 0 : i32
      %dma_wait3A_785 = tpu.memref_slice %arg8[%dma_wait3A_783, %dma_wait3A_784] : memref<16x128xi32, #tpu.memory_space<vmem>> -> memref<1x128xi32, #tpu.memory_space<vmem>>
      %dma_wait3A_786 = tpu.memref_squeeze %dma_wait3A_785 : memref<1x128xi32, #tpu.memory_space<vmem>> -> memref<128xi32, #tpu.memory_space<vmem>>
      %dma_wait3A_787 = arith.constant 0 : i32
      %dma_wait3A_788 = arith.constant 0 : i32
      %dma_wait3A_789 = tpu.memref_slice %arg15[%dma_wait3A_787, %dma_wait3A_788] : memref<10240x64xf32, #tpu.memory_space<vmem_shared>> -> memref<10240x64xf32, #tpu.memory_space<vmem_shared>>
      tpu.wait_indirect_dma semaphore(%arg20 : memref<!tpu.dma_semaphore, #tpu.memory_space<semaphore_mem>>) src(%dma_wait3A_789 : memref<10240x64xf32, #tpu.memory_space<vmem_shared>>) dst(%arg14 : memref<128x64xf32, #tpu.memory_space<vmem>>)
      %run_scoped3A_790 = arith.constant 11 : i32
      "tpu.region"() ({
        %run_scoped3A_881 = tpu.sem_alloc : memref<!tpu.dma_semaphore, #tpu.memory_space<semaphore_mem>>
        %dma_start3A_882 = arith.constant 0 : i32
        %dma_start3A_883 = tpu.memref_slice %arg10[%run_scoped3A_790, %dma_start3A_882] : memref<16x128xi32, #tpu.memory_space<vmem>> -> memref<1x128xi32, #tpu.memory_space<vmem>>
        %dma_start3A_884 = tpu.memref_squeeze %dma_start3A_883 : memref<1x128xi32, #tpu.memory_space<vmem>> -> memref<128xi32, #tpu.memory_space<vmem>>
        %dma_start3A_885 = arith.constant 0 : i32
        %dma_start3A_886 = arith.constant 0 : i32
        %dma_start3A_887 = tpu.memref_slice %arg16[%dma_start3A_885, %dma_start3A_886] : memref<10240x64xf32, #tpu.memory_space<vmem_shared>> -> memref<10240x64xf32, #tpu.memory_space<vmem_shared>>
        tpu.enqueue_indirect_dma source(%arg14 : memref<128x64xf32, #tpu.memory_space<vmem>>) target(%dma_start3A_887 : memref<10240x64xf32, #tpu.memory_space<vmem_shared>>) offsets(%dma_start3A_884 : memref<128xi32, #tpu.memory_space<vmem>>) semaphore(%run_scoped3A_881 : memref<!tpu.dma_semaphore, #tpu.memory_space<semaphore_mem>>) {add = true}
        %dma_wait3A_888 = arith.constant 0 : i32
        %dma_wait3A_889 = tpu.memref_slice %arg10[%run_scoped3A_790, %dma_wait3A_888] : memref<16x128xi32, #tpu.memory_space<vmem>> -> memref<1x128xi32, #tpu.memory_space<vmem>>
        %dma_wait3A_890 = tpu.memref_squeeze %dma_wait3A_889 : memref<1x128xi32, #tpu.memory_space<vmem>> -> memref<128xi32, #tpu.memory_space<vmem>>
        %dma_wait3A_891 = arith.constant 0 : i32
        %dma_wait3A_892 = arith.constant 0 : i32
        %dma_wait3A_893 = tpu.memref_slice %arg16[%dma_wait3A_891, %dma_wait3A_892] : memref<10240x64xf32, #tpu.memory_space<vmem_shared>> -> memref<10240x64xf32, #tpu.memory_space<vmem_shared>>
        tpu.wait_indirect_dma semaphore(%run_scoped3A_881 : memref<!tpu.dma_semaphore, #tpu.memory_space<semaphore_mem>>) src(%arg14 : memref<128x64xf32, #tpu.memory_space<vmem>>) dst(%dma_wait3A_893 : memref<10240x64xf32, #tpu.memory_space<vmem_shared>>)
        tpu.yield
      }) : () -> ()
      %add3A_791 = arith.constant 4 : i32
      %add3A_792 = arith.addi %add3A_782, %add3A_791 : i32
      %lt3A_793 = arith.constant 160 : i32
      %lt3A_794 = arith.cmpi slt, %add3A_792, %lt3A_793 : i32
      %convert_element_type3A_795 = arith.extui %lt3A_794 : i1 to i32
      %cond3A_796 = arith.constant 0 : i32
      %cond3A_797 = arith.cmpi ne, %convert_element_type3A_795, %cond3A_796 : i32
      scf.if %cond3A_797 {
        %dma_start3A_881 = arith.constant 15 : i32
        %dma_start3A_882 = arith.constant 0 : i32
        %dma_start3A_883 = tpu.memref_slice %arg8[%dma_start3A_881, %dma_start3A_882] : memref<16x128xi32, #tpu.memory_space<vmem>> -> memref<1x128xi32, #tpu.memory_space<vmem>>
        %dma_start3A_884 = tpu.memref_squeeze %dma_start3A_883 : memref<1x128xi32, #tpu.memory_space<vmem>> -> memref<128xi32, #tpu.memory_space<vmem>>
        %dma_start3A_885 = arith.constant 0 : i32
        %dma_start3A_886 = arith.constant 0 : i32
        %dma_start3A_887 = tpu.memref_slice %arg15[%dma_start3A_885, %dma_start3A_886] : memref<10240x64xf32, #tpu.memory_space<vmem_shared>> -> memref<10240x64xf32, #tpu.memory_space<vmem_shared>>
        tpu.enqueue_indirect_dma source(%dma_start3A_887 : memref<10240x64xf32, #tpu.memory_space<vmem_shared>>) target(%arg14 : memref<128x64xf32, #tpu.memory_space<vmem>>) offsets(%dma_start3A_884 : memref<128xi32, #tpu.memory_space<vmem>>) semaphore(%arg20 : memref<!tpu.dma_semaphore, #tpu.memory_space<semaphore_mem>>)
      } else {
      }
      %mul3A_798 = arith.constant 16 : i32
      %mul3A_799 = arith.muli %add3A_562, %mul3A_798 : i32
      %add3A_800 = arith.constant 12 : i32
      %add3A_801 = arith.addi %mul3A_799, %add3A_800 : i32
      %dma_wait3A_802 = arith.constant 12 : i32
      %dma_wait3A_803 = arith.constant 0 : i32
      %dma_wait3A_804 = tpu.memref_slice %arg8[%dma_wait3A_802, %dma_wait3A_803] : memref<16x128xi32, #tpu.memory_space<vmem>> -> memref<1x128xi32, #tpu.memory_space<vmem>>
      %dma_wait3A_805 = tpu.memref_squeeze %dma_wait3A_804 : memref<1x128xi32, #tpu.memory_space<vmem>> -> memref<128xi32, #tpu.memory_space<vmem>>
      %dma_wait3A_806 = arith.constant 0 : i32
      %dma_wait3A_807 = arith.constant 0 : i32
      %dma_wait3A_808 = tpu.memref_slice %arg15[%dma_wait3A_806, %dma_wait3A_807] : memref<10240x64xf32, #tpu.memory_space<vmem_shared>> -> memref<10240x64xf32, #tpu.memory_space<vmem_shared>>
      tpu.wait_indirect_dma semaphore(%arg17 : memref<!tpu.dma_semaphore, #tpu.memory_space<semaphore_mem>>) src(%dma_wait3A_808 : memref<10240x64xf32, #tpu.memory_space<vmem_shared>>) dst(%arg11 : memref<128x64xf32, #tpu.memory_space<vmem>>)
      %run_scoped3A_809 = arith.constant 12 : i32
      "tpu.region"() ({
        %run_scoped3A_881 = tpu.sem_alloc : memref<!tpu.dma_semaphore, #tpu.memory_space<semaphore_mem>>
        %dma_start3A_882 = arith.constant 0 : i32
        %dma_start3A_883 = tpu.memref_slice %arg10[%run_scoped3A_809, %dma_start3A_882] : memref<16x128xi32, #tpu.memory_space<vmem>> -> memref<1x128xi32, #tpu.memory_space<vmem>>
        %dma_start3A_884 = tpu.memref_squeeze %dma_start3A_883 : memref<1x128xi32, #tpu.memory_space<vmem>> -> memref<128xi32, #tpu.memory_space<vmem>>
        %dma_start3A_885 = arith.constant 0 : i32
        %dma_start3A_886 = arith.constant 0 : i32
        %dma_start3A_887 = tpu.memref_slice %arg16[%dma_start3A_885, %dma_start3A_886] : memref<10240x64xf32, #tpu.memory_space<vmem_shared>> -> memref<10240x64xf32, #tpu.memory_space<vmem_shared>>
        tpu.enqueue_indirect_dma source(%arg11 : memref<128x64xf32, #tpu.memory_space<vmem>>) target(%dma_start3A_887 : memref<10240x64xf32, #tpu.memory_space<vmem_shared>>) offsets(%dma_start3A_884 : memref<128xi32, #tpu.memory_space<vmem>>) semaphore(%run_scoped3A_881 : memref<!tpu.dma_semaphore, #tpu.memory_space<semaphore_mem>>) {add = true}
        %dma_wait3A_888 = arith.constant 0 : i32
        %dma_wait3A_889 = tpu.memref_slice %arg10[%run_scoped3A_809, %dma_wait3A_888] : memref<16x128xi32, #tpu.memory_space<vmem>> -> memref<1x128xi32, #tpu.memory_space<vmem>>
        %dma_wait3A_890 = tpu.memref_squeeze %dma_wait3A_889 : memref<1x128xi32, #tpu.memory_space<vmem>> -> memref<128xi32, #tpu.memory_space<vmem>>
        %dma_wait3A_891 = arith.constant 0 : i32
        %dma_wait3A_892 = arith.constant 0 : i32
        %dma_wait3A_893 = tpu.memref_slice %arg16[%dma_wait3A_891, %dma_wait3A_892] : memref<10240x64xf32, #tpu.memory_space<vmem_shared>> -> memref<10240x64xf32, #tpu.memory_space<vmem_shared>>
        tpu.wait_indirect_dma semaphore(%run_scoped3A_881 : memref<!tpu.dma_semaphore, #tpu.memory_space<semaphore_mem>>) src(%arg11 : memref<128x64xf32, #tpu.memory_space<vmem>>) dst(%dma_wait3A_893 : memref<10240x64xf32, #tpu.memory_space<vmem_shared>>)
        tpu.yield
      }) : () -> ()
      %add3A_810 = arith.constant 4 : i32
      %add3A_811 = arith.addi %add3A_801, %add3A_810 : i32
      %lt3A_812 = arith.constant 160 : i32
      %lt3A_813 = arith.cmpi slt, %add3A_811, %lt3A_812 : i32
      %convert_element_type3A_814 = arith.extui %lt3A_813 : i1 to i32
      %cond3A_815 = arith.constant 0 : i32
      %cond3A_816 = arith.cmpi ne, %convert_element_type3A_814, %cond3A_815 : i32
      scf.if %cond3A_816 {
        %dma_start3A_881 = arith.constant 0 : i32
        %dma_start3A_882 = arith.constant 0 : i32
        %dma_start3A_883 = tpu.memref_slice %arg7[%dma_start3A_881, %dma_start3A_882] : memref<16x128xi32, #tpu.memory_space<vmem>> -> memref<1x128xi32, #tpu.memory_space<vmem>>
        %dma_start3A_884 = tpu.memref_squeeze %dma_start3A_883 : memref<1x128xi32, #tpu.memory_space<vmem>> -> memref<128xi32, #tpu.memory_space<vmem>>
        %dma_start3A_885 = arith.constant 0 : i32
        %dma_start3A_886 = arith.constant 0 : i32
        %dma_start3A_887 = tpu.memref_slice %arg15[%dma_start3A_885, %dma_start3A_886] : memref<10240x64xf32, #tpu.memory_space<vmem_shared>> -> memref<10240x64xf32, #tpu.memory_space<vmem_shared>>
        tpu.enqueue_indirect_dma source(%dma_start3A_887 : memref<10240x64xf32, #tpu.memory_space<vmem_shared>>) target(%arg11 : memref<128x64xf32, #tpu.memory_space<vmem>>) offsets(%dma_start3A_884 : memref<128xi32, #tpu.memory_space<vmem>>) semaphore(%arg17 : memref<!tpu.dma_semaphore, #tpu.memory_space<semaphore_mem>>)
      } else {
      }
      %mul3A_817 = arith.constant 16 : i32
      %mul3A_818 = arith.muli %add3A_562, %mul3A_817 : i32
      %add3A_819 = arith.constant 13 : i32
      %add3A_820 = arith.addi %mul3A_818, %add3A_819 : i32
      %dma_wait3A_821 = arith.constant 13 : i32
      %dma_wait3A_822 = arith.constant 0 : i32
      %dma_wait3A_823 = tpu.memref_slice %arg8[%dma_wait3A_821, %dma_wait3A_822] : memref<16x128xi32, #tpu.memory_space<vmem>> -> memref<1x128xi32, #tpu.memory_space<vmem>>
      %dma_wait3A_824 = tpu.memref_squeeze %dma_wait3A_823 : memref<1x128xi32, #tpu.memory_space<vmem>> -> memref<128xi32, #tpu.memory_space<vmem>>
      %dma_wait3A_825 = arith.constant 0 : i32
      %dma_wait3A_826 = arith.constant 0 : i32
      %dma_wait3A_827 = tpu.memref_slice %arg15[%dma_wait3A_825, %dma_wait3A_826] : memref<10240x64xf32, #tpu.memory_space<vmem_shared>> -> memref<10240x64xf32, #tpu.memory_space<vmem_shared>>
      tpu.wait_indirect_dma semaphore(%arg18 : memref<!tpu.dma_semaphore, #tpu.memory_space<semaphore_mem>>) src(%dma_wait3A_827 : memref<10240x64xf32, #tpu.memory_space<vmem_shared>>) dst(%arg12 : memref<128x64xf32, #tpu.memory_space<vmem>>)
      %run_scoped3A_828 = arith.constant 13 : i32
      "tpu.region"() ({
        %run_scoped3A_881 = tpu.sem_alloc : memref<!tpu.dma_semaphore, #tpu.memory_space<semaphore_mem>>
        %dma_start3A_882 = arith.constant 0 : i32
        %dma_start3A_883 = tpu.memref_slice %arg10[%run_scoped3A_828, %dma_start3A_882] : memref<16x128xi32, #tpu.memory_space<vmem>> -> memref<1x128xi32, #tpu.memory_space<vmem>>
        %dma_start3A_884 = tpu.memref_squeeze %dma_start3A_883 : memref<1x128xi32, #tpu.memory_space<vmem>> -> memref<128xi32, #tpu.memory_space<vmem>>
        %dma_start3A_885 = arith.constant 0 : i32
        %dma_start3A_886 = arith.constant 0 : i32
        %dma_start3A_887 = tpu.memref_slice %arg16[%dma_start3A_885, %dma_start3A_886] : memref<10240x64xf32, #tpu.memory_space<vmem_shared>> -> memref<10240x64xf32, #tpu.memory_space<vmem_shared>>
        tpu.enqueue_indirect_dma source(%arg12 : memref<128x64xf32, #tpu.memory_space<vmem>>) target(%dma_start3A_887 : memref<10240x64xf32, #tpu.memory_space<vmem_shared>>) offsets(%dma_start3A_884 : memref<128xi32, #tpu.memory_space<vmem>>) semaphore(%run_scoped3A_881 : memref<!tpu.dma_semaphore, #tpu.memory_space<semaphore_mem>>) {add = true}
        %dma_wait3A_888 = arith.constant 0 : i32
        %dma_wait3A_889 = tpu.memref_slice %arg10[%run_scoped3A_828, %dma_wait3A_888] : memref<16x128xi32, #tpu.memory_space<vmem>> -> memref<1x128xi32, #tpu.memory_space<vmem>>
        %dma_wait3A_890 = tpu.memref_squeeze %dma_wait3A_889 : memref<1x128xi32, #tpu.memory_space<vmem>> -> memref<128xi32, #tpu.memory_space<vmem>>
        %dma_wait3A_891 = arith.constant 0 : i32
        %dma_wait3A_892 = arith.constant 0 : i32
        %dma_wait3A_893 = tpu.memref_slice %arg16[%dma_wait3A_891, %dma_wait3A_892] : memref<10240x64xf32, #tpu.memory_space<vmem_shared>> -> memref<10240x64xf32, #tpu.memory_space<vmem_shared>>
        tpu.wait_indirect_dma semaphore(%run_scoped3A_881 : memref<!tpu.dma_semaphore, #tpu.memory_space<semaphore_mem>>) src(%arg12 : memref<128x64xf32, #tpu.memory_space<vmem>>) dst(%dma_wait3A_893 : memref<10240x64xf32, #tpu.memory_space<vmem_shared>>)
        tpu.yield
      }) : () -> ()
      %add3A_829 = arith.constant 4 : i32
      %add3A_830 = arith.addi %add3A_820, %add3A_829 : i32
      %lt3A_831 = arith.constant 160 : i32
      %lt3A_832 = arith.cmpi slt, %add3A_830, %lt3A_831 : i32
      %convert_element_type3A_833 = arith.extui %lt3A_832 : i1 to i32
      %cond3A_834 = arith.constant 0 : i32
      %cond3A_835 = arith.cmpi ne, %convert_element_type3A_833, %cond3A_834 : i32
      scf.if %cond3A_835 {
        %dma_start3A_881 = arith.constant 1 : i32
        %dma_start3A_882 = arith.constant 0 : i32
        %dma_start3A_883 = tpu.memref_slice %arg7[%dma_start3A_881, %dma_start3A_882] : memref<16x128xi32, #tpu.memory_space<vmem>> -> memref<1x128xi32, #tpu.memory_space<vmem>>
        %dma_start3A_884 = tpu.memref_squeeze %dma_start3A_883 : memref<1x128xi32, #tpu.memory_space<vmem>> -> memref<128xi32, #tpu.memory_space<vmem>>
        %dma_start3A_885 = arith.constant 0 : i32
        %dma_start3A_886 = arith.constant 0 : i32
        %dma_start3A_887 = tpu.memref_slice %arg15[%dma_start3A_885, %dma_start3A_886] : memref<10240x64xf32, #tpu.memory_space<vmem_shared>> -> memref<10240x64xf32, #tpu.memory_space<vmem_shared>>
        tpu.enqueue_indirect_dma source(%dma_start3A_887 : memref<10240x64xf32, #tpu.memory_space<vmem_shared>>) target(%arg12 : memref<128x64xf32, #tpu.memory_space<vmem>>) offsets(%dma_start3A_884 : memref<128xi32, #tpu.memory_space<vmem>>) semaphore(%arg18 : memref<!tpu.dma_semaphore, #tpu.memory_space<semaphore_mem>>)
      } else {
      }
      %mul3A_836 = arith.constant 16 : i32
      %mul3A_837 = arith.muli %add3A_562, %mul3A_836 : i32
      %add3A_838 = arith.constant 14 : i32
      %add3A_839 = arith.addi %mul3A_837, %add3A_838 : i32
      %dma_wait3A_840 = arith.constant 14 : i32
      %dma_wait3A_841 = arith.constant 0 : i32
      %dma_wait3A_842 = tpu.memref_slice %arg8[%dma_wait3A_840, %dma_wait3A_841] : memref<16x128xi32, #tpu.memory_space<vmem>> -> memref<1x128xi32, #tpu.memory_space<vmem>>
      %dma_wait3A_843 = tpu.memref_squeeze %dma_wait3A_842 : memref<1x128xi32, #tpu.memory_space<vmem>> -> memref<128xi32, #tpu.memory_space<vmem>>
      %dma_wait3A_844 = arith.constant 0 : i32
      %dma_wait3A_845 = arith.constant 0 : i32
      %dma_wait3A_846 = tpu.memref_slice %arg15[%dma_wait3A_844, %dma_wait3A_845] : memref<10240x64xf32, #tpu.memory_space<vmem_shared>> -> memref<10240x64xf32, #tpu.memory_space<vmem_shared>>
      tpu.wait_indirect_dma semaphore(%arg19 : memref<!tpu.dma_semaphore, #tpu.memory_space<semaphore_mem>>) src(%dma_wait3A_846 : memref<10240x64xf32, #tpu.memory_space<vmem_shared>>) dst(%arg13 : memref<128x64xf32, #tpu.memory_space<vmem>>)
      %run_scoped3A_847 = arith.constant 14 : i32
      "tpu.region"() ({
        %run_scoped3A_881 = tpu.sem_alloc : memref<!tpu.dma_semaphore, #tpu.memory_space<semaphore_mem>>
        %dma_start3A_882 = arith.constant 0 : i32
        %dma_start3A_883 = tpu.memref_slice %arg10[%run_scoped3A_847, %dma_start3A_882] : memref<16x128xi32, #tpu.memory_space<vmem>> -> memref<1x128xi32, #tpu.memory_space<vmem>>
        %dma_start3A_884 = tpu.memref_squeeze %dma_start3A_883 : memref<1x128xi32, #tpu.memory_space<vmem>> -> memref<128xi32, #tpu.memory_space<vmem>>
        %dma_start3A_885 = arith.constant 0 : i32
        %dma_start3A_886 = arith.constant 0 : i32
        %dma_start3A_887 = tpu.memref_slice %arg16[%dma_start3A_885, %dma_start3A_886] : memref<10240x64xf32, #tpu.memory_space<vmem_shared>> -> memref<10240x64xf32, #tpu.memory_space<vmem_shared>>
        tpu.enqueue_indirect_dma source(%arg13 : memref<128x64xf32, #tpu.memory_space<vmem>>) target(%dma_start3A_887 : memref<10240x64xf32, #tpu.memory_space<vmem_shared>>) offsets(%dma_start3A_884 : memref<128xi32, #tpu.memory_space<vmem>>) semaphore(%run_scoped3A_881 : memref<!tpu.dma_semaphore, #tpu.memory_space<semaphore_mem>>) {add = true}
        %dma_wait3A_888 = arith.constant 0 : i32
        %dma_wait3A_889 = tpu.memref_slice %arg10[%run_scoped3A_847, %dma_wait3A_888] : memref<16x128xi32, #tpu.memory_space<vmem>> -> memref<1x128xi32, #tpu.memory_space<vmem>>
        %dma_wait3A_890 = tpu.memref_squeeze %dma_wait3A_889 : memref<1x128xi32, #tpu.memory_space<vmem>> -> memref<128xi32, #tpu.memory_space<vmem>>
        %dma_wait3A_891 = arith.constant 0 : i32
        %dma_wait3A_892 = arith.constant 0 : i32
        %dma_wait3A_893 = tpu.memref_slice %arg16[%dma_wait3A_891, %dma_wait3A_892] : memref<10240x64xf32, #tpu.memory_space<vmem_shared>> -> memref<10240x64xf32, #tpu.memory_space<vmem_shared>>
        tpu.wait_indirect_dma semaphore(%run_scoped3A_881 : memref<!tpu.dma_semaphore, #tpu.memory_space<semaphore_mem>>) src(%arg13 : memref<128x64xf32, #tpu.memory_space<vmem>>) dst(%dma_wait3A_893 : memref<10240x64xf32, #tpu.memory_space<vmem_shared>>)
        tpu.yield
      }) : () -> ()
      %add3A_848 = arith.constant 4 : i32
      %add3A_849 = arith.addi %add3A_839, %add3A_848 : i32
      %lt3A_850 = arith.constant 160 : i32
      %lt3A_851 = arith.cmpi slt, %add3A_849, %lt3A_850 : i32
      %convert_element_type3A_852 = arith.extui %lt3A_851 : i1 to i32
      %cond3A_853 = arith.constant 0 : i32
      %cond3A_854 = arith.cmpi ne, %convert_element_type3A_852, %cond3A_853 : i32
      scf.if %cond3A_854 {
        %dma_start3A_881 = arith.constant 2 : i32
        %dma_start3A_882 = arith.constant 0 : i32
        %dma_start3A_883 = tpu.memref_slice %arg7[%dma_start3A_881, %dma_start3A_882] : memref<16x128xi32, #tpu.memory_space<vmem>> -> memref<1x128xi32, #tpu.memory_space<vmem>>
        %dma_start3A_884 = tpu.memref_squeeze %dma_start3A_883 : memref<1x128xi32, #tpu.memory_space<vmem>> -> memref<128xi32, #tpu.memory_space<vmem>>
        %dma_start3A_885 = arith.constant 0 : i32
        %dma_start3A_886 = arith.constant 0 : i32
        %dma_start3A_887 = tpu.memref_slice %arg15[%dma_start3A_885, %dma_start3A_886] : memref<10240x64xf32, #tpu.memory_space<vmem_shared>> -> memref<10240x64xf32, #tpu.memory_space<vmem_shared>>
        tpu.enqueue_indirect_dma source(%dma_start3A_887 : memref<10240x64xf32, #tpu.memory_space<vmem_shared>>) target(%arg13 : memref<128x64xf32, #tpu.memory_space<vmem>>) offsets(%dma_start3A_884 : memref<128xi32, #tpu.memory_space<vmem>>) semaphore(%arg19 : memref<!tpu.dma_semaphore, #tpu.memory_space<semaphore_mem>>)
      } else {
      }
      %mul3A_855 = arith.constant 16 : i32
      %mul3A_856 = arith.muli %add3A_562, %mul3A_855 : i32
      %add3A_857 = arith.constant 15 : i32
      %add3A_858 = arith.addi %mul3A_856, %add3A_857 : i32
      %dma_wait3A_859 = arith.constant 15 : i32
      %dma_wait3A_860 = arith.constant 0 : i32
      %dma_wait3A_861 = tpu.memref_slice %arg8[%dma_wait3A_859, %dma_wait3A_860] : memref<16x128xi32, #tpu.memory_space<vmem>> -> memref<1x128xi32, #tpu.memory_space<vmem>>
      %dma_wait3A_862 = tpu.memref_squeeze %dma_wait3A_861 : memref<1x128xi32, #tpu.memory_space<vmem>> -> memref<128xi32, #tpu.memory_space<vmem>>
      %dma_wait3A_863 = arith.constant 0 : i32
      %dma_wait3A_864 = arith.constant 0 : i32
      %dma_wait3A_865 = tpu.memref_slice %arg15[%dma_wait3A_863, %dma_wait3A_864] : memref<10240x64xf32, #tpu.memory_space<vmem_shared>> -> memref<10240x64xf32, #tpu.memory_space<vmem_shared>>
      tpu.wait_indirect_dma semaphore(%arg20 : memref<!tpu.dma_semaphore, #tpu.memory_space<semaphore_mem>>) src(%dma_wait3A_865 : memref<10240x64xf32, #tpu.memory_space<vmem_shared>>) dst(%arg14 : memref<128x64xf32, #tpu.memory_space<vmem>>)
      %run_scoped3A_866 = arith.constant 15 : i32
      "tpu.region"() ({
        %run_scoped3A_881 = tpu.sem_alloc : memref<!tpu.dma_semaphore, #tpu.memory_space<semaphore_mem>>
        %dma_start3A_882 = arith.constant 0 : i32
        %dma_start3A_883 = tpu.memref_slice %arg10[%run_scoped3A_866, %dma_start3A_882] : memref<16x128xi32, #tpu.memory_space<vmem>> -> memref<1x128xi32, #tpu.memory_space<vmem>>
        %dma_start3A_884 = tpu.memref_squeeze %dma_start3A_883 : memref<1x128xi32, #tpu.memory_space<vmem>> -> memref<128xi32, #tpu.memory_space<vmem>>
        %dma_start3A_885 = arith.constant 0 : i32
        %dma_start3A_886 = arith.constant 0 : i32
        %dma_start3A_887 = tpu.memref_slice %arg16[%dma_start3A_885, %dma_start3A_886] : memref<10240x64xf32, #tpu.memory_space<vmem_shared>> -> memref<10240x64xf32, #tpu.memory_space<vmem_shared>>
        tpu.enqueue_indirect_dma source(%arg14 : memref<128x64xf32, #tpu.memory_space<vmem>>) target(%dma_start3A_887 : memref<10240x64xf32, #tpu.memory_space<vmem_shared>>) offsets(%dma_start3A_884 : memref<128xi32, #tpu.memory_space<vmem>>) semaphore(%run_scoped3A_881 : memref<!tpu.dma_semaphore, #tpu.memory_space<semaphore_mem>>) {add = true}
        %dma_wait3A_888 = arith.constant 0 : i32
        %dma_wait3A_889 = tpu.memref_slice %arg10[%run_scoped3A_866, %dma_wait3A_888] : memref<16x128xi32, #tpu.memory_space<vmem>> -> memref<1x128xi32, #tpu.memory_space<vmem>>
        %dma_wait3A_890 = tpu.memref_squeeze %dma_wait3A_889 : memref<1x128xi32, #tpu.memory_space<vmem>> -> memref<128xi32, #tpu.memory_space<vmem>>
        %dma_wait3A_891 = arith.constant 0 : i32
        %dma_wait3A_892 = arith.constant 0 : i32
        %dma_wait3A_893 = tpu.memref_slice %arg16[%dma_wait3A_891, %dma_wait3A_892] : memref<10240x64xf32, #tpu.memory_space<vmem_shared>> -> memref<10240x64xf32, #tpu.memory_space<vmem_shared>>
        tpu.wait_indirect_dma semaphore(%run_scoped3A_881 : memref<!tpu.dma_semaphore, #tpu.memory_space<semaphore_mem>>) src(%arg14 : memref<128x64xf32, #tpu.memory_space<vmem>>) dst(%dma_wait3A_893 : memref<10240x64xf32, #tpu.memory_space<vmem_shared>>)
        tpu.yield
      }) : () -> ()
      %add3A_867 = arith.constant 4 : i32
      %add3A_868 = arith.addi %add3A_858, %add3A_867 : i32
      %lt3A_869 = arith.constant 160 : i32
      %lt3A_870 = arith.cmpi slt, %add3A_868, %lt3A_869 : i32
      %convert_element_type3A_871 = arith.extui %lt3A_870 : i1 to i32
      %cond3A_872 = arith.constant 0 : i32
      %cond3A_873 = arith.cmpi ne, %convert_element_type3A_871, %cond3A_872 : i32
      scf.if %cond3A_873 {
        %dma_start3A_881 = arith.constant 3 : i32
        %dma_start3A_882 = arith.constant 0 : i32
        %dma_start3A_883 = tpu.memref_slice %arg7[%dma_start3A_881, %dma_start3A_882] : memref<16x128xi32, #tpu.memory_space<vmem>> -> memref<1x128xi32, #tpu.memory_space<vmem>>
        %dma_start3A_884 = tpu.memref_squeeze %dma_start3A_883 : memref<1x128xi32, #tpu.memory_space<vmem>> -> memref<128xi32, #tpu.memory_space<vmem>>
        %dma_start3A_885 = arith.constant 0 : i32
        %dma_start3A_886 = arith.constant 0 : i32
        %dma_start3A_887 = tpu.memref_slice %arg15[%dma_start3A_885, %dma_start3A_886] : memref<10240x64xf32, #tpu.memory_space<vmem_shared>> -> memref<10240x64xf32, #tpu.memory_space<vmem_shared>>
        tpu.enqueue_indirect_dma source(%dma_start3A_887 : memref<10240x64xf32, #tpu.memory_space<vmem_shared>>) target(%arg14 : memref<128x64xf32, #tpu.memory_space<vmem>>) offsets(%dma_start3A_884 : memref<128xi32, #tpu.memory_space<vmem>>) semaphore(%arg20 : memref<!tpu.dma_semaphore, #tpu.memory_space<semaphore_mem>>)
      } else {
      }
      %add3A_874 = arith.constant 2 : i32
      %add3A_875 = arith.addi %add3A_562, %add3A_874 : i32
      %lt3A_876 = arith.constant 10 : i32
      %lt3A_877 = arith.cmpi slt, %add3A_875, %lt3A_876 : i32
      %convert_element_type3A_878 = arith.extui %lt3A_877 : i1 to i32
      %cond3A_879 = arith.constant 0 : i32
      %cond3A_880 = arith.cmpi ne, %convert_element_type3A_878, %cond3A_879 : i32
      scf.if %cond3A_880 {
        %add3A_881 = arith.constant 2 : i32
        %add3A_882 = arith.addi %add3A_562, %add3A_881 : i32
        %mul3A_883 = arith.constant 16 : i32
        %mul3A_884 = arith.muli %add3A_882, %mul3A_883 : i32
        %dma_start3A_885 = arith.constant 0 : i32
        %dma_start3A_886 = tpu.memref_slice %arg4[%arg1, %mul3A_884, %dma_start3A_885] : memref<16x160x128xi32, #tpu.memory_space<hbm>> -> memref<1x16x128xi32, #tpu.memory_space<hbm>>
        %dma_start3A_887 = tpu.memref_squeeze %dma_start3A_886 : memref<1x16x128xi32, #tpu.memory_space<hbm>> -> memref<16x128xi32, #tpu.memory_space<hbm>>
        %dma_start3A_888 = arith.constant 0 : i32
        %dma_start3A_889 = tpu.memref_slice %arg4[%arg1, %mul3A_884, %dma_start3A_888] : memref<16x160x128xi32, #tpu.memory_space<hbm>> -> memref<1x16x128xi32, #tpu.memory_space<hbm>>
        %dma_start3A_890 = tpu.memref_squeeze %dma_start3A_889 : memref<1x16x128xi32, #tpu.memory_space<hbm>> -> memref<16x128xi32, #tpu.memory_space<hbm>>
        tpu.enqueue_dma source(%dma_start3A_890 : memref<16x128xi32, #tpu.memory_space<hbm>>) target(%arg8 : memref<16x128xi32, #tpu.memory_space<vmem>>) target_semaphore(%arg22 : memref<!tpu.dma_semaphore, #tpu.memory_space<semaphore_mem>>)
        %mul3A_891 = arith.constant 16 : i32
        %mul3A_892 = arith.muli %add3A_882, %mul3A_891 : i32
        %dma_start3A_893 = arith.constant 0 : i32
        %dma_start3A_894 = tpu.memref_slice %arg3[%arg1, %mul3A_892, %dma_start3A_893] : memref<16x160x128xi32, #tpu.memory_space<hbm>> -> memref<1x16x128xi32, #tpu.memory_space<hbm>>
        %dma_start3A_895 = tpu.memref_squeeze %dma_start3A_894 : memref<1x16x128xi32, #tpu.memory_space<hbm>> -> memref<16x128xi32, #tpu.memory_space<hbm>>
        %dma_start3A_896 = arith.constant 0 : i32
        %dma_start3A_897 = tpu.memref_slice %arg3[%arg1, %mul3A_892, %dma_start3A_896] : memref<16x160x128xi32, #tpu.memory_space<hbm>> -> memref<1x16x128xi32, #tpu.memory_space<hbm>>
        %dma_start3A_898 = tpu.memref_squeeze %dma_start3A_897 : memref<1x16x128xi32, #tpu.memory_space<hbm>> -> memref<16x128xi32, #tpu.memory_space<hbm>>
        tpu.enqueue_dma source(%dma_start3A_898 : memref<16x128xi32, #tpu.memory_space<hbm>>) target(%arg10 : memref<16x128xi32, #tpu.memory_space<vmem>>) target_semaphore(%arg22 : memref<!tpu.dma_semaphore, #tpu.memory_space<semaphore_mem>>)
      } else {
      }
    }
    %scan3A_168 = arith.constant 5 : i32
    %barrier3A_169 = arith.constant 0 : index
    tpu.barrier barrier_id(%barrier3A_169)
    %add3A_170 = arith.constant 0 : i32
    %add3A_171 = arith.addi %mul3A_0, %add3A_170 : i32
    %dma_start3A_172 = arith.constant 0 : i32
    %dma_start3A_173 = tpu.memref_slice %arg6[%arg0, %add3A_171, %dma_start3A_172] : memref<2x10240x64xf32, #tpu.memory_space<hbm>> -> memref<1x128x64xf32, #tpu.memory_space<hbm>>
    %dma_start3A_174 = tpu.memref_squeeze %dma_start3A_173 : memref<1x128x64xf32, #tpu.memory_space<hbm>> -> memref<128x64xf32, #tpu.memory_space<hbm>>
    %dma_start3A_175 = arith.constant 0 : i32
    %dma_start3A_176 = tpu.memref_slice %arg16[%add3A_171, %dma_start3A_175] : memref<10240x64xf32, #tpu.memory_space<vmem_shared>> -> memref<128x64xf32, #tpu.memory_space<vmem_shared>>
    tpu.enqueue_dma source(%dma_start3A_176 : memref<128x64xf32, #tpu.memory_space<vmem_shared>>) target(%dma_start3A_174 : memref<128x64xf32, #tpu.memory_space<hbm>>) target_semaphore(%arg19 : memref<!tpu.dma_semaphore, #tpu.memory_space<semaphore_mem>>)
    %add3A_177 = arith.constant 128 : i32
    %add3A_178 = arith.addi %mul3A_0, %add3A_177 : i32
    %dma_start3A_179 = arith.constant 0 : i32
    %dma_start3A_180 = tpu.memref_slice %arg6[%arg0, %add3A_178, %dma_start3A_179] : memref<2x10240x64xf32, #tpu.memory_space<hbm>> -> memref<1x128x64xf32, #tpu.memory_space<hbm>>
    %dma_start3A_181 = tpu.memref_squeeze %dma_start3A_180 : memref<1x128x64xf32, #tpu.memory_space<hbm>> -> memref<128x64xf32, #tpu.memory_space<hbm>>
    %dma_start3A_182 = arith.constant 0 : i32
    %dma_start3A_183 = tpu.memref_slice %arg16[%add3A_178, %dma_start3A_182] : memref<10240x64xf32, #tpu.memory_space<vmem_shared>> -> memref<128x64xf32, #tpu.memory_space<vmem_shared>>
    tpu.enqueue_dma source(%dma_start3A_183 : memref<128x64xf32, #tpu.memory_space<vmem_shared>>) target(%dma_start3A_181 : memref<128x64xf32, #tpu.memory_space<hbm>>) target_semaphore(%arg19 : memref<!tpu.dma_semaphore, #tpu.memory_space<semaphore_mem>>)
    %add3A_184 = arith.constant 256 : i32
    %add3A_185 = arith.addi %mul3A_0, %add3A_184 : i32
    %dma_start3A_186 = arith.constant 0 : i32
    %dma_start3A_187 = tpu.memref_slice %arg6[%arg0, %add3A_185, %dma_start3A_186] : memref<2x10240x64xf32, #tpu.memory_space<hbm>> -> memref<1x128x64xf32, #tpu.memory_space<hbm>>
    %dma_start3A_188 = tpu.memref_squeeze %dma_start3A_187 : memref<1x128x64xf32, #tpu.memory_space<hbm>> -> memref<128x64xf32, #tpu.memory_space<hbm>>
    %dma_start3A_189 = arith.constant 0 : i32
    %dma_start3A_190 = tpu.memref_slice %arg16[%add3A_185, %dma_start3A_189] : memref<10240x64xf32, #tpu.memory_space<vmem_shared>> -> memref<128x64xf32, #tpu.memory_space<vmem_shared>>
    tpu.enqueue_dma source(%dma_start3A_190 : memref<128x64xf32, #tpu.memory_space<vmem_shared>>) target(%dma_start3A_188 : memref<128x64xf32, #tpu.memory_space<hbm>>) target_semaphore(%arg19 : memref<!tpu.dma_semaphore, #tpu.memory_space<semaphore_mem>>)
    %add3A_191 = arith.constant 384 : i32
    %add3A_192 = arith.addi %mul3A_0, %add3A_191 : i32
    %dma_start3A_193 = arith.constant 0 : i32
    %dma_start3A_194 = tpu.memref_slice %arg6[%arg0, %add3A_192, %dma_start3A_193] : memref<2x10240x64xf32, #tpu.memory_space<hbm>> -> memref<1x128x64xf32, #tpu.memory_space<hbm>>
    %dma_start3A_195 = tpu.memref_squeeze %dma_start3A_194 : memref<1x128x64xf32, #tpu.memory_space<hbm>> -> memref<128x64xf32, #tpu.memory_space<hbm>>
    %dma_start3A_196 = arith.constant 0 : i32
    %dma_start3A_197 = tpu.memref_slice %arg16[%add3A_192, %dma_start3A_196] : memref<10240x64xf32, #tpu.memory_space<vmem_shared>> -> memref<128x64xf32, #tpu.memory_space<vmem_shared>>
    tpu.enqueue_dma source(%dma_start3A_197 : memref<128x64xf32, #tpu.memory_space<vmem_shared>>) target(%dma_start3A_195 : memref<128x64xf32, #tpu.memory_space<hbm>>) target_semaphore(%arg19 : memref<!tpu.dma_semaphore, #tpu.memory_space<semaphore_mem>>)
    %add3A_198 = arith.constant 512 : i32
    %add3A_199 = arith.addi %mul3A_0, %add3A_198 : i32
    %dma_start3A_200 = arith.constant 0 : i32
    %dma_start3A_201 = tpu.memref_slice %arg6[%arg0, %add3A_199, %dma_start3A_200] : memref<2x10240x64xf32, #tpu.memory_space<hbm>> -> memref<1x128x64xf32, #tpu.memory_space<hbm>>
    %dma_start3A_202 = tpu.memref_squeeze %dma_start3A_201 : memref<1x128x64xf32, #tpu.memory_space<hbm>> -> memref<128x64xf32, #tpu.memory_space<hbm>>
    %dma_start3A_203 = arith.constant 0 : i32
    %dma_start3A_204 = tpu.memref_slice %arg16[%add3A_199, %dma_start3A_203] : memref<10240x64xf32, #tpu.memory_space<vmem_shared>> -> memref<128x64xf32, #tpu.memory_space<vmem_shared>>
    tpu.enqueue_dma source(%dma_start3A_204 : memref<128x64xf32, #tpu.memory_space<vmem_shared>>) target(%dma_start3A_202 : memref<128x64xf32, #tpu.memory_space<hbm>>) target_semaphore(%arg19 : memref<!tpu.dma_semaphore, #tpu.memory_space<semaphore_mem>>)
    %add3A_205 = arith.constant 0 : i32
    %add3A_206 = arith.addi %mul3A_0, %add3A_205 : i32
    %dma_wait3A_207 = arith.constant 0 : i32
    %dma_wait3A_208 = tpu.memref_slice %arg6[%arg0, %add3A_206, %dma_wait3A_207] : memref<2x10240x64xf32, #tpu.memory_space<hbm>> -> memref<1x128x64xf32, #tpu.memory_space<hbm>>
    %dma_wait3A_209 = tpu.memref_squeeze %dma_wait3A_208 : memref<1x128x64xf32, #tpu.memory_space<hbm>> -> memref<128x64xf32, #tpu.memory_space<hbm>>
    %dma_wait3A_210 = arith.constant 0 : i32
    %dma_wait3A_211 = tpu.memref_slice %arg16[%add3A_206, %dma_wait3A_210] : memref<10240x64xf32, #tpu.memory_space<vmem_shared>> -> memref<128x64xf32, #tpu.memory_space<vmem_shared>>
    tpu.wait_dma2 semaphore(%arg19 : memref<!tpu.dma_semaphore, #tpu.memory_space<semaphore_mem>>) src(%dma_wait3A_211 : memref<128x64xf32, #tpu.memory_space<vmem_shared>>) dst(%dma_wait3A_209 : memref<128x64xf32, #tpu.memory_space<hbm>>)
    %add3A_212 = arith.constant 128 : i32
    %add3A_213 = arith.addi %mul3A_0, %add3A_212 : i32
    %dma_wait3A_214 = arith.constant 0 : i32
    %dma_wait3A_215 = tpu.memref_slice %arg6[%arg0, %add3A_213, %dma_wait3A_214] : memref<2x10240x64xf32, #tpu.memory_space<hbm>> -> memref<1x128x64xf32, #tpu.memory_space<hbm>>
    %dma_wait3A_216 = tpu.memref_squeeze %dma_wait3A_215 : memref<1x128x64xf32, #tpu.memory_space<hbm>> -> memref<128x64xf32, #tpu.memory_space<hbm>>
    %dma_wait3A_217 = arith.constant 0 : i32
    %dma_wait3A_218 = tpu.memref_slice %arg16[%add3A_213, %dma_wait3A_217] : memref<10240x64xf32, #tpu.memory_space<vmem_shared>> -> memref<128x64xf32, #tpu.memory_space<vmem_shared>>
    tpu.wait_dma2 semaphore(%arg19 : memref<!tpu.dma_semaphore, #tpu.memory_space<semaphore_mem>>) src(%dma_wait3A_218 : memref<128x64xf32, #tpu.memory_space<vmem_shared>>) dst(%dma_wait3A_216 : memref<128x64xf32, #tpu.memory_space<hbm>>)
    %add3A_219 = arith.constant 256 : i32
    %add3A_220 = arith.addi %mul3A_0, %add3A_219 : i32
    %dma_wait3A_221 = arith.constant 0 : i32
    %dma_wait3A_222 = tpu.memref_slice %arg6[%arg0, %add3A_220, %dma_wait3A_221] : memref<2x10240x64xf32, #tpu.memory_space<hbm>> -> memref<1x128x64xf32, #tpu.memory_space<hbm>>
    %dma_wait3A_223 = tpu.memref_squeeze %dma_wait3A_222 : memref<1x128x64xf32, #tpu.memory_space<hbm>> -> memref<128x64xf32, #tpu.memory_space<hbm>>
    %dma_wait3A_224 = arith.constant 0 : i32
    %dma_wait3A_225 = tpu.memref_slice %arg16[%add3A_220, %dma_wait3A_224] : memref<10240x64xf32, #tpu.memory_space<vmem_shared>> -> memref<128x64xf32, #tpu.memory_space<vmem_shared>>
    tpu.wait_dma2 semaphore(%arg19 : memref<!tpu.dma_semaphore, #tpu.memory_space<semaphore_mem>>) src(%dma_wait3A_225 : memref<128x64xf32, #tpu.memory_space<vmem_shared>>) dst(%dma_wait3A_223 : memref<128x64xf32, #tpu.memory_space<hbm>>)
    %add3A_226 = arith.constant 384 : i32
    %add3A_227 = arith.addi %mul3A_0, %add3A_226 : i32
    %dma_wait3A_228 = arith.constant 0 : i32
    %dma_wait3A_229 = tpu.memref_slice %arg6[%arg0, %add3A_227, %dma_wait3A_228] : memref<2x10240x64xf32, #tpu.memory_space<hbm>> -> memref<1x128x64xf32, #tpu.memory_space<hbm>>
    %dma_wait3A_230 = tpu.memref_squeeze %dma_wait3A_229 : memref<1x128x64xf32, #tpu.memory_space<hbm>> -> memref<128x64xf32, #tpu.memory_space<hbm>>
    %dma_wait3A_231 = arith.constant 0 : i32
    %dma_wait3A_232 = tpu.memref_slice %arg16[%add3A_227, %dma_wait3A_231] : memref<10240x64xf32, #tpu.memory_space<vmem_shared>> -> memref<128x64xf32, #tpu.memory_space<vmem_shared>>
    tpu.wait_dma2 semaphore(%arg19 : memref<!tpu.dma_semaphore, #tpu.memory_space<semaphore_mem>>) src(%dma_wait3A_232 : memref<128x64xf32, #tpu.memory_space<vmem_shared>>) dst(%dma_wait3A_230 : memref<128x64xf32, #tpu.memory_space<hbm>>)
    %add3A_233 = arith.constant 512 : i32
    %add3A_234 = arith.addi %mul3A_0, %add3A_233 : i32
    %dma_wait3A_235 = arith.constant 0 : i32
    %dma_wait3A_236 = tpu.memref_slice %arg6[%arg0, %add3A_234, %dma_wait3A_235] : memref<2x10240x64xf32, #tpu.memory_space<hbm>> -> memref<1x128x64xf32, #tpu.memory_space<hbm>>
    %dma_wait3A_237 = tpu.memref_squeeze %dma_wait3A_236 : memref<1x128x64xf32, #tpu.memory_space<hbm>> -> memref<128x64xf32, #tpu.memory_space<hbm>>
    %dma_wait3A_238 = arith.constant 0 : i32
    %dma_wait3A_239 = tpu.memref_slice %arg16[%add3A_234, %dma_wait3A_238] : memref<10240x64xf32, #tpu.memory_space<vmem_shared>> -> memref<128x64xf32, #tpu.memory_space<vmem_shared>>
    tpu.wait_dma2 semaphore(%arg19 : memref<!tpu.dma_semaphore, #tpu.memory_space<semaphore_mem>>) src(%dma_wait3A_239 : memref<128x64xf32, #tpu.memory_space<vmem_shared>>) dst(%dma_wait3A_237 : memref<128x64xf32, #tpu.memory_space<hbm>>)
    return
  }
}

#map = affine_map<(d0, d1) -> (0, 0, 0)>
#map1 = affine_map<(d0, d1) -> (0, 0)>
module attributes {stable_mosaic.version = 14 : i64} {
  func.func @k(%arg0: i32, %arg1: i32, %arg2: memref<2x10240x64xf32, #tpu.memory_space<hbm>>, %arg3: memref<16x160x128xi32, #tpu.memory_space<hbm>>, %arg4: memref<16x160x128xi32, #tpu.memory_space<hbm>>, %arg5: memref<128x64xf32, #tpu.memory_space<hbm>>, %arg6: memref<2x10240x64xf32, #tpu.memory_space<hbm>>, %arg7: memref<16x128xi32, #tpu.memory_space<vmem>>, %arg8: memref<16x128xi32, #tpu.memory_space<vmem>>, %arg9: memref<16x128xi32, #tpu.memory_space<vmem>>, %arg10: memref<16x128xi32, #tpu.memory_space<vmem>>, %arg11: memref<128x64xf32, #tpu.memory_space<vmem>>, %arg12: memref<128x64xf32, #tpu.memory_space<vmem>>, %arg13: memref<128x64xf32, #tpu.memory_space<vmem>>, %arg14: memref<128x64xf32, #tpu.memory_space<vmem>>, %arg15: memref<10240x64xf32, #tpu.memory_space<vmem_shared>>, %arg16: memref<10240x64xf32, #tpu.memory_space<vmem_shared>>, %arg17: memref<!tpu.dma_semaphore, #tpu.memory_space<semaphore_mem>>, %arg18: memref<!tpu.dma_semaphore, #tpu.memory_space<semaphore_mem>>, %arg19: memref<!tpu.dma_semaphore, #tpu.memory_space<semaphore_mem>>, %arg20: memref<!tpu.dma_semaphore, #tpu.memory_space<semaphore_mem>>, %arg21: memref<!tpu.dma_semaphore, #tpu.memory_space<semaphore_mem>>, %arg22: memref<!tpu.dma_semaphore, #tpu.memory_space<semaphore_mem>>) attributes {dimension_semantics = [#tpu.dimension_semantics<core_parallel>, #tpu.dimension_semantics<subcore_parallel>], iteration_bounds = array<i64: 2, 16>, scalar_prefetch = 0 : i64, scratch_operands = 16 : i64, tpu.core_type = #tpu.core_type<sc_vector_subcore>, window_params = [{transform_indices = #map}, {transform_indices = #map}, {transform_indices = #map}, {transform_indices = #map1}, {transform_indices = #map}]} {
    %mul3A = arith.constant 640 : i32
    %mul3A_0 = arith.muli %arg1, %mul3A : i32
    %add3A = arith.constant 0 : i32
    %add3A_1 = arith.addi %mul3A_0, %add3A : i32
    %dma_start3A = arith.constant 0 : i32
    %dma_start3A_2 = tpu.memref_slice %arg15[%add3A_1, %dma_start3A] : memref<10240x64xf32, #tpu.memory_space<vmem_shared>> -> memref<128x64xf32, #tpu.memory_space<vmem_shared>>
    %dma_start3A_3 = arith.constant 0 : i32
    %dma_start3A_4 = tpu.memref_slice %arg2[%arg0, %add3A_1, %dma_start3A_3] : memref<2x10240x64xf32, #tpu.memory_space<hbm>> -> memref<1x128x64xf32, #tpu.memory_space<hbm>>
    %dma_start3A_5 = tpu.memref_squeeze %dma_start3A_4 : memref<1x128x64xf32, #tpu.memory_space<hbm>> -> memref<128x64xf32, #tpu.memory_space<hbm>>
    tpu.enqueue_dma source(%dma_start3A_5 : memref<128x64xf32, #tpu.memory_space<hbm>>) target(%dma_start3A_2 : memref<128x64xf32, #tpu.memory_space<vmem_shared>>) target_semaphore(%arg17 : memref<!tpu.dma_semaphore, #tpu.memory_space<semaphore_mem>>)
    %dma_start3A_6 = arith.constant 0 : i32
    %dma_start3A_7 = tpu.memref_slice %arg16[%add3A_1, %dma_start3A_6] : memref<10240x64xf32, #tpu.memory_space<vmem_shared>> -> memref<128x64xf32, #tpu.memory_space<vmem_shared>>
    tpu.enqueue_dma source(%arg5 : memref<128x64xf32, #tpu.memory_space<hbm>>) target(%dma_start3A_7 : memref<128x64xf32, #tpu.memory_space<vmem_shared>>) target_semaphore(%arg18 : memref<!tpu.dma_semaphore, #tpu.memory_space<semaphore_mem>>)
    %add3A_8 = arith.constant 128 : i32
    %add3A_9 = arith.addi %mul3A_0, %add3A_8 : i32
    %dma_start3A_10 = arith.constant 0 : i32
    %dma_start3A_11 = tpu.memref_slice %arg15[%add3A_9, %dma_start3A_10] : memref<10240x64xf32, #tpu.memory_space<vmem_shared>> -> memref<128x64xf32, #tpu.memory_space<vmem_shared>>
    %dma_start3A_12 = arith.constant 0 : i32
    %dma_start3A_13 = tpu.memref_slice %arg2[%arg0, %add3A_9, %dma_start3A_12] : memref<2x10240x64xf32, #tpu.memory_space<hbm>> -> memref<1x128x64xf32, #tpu.memory_space<hbm>>
    %dma_start3A_14 = tpu.memref_squeeze %dma_start3A_13 : memref<1x128x64xf32, #tpu.memory_space<hbm>> -> memref<128x64xf32, #tpu.memory_space<hbm>>
    tpu.enqueue_dma source(%dma_start3A_14 : memref<128x64xf32, #tpu.memory_space<hbm>>) target(%dma_start3A_11 : memref<128x64xf32, #tpu.memory_space<vmem_shared>>) target_semaphore(%arg17 : memref<!tpu.dma_semaphore, #tpu.memory_space<semaphore_mem>>)
    %dma_start3A_15 = arith.constant 0 : i32
    %dma_start3A_16 = tpu.memref_slice %arg16[%add3A_9, %dma_start3A_15] : memref<10240x64xf32, #tpu.memory_space<vmem_shared>> -> memref<128x64xf32, #tpu.memory_space<vmem_shared>>
    tpu.enqueue_dma source(%arg5 : memref<128x64xf32, #tpu.memory_space<hbm>>) target(%dma_start3A_16 : memref<128x64xf32, #tpu.memory_space<vmem_shared>>) target_semaphore(%arg18 : memref<!tpu.dma_semaphore, #tpu.memory_space<semaphore_mem>>)
    %add3A_17 = arith.constant 256 : i32
    %add3A_18 = arith.addi %mul3A_0, %add3A_17 : i32
    %dma_start3A_19 = arith.constant 0 : i32
    %dma_start3A_20 = tpu.memref_slice %arg15[%add3A_18, %dma_start3A_19] : memref<10240x64xf32, #tpu.memory_space<vmem_shared>> -> memref<128x64xf32, #tpu.memory_space<vmem_shared>>
    %dma_start3A_21 = arith.constant 0 : i32
    %dma_start3A_22 = tpu.memref_slice %arg2[%arg0, %add3A_18, %dma_start3A_21] : memref<2x10240x64xf32, #tpu.memory_space<hbm>> -> memref<1x128x64xf32, #tpu.memory_space<hbm>>
    %dma_start3A_23 = tpu.memref_squeeze %dma_start3A_22 : memref<1x128x64xf32, #tpu.memory_space<hbm>> -> memref<128x64xf32, #tpu.memory_space<hbm>>
    tpu.enqueue_dma source(%dma_start3A_23 : memref<128x64xf32, #tpu.memory_space<hbm>>) target(%dma_start3A_20 : memref<128x64xf32, #tpu.memory_space<vmem_shared>>) target_semaphore(%arg17 : memref<!tpu.dma_semaphore, #tpu.memory_space<semaphore_mem>>)
    %dma_start3A_24 = arith.constant 0 : i32
    %dma_start3A_25 = tpu.memref_slice %arg16[%add3A_18, %dma_start3A_24] : memref<10240x64xf32, #tpu.memory_space<vmem_shared>> -> memref<128x64xf32, #tpu.memory_space<vmem_shared>>
    tpu.enqueue_dma source(%arg5 : memref<128x64xf32, #tpu.memory_space<hbm>>) target(%dma_start3A_25 : memref<128x64xf32, #tpu.memory_space<vmem_shared>>) target_semaphore(%arg18 : memref<!tpu.dma_semaphore, #tpu.memory_space<semaphore_mem>>)
    %add3A_26 = arith.constant 384 : i32
    %add3A_27 = arith.addi %mul3A_0, %add3A_26 : i32
    %dma_start3A_28 = arith.constant 0 : i32
    %dma_start3A_29 = tpu.memref_slice %arg15[%add3A_27, %dma_start3A_28] : memref<10240x64xf32, #tpu.memory_space<vmem_shared>> -> memref<128x64xf32, #tpu.memory_space<vmem_shared>>
    %dma_start3A_30 = arith.constant 0 : i32
    %dma_start3A_31 = tpu.memref_slice %arg2[%arg0, %add3A_27, %dma_start3A_30] : memref<2x10240x64xf32, #tpu.memory_space<hbm>> -> memref<1x128x64xf32, #tpu.memory_space<hbm>>
    %dma_start3A_32 = tpu.memref_squeeze %dma_start3A_31 : memref<1x128x64xf32, #tpu.memory_space<hbm>> -> memref<128x64xf32, #tpu.memory_space<hbm>>
    tpu.enqueue_dma source(%dma_start3A_32 : memref<128x64xf32, #tpu.memory_space<hbm>>) target(%dma_start3A_29 : memref<128x64xf32, #tpu.memory_space<vmem_shared>>) target_semaphore(%arg17 : memref<!tpu.dma_semaphore, #tpu.memory_space<semaphore_mem>>)
    %dma_start3A_33 = arith.constant 0 : i32
    %dma_start3A_34 = tpu.memref_slice %arg16[%add3A_27, %dma_start3A_33] : memref<10240x64xf32, #tpu.memory_space<vmem_shared>> -> memref<128x64xf32, #tpu.memory_space<vmem_shared>>
    tpu.enqueue_dma source(%arg5 : memref<128x64xf32, #tpu.memory_space<hbm>>) target(%dma_start3A_34 : memref<128x64xf32, #tpu.memory_space<vmem_shared>>) target_semaphore(%arg18 : memref<!tpu.dma_semaphore, #tpu.memory_space<semaphore_mem>>)
    %add3A_35 = arith.constant 512 : i32
    %add3A_36 = arith.addi %mul3A_0, %add3A_35 : i32
    %dma_start3A_37 = arith.constant 0 : i32
    %dma_start3A_38 = tpu.memref_slice %arg15[%add3A_36, %dma_start3A_37] : memref<10240x64xf32, #tpu.memory_space<vmem_shared>> -> memref<128x64xf32, #tpu.memory_space<vmem_shared>>
    %dma_start3A_39 = arith.constant 0 : i32
    %dma_start3A_40 = tpu.memref_slice %arg2[%arg0, %add3A_36, %dma_start3A_39] : memref<2x10240x64xf32, #tpu.memory_space<hbm>> -> memref<1x128x64xf32, #tpu.memory_space<hbm>>
    %dma_start3A_41 = tpu.memref_squeeze %dma_start3A_40 : memref<1x128x64xf32, #tpu.memory_space<hbm>> -> memref<128x64xf32, #tpu.memory_space<hbm>>
    tpu.enqueue_dma source(%dma_start3A_41 : memref<128x64xf32, #tpu.memory_space<hbm>>) target(%dma_start3A_38 : memref<128x64xf32, #tpu.memory_space<vmem_shared>>) target_semaphore(%arg17 : memref<!tpu.dma_semaphore, #tpu.memory_space<semaphore_mem>>)
    %dma_start3A_42 = arith.constant 0 : i32
    %dma_start3A_43 = tpu.memref_slice %arg16[%add3A_36, %dma_start3A_42] : memref<10240x64xf32, #tpu.memory_space<vmem_shared>> -> memref<128x64xf32, #tpu.memory_space<vmem_shared>>
    tpu.enqueue_dma source(%arg5 : memref<128x64xf32, #tpu.memory_space<hbm>>) target(%dma_start3A_43 : memref<128x64xf32, #tpu.memory_space<vmem_shared>>) target_semaphore(%arg18 : memref<!tpu.dma_semaphore, #tpu.memory_space<semaphore_mem>>)
    %add3A_44 = arith.constant 0 : i32
    %add3A_45 = arith.addi %mul3A_0, %add3A_44 : i32
    %dma_wait3A = arith.constant 0 : i32
    %dma_wait3A_46 = tpu.memref_slice %arg15[%add3A_45, %dma_wait3A] : memref<10240x64xf32, #tpu.memory_space<vmem_shared>> -> memref<128x64xf32, #tpu.memory_space<vmem_shared>>
    %dma_wait3A_47 = arith.constant 0 : i32
    %dma_wait3A_48 = tpu.memref_slice %arg2[%arg0, %add3A_45, %dma_wait3A_47] : memref<2x10240x64xf32, #tpu.memory_space<hbm>> -> memref<1x128x64xf32, #tpu.memory_space<hbm>>
    %dma_wait3A_49 = tpu.memref_squeeze %dma_wait3A_48 : memref<1x128x64xf32, #tpu.memory_space<hbm>> -> memref<128x64xf32, #tpu.memory_space<hbm>>
    tpu.wait_dma2 semaphore(%arg17 : memref<!tpu.dma_semaphore, #tpu.memory_space<semaphore_mem>>) src(%dma_wait3A_49 : memref<128x64xf32, #tpu.memory_space<hbm>>) dst(%dma_wait3A_46 : memref<128x64xf32, #tpu.memory_space<vmem_shared>>)
    %dma_wait3A_50 = arith.constant 0 : i32
    %dma_wait3A_51 = tpu.memref_slice %arg16[%add3A_45, %dma_wait3A_50] : memref<10240x64xf32, #tpu.memory_space<vmem_shared>> -> memref<128x64xf32, #tpu.memory_space<vmem_shared>>
    tpu.wait_dma2 semaphore(%arg18 : memref<!tpu.dma_semaphore, #tpu.memory_space<semaphore_mem>>) src(%arg5 : memref<128x64xf32, #tpu.memory_space<hbm>>) dst(%dma_wait3A_51 : memref<128x64xf32, #tpu.memory_space<vmem_shared>>)
    %add3A_52 = arith.constant 128 : i32
    %add3A_53 = arith.addi %mul3A_0, %add3A_52 : i32
    %dma_wait3A_54 = arith.constant 0 : i32
    %dma_wait3A_55 = tpu.memref_slice %arg15[%add3A_53, %dma_wait3A_54] : memref<10240x64xf32, #tpu.memory_space<vmem_shared>> -> memref<128x64xf32, #tpu.memory_space<vmem_shared>>
    %dma_wait3A_56 = arith.constant 0 : i32
    %dma_wait3A_57 = tpu.memref_slice %arg2[%arg0, %add3A_53, %dma_wait3A_56] : memref<2x10240x64xf32, #tpu.memory_space<hbm>> -> memref<1x128x64xf32, #tpu.memory_space<hbm>>
    %dma_wait3A_58 = tpu.memref_squeeze %dma_wait3A_57 : memref<1x128x64xf32, #tpu.memory_space<hbm>> -> memref<128x64xf32, #tpu.memory_space<hbm>>
    tpu.wait_dma2 semaphore(%arg17 : memref<!tpu.dma_semaphore, #tpu.memory_space<semaphore_mem>>) src(%dma_wait3A_58 : memref<128x64xf32, #tpu.memory_space<hbm>>) dst(%dma_wait3A_55 : memref<128x64xf32, #tpu.memory_space<vmem_shared>>)
    %dma_wait3A_59 = arith.constant 0 : i32
    %dma_wait3A_60 = tpu.memref_slice %arg16[%add3A_53, %dma_wait3A_59] : memref<10240x64xf32, #tpu.memory_space<vmem_shared>> -> memref<128x64xf32, #tpu.memory_space<vmem_shared>>
    tpu.wait_dma2 semaphore(%arg18 : memref<!tpu.dma_semaphore, #tpu.memory_space<semaphore_mem>>) src(%arg5 : memref<128x64xf32, #tpu.memory_space<hbm>>) dst(%dma_wait3A_60 : memref<128x64xf32, #tpu.memory_space<vmem_shared>>)
    %add3A_61 = arith.constant 256 : i32
    %add3A_62 = arith.addi %mul3A_0, %add3A_61 : i32
    %dma_wait3A_63 = arith.constant 0 : i32
    %dma_wait3A_64 = tpu.memref_slice %arg15[%add3A_62, %dma_wait3A_63] : memref<10240x64xf32, #tpu.memory_space<vmem_shared>> -> memref<128x64xf32, #tpu.memory_space<vmem_shared>>
    %dma_wait3A_65 = arith.constant 0 : i32
    %dma_wait3A_66 = tpu.memref_slice %arg2[%arg0, %add3A_62, %dma_wait3A_65] : memref<2x10240x64xf32, #tpu.memory_space<hbm>> -> memref<1x128x64xf32, #tpu.memory_space<hbm>>
    %dma_wait3A_67 = tpu.memref_squeeze %dma_wait3A_66 : memref<1x128x64xf32, #tpu.memory_space<hbm>> -> memref<128x64xf32, #tpu.memory_space<hbm>>
    tpu.wait_dma2 semaphore(%arg17 : memref<!tpu.dma_semaphore, #tpu.memory_space<semaphore_mem>>) src(%dma_wait3A_67 : memref<128x64xf32, #tpu.memory_space<hbm>>) dst(%dma_wait3A_64 : memref<128x64xf32, #tpu.memory_space<vmem_shared>>)
    %dma_wait3A_68 = arith.constant 0 : i32
    %dma_wait3A_69 = tpu.memref_slice %arg16[%add3A_62, %dma_wait3A_68] : memref<10240x64xf32, #tpu.memory_space<vmem_shared>> -> memref<128x64xf32, #tpu.memory_space<vmem_shared>>
    tpu.wait_dma2 semaphore(%arg18 : memref<!tpu.dma_semaphore, #tpu.memory_space<semaphore_mem>>) src(%arg5 : memref<128x64xf32, #tpu.memory_space<hbm>>) dst(%dma_wait3A_69 : memref<128x64xf32, #tpu.memory_space<vmem_shared>>)
    %add3A_70 = arith.constant 384 : i32
    %add3A_71 = arith.addi %mul3A_0, %add3A_70 : i32
    %dma_wait3A_72 = arith.constant 0 : i32
    %dma_wait3A_73 = tpu.memref_slice %arg15[%add3A_71, %dma_wait3A_72] : memref<10240x64xf32, #tpu.memory_space<vmem_shared>> -> memref<128x64xf32, #tpu.memory_space<vmem_shared>>
    %dma_wait3A_74 = arith.constant 0 : i32
    %dma_wait3A_75 = tpu.memref_slice %arg2[%arg0, %add3A_71, %dma_wait3A_74] : memref<2x10240x64xf32, #tpu.memory_space<hbm>> -> memref<1x128x64xf32, #tpu.memory_space<hbm>>
    %dma_wait3A_76 = tpu.memref_squeeze %dma_wait3A_75 : memref<1x128x64xf32, #tpu.memory_space<hbm>> -> memref<128x64xf32, #tpu.memory_space<hbm>>
    tpu.wait_dma2 semaphore(%arg17 : memref<!tpu.dma_semaphore, #tpu.memory_space<semaphore_mem>>) src(%dma_wait3A_76 : memref<128x64xf32, #tpu.memory_space<hbm>>) dst(%dma_wait3A_73 : memref<128x64xf32, #tpu.memory_space<vmem_shared>>)
    %dma_wait3A_77 = arith.constant 0 : i32
    %dma_wait3A_78 = tpu.memref_slice %arg16[%add3A_71, %dma_wait3A_77] : memref<10240x64xf32, #tpu.memory_space<vmem_shared>> -> memref<128x64xf32, #tpu.memory_space<vmem_shared>>
    tpu.wait_dma2 semaphore(%arg18 : memref<!tpu.dma_semaphore, #tpu.memory_space<semaphore_mem>>) src(%arg5 : memref<128x64xf32, #tpu.memory_space<hbm>>) dst(%dma_wait3A_78 : memref<128x64xf32, #tpu.memory_space<vmem_shared>>)
    %add3A_79 = arith.constant 512 : i32
    %add3A_80 = arith.addi %mul3A_0, %add3A_79 : i32
    %dma_wait3A_81 = arith.constant 0 : i32
    %dma_wait3A_82 = tpu.memref_slice %arg15[%add3A_80, %dma_wait3A_81] : memref<10240x64xf32, #tpu.memory_space<vmem_shared>> -> memref<128x64xf32, #tpu.memory_space<vmem_shared>>
    %dma_wait3A_83 = arith.constant 0 : i32
    %dma_wait3A_84 = tpu.memref_slice %arg2[%arg0, %add3A_80, %dma_wait3A_83] : memref<2x10240x64xf32, #tpu.memory_space<hbm>> -> memref<1x128x64xf32, #tpu.memory_space<hbm>>
    %dma_wait3A_85 = tpu.memref_squeeze %dma_wait3A_84 : memref<1x128x64xf32, #tpu.memory_space<hbm>> -> memref<128x64xf32, #tpu.memory_space<hbm>>
    tpu.wait_dma2 semaphore(%arg17 : memref<!tpu.dma_semaphore, #tpu.memory_space<semaphore_mem>>) src(%dma_wait3A_85 : memref<128x64xf32, #tpu.memory_space<hbm>>) dst(%dma_wait3A_82 : memref<128x64xf32, #tpu.memory_space<vmem_shared>>)
    %dma_wait3A_86 = arith.constant 0 : i32
    %dma_wait3A_87 = tpu.memref_slice %arg16[%add3A_80, %dma_wait3A_86] : memref<10240x64xf32, #tpu.memory_space<vmem_shared>> -> memref<128x64xf32, #tpu.memory_space<vmem_shared>>
    tpu.wait_dma2 semaphore(%arg18 : memref<!tpu.dma_semaphore, #tpu.memory_space<semaphore_mem>>) src(%arg5 : memref<128x64xf32, #tpu.memory_space<hbm>>) dst(%dma_wait3A_87 : memref<128x64xf32, #tpu.memory_space<vmem_shared>>)
    %dma_start3A_88 = arith.constant 0 : i32
    %dma_start3A_89 = arith.constant 0 : i32
    %dma_start3A_90 = tpu.memref_slice %arg4[%arg1, %dma_start3A_88, %dma_start3A_89] : memref<16x160x128xi32, #tpu.memory_space<hbm>> -> memref<1x16x128xi32, #tpu.memory_space<hbm>>
    %dma_start3A_91 = tpu.memref_squeeze %dma_start3A_90 : memref<1x16x128xi32, #tpu.memory_space<hbm>> -> memref<16x128xi32, #tpu.memory_space<hbm>>
    %dma_start3A_92 = arith.constant 0 : i32
    %dma_start3A_93 = arith.constant 0 : i32
    %dma_start3A_94 = tpu.memref_slice %arg4[%arg1, %dma_start3A_92, %dma_start3A_93] : memref<16x160x128xi32, #tpu.memory_space<hbm>> -> memref<1x16x128xi32, #tpu.memory_space<hbm>>
    %dma_start3A_95 = tpu.memref_squeeze %dma_start3A_94 : memref<1x16x128xi32, #tpu.memory_space<hbm>> -> memref<16x128xi32, #tpu.memory_space<hbm>>
    tpu.enqueue_dma source(%dma_start3A_95 : memref<16x128xi32, #tpu.memory_space<hbm>>) target(%arg7 : memref<16x128xi32, #tpu.memory_space<vmem>>) target_semaphore(%arg21 : memref<!tpu.dma_semaphore, #tpu.memory_space<semaphore_mem>>)
    %dma_start3A_96 = arith.constant 0 : i32
    %dma_start3A_97 = arith.constant 0 : i32
    %dma_start3A_98 = tpu.memref_slice %arg3[%arg1, %dma_start3A_96, %dma_start3A_97] : memref<16x160x128xi32, #tpu.memory_space<hbm>> -> memref<1x16x128xi32, #tpu.memory_space<hbm>>
    %dma_start3A_99 = tpu.memref_squeeze %dma_start3A_98 : memref<1x16x128xi32, #tpu.memory_space<hbm>> -> memref<16x128xi32, #tpu.memory_space<hbm>>
    %dma_start3A_100 = arith.constant 0 : i32
    %dma_start3A_101 = arith.constant 0 : i32
    %dma_start3A_102 = tpu.memref_slice %arg3[%arg1, %dma_start3A_100, %dma_start3A_101] : memref<16x160x128xi32, #tpu.memory_space<hbm>> -> memref<1x16x128xi32, #tpu.memory_space<hbm>>
    %dma_start3A_103 = tpu.memref_squeeze %dma_start3A_102 : memref<1x16x128xi32, #tpu.memory_space<hbm>> -> memref<16x128xi32, #tpu.memory_space<hbm>>
    tpu.enqueue_dma source(%dma_start3A_103 : memref<16x128xi32, #tpu.memory_space<hbm>>) target(%arg9 : memref<16x128xi32, #tpu.memory_space<vmem>>) target_semaphore(%arg21 : memref<!tpu.dma_semaphore, #tpu.memory_space<semaphore_mem>>)
    %dma_start3A_104 = arith.constant 16 : i32
    %dma_start3A_105 = arith.constant 0 : i32
    %dma_start3A_106 = tpu.memref_slice %arg4[%arg1, %dma_start3A_104, %dma_start3A_105] : memref<16x160x128xi32, #tpu.memory_space<hbm>> -> memref<1x16x128xi32, #tpu.memory_space<hbm>>
    %dma_start3A_107 = tpu.memref_squeeze %dma_start3A_106 : memref<1x16x128xi32, #tpu.memory_space<hbm>> -> memref<16x128xi32, #tpu.memory_space<hbm>>
    %dma_start3A_108 = arith.constant 16 : i32
    %dma_start3A_109 = arith.constant 0 : i32
    %dma_start3A_110 = tpu.memref_slice %arg4[%arg1, %dma_start3A_108, %dma_start3A_109] : memref<16x160x128xi32, #tpu.memory_space<hbm>> -> memref<1x16x128xi32, #tpu.memory_space<hbm>>
    %dma_start3A_111 = tpu.memref_squeeze %dma_start3A_110 : memref<1x16x128xi32, #tpu.memory_space<hbm>> -> memref<16x128xi32, #tpu.memory_space<hbm>>
    tpu.enqueue_dma source(%dma_start3A_111 : memref<16x128xi32, #tpu.memory_space<hbm>>) target(%arg8 : memref<16x128xi32, #tpu.memory_space<vmem>>) target_semaphore(%arg22 : memref<!tpu.dma_semaphore, #tpu.memory_space<semaphore_mem>>)
    %dma_start3A_112 = arith.constant 16 : i32
    %dma_start3A_113 = arith.constant 0 : i32
    %dma_start3A_114 = tpu.memref_slice %arg3[%arg1, %dma_start3A_112, %dma_start3A_113] : memref<16x160x128xi32, #tpu.memory_space<hbm>> -> memref<1x16x128xi32, #tpu.memory_space<hbm>>
    %dma_start3A_115 = tpu.memref_squeeze %dma_start3A_114 : memref<1x16x128xi32, #tpu.memory_space<hbm>> -> memref<16x128xi32, #tpu.memory_space<hbm>>
    %dma_start3A_116 = arith.constant 16 : i32
    %dma_start3A_117 = arith.constant 0 : i32
    %dma_start3A_118 = tpu.memref_slice %arg3[%arg1, %dma_start3A_116, %dma_start3A_117] : memref<16x160x128xi32, #tpu.memory_space<hbm>> -> memref<1x16x128xi32, #tpu.memory_space<hbm>>
    %dma_start3A_119 = tpu.memref_squeeze %dma_start3A_118 : memref<1x16x128xi32, #tpu.memory_space<hbm>> -> memref<16x128xi32, #tpu.memory_space<hbm>>
    tpu.enqueue_dma source(%dma_start3A_119 : memref<16x128xi32, #tpu.memory_space<hbm>>) target(%arg10 : memref<16x128xi32, #tpu.memory_space<vmem>>) target_semaphore(%arg22 : memref<!tpu.dma_semaphore, #tpu.memory_space<semaphore_mem>>)
    %barrier3A = arith.constant 0 : index
    tpu.barrier barrier_id(%barrier3A)
    %dma_wait3A_120 = arith.constant 0 : i32
    %dma_wait3A_121 = arith.constant 0 : i32
    %dma_wait3A_122 = tpu.memref_slice %arg4[%arg1, %dma_wait3A_120, %dma_wait3A_121] : memref<16x160x128xi32, #tpu.memory_space<hbm>> -> memref<1x16x128xi32, #tpu.memory_space<hbm>>
    %dma_wait3A_123 = tpu.memref_squeeze %dma_wait3A_122 : memref<1x16x128xi32, #tpu.memory_space<hbm>> -> memref<16x128xi32, #tpu.memory_space<hbm>>
    %dma_wait3A_124 = arith.constant 0 : i32
    %dma_wait3A_125 = arith.constant 0 : i32
    %dma_wait3A_126 = tpu.memref_slice %arg4[%arg1, %dma_wait3A_124, %dma_wait3A_125] : memref<16x160x128xi32, #tpu.memory_space<hbm>> -> memref<1x16x128xi32, #tpu.memory_space<hbm>>
    %dma_wait3A_127 = tpu.memref_squeeze %dma_wait3A_126 : memref<1x16x128xi32, #tpu.memory_space<hbm>> -> memref<16x128xi32, #tpu.memory_space<hbm>>
    tpu.wait_dma2 semaphore(%arg21 : memref<!tpu.dma_semaphore, #tpu.memory_space<semaphore_mem>>) src(%dma_wait3A_127 : memref<16x128xi32, #tpu.memory_space<hbm>>) dst(%arg7 : memref<16x128xi32, #tpu.memory_space<vmem>>)
    %dma_wait3A_128 = arith.constant 0 : i32
    %dma_wait3A_129 = arith.constant 0 : i32
    %dma_wait3A_130 = tpu.memref_slice %arg3[%arg1, %dma_wait3A_128, %dma_wait3A_129] : memref<16x160x128xi32, #tpu.memory_space<hbm>> -> memref<1x16x128xi32, #tpu.memory_space<hbm>>
    %dma_wait3A_131 = tpu.memref_squeeze %dma_wait3A_130 : memref<1x16x128xi32, #tpu.memory_space<hbm>> -> memref<16x128xi32, #tpu.memory_space<hbm>>
    %dma_wait3A_132 = arith.constant 0 : i32
    %dma_wait3A_133 = arith.constant 0 : i32
    %dma_wait3A_134 = tpu.memref_slice %arg3[%arg1, %dma_wait3A_132, %dma_wait3A_133] : memref<16x160x128xi32, #tpu.memory_space<hbm>> -> memref<1x16x128xi32, #tpu.memory_space<hbm>>
    %dma_wait3A_135 = tpu.memref_squeeze %dma_wait3A_134 : memref<1x16x128xi32, #tpu.memory_space<hbm>> -> memref<16x128xi32, #tpu.memory_space<hbm>>
    tpu.wait_dma2 semaphore(%arg21 : memref<!tpu.dma_semaphore, #tpu.memory_space<semaphore_mem>>) src(%dma_wait3A_135 : memref<16x128xi32, #tpu.memory_space<hbm>>) dst(%arg9 : memref<16x128xi32, #tpu.memory_space<vmem>>)
    %dma_start3A_136 = arith.constant 0 : i32
    %dma_start3A_137 = arith.constant 0 : i32
    %dma_start3A_138 = tpu.memref_slice %arg7[%dma_start3A_136, %dma_start3A_137] : memref<16x128xi32, #tpu.memory_space<vmem>> -> memref<1x128xi32, #tpu.memory_space<vmem>>
    %dma_start3A_139 = tpu.memref_squeeze %dma_start3A_138 : memref<1x128xi32, #tpu.memory_space<vmem>> -> memref<128xi32, #tpu.memory_space<vmem>>
    %dma_start3A_140 = arith.constant 0 : i32
    %dma_start3A_141 = arith.constant 0 : i32
    %dma_start3A_142 = tpu.memref_slice %arg15[%dma_start3A_140, %dma_start3A_141] : memref<10240x64xf32, #tpu.memory_space<vmem_shared>> -> memref<10240x64xf32, #tpu.memory_space<vmem_shared>>
    tpu.enqueue_indirect_dma source(%dma_start3A_142 : memref<10240x64xf32, #tpu.memory_space<vmem_shared>>) target(%arg11 : memref<128x64xf32, #tpu.memory_space<vmem>>) offsets(%dma_start3A_139 : memref<128xi32, #tpu.memory_space<vmem>>) semaphore(%arg17 : memref<!tpu.dma_semaphore, #tpu.memory_space<semaphore_mem>>)
    %dma_start3A_143 = arith.constant 1 : i32
    %dma_start3A_144 = arith.constant 0 : i32
    %dma_start3A_145 = tpu.memref_slice %arg7[%dma_start3A_143, %dma_start3A_144] : memref<16x128xi32, #tpu.memory_space<vmem>> -> memref<1x128xi32, #tpu.memory_space<vmem>>
    %dma_start3A_146 = tpu.memref_squeeze %dma_start3A_145 : memref<1x128xi32, #tpu.memory_space<vmem>> -> memref<128xi32, #tpu.memory_space<vmem>>
    %dma_start3A_147 = arith.constant 0 : i32
    %dma_start3A_148 = arith.constant 0 : i32
    %dma_start3A_149 = tpu.memref_slice %arg15[%dma_start3A_147, %dma_start3A_148] : memref<10240x64xf32, #tpu.memory_space<vmem_shared>> -> memref<10240x64xf32, #tpu.memory_space<vmem_shared>>
    tpu.enqueue_indirect_dma source(%dma_start3A_149 : memref<10240x64xf32, #tpu.memory_space<vmem_shared>>) target(%arg12 : memref<128x64xf32, #tpu.memory_space<vmem>>) offsets(%dma_start3A_146 : memref<128xi32, #tpu.memory_space<vmem>>) semaphore(%arg18 : memref<!tpu.dma_semaphore, #tpu.memory_space<semaphore_mem>>)
    %dma_start3A_150 = arith.constant 2 : i32
    %dma_start3A_151 = arith.constant 0 : i32
    %dma_start3A_152 = tpu.memref_slice %arg7[%dma_start3A_150, %dma_start3A_151] : memref<16x128xi32, #tpu.memory_space<vmem>> -> memref<1x128xi32, #tpu.memory_space<vmem>>
    %dma_start3A_153 = tpu.memref_squeeze %dma_start3A_152 : memref<1x128xi32, #tpu.memory_space<vmem>> -> memref<128xi32, #tpu.memory_space<vmem>>
    %dma_start3A_154 = arith.constant 0 : i32
    %dma_start3A_155 = arith.constant 0 : i32
    %dma_start3A_156 = tpu.memref_slice %arg15[%dma_start3A_154, %dma_start3A_155] : memref<10240x64xf32, #tpu.memory_space<vmem_shared>> -> memref<10240x64xf32, #tpu.memory_space<vmem_shared>>
    tpu.enqueue_indirect_dma source(%dma_start3A_156 : memref<10240x64xf32, #tpu.memory_space<vmem_shared>>) target(%arg13 : memref<128x64xf32, #tpu.memory_space<vmem>>) offsets(%dma_start3A_153 : memref<128xi32, #tpu.memory_space<vmem>>) semaphore(%arg19 : memref<!tpu.dma_semaphore, #tpu.memory_space<semaphore_mem>>)
    %dma_start3A_157 = arith.constant 3 : i32
    %dma_start3A_158 = arith.constant 0 : i32
    %dma_start3A_159 = tpu.memref_slice %arg7[%dma_start3A_157, %dma_start3A_158] : memref<16x128xi32, #tpu.memory_space<vmem>> -> memref<1x128xi32, #tpu.memory_space<vmem>>
    %dma_start3A_160 = tpu.memref_squeeze %dma_start3A_159 : memref<1x128xi32, #tpu.memory_space<vmem>> -> memref<128xi32, #tpu.memory_space<vmem>>
    %dma_start3A_161 = arith.constant 0 : i32
    %dma_start3A_162 = arith.constant 0 : i32
    %dma_start3A_163 = tpu.memref_slice %arg15[%dma_start3A_161, %dma_start3A_162] : memref<10240x64xf32, #tpu.memory_space<vmem_shared>> -> memref<10240x64xf32, #tpu.memory_space<vmem_shared>>
    tpu.enqueue_indirect_dma source(%dma_start3A_163 : memref<10240x64xf32, #tpu.memory_space<vmem_shared>>) target(%arg14 : memref<128x64xf32, #tpu.memory_space<vmem>>) offsets(%dma_start3A_160 : memref<128xi32, #tpu.memory_space<vmem>>) semaphore(%arg20 : memref<!tpu.dma_semaphore, #tpu.memory_space<semaphore_mem>>)
    %scan3A = arith.constant 0 : i32
    %scan3A_164 = arith.constant 0 : i32
    %scan3A_165 = arith.constant 5 : i32
    %scan3A_166 = arith.addi %scan3A_164, %scan3A_165 : i32
    %scan3A_167 = arith.constant 1 : i32
    scf.for %scan3A_240 = %scan3A_164 to %scan3A_166 step %scan3A_167  : i32 {
      %mul3A_241 = arith.constant 2 : i32
      %mul3A_242 = arith.muli %mul3A_241, %scan3A_240 : i32
      %add3A_243 = arith.constant 0 : i32
      %add3A_244 = arith.addi %mul3A_242, %add3A_243 : i32
      %add3A_245 = arith.constant 1 : i32
      %add3A_246 = arith.addi %add3A_244, %add3A_245 : i32
      %lt3A = arith.constant 10 : i32
      %lt3A_247 = arith.cmpi slt, %add3A_246, %lt3A : i32
      %convert_element_type3A = arith.extui %lt3A_247 : i1 to i32
      %cond3A = arith.constant 0 : i32
      %cond3A_248 = arith.cmpi ne, %convert_element_type3A, %cond3A : i32
      scf.if %cond3A_248 {
        %add3A_881 = arith.constant 1 : i32
        %add3A_882 = arith.addi %add3A_244, %add3A_881 : i32
        %mul3A_883 = arith.constant 16 : i32
        %mul3A_884 = arith.muli %add3A_882, %mul3A_883 : i32
        %dma_wait3A_885 = arith.constant 0 : i32
        %dma_wait3A_886 = tpu.memref_slice %arg4[%arg1, %mul3A_884, %dma_wait3A_885] : memref<16x160x128xi32, #tpu.memory_space<hbm>> -> memref<1x16x128xi32, #tpu.memory_space<hbm>>
        %dma_wait3A_887 = tpu.memref_squeeze %dma_wait3A_886 : memref<1x16x128xi32, #tpu.memory_space<hbm>> -> memref<16x128xi32, #tpu.memory_space<hbm>>
        %dma_wait3A_888 = arith.constant 0 : i32
        %dma_wait3A_889 = tpu.memref_slice %arg4[%arg1, %mul3A_884, %dma_wait3A_888] : memref<16x160x128xi32, #tpu.memory_space<hbm>> -> memref<1x16x128xi32, #tpu.memory_space<hbm>>
        %dma_wait3A_890 = tpu.memref_squeeze %dma_wait3A_889 : memref<1x16x128xi32, #tpu.memory_space<hbm>> -> memref<16x128xi32, #tpu.memory_space<hbm>>
        tpu.wait_dma2 semaphore(%arg22 : memref<!tpu.dma_semaphore, #tpu.memory_space<semaphore_mem>>) src(%dma_wait3A_890 : memref<16x128xi32, #tpu.memory_space<hbm>>) dst(%arg8 : memref<16x128xi32, #tpu.memory_space<vmem>>)
        %mul3A_891 = arith.constant 16 : i32
        %mul3A_892 = arith.muli %add3A_882, %mul3A_891 : i32
        %dma_wait3A_893 = arith.constant 0 : i32
        %dma_wait3A_894 = tpu.memref_slice %arg3[%arg1, %mul3A_892, %dma_wait3A_893] : memref<16x160x128xi32, #tpu.memory_space<hbm>> -> memref<1x16x128xi32, #tpu.memory_space<hbm>>
        %dma_wait3A_895 = tpu.memref_squeeze %dma_wait3A_894 : memref<1x16x128xi32, #tpu.memory_space<hbm>> -> memref<16x128xi32, #tpu.memory_space<hbm>>
        %dma_wait3A_896 = arith.constant 0 : i32
        %dma_wait3A_897 = tpu.memref_slice %arg3[%arg1, %mul3A_892, %dma_wait3A_896] : memref<16x160x128xi32, #tpu.memory_space<hbm>> -> memref<1x16x128xi32, #tpu.memory_space<hbm>>
        %dma_wait3A_898 = tpu.memref_squeeze %dma_wait3A_897 : memref<1x16x128xi32, #tpu.memory_space<hbm>> -> memref<16x128xi32, #tpu.memory_space<hbm>>
        tpu.wait_dma2 semaphore(%arg22 : memref<!tpu.dma_semaphore, #tpu.memory_space<semaphore_mem>>) src(%dma_wait3A_898 : memref<16x128xi32, #tpu.memory_space<hbm>>) dst(%arg10 : memref<16x128xi32, #tpu.memory_space<vmem>>)
      } else {
      }
      %mul3A_249 = arith.constant 16 : i32
      %mul3A_250 = arith.muli %add3A_244, %mul3A_249 : i32
      %add3A_251 = arith.constant 0 : i32
      %add3A_252 = arith.addi %mul3A_250, %add3A_251 : i32
      %dma_wait3A_253 = arith.constant 0 : i32
      %dma_wait3A_254 = arith.constant 0 : i32
      %dma_wait3A_255 = tpu.memref_slice %arg7[%dma_wait3A_253, %dma_wait3A_254] : memref<16x128xi32, #tpu.memory_space<vmem>> -> memref<1x128xi32, #tpu.memory_space<vmem>>
      %dma_wait3A_256 = tpu.memref_squeeze %dma_wait3A_255 : memref<1x128xi32, #tpu.memory_space<vmem>> -> memref<128xi32, #tpu.memory_space<vmem>>
      %dma_wait3A_257 = arith.constant 0 : i32
      %dma_wait3A_258 = arith.constant 0 : i32
      %dma_wait3A_259 = tpu.memref_slice %arg15[%dma_wait3A_257, %dma_wait3A_258] : memref<10240x64xf32, #tpu.memory_space<vmem_shared>> -> memref<10240x64xf32, #tpu.memory_space<vmem_shared>>
      tpu.wait_indirect_dma semaphore(%arg17 : memref<!tpu.dma_semaphore, #tpu.memory_space<semaphore_mem>>) src(%dma_wait3A_259 : memref<10240x64xf32, #tpu.memory_space<vmem_shared>>) dst(%arg11 : memref<128x64xf32, #tpu.memory_space<vmem>>)
      %run_scoped3A = arith.constant 0 : i32
      "tpu.region"() ({
        %run_scoped3A_881 = tpu.sem_alloc : memref<!tpu.dma_semaphore, #tpu.memory_space<semaphore_mem>>
        %dma_start3A_882 = arith.constant 0 : i32
        %dma_start3A_883 = tpu.memref_slice %arg9[%run_scoped3A, %dma_start3A_882] : memref<16x128xi32, #tpu.memory_space<vmem>> -> memref<1x128xi32, #tpu.memory_space<vmem>>
        %dma_start3A_884 = tpu.memref_squeeze %dma_start3A_883 : memref<1x128xi32, #tpu.memory_space<vmem>> -> memref<128xi32, #tpu.memory_space<vmem>>
        %dma_start3A_885 = arith.constant 0 : i32
        %dma_start3A_886 = arith.constant 0 : i32
        %dma_start3A_887 = tpu.memref_slice %arg16[%dma_start3A_885, %dma_start3A_886] : memref<10240x64xf32, #tpu.memory_space<vmem_shared>> -> memref<10240x64xf32, #tpu.memory_space<vmem_shared>>
        tpu.enqueue_indirect_dma source(%arg11 : memref<128x64xf32, #tpu.memory_space<vmem>>) target(%dma_start3A_887 : memref<10240x64xf32, #tpu.memory_space<vmem_shared>>) offsets(%dma_start3A_884 : memref<128xi32, #tpu.memory_space<vmem>>) semaphore(%run_scoped3A_881 : memref<!tpu.dma_semaphore, #tpu.memory_space<semaphore_mem>>) {add = true}
        %dma_wait3A_888 = arith.constant 0 : i32
        %dma_wait3A_889 = tpu.memref_slice %arg9[%run_scoped3A, %dma_wait3A_888] : memref<16x128xi32, #tpu.memory_space<vmem>> -> memref<1x128xi32, #tpu.memory_space<vmem>>
        %dma_wait3A_890 = tpu.memref_squeeze %dma_wait3A_889 : memref<1x128xi32, #tpu.memory_space<vmem>> -> memref<128xi32, #tpu.memory_space<vmem>>
        %dma_wait3A_891 = arith.constant 0 : i32
        %dma_wait3A_892 = arith.constant 0 : i32
        %dma_wait3A_893 = tpu.memref_slice %arg16[%dma_wait3A_891, %dma_wait3A_892] : memref<10240x64xf32, #tpu.memory_space<vmem_shared>> -> memref<10240x64xf32, #tpu.memory_space<vmem_shared>>
        tpu.wait_indirect_dma semaphore(%run_scoped3A_881 : memref<!tpu.dma_semaphore, #tpu.memory_space<semaphore_mem>>) src(%arg11 : memref<128x64xf32, #tpu.memory_space<vmem>>) dst(%dma_wait3A_893 : memref<10240x64xf32, #tpu.memory_space<vmem_shared>>)
        tpu.yield
      }) : () -> ()
      %add3A_260 = arith.constant 4 : i32
      %add3A_261 = arith.addi %add3A_252, %add3A_260 : i32
      %lt3A_262 = arith.constant 160 : i32
      %lt3A_263 = arith.cmpi slt, %add3A_261, %lt3A_262 : i32
      %convert_element_type3A_264 = arith.extui %lt3A_263 : i1 to i32
      %cond3A_265 = arith.constant 0 : i32
      %cond3A_266 = arith.cmpi ne, %convert_element_type3A_264, %cond3A_265 : i32
      scf.if %cond3A_266 {
        %dma_start3A_881 = arith.constant 4 : i32
        %dma_start3A_882 = arith.constant 0 : i32
        %dma_start3A_883 = tpu.memref_slice %arg7[%dma_start3A_881, %dma_start3A_882] : memref<16x128xi32, #tpu.memory_space<vmem>> -> memref<1x128xi32, #tpu.memory_space<vmem>>
        %dma_start3A_884 = tpu.memref_squeeze %dma_start3A_883 : memref<1x128xi32, #tpu.memory_space<vmem>> -> memref<128xi32, #tpu.memory_space<vmem>>
        %dma_start3A_885 = arith.constant 0 : i32
        %dma_start3A_886 = arith.constant 0 : i32
        %dma_start3A_887 = tpu.memref_slice %arg15[%dma_start3A_885, %dma_start3A_886] : memref<10240x64xf32, #tpu.memory_space<vmem_shared>> -> memref<10240x64xf32, #tpu.memory_space<vmem_shared>>
        tpu.enqueue_indirect_dma source(%dma_start3A_887 : memref<10240x64xf32, #tpu.memory_space<vmem_shared>>) target(%arg11 : memref<128x64xf32, #tpu.memory_space<vmem>>) offsets(%dma_start3A_884 : memref<128xi32, #tpu.memory_space<vmem>>) semaphore(%arg17 : memref<!tpu.dma_semaphore, #tpu.memory_space<semaphore_mem>>)
      } else {
      }
      %mul3A_267 = arith.constant 16 : i32
      %mul3A_268 = arith.muli %add3A_244, %mul3A_267 : i32
      %add3A_269 = arith.constant 1 : i32
      %add3A_270 = arith.addi %mul3A_268, %add3A_269 : i32
      %dma_wait3A_271 = arith.constant 1 : i32
      %dma_wait3A_272 = arith.constant 0 : i32
      %dma_wait3A_273 = tpu.memref_slice %arg7[%dma_wait3A_271, %dma_wait3A_272] : memref<16x128xi32, #tpu.memory_space<vmem>> -> memref<1x128xi32, #tpu.memory_space<vmem>>
      %dma_wait3A_274 = tpu.memref_squeeze %dma_wait3A_273 : memref<1x128xi32, #tpu.memory_space<vmem>> -> memref<128xi32, #tpu.memory_space<vmem>>
      %dma_wait3A_275 = arith.constant 0 : i32
      %dma_wait3A_276 = arith.constant 0 : i32
      %dma_wait3A_277 = tpu.memref_slice %arg15[%dma_wait3A_275, %dma_wait3A_276] : memref<10240x64xf32, #tpu.memory_space<vmem_shared>> -> memref<10240x64xf32, #tpu.memory_space<vmem_shared>>
      tpu.wait_indirect_dma semaphore(%arg18 : memref<!tpu.dma_semaphore, #tpu.memory_space<semaphore_mem>>) src(%dma_wait3A_277 : memref<10240x64xf32, #tpu.memory_space<vmem_shared>>) dst(%arg12 : memref<128x64xf32, #tpu.memory_space<vmem>>)
      %run_scoped3A_278 = arith.constant 1 : i32
      "tpu.region"() ({
        %run_scoped3A_881 = tpu.sem_alloc : memref<!tpu.dma_semaphore, #tpu.memory_space<semaphore_mem>>
        %dma_start3A_882 = arith.constant 0 : i32
        %dma_start3A_883 = tpu.memref_slice %arg9[%run_scoped3A_278, %dma_start3A_882] : memref<16x128xi32, #tpu.memory_space<vmem>> -> memref<1x128xi32, #tpu.memory_space<vmem>>
        %dma_start3A_884 = tpu.memref_squeeze %dma_start3A_883 : memref<1x128xi32, #tpu.memory_space<vmem>> -> memref<128xi32, #tpu.memory_space<vmem>>
        %dma_start3A_885 = arith.constant 0 : i32
        %dma_start3A_886 = arith.constant 0 : i32
        %dma_start3A_887 = tpu.memref_slice %arg16[%dma_start3A_885, %dma_start3A_886] : memref<10240x64xf32, #tpu.memory_space<vmem_shared>> -> memref<10240x64xf32, #tpu.memory_space<vmem_shared>>
        tpu.enqueue_indirect_dma source(%arg12 : memref<128x64xf32, #tpu.memory_space<vmem>>) target(%dma_start3A_887 : memref<10240x64xf32, #tpu.memory_space<vmem_shared>>) offsets(%dma_start3A_884 : memref<128xi32, #tpu.memory_space<vmem>>) semaphore(%run_scoped3A_881 : memref<!tpu.dma_semaphore, #tpu.memory_space<semaphore_mem>>) {add = true}
        %dma_wait3A_888 = arith.constant 0 : i32
        %dma_wait3A_889 = tpu.memref_slice %arg9[%run_scoped3A_278, %dma_wait3A_888] : memref<16x128xi32, #tpu.memory_space<vmem>> -> memref<1x128xi32, #tpu.memory_space<vmem>>
        %dma_wait3A_890 = tpu.memref_squeeze %dma_wait3A_889 : memref<1x128xi32, #tpu.memory_space<vmem>> -> memref<128xi32, #tpu.memory_space<vmem>>
        %dma_wait3A_891 = arith.constant 0 : i32
        %dma_wait3A_892 = arith.constant 0 : i32
        %dma_wait3A_893 = tpu.memref_slice %arg16[%dma_wait3A_891, %dma_wait3A_892] : memref<10240x64xf32, #tpu.memory_space<vmem_shared>> -> memref<10240x64xf32, #tpu.memory_space<vmem_shared>>
        tpu.wait_indirect_dma semaphore(%run_scoped3A_881 : memref<!tpu.dma_semaphore, #tpu.memory_space<semaphore_mem>>) src(%arg12 : memref<128x64xf32, #tpu.memory_space<vmem>>) dst(%dma_wait3A_893 : memref<10240x64xf32, #tpu.memory_space<vmem_shared>>)
        tpu.yield
      }) : () -> ()
      %add3A_279 = arith.constant 4 : i32
      %add3A_280 = arith.addi %add3A_270, %add3A_279 : i32
      %lt3A_281 = arith.constant 160 : i32
      %lt3A_282 = arith.cmpi slt, %add3A_280, %lt3A_281 : i32
      %convert_element_type3A_283 = arith.extui %lt3A_282 : i1 to i32
      %cond3A_284 = arith.constant 0 : i32
      %cond3A_285 = arith.cmpi ne, %convert_element_type3A_283, %cond3A_284 : i32
      scf.if %cond3A_285 {
        %dma_start3A_881 = arith.constant 5 : i32
        %dma_start3A_882 = arith.constant 0 : i32
        %dma_start3A_883 = tpu.memref_slice %arg7[%dma_start3A_881, %dma_start3A_882] : memref<16x128xi32, #tpu.memory_space<vmem>> -> memref<1x128xi32, #tpu.memory_space<vmem>>
        %dma_start3A_884 = tpu.memref_squeeze %dma_start3A_883 : memref<1x128xi32, #tpu.memory_space<vmem>> -> memref<128xi32, #tpu.memory_space<vmem>>
        %dma_start3A_885 = arith.constant 0 : i32
        %dma_start3A_886 = arith.constant 0 : i32
        %dma_start3A_887 = tpu.memref_slice %arg15[%dma_start3A_885, %dma_start3A_886] : memref<10240x64xf32, #tpu.memory_space<vmem_shared>> -> memref<10240x64xf32, #tpu.memory_space<vmem_shared>>
        tpu.enqueue_indirect_dma source(%dma_start3A_887 : memref<10240x64xf32, #tpu.memory_space<vmem_shared>>) target(%arg12 : memref<128x64xf32, #tpu.memory_space<vmem>>) offsets(%dma_start3A_884 : memref<128xi32, #tpu.memory_space<vmem>>) semaphore(%arg18 : memref<!tpu.dma_semaphore, #tpu.memory_space<semaphore_mem>>)
      } else {
      }
      %mul3A_286 = arith.constant 16 : i32
      %mul3A_287 = arith.muli %add3A_244, %mul3A_286 : i32
      %add3A_288 = arith.constant 2 : i32
      %add3A_289 = arith.addi %mul3A_287, %add3A_288 : i32
      %dma_wait3A_290 = arith.constant 2 : i32
      %dma_wait3A_291 = arith.constant 0 : i32
      %dma_wait3A_292 = tpu.memref_slice %arg7[%dma_wait3A_290, %dma_wait3A_291] : memref<16x128xi32, #tpu.memory_space<vmem>> -> memref<1x128xi32, #tpu.memory_space<vmem>>
      %dma_wait3A_293 = tpu.memref_squeeze %dma_wait3A_292 : memref<1x128xi32, #tpu.memory_space<vmem>> -> memref<128xi32, #tpu.memory_space<vmem>>
      %dma_wait3A_294 = arith.constant 0 : i32
      %dma_wait3A_295 = arith.constant 0 : i32
      %dma_wait3A_296 = tpu.memref_slice %arg15[%dma_wait3A_294, %dma_wait3A_295] : memref<10240x64xf32, #tpu.memory_space<vmem_shared>> -> memref<10240x64xf32, #tpu.memory_space<vmem_shared>>
      tpu.wait_indirect_dma semaphore(%arg19 : memref<!tpu.dma_semaphore, #tpu.memory_space<semaphore_mem>>) src(%dma_wait3A_296 : memref<10240x64xf32, #tpu.memory_space<vmem_shared>>) dst(%arg13 : memref<128x64xf32, #tpu.memory_space<vmem>>)
      %run_scoped3A_297 = arith.constant 2 : i32
      "tpu.region"() ({
        %run_scoped3A_881 = tpu.sem_alloc : memref<!tpu.dma_semaphore, #tpu.memory_space<semaphore_mem>>
        %dma_start3A_882 = arith.constant 0 : i32
        %dma_start3A_883 = tpu.memref_slice %arg9[%run_scoped3A_297, %dma_start3A_882] : memref<16x128xi32, #tpu.memory_space<vmem>> -> memref<1x128xi32, #tpu.memory_space<vmem>>
        %dma_start3A_884 = tpu.memref_squeeze %dma_start3A_883 : memref<1x128xi32, #tpu.memory_space<vmem>> -> memref<128xi32, #tpu.memory_space<vmem>>
        %dma_start3A_885 = arith.constant 0 : i32
        %dma_start3A_886 = arith.constant 0 : i32
        %dma_start3A_887 = tpu.memref_slice %arg16[%dma_start3A_885, %dma_start3A_886] : memref<10240x64xf32, #tpu.memory_space<vmem_shared>> -> memref<10240x64xf32, #tpu.memory_space<vmem_shared>>
        tpu.enqueue_indirect_dma source(%arg13 : memref<128x64xf32, #tpu.memory_space<vmem>>) target(%dma_start3A_887 : memref<10240x64xf32, #tpu.memory_space<vmem_shared>>) offsets(%dma_start3A_884 : memref<128xi32, #tpu.memory_space<vmem>>) semaphore(%run_scoped3A_881 : memref<!tpu.dma_semaphore, #tpu.memory_space<semaphore_mem>>) {add = true}
        %dma_wait3A_888 = arith.constant 0 : i32
        %dma_wait3A_889 = tpu.memref_slice %arg9[%run_scoped3A_297, %dma_wait3A_888] : memref<16x128xi32, #tpu.memory_space<vmem>> -> memref<1x128xi32, #tpu.memory_space<vmem>>
        %dma_wait3A_890 = tpu.memref_squeeze %dma_wait3A_889 : memref<1x128xi32, #tpu.memory_space<vmem>> -> memref<128xi32, #tpu.memory_space<vmem>>
        %dma_wait3A_891 = arith.constant 0 : i32
        %dma_wait3A_892 = arith.constant 0 : i32
        %dma_wait3A_893 = tpu.memref_slice %arg16[%dma_wait3A_891, %dma_wait3A_892] : memref<10240x64xf32, #tpu.memory_space<vmem_shared>> -> memref<10240x64xf32, #tpu.memory_space<vmem_shared>>
        tpu.wait_indirect_dma semaphore(%run_scoped3A_881 : memref<!tpu.dma_semaphore, #tpu.memory_space<semaphore_mem>>) src(%arg13 : memref<128x64xf32, #tpu.memory_space<vmem>>) dst(%dma_wait3A_893 : memref<10240x64xf32, #tpu.memory_space<vmem_shared>>)
        tpu.yield
      }) : () -> ()
      %add3A_298 = arith.constant 4 : i32
      %add3A_299 = arith.addi %add3A_289, %add3A_298 : i32
      %lt3A_300 = arith.constant 160 : i32
      %lt3A_301 = arith.cmpi slt, %add3A_299, %lt3A_300 : i32
      %convert_element_type3A_302 = arith.extui %lt3A_301 : i1 to i32
      %cond3A_303 = arith.constant 0 : i32
      %cond3A_304 = arith.cmpi ne, %convert_element_type3A_302, %cond3A_303 : i32
      scf.if %cond3A_304 {
        %dma_start3A_881 = arith.constant 6 : i32
        %dma_start3A_882 = arith.constant 0 : i32
        %dma_start3A_883 = tpu.memref_slice %arg7[%dma_start3A_881, %dma_start3A_882] : memref<16x128xi32, #tpu.memory_space<vmem>> -> memref<1x128xi32, #tpu.memory_space<vmem>>
        %dma_start3A_884 = tpu.memref_squeeze %dma_start3A_883 : memref<1x128xi32, #tpu.memory_space<vmem>> -> memref<128xi32, #tpu.memory_space<vmem>>
        %dma_start3A_885 = arith.constant 0 : i32
        %dma_start3A_886 = arith.constant 0 : i32
        %dma_start3A_887 = tpu.memref_slice %arg15[%dma_start3A_885, %dma_start3A_886] : memref<10240x64xf32, #tpu.memory_space<vmem_shared>> -> memref<10240x64xf32, #tpu.memory_space<vmem_shared>>
        tpu.enqueue_indirect_dma source(%dma_start3A_887 : memref<10240x64xf32, #tpu.memory_space<vmem_shared>>) target(%arg13 : memref<128x64xf32, #tpu.memory_space<vmem>>) offsets(%dma_start3A_884 : memref<128xi32, #tpu.memory_space<vmem>>) semaphore(%arg19 : memref<!tpu.dma_semaphore, #tpu.memory_space<semaphore_mem>>)
      } else {
      }
      %mul3A_305 = arith.constant 16 : i32
      %mul3A_306 = arith.muli %add3A_244, %mul3A_305 : i32
      %add3A_307 = arith.constant 3 : i32
      %add3A_308 = arith.addi %mul3A_306, %add3A_307 : i32
      %dma_wait3A_309 = arith.constant 3 : i32
      %dma_wait3A_310 = arith.constant 0 : i32
      %dma_wait3A_311 = tpu.memref_slice %arg7[%dma_wait3A_309, %dma_wait3A_310] : memref<16x128xi32, #tpu.memory_space<vmem>> -> memref<1x128xi32, #tpu.memory_space<vmem>>
      %dma_wait3A_312 = tpu.memref_squeeze %dma_wait3A_311 : memref<1x128xi32, #tpu.memory_space<vmem>> -> memref<128xi32, #tpu.memory_space<vmem>>
      %dma_wait3A_313 = arith.constant 0 : i32
      %dma_wait3A_314 = arith.constant 0 : i32
      %dma_wait3A_315 = tpu.memref_slice %arg15[%dma_wait3A_313, %dma_wait3A_314] : memref<10240x64xf32, #tpu.memory_space<vmem_shared>> -> memref<10240x64xf32, #tpu.memory_space<vmem_shared>>
      tpu.wait_indirect_dma semaphore(%arg20 : memref<!tpu.dma_semaphore, #tpu.memory_space<semaphore_mem>>) src(%dma_wait3A_315 : memref<10240x64xf32, #tpu.memory_space<vmem_shared>>) dst(%arg14 : memref<128x64xf32, #tpu.memory_space<vmem>>)
      %run_scoped3A_316 = arith.constant 3 : i32
      "tpu.region"() ({
        %run_scoped3A_881 = tpu.sem_alloc : memref<!tpu.dma_semaphore, #tpu.memory_space<semaphore_mem>>
        %dma_start3A_882 = arith.constant 0 : i32
        %dma_start3A_883 = tpu.memref_slice %arg9[%run_scoped3A_316, %dma_start3A_882] : memref<16x128xi32, #tpu.memory_space<vmem>> -> memref<1x128xi32, #tpu.memory_space<vmem>>
        %dma_start3A_884 = tpu.memref_squeeze %dma_start3A_883 : memref<1x128xi32, #tpu.memory_space<vmem>> -> memref<128xi32, #tpu.memory_space<vmem>>
        %dma_start3A_885 = arith.constant 0 : i32
        %dma_start3A_886 = arith.constant 0 : i32
        %dma_start3A_887 = tpu.memref_slice %arg16[%dma_start3A_885, %dma_start3A_886] : memref<10240x64xf32, #tpu.memory_space<vmem_shared>> -> memref<10240x64xf32, #tpu.memory_space<vmem_shared>>
        tpu.enqueue_indirect_dma source(%arg14 : memref<128x64xf32, #tpu.memory_space<vmem>>) target(%dma_start3A_887 : memref<10240x64xf32, #tpu.memory_space<vmem_shared>>) offsets(%dma_start3A_884 : memref<128xi32, #tpu.memory_space<vmem>>) semaphore(%run_scoped3A_881 : memref<!tpu.dma_semaphore, #tpu.memory_space<semaphore_mem>>) {add = true}
        %dma_wait3A_888 = arith.constant 0 : i32
        %dma_wait3A_889 = tpu.memref_slice %arg9[%run_scoped3A_316, %dma_wait3A_888] : memref<16x128xi32, #tpu.memory_space<vmem>> -> memref<1x128xi32, #tpu.memory_space<vmem>>
        %dma_wait3A_890 = tpu.memref_squeeze %dma_wait3A_889 : memref<1x128xi32, #tpu.memory_space<vmem>> -> memref<128xi32, #tpu.memory_space<vmem>>
        %dma_wait3A_891 = arith.constant 0 : i32
        %dma_wait3A_892 = arith.constant 0 : i32
        %dma_wait3A_893 = tpu.memref_slice %arg16[%dma_wait3A_891, %dma_wait3A_892] : memref<10240x64xf32, #tpu.memory_space<vmem_shared>> -> memref<10240x64xf32, #tpu.memory_space<vmem_shared>>
        tpu.wait_indirect_dma semaphore(%run_scoped3A_881 : memref<!tpu.dma_semaphore, #tpu.memory_space<semaphore_mem>>) src(%arg14 : memref<128x64xf32, #tpu.memory_space<vmem>>) dst(%dma_wait3A_893 : memref<10240x64xf32, #tpu.memory_space<vmem_shared>>)
        tpu.yield
      }) : () -> ()
      %add3A_317 = arith.constant 4 : i32
      %add3A_318 = arith.addi %add3A_308, %add3A_317 : i32
      %lt3A_319 = arith.constant 160 : i32
      %lt3A_320 = arith.cmpi slt, %add3A_318, %lt3A_319 : i32
      %convert_element_type3A_321 = arith.extui %lt3A_320 : i1 to i32
      %cond3A_322 = arith.constant 0 : i32
      %cond3A_323 = arith.cmpi ne, %convert_element_type3A_321, %cond3A_322 : i32
      scf.if %cond3A_323 {
        %dma_start3A_881 = arith.constant 7 : i32
        %dma_start3A_882 = arith.constant 0 : i32
        %dma_start3A_883 = tpu.memref_slice %arg7[%dma_start3A_881, %dma_start3A_882] : memref<16x128xi32, #tpu.memory_space<vmem>> -> memref<1x128xi32, #tpu.memory_space<vmem>>
        %dma_start3A_884 = tpu.memref_squeeze %dma_start3A_883 : memref<1x128xi32, #tpu.memory_space<vmem>> -> memref<128xi32, #tpu.memory_space<vmem>>
        %dma_start3A_885 = arith.constant 0 : i32
        %dma_start3A_886 = arith.constant 0 : i32
        %dma_start3A_887 = tpu.memref_slice %arg15[%dma_start3A_885, %dma_start3A_886] : memref<10240x64xf32, #tpu.memory_space<vmem_shared>> -> memref<10240x64xf32, #tpu.memory_space<vmem_shared>>
        tpu.enqueue_indirect_dma source(%dma_start3A_887 : memref<10240x64xf32, #tpu.memory_space<vmem_shared>>) target(%arg14 : memref<128x64xf32, #tpu.memory_space<vmem>>) offsets(%dma_start3A_884 : memref<128xi32, #tpu.memory_space<vmem>>) semaphore(%arg20 : memref<!tpu.dma_semaphore, #tpu.memory_space<semaphore_mem>>)
      } else {
      }
      %mul3A_324 = arith.constant 16 : i32
      %mul3A_325 = arith.muli %add3A_244, %mul3A_324 : i32
      %add3A_326 = arith.constant 4 : i32
      %add3A_327 = arith.addi %mul3A_325, %add3A_326 : i32
      %dma_wait3A_328 = arith.constant 4 : i32
      %dma_wait3A_329 = arith.constant 0 : i32
      %dma_wait3A_330 = tpu.memref_slice %arg7[%dma_wait3A_328, %dma_wait3A_329] : memref<16x128xi32, #tpu.memory_space<vmem>> -> memref<1x128xi32, #tpu.memory_space<vmem>>
      %dma_wait3A_331 = tpu.memref_squeeze %dma_wait3A_330 : memref<1x128xi32, #tpu.memory_space<vmem>> -> memref<128xi32, #tpu.memory_space<vmem>>
      %dma_wait3A_332 = arith.constant 0 : i32
      %dma_wait3A_333 = arith.constant 0 : i32
      %dma_wait3A_334 = tpu.memref_slice %arg15[%dma_wait3A_332, %dma_wait3A_333] : memref<10240x64xf32, #tpu.memory_space<vmem_shared>> -> memref<10240x64xf32, #tpu.memory_space<vmem_shared>>
      tpu.wait_indirect_dma semaphore(%arg17 : memref<!tpu.dma_semaphore, #tpu.memory_space<semaphore_mem>>) src(%dma_wait3A_334 : memref<10240x64xf32, #tpu.memory_space<vmem_shared>>) dst(%arg11 : memref<128x64xf32, #tpu.memory_space<vmem>>)
      %run_scoped3A_335 = arith.constant 4 : i32
      "tpu.region"() ({
        %run_scoped3A_881 = tpu.sem_alloc : memref<!tpu.dma_semaphore, #tpu.memory_space<semaphore_mem>>
        %dma_start3A_882 = arith.constant 0 : i32
        %dma_start3A_883 = tpu.memref_slice %arg9[%run_scoped3A_335, %dma_start3A_882] : memref<16x128xi32, #tpu.memory_space<vmem>> -> memref<1x128xi32, #tpu.memory_space<vmem>>
        %dma_start3A_884 = tpu.memref_squeeze %dma_start3A_883 : memref<1x128xi32, #tpu.memory_space<vmem>> -> memref<128xi32, #tpu.memory_space<vmem>>
        %dma_start3A_885 = arith.constant 0 : i32
        %dma_start3A_886 = arith.constant 0 : i32
        %dma_start3A_887 = tpu.memref_slice %arg16[%dma_start3A_885, %dma_start3A_886] : memref<10240x64xf32, #tpu.memory_space<vmem_shared>> -> memref<10240x64xf32, #tpu.memory_space<vmem_shared>>
        tpu.enqueue_indirect_dma source(%arg11 : memref<128x64xf32, #tpu.memory_space<vmem>>) target(%dma_start3A_887 : memref<10240x64xf32, #tpu.memory_space<vmem_shared>>) offsets(%dma_start3A_884 : memref<128xi32, #tpu.memory_space<vmem>>) semaphore(%run_scoped3A_881 : memref<!tpu.dma_semaphore, #tpu.memory_space<semaphore_mem>>) {add = true}
        %dma_wait3A_888 = arith.constant 0 : i32
        %dma_wait3A_889 = tpu.memref_slice %arg9[%run_scoped3A_335, %dma_wait3A_888] : memref<16x128xi32, #tpu.memory_space<vmem>> -> memref<1x128xi32, #tpu.memory_space<vmem>>
        %dma_wait3A_890 = tpu.memref_squeeze %dma_wait3A_889 : memref<1x128xi32, #tpu.memory_space<vmem>> -> memref<128xi32, #tpu.memory_space<vmem>>
        %dma_wait3A_891 = arith.constant 0 : i32
        %dma_wait3A_892 = arith.constant 0 : i32
        %dma_wait3A_893 = tpu.memref_slice %arg16[%dma_wait3A_891, %dma_wait3A_892] : memref<10240x64xf32, #tpu.memory_space<vmem_shared>> -> memref<10240x64xf32, #tpu.memory_space<vmem_shared>>
        tpu.wait_indirect_dma semaphore(%run_scoped3A_881 : memref<!tpu.dma_semaphore, #tpu.memory_space<semaphore_mem>>) src(%arg11 : memref<128x64xf32, #tpu.memory_space<vmem>>) dst(%dma_wait3A_893 : memref<10240x64xf32, #tpu.memory_space<vmem_shared>>)
        tpu.yield
      }) : () -> ()
      %add3A_336 = arith.constant 4 : i32
      %add3A_337 = arith.addi %add3A_327, %add3A_336 : i32
      %lt3A_338 = arith.constant 160 : i32
      %lt3A_339 = arith.cmpi slt, %add3A_337, %lt3A_338 : i32
      %convert_element_type3A_340 = arith.extui %lt3A_339 : i1 to i32
      %cond3A_341 = arith.constant 0 : i32
      %cond3A_342 = arith.cmpi ne, %convert_element_type3A_340, %cond3A_341 : i32
      scf.if %cond3A_342 {
        %dma_start3A_881 = arith.constant 8 : i32
        %dma_start3A_882 = arith.constant 0 : i32
        %dma_start3A_883 = tpu.memref_slice %arg7[%dma_start3A_881, %dma_start3A_882] : memref<16x128xi32, #tpu.memory_space<vmem>> -> memref<1x128xi32, #tpu.memory_space<vmem>>
        %dma_start3A_884 = tpu.memref_squeeze %dma_start3A_883 : memref<1x128xi32, #tpu.memory_space<vmem>> -> memref<128xi32, #tpu.memory_space<vmem>>
        %dma_start3A_885 = arith.constant 0 : i32
        %dma_start3A_886 = arith.constant 0 : i32
        %dma_start3A_887 = tpu.memref_slice %arg15[%dma_start3A_885, %dma_start3A_886] : memref<10240x64xf32, #tpu.memory_space<vmem_shared>> -> memref<10240x64xf32, #tpu.memory_space<vmem_shared>>
        tpu.enqueue_indirect_dma source(%dma_start3A_887 : memref<10240x64xf32, #tpu.memory_space<vmem_shared>>) target(%arg11 : memref<128x64xf32, #tpu.memory_space<vmem>>) offsets(%dma_start3A_884 : memref<128xi32, #tpu.memory_space<vmem>>) semaphore(%arg17 : memref<!tpu.dma_semaphore, #tpu.memory_space<semaphore_mem>>)
      } else {
      }
      %mul3A_343 = arith.constant 16 : i32
      %mul3A_344 = arith.muli %add3A_244, %mul3A_343 : i32
      %add3A_345 = arith.constant 5 : i32
      %add3A_346 = arith.addi %mul3A_344, %add3A_345 : i32
      %dma_wait3A_347 = arith.constant 5 : i32
      %dma_wait3A_348 = arith.constant 0 : i32
      %dma_wait3A_349 = tpu.memref_slice %arg7[%dma_wait3A_347, %dma_wait3A_348] : memref<16x128xi32, #tpu.memory_space<vmem>> -> memref<1x128xi32, #tpu.memory_space<vmem>>
      %dma_wait3A_350 = tpu.memref_squeeze %dma_wait3A_349 : memref<1x128xi32, #tpu.memory_space<vmem>> -> memref<128xi32, #tpu.memory_space<vmem>>
      %dma_wait3A_351 = arith.constant 0 : i32
      %dma_wait3A_352 = arith.constant 0 : i32
      %dma_wait3A_353 = tpu.memref_slice %arg15[%dma_wait3A_351, %dma_wait3A_352] : memref<10240x64xf32, #tpu.memory_space<vmem_shared>> -> memref<10240x64xf32, #tpu.memory_space<vmem_shared>>
      tpu.wait_indirect_dma semaphore(%arg18 : memref<!tpu.dma_semaphore, #tpu.memory_space<semaphore_mem>>) src(%dma_wait3A_353 : memref<10240x64xf32, #tpu.memory_space<vmem_shared>>) dst(%arg12 : memref<128x64xf32, #tpu.memory_space<vmem>>)
      %run_scoped3A_354 = arith.constant 5 : i32
      "tpu.region"() ({
        %run_scoped3A_881 = tpu.sem_alloc : memref<!tpu.dma_semaphore, #tpu.memory_space<semaphore_mem>>
        %dma_start3A_882 = arith.constant 0 : i32
        %dma_start3A_883 = tpu.memref_slice %arg9[%run_scoped3A_354, %dma_start3A_882] : memref<16x128xi32, #tpu.memory_space<vmem>> -> memref<1x128xi32, #tpu.memory_space<vmem>>
        %dma_start3A_884 = tpu.memref_squeeze %dma_start3A_883 : memref<1x128xi32, #tpu.memory_space<vmem>> -> memref<128xi32, #tpu.memory_space<vmem>>
        %dma_start3A_885 = arith.constant 0 : i32
        %dma_start3A_886 = arith.constant 0 : i32
        %dma_start3A_887 = tpu.memref_slice %arg16[%dma_start3A_885, %dma_start3A_886] : memref<10240x64xf32, #tpu.memory_space<vmem_shared>> -> memref<10240x64xf32, #tpu.memory_space<vmem_shared>>
        tpu.enqueue_indirect_dma source(%arg12 : memref<128x64xf32, #tpu.memory_space<vmem>>) target(%dma_start3A_887 : memref<10240x64xf32, #tpu.memory_space<vmem_shared>>) offsets(%dma_start3A_884 : memref<128xi32, #tpu.memory_space<vmem>>) semaphore(%run_scoped3A_881 : memref<!tpu.dma_semaphore, #tpu.memory_space<semaphore_mem>>) {add = true}
        %dma_wait3A_888 = arith.constant 0 : i32
        %dma_wait3A_889 = tpu.memref_slice %arg9[%run_scoped3A_354, %dma_wait3A_888] : memref<16x128xi32, #tpu.memory_space<vmem>> -> memref<1x128xi32, #tpu.memory_space<vmem>>
        %dma_wait3A_890 = tpu.memref_squeeze %dma_wait3A_889 : memref<1x128xi32, #tpu.memory_space<vmem>> -> memref<128xi32, #tpu.memory_space<vmem>>
        %dma_wait3A_891 = arith.constant 0 : i32
        %dma_wait3A_892 = arith.constant 0 : i32
        %dma_wait3A_893 = tpu.memref_slice %arg16[%dma_wait3A_891, %dma_wait3A_892] : memref<10240x64xf32, #tpu.memory_space<vmem_shared>> -> memref<10240x64xf32, #tpu.memory_space<vmem_shared>>
        tpu.wait_indirect_dma semaphore(%run_scoped3A_881 : memref<!tpu.dma_semaphore, #tpu.memory_space<semaphore_mem>>) src(%arg12 : memref<128x64xf32, #tpu.memory_space<vmem>>) dst(%dma_wait3A_893 : memref<10240x64xf32, #tpu.memory_space<vmem_shared>>)
        tpu.yield
      }) : () -> ()
      %add3A_355 = arith.constant 4 : i32
      %add3A_356 = arith.addi %add3A_346, %add3A_355 : i32
      %lt3A_357 = arith.constant 160 : i32
      %lt3A_358 = arith.cmpi slt, %add3A_356, %lt3A_357 : i32
      %convert_element_type3A_359 = arith.extui %lt3A_358 : i1 to i32
      %cond3A_360 = arith.constant 0 : i32
      %cond3A_361 = arith.cmpi ne, %convert_element_type3A_359, %cond3A_360 : i32
      scf.if %cond3A_361 {
        %dma_start3A_881 = arith.constant 9 : i32
        %dma_start3A_882 = arith.constant 0 : i32
        %dma_start3A_883 = tpu.memref_slice %arg7[%dma_start3A_881, %dma_start3A_882] : memref<16x128xi32, #tpu.memory_space<vmem>> -> memref<1x128xi32, #tpu.memory_space<vmem>>
        %dma_start3A_884 = tpu.memref_squeeze %dma_start3A_883 : memref<1x128xi32, #tpu.memory_space<vmem>> -> memref<128xi32, #tpu.memory_space<vmem>>
        %dma_start3A_885 = arith.constant 0 : i32
        %dma_start3A_886 = arith.constant 0 : i32
        %dma_start3A_887 = tpu.memref_slice %arg15[%dma_start3A_885, %dma_start3A_886] : memref<10240x64xf32, #tpu.memory_space<vmem_shared>> -> memref<10240x64xf32, #tpu.memory_space<vmem_shared>>
        tpu.enqueue_indirect_dma source(%dma_start3A_887 : memref<10240x64xf32, #tpu.memory_space<vmem_shared>>) target(%arg12 : memref<128x64xf32, #tpu.memory_space<vmem>>) offsets(%dma_start3A_884 : memref<128xi32, #tpu.memory_space<vmem>>) semaphore(%arg18 : memref<!tpu.dma_semaphore, #tpu.memory_space<semaphore_mem>>)
      } else {
      }
      %mul3A_362 = arith.constant 16 : i32
      %mul3A_363 = arith.muli %add3A_244, %mul3A_362 : i32
      %add3A_364 = arith.constant 6 : i32
      %add3A_365 = arith.addi %mul3A_363, %add3A_364 : i32
      %dma_wait3A_366 = arith.constant 6 : i32
      %dma_wait3A_367 = arith.constant 0 : i32
      %dma_wait3A_368 = tpu.memref_slice %arg7[%dma_wait3A_366, %dma_wait3A_367] : memref<16x128xi32, #tpu.memory_space<vmem>> -> memref<1x128xi32, #tpu.memory_space<vmem>>
      %dma_wait3A_369 = tpu.memref_squeeze %dma_wait3A_368 : memref<1x128xi32, #tpu.memory_space<vmem>> -> memref<128xi32, #tpu.memory_space<vmem>>
      %dma_wait3A_370 = arith.constant 0 : i32
      %dma_wait3A_371 = arith.constant 0 : i32
      %dma_wait3A_372 = tpu.memref_slice %arg15[%dma_wait3A_370, %dma_wait3A_371] : memref<10240x64xf32, #tpu.memory_space<vmem_shared>> -> memref<10240x64xf32, #tpu.memory_space<vmem_shared>>
      tpu.wait_indirect_dma semaphore(%arg19 : memref<!tpu.dma_semaphore, #tpu.memory_space<semaphore_mem>>) src(%dma_wait3A_372 : memref<10240x64xf32, #tpu.memory_space<vmem_shared>>) dst(%arg13 : memref<128x64xf32, #tpu.memory_space<vmem>>)
      %run_scoped3A_373 = arith.constant 6 : i32
      "tpu.region"() ({
        %run_scoped3A_881 = tpu.sem_alloc : memref<!tpu.dma_semaphore, #tpu.memory_space<semaphore_mem>>
        %dma_start3A_882 = arith.constant 0 : i32
        %dma_start3A_883 = tpu.memref_slice %arg9[%run_scoped3A_373, %dma_start3A_882] : memref<16x128xi32, #tpu.memory_space<vmem>> -> memref<1x128xi32, #tpu.memory_space<vmem>>
        %dma_start3A_884 = tpu.memref_squeeze %dma_start3A_883 : memref<1x128xi32, #tpu.memory_space<vmem>> -> memref<128xi32, #tpu.memory_space<vmem>>
        %dma_start3A_885 = arith.constant 0 : i32
        %dma_start3A_886 = arith.constant 0 : i32
        %dma_start3A_887 = tpu.memref_slice %arg16[%dma_start3A_885, %dma_start3A_886] : memref<10240x64xf32, #tpu.memory_space<vmem_shared>> -> memref<10240x64xf32, #tpu.memory_space<vmem_shared>>
        tpu.enqueue_indirect_dma source(%arg13 : memref<128x64xf32, #tpu.memory_space<vmem>>) target(%dma_start3A_887 : memref<10240x64xf32, #tpu.memory_space<vmem_shared>>) offsets(%dma_start3A_884 : memref<128xi32, #tpu.memory_space<vmem>>) semaphore(%run_scoped3A_881 : memref<!tpu.dma_semaphore, #tpu.memory_space<semaphore_mem>>) {add = true}
        %dma_wait3A_888 = arith.constant 0 : i32
        %dma_wait3A_889 = tpu.memref_slice %arg9[%run_scoped3A_373, %dma_wait3A_888] : memref<16x128xi32, #tpu.memory_space<vmem>> -> memref<1x128xi32, #tpu.memory_space<vmem>>
        %dma_wait3A_890 = tpu.memref_squeeze %dma_wait3A_889 : memref<1x128xi32, #tpu.memory_space<vmem>> -> memref<128xi32, #tpu.memory_space<vmem>>
        %dma_wait3A_891 = arith.constant 0 : i32
        %dma_wait3A_892 = arith.constant 0 : i32
        %dma_wait3A_893 = tpu.memref_slice %arg16[%dma_wait3A_891, %dma_wait3A_892] : memref<10240x64xf32, #tpu.memory_space<vmem_shared>> -> memref<10240x64xf32, #tpu.memory_space<vmem_shared>>
        tpu.wait_indirect_dma semaphore(%run_scoped3A_881 : memref<!tpu.dma_semaphore, #tpu.memory_space<semaphore_mem>>) src(%arg13 : memref<128x64xf32, #tpu.memory_space<vmem>>) dst(%dma_wait3A_893 : memref<10240x64xf32, #tpu.memory_space<vmem_shared>>)
        tpu.yield
      }) : () -> ()
      %add3A_374 = arith.constant 4 : i32
      %add3A_375 = arith.addi %add3A_365, %add3A_374 : i32
      %lt3A_376 = arith.constant 160 : i32
      %lt3A_377 = arith.cmpi slt, %add3A_375, %lt3A_376 : i32
      %convert_element_type3A_378 = arith.extui %lt3A_377 : i1 to i32
      %cond3A_379 = arith.constant 0 : i32
      %cond3A_380 = arith.cmpi ne, %convert_element_type3A_378, %cond3A_379 : i32
      scf.if %cond3A_380 {
        %dma_start3A_881 = arith.constant 10 : i32
        %dma_start3A_882 = arith.constant 0 : i32
        %dma_start3A_883 = tpu.memref_slice %arg7[%dma_start3A_881, %dma_start3A_882] : memref<16x128xi32, #tpu.memory_space<vmem>> -> memref<1x128xi32, #tpu.memory_space<vmem>>
        %dma_start3A_884 = tpu.memref_squeeze %dma_start3A_883 : memref<1x128xi32, #tpu.memory_space<vmem>> -> memref<128xi32, #tpu.memory_space<vmem>>
        %dma_start3A_885 = arith.constant 0 : i32
        %dma_start3A_886 = arith.constant 0 : i32
        %dma_start3A_887 = tpu.memref_slice %arg15[%dma_start3A_885, %dma_start3A_886] : memref<10240x64xf32, #tpu.memory_space<vmem_shared>> -> memref<10240x64xf32, #tpu.memory_space<vmem_shared>>
        tpu.enqueue_indirect_dma source(%dma_start3A_887 : memref<10240x64xf32, #tpu.memory_space<vmem_shared>>) target(%arg13 : memref<128x64xf32, #tpu.memory_space<vmem>>) offsets(%dma_start3A_884 : memref<128xi32, #tpu.memory_space<vmem>>) semaphore(%arg19 : memref<!tpu.dma_semaphore, #tpu.memory_space<semaphore_mem>>)
      } else {
      }
      %mul3A_381 = arith.constant 16 : i32
      %mul3A_382 = arith.muli %add3A_244, %mul3A_381 : i32
      %add3A_383 = arith.constant 7 : i32
      %add3A_384 = arith.addi %mul3A_382, %add3A_383 : i32
      %dma_wait3A_385 = arith.constant 7 : i32
      %dma_wait3A_386 = arith.constant 0 : i32
      %dma_wait3A_387 = tpu.memref_slice %arg7[%dma_wait3A_385, %dma_wait3A_386] : memref<16x128xi32, #tpu.memory_space<vmem>> -> memref<1x128xi32, #tpu.memory_space<vmem>>
      %dma_wait3A_388 = tpu.memref_squeeze %dma_wait3A_387 : memref<1x128xi32, #tpu.memory_space<vmem>> -> memref<128xi32, #tpu.memory_space<vmem>>
      %dma_wait3A_389 = arith.constant 0 : i32
      %dma_wait3A_390 = arith.constant 0 : i32
      %dma_wait3A_391 = tpu.memref_slice %arg15[%dma_wait3A_389, %dma_wait3A_390] : memref<10240x64xf32, #tpu.memory_space<vmem_shared>> -> memref<10240x64xf32, #tpu.memory_space<vmem_shared>>
      tpu.wait_indirect_dma semaphore(%arg20 : memref<!tpu.dma_semaphore, #tpu.memory_space<semaphore_mem>>) src(%dma_wait3A_391 : memref<10240x64xf32, #tpu.memory_space<vmem_shared>>) dst(%arg14 : memref<128x64xf32, #tpu.memory_space<vmem>>)
      %run_scoped3A_392 = arith.constant 7 : i32
      "tpu.region"() ({
        %run_scoped3A_881 = tpu.sem_alloc : memref<!tpu.dma_semaphore, #tpu.memory_space<semaphore_mem>>
        %dma_start3A_882 = arith.constant 0 : i32
        %dma_start3A_883 = tpu.memref_slice %arg9[%run_scoped3A_392, %dma_start3A_882] : memref<16x128xi32, #tpu.memory_space<vmem>> -> memref<1x128xi32, #tpu.memory_space<vmem>>
        %dma_start3A_884 = tpu.memref_squeeze %dma_start3A_883 : memref<1x128xi32, #tpu.memory_space<vmem>> -> memref<128xi32, #tpu.memory_space<vmem>>
        %dma_start3A_885 = arith.constant 0 : i32
        %dma_start3A_886 = arith.constant 0 : i32
        %dma_start3A_887 = tpu.memref_slice %arg16[%dma_start3A_885, %dma_start3A_886] : memref<10240x64xf32, #tpu.memory_space<vmem_shared>> -> memref<10240x64xf32, #tpu.memory_space<vmem_shared>>
        tpu.enqueue_indirect_dma source(%arg14 : memref<128x64xf32, #tpu.memory_space<vmem>>) target(%dma_start3A_887 : memref<10240x64xf32, #tpu.memory_space<vmem_shared>>) offsets(%dma_start3A_884 : memref<128xi32, #tpu.memory_space<vmem>>) semaphore(%run_scoped3A_881 : memref<!tpu.dma_semaphore, #tpu.memory_space<semaphore_mem>>) {add = true}
        %dma_wait3A_888 = arith.constant 0 : i32
        %dma_wait3A_889 = tpu.memref_slice %arg9[%run_scoped3A_392, %dma_wait3A_888] : memref<16x128xi32, #tpu.memory_space<vmem>> -> memref<1x128xi32, #tpu.memory_space<vmem>>
        %dma_wait3A_890 = tpu.memref_squeeze %dma_wait3A_889 : memref<1x128xi32, #tpu.memory_space<vmem>> -> memref<128xi32, #tpu.memory_space<vmem>>
        %dma_wait3A_891 = arith.constant 0 : i32
        %dma_wait3A_892 = arith.constant 0 : i32
        %dma_wait3A_893 = tpu.memref_slice %arg16[%dma_wait3A_891, %dma_wait3A_892] : memref<10240x64xf32, #tpu.memory_space<vmem_shared>> -> memref<10240x64xf32, #tpu.memory_space<vmem_shared>>
        tpu.wait_indirect_dma semaphore(%run_scoped3A_881 : memref<!tpu.dma_semaphore, #tpu.memory_space<semaphore_mem>>) src(%arg14 : memref<128x64xf32, #tpu.memory_space<vmem>>) dst(%dma_wait3A_893 : memref<10240x64xf32, #tpu.memory_space<vmem_shared>>)
        tpu.yield
      }) : () -> ()
      %add3A_393 = arith.constant 4 : i32
      %add3A_394 = arith.addi %add3A_384, %add3A_393 : i32
      %lt3A_395 = arith.constant 160 : i32
      %lt3A_396 = arith.cmpi slt, %add3A_394, %lt3A_395 : i32
      %convert_element_type3A_397 = arith.extui %lt3A_396 : i1 to i32
      %cond3A_398 = arith.constant 0 : i32
      %cond3A_399 = arith.cmpi ne, %convert_element_type3A_397, %cond3A_398 : i32
      scf.if %cond3A_399 {
        %dma_start3A_881 = arith.constant 11 : i32
        %dma_start3A_882 = arith.constant 0 : i32
        %dma_start3A_883 = tpu.memref_slice %arg7[%dma_start3A_881, %dma_start3A_882] : memref<16x128xi32, #tpu.memory_space<vmem>> -> memref<1x128xi32, #tpu.memory_space<vmem>>
        %dma_start3A_884 = tpu.memref_squeeze %dma_start3A_883 : memref<1x128xi32, #tpu.memory_space<vmem>> -> memref<128xi32, #tpu.memory_space<vmem>>
        %dma_start3A_885 = arith.constant 0 : i32
        %dma_start3A_886 = arith.constant 0 : i32
        %dma_start3A_887 = tpu.memref_slice %arg15[%dma_start3A_885, %dma_start3A_886] : memref<10240x64xf32, #tpu.memory_space<vmem_shared>> -> memref<10240x64xf32, #tpu.memory_space<vmem_shared>>
        tpu.enqueue_indirect_dma source(%dma_start3A_887 : memref<10240x64xf32, #tpu.memory_space<vmem_shared>>) target(%arg14 : memref<128x64xf32, #tpu.memory_space<vmem>>) offsets(%dma_start3A_884 : memref<128xi32, #tpu.memory_space<vmem>>) semaphore(%arg20 : memref<!tpu.dma_semaphore, #tpu.memory_space<semaphore_mem>>)
      } else {
      }
      %mul3A_400 = arith.constant 16 : i32
      %mul3A_401 = arith.muli %add3A_244, %mul3A_400 : i32
      %add3A_402 = arith.constant 8 : i32
      %add3A_403 = arith.addi %mul3A_401, %add3A_402 : i32
      %dma_wait3A_404 = arith.constant 8 : i32
      %dma_wait3A_405 = arith.constant 0 : i32
      %dma_wait3A_406 = tpu.memref_slice %arg7[%dma_wait3A_404, %dma_wait3A_405] : memref<16x128xi32, #tpu.memory_space<vmem>> -> memref<1x128xi32, #tpu.memory_space<vmem>>
      %dma_wait3A_407 = tpu.memref_squeeze %dma_wait3A_406 : memref<1x128xi32, #tpu.memory_space<vmem>> -> memref<128xi32, #tpu.memory_space<vmem>>
      %dma_wait3A_408 = arith.constant 0 : i32
      %dma_wait3A_409 = arith.constant 0 : i32
      %dma_wait3A_410 = tpu.memref_slice %arg15[%dma_wait3A_408, %dma_wait3A_409] : memref<10240x64xf32, #tpu.memory_space<vmem_shared>> -> memref<10240x64xf32, #tpu.memory_space<vmem_shared>>
      tpu.wait_indirect_dma semaphore(%arg17 : memref<!tpu.dma_semaphore, #tpu.memory_space<semaphore_mem>>) src(%dma_wait3A_410 : memref<10240x64xf32, #tpu.memory_space<vmem_shared>>) dst(%arg11 : memref<128x64xf32, #tpu.memory_space<vmem>>)
      %run_scoped3A_411 = arith.constant 8 : i32
      "tpu.region"() ({
        %run_scoped3A_881 = tpu.sem_alloc : memref<!tpu.dma_semaphore, #tpu.memory_space<semaphore_mem>>
        %dma_start3A_882 = arith.constant 0 : i32
        %dma_start3A_883 = tpu.memref_slice %arg9[%run_scoped3A_411, %dma_start3A_882] : memref<16x128xi32, #tpu.memory_space<vmem>> -> memref<1x128xi32, #tpu.memory_space<vmem>>
        %dma_start3A_884 = tpu.memref_squeeze %dma_start3A_883 : memref<1x128xi32, #tpu.memory_space<vmem>> -> memref<128xi32, #tpu.memory_space<vmem>>
        %dma_start3A_885 = arith.constant 0 : i32
        %dma_start3A_886 = arith.constant 0 : i32
        %dma_start3A_887 = tpu.memref_slice %arg16[%dma_start3A_885, %dma_start3A_886] : memref<10240x64xf32, #tpu.memory_space<vmem_shared>> -> memref<10240x64xf32, #tpu.memory_space<vmem_shared>>
        tpu.enqueue_indirect_dma source(%arg11 : memref<128x64xf32, #tpu.memory_space<vmem>>) target(%dma_start3A_887 : memref<10240x64xf32, #tpu.memory_space<vmem_shared>>) offsets(%dma_start3A_884 : memref<128xi32, #tpu.memory_space<vmem>>) semaphore(%run_scoped3A_881 : memref<!tpu.dma_semaphore, #tpu.memory_space<semaphore_mem>>) {add = true}
        %dma_wait3A_888 = arith.constant 0 : i32
        %dma_wait3A_889 = tpu.memref_slice %arg9[%run_scoped3A_411, %dma_wait3A_888] : memref<16x128xi32, #tpu.memory_space<vmem>> -> memref<1x128xi32, #tpu.memory_space<vmem>>
        %dma_wait3A_890 = tpu.memref_squeeze %dma_wait3A_889 : memref<1x128xi32, #tpu.memory_space<vmem>> -> memref<128xi32, #tpu.memory_space<vmem>>
        %dma_wait3A_891 = arith.constant 0 : i32
        %dma_wait3A_892 = arith.constant 0 : i32
        %dma_wait3A_893 = tpu.memref_slice %arg16[%dma_wait3A_891, %dma_wait3A_892] : memref<10240x64xf32, #tpu.memory_space<vmem_shared>> -> memref<10240x64xf32, #tpu.memory_space<vmem_shared>>
        tpu.wait_indirect_dma semaphore(%run_scoped3A_881 : memref<!tpu.dma_semaphore, #tpu.memory_space<semaphore_mem>>) src(%arg11 : memref<128x64xf32, #tpu.memory_space<vmem>>) dst(%dma_wait3A_893 : memref<10240x64xf32, #tpu.memory_space<vmem_shared>>)
        tpu.yield
      }) : () -> ()
      %add3A_412 = arith.constant 4 : i32
      %add3A_413 = arith.addi %add3A_403, %add3A_412 : i32
      %lt3A_414 = arith.constant 160 : i32
      %lt3A_415 = arith.cmpi slt, %add3A_413, %lt3A_414 : i32
      %convert_element_type3A_416 = arith.extui %lt3A_415 : i1 to i32
      %cond3A_417 = arith.constant 0 : i32
      %cond3A_418 = arith.cmpi ne, %convert_element_type3A_416, %cond3A_417 : i32
      scf.if %cond3A_418 {
        %dma_start3A_881 = arith.constant 12 : i32
        %dma_start3A_882 = arith.constant 0 : i32
        %dma_start3A_883 = tpu.memref_slice %arg7[%dma_start3A_881, %dma_start3A_882] : memref<16x128xi32, #tpu.memory_space<vmem>> -> memref<1x128xi32, #tpu.memory_space<vmem>>
        %dma_start3A_884 = tpu.memref_squeeze %dma_start3A_883 : memref<1x128xi32, #tpu.memory_space<vmem>> -> memref<128xi32, #tpu.memory_space<vmem>>
        %dma_start3A_885 = arith.constant 0 : i32
        %dma_start3A_886 = arith.constant 0 : i32
        %dma_start3A_887 = tpu.memref_slice %arg15[%dma_start3A_885, %dma_start3A_886] : memref<10240x64xf32, #tpu.memory_space<vmem_shared>> -> memref<10240x64xf32, #tpu.memory_space<vmem_shared>>
        tpu.enqueue_indirect_dma source(%dma_start3A_887 : memref<10240x64xf32, #tpu.memory_space<vmem_shared>>) target(%arg11 : memref<128x64xf32, #tpu.memory_space<vmem>>) offsets(%dma_start3A_884 : memref<128xi32, #tpu.memory_space<vmem>>) semaphore(%arg17 : memref<!tpu.dma_semaphore, #tpu.memory_space<semaphore_mem>>)
      } else {
      }
      %mul3A_419 = arith.constant 16 : i32
      %mul3A_420 = arith.muli %add3A_244, %mul3A_419 : i32
      %add3A_421 = arith.constant 9 : i32
      %add3A_422 = arith.addi %mul3A_420, %add3A_421 : i32
      %dma_wait3A_423 = arith.constant 9 : i32
      %dma_wait3A_424 = arith.constant 0 : i32
      %dma_wait3A_425 = tpu.memref_slice %arg7[%dma_wait3A_423, %dma_wait3A_424] : memref<16x128xi32, #tpu.memory_space<vmem>> -> memref<1x128xi32, #tpu.memory_space<vmem>>
      %dma_wait3A_426 = tpu.memref_squeeze %dma_wait3A_425 : memref<1x128xi32, #tpu.memory_space<vmem>> -> memref<128xi32, #tpu.memory_space<vmem>>
      %dma_wait3A_427 = arith.constant 0 : i32
      %dma_wait3A_428 = arith.constant 0 : i32
      %dma_wait3A_429 = tpu.memref_slice %arg15[%dma_wait3A_427, %dma_wait3A_428] : memref<10240x64xf32, #tpu.memory_space<vmem_shared>> -> memref<10240x64xf32, #tpu.memory_space<vmem_shared>>
      tpu.wait_indirect_dma semaphore(%arg18 : memref<!tpu.dma_semaphore, #tpu.memory_space<semaphore_mem>>) src(%dma_wait3A_429 : memref<10240x64xf32, #tpu.memory_space<vmem_shared>>) dst(%arg12 : memref<128x64xf32, #tpu.memory_space<vmem>>)
      %run_scoped3A_430 = arith.constant 9 : i32
      "tpu.region"() ({
        %run_scoped3A_881 = tpu.sem_alloc : memref<!tpu.dma_semaphore, #tpu.memory_space<semaphore_mem>>
        %dma_start3A_882 = arith.constant 0 : i32
        %dma_start3A_883 = tpu.memref_slice %arg9[%run_scoped3A_430, %dma_start3A_882] : memref<16x128xi32, #tpu.memory_space<vmem>> -> memref<1x128xi32, #tpu.memory_space<vmem>>
        %dma_start3A_884 = tpu.memref_squeeze %dma_start3A_883 : memref<1x128xi32, #tpu.memory_space<vmem>> -> memref<128xi32, #tpu.memory_space<vmem>>
        %dma_start3A_885 = arith.constant 0 : i32
        %dma_start3A_886 = arith.constant 0 : i32
        %dma_start3A_887 = tpu.memref_slice %arg16[%dma_start3A_885, %dma_start3A_886] : memref<10240x64xf32, #tpu.memory_space<vmem_shared>> -> memref<10240x64xf32, #tpu.memory_space<vmem_shared>>
        tpu.enqueue_indirect_dma source(%arg12 : memref<128x64xf32, #tpu.memory_space<vmem>>) target(%dma_start3A_887 : memref<10240x64xf32, #tpu.memory_space<vmem_shared>>) offsets(%dma_start3A_884 : memref<128xi32, #tpu.memory_space<vmem>>) semaphore(%run_scoped3A_881 : memref<!tpu.dma_semaphore, #tpu.memory_space<semaphore_mem>>) {add = true}
        %dma_wait3A_888 = arith.constant 0 : i32
        %dma_wait3A_889 = tpu.memref_slice %arg9[%run_scoped3A_430, %dma_wait3A_888] : memref<16x128xi32, #tpu.memory_space<vmem>> -> memref<1x128xi32, #tpu.memory_space<vmem>>
        %dma_wait3A_890 = tpu.memref_squeeze %dma_wait3A_889 : memref<1x128xi32, #tpu.memory_space<vmem>> -> memref<128xi32, #tpu.memory_space<vmem>>
        %dma_wait3A_891 = arith.constant 0 : i32
        %dma_wait3A_892 = arith.constant 0 : i32
        %dma_wait3A_893 = tpu.memref_slice %arg16[%dma_wait3A_891, %dma_wait3A_892] : memref<10240x64xf32, #tpu.memory_space<vmem_shared>> -> memref<10240x64xf32, #tpu.memory_space<vmem_shared>>
        tpu.wait_indirect_dma semaphore(%run_scoped3A_881 : memref<!tpu.dma_semaphore, #tpu.memory_space<semaphore_mem>>) src(%arg12 : memref<128x64xf32, #tpu.memory_space<vmem>>) dst(%dma_wait3A_893 : memref<10240x64xf32, #tpu.memory_space<vmem_shared>>)
        tpu.yield
      }) : () -> ()
      %add3A_431 = arith.constant 4 : i32
      %add3A_432 = arith.addi %add3A_422, %add3A_431 : i32
      %lt3A_433 = arith.constant 160 : i32
      %lt3A_434 = arith.cmpi slt, %add3A_432, %lt3A_433 : i32
      %convert_element_type3A_435 = arith.extui %lt3A_434 : i1 to i32
      %cond3A_436 = arith.constant 0 : i32
      %cond3A_437 = arith.cmpi ne, %convert_element_type3A_435, %cond3A_436 : i32
      scf.if %cond3A_437 {
        %dma_start3A_881 = arith.constant 13 : i32
        %dma_start3A_882 = arith.constant 0 : i32
        %dma_start3A_883 = tpu.memref_slice %arg7[%dma_start3A_881, %dma_start3A_882] : memref<16x128xi32, #tpu.memory_space<vmem>> -> memref<1x128xi32, #tpu.memory_space<vmem>>
        %dma_start3A_884 = tpu.memref_squeeze %dma_start3A_883 : memref<1x128xi32, #tpu.memory_space<vmem>> -> memref<128xi32, #tpu.memory_space<vmem>>
        %dma_start3A_885 = arith.constant 0 : i32
        %dma_start3A_886 = arith.constant 0 : i32
        %dma_start3A_887 = tpu.memref_slice %arg15[%dma_start3A_885, %dma_start3A_886] : memref<10240x64xf32, #tpu.memory_space<vmem_shared>> -> memref<10240x64xf32, #tpu.memory_space<vmem_shared>>
        tpu.enqueue_indirect_dma source(%dma_start3A_887 : memref<10240x64xf32, #tpu.memory_space<vmem_shared>>) target(%arg12 : memref<128x64xf32, #tpu.memory_space<vmem>>) offsets(%dma_start3A_884 : memref<128xi32, #tpu.memory_space<vmem>>) semaphore(%arg18 : memref<!tpu.dma_semaphore, #tpu.memory_space<semaphore_mem>>)
      } else {
      }
      %mul3A_438 = arith.constant 16 : i32
      %mul3A_439 = arith.muli %add3A_244, %mul3A_438 : i32
      %add3A_440 = arith.constant 10 : i32
      %add3A_441 = arith.addi %mul3A_439, %add3A_440 : i32
      %dma_wait3A_442 = arith.constant 10 : i32
      %dma_wait3A_443 = arith.constant 0 : i32
      %dma_wait3A_444 = tpu.memref_slice %arg7[%dma_wait3A_442, %dma_wait3A_443] : memref<16x128xi32, #tpu.memory_space<vmem>> -> memref<1x128xi32, #tpu.memory_space<vmem>>
      %dma_wait3A_445 = tpu.memref_squeeze %dma_wait3A_444 : memref<1x128xi32, #tpu.memory_space<vmem>> -> memref<128xi32, #tpu.memory_space<vmem>>
      %dma_wait3A_446 = arith.constant 0 : i32
      %dma_wait3A_447 = arith.constant 0 : i32
      %dma_wait3A_448 = tpu.memref_slice %arg15[%dma_wait3A_446, %dma_wait3A_447] : memref<10240x64xf32, #tpu.memory_space<vmem_shared>> -> memref<10240x64xf32, #tpu.memory_space<vmem_shared>>
      tpu.wait_indirect_dma semaphore(%arg19 : memref<!tpu.dma_semaphore, #tpu.memory_space<semaphore_mem>>) src(%dma_wait3A_448 : memref<10240x64xf32, #tpu.memory_space<vmem_shared>>) dst(%arg13 : memref<128x64xf32, #tpu.memory_space<vmem>>)
      %run_scoped3A_449 = arith.constant 10 : i32
      "tpu.region"() ({
        %run_scoped3A_881 = tpu.sem_alloc : memref<!tpu.dma_semaphore, #tpu.memory_space<semaphore_mem>>
        %dma_start3A_882 = arith.constant 0 : i32
        %dma_start3A_883 = tpu.memref_slice %arg9[%run_scoped3A_449, %dma_start3A_882] : memref<16x128xi32, #tpu.memory_space<vmem>> -> memref<1x128xi32, #tpu.memory_space<vmem>>
        %dma_start3A_884 = tpu.memref_squeeze %dma_start3A_883 : memref<1x128xi32, #tpu.memory_space<vmem>> -> memref<128xi32, #tpu.memory_space<vmem>>
        %dma_start3A_885 = arith.constant 0 : i32
        %dma_start3A_886 = arith.constant 0 : i32
        %dma_start3A_887 = tpu.memref_slice %arg16[%dma_start3A_885, %dma_start3A_886] : memref<10240x64xf32, #tpu.memory_space<vmem_shared>> -> memref<10240x64xf32, #tpu.memory_space<vmem_shared>>
        tpu.enqueue_indirect_dma source(%arg13 : memref<128x64xf32, #tpu.memory_space<vmem>>) target(%dma_start3A_887 : memref<10240x64xf32, #tpu.memory_space<vmem_shared>>) offsets(%dma_start3A_884 : memref<128xi32, #tpu.memory_space<vmem>>) semaphore(%run_scoped3A_881 : memref<!tpu.dma_semaphore, #tpu.memory_space<semaphore_mem>>) {add = true}
        %dma_wait3A_888 = arith.constant 0 : i32
        %dma_wait3A_889 = tpu.memref_slice %arg9[%run_scoped3A_449, %dma_wait3A_888] : memref<16x128xi32, #tpu.memory_space<vmem>> -> memref<1x128xi32, #tpu.memory_space<vmem>>
        %dma_wait3A_890 = tpu.memref_squeeze %dma_wait3A_889 : memref<1x128xi32, #tpu.memory_space<vmem>> -> memref<128xi32, #tpu.memory_space<vmem>>
        %dma_wait3A_891 = arith.constant 0 : i32
        %dma_wait3A_892 = arith.constant 0 : i32
        %dma_wait3A_893 = tpu.memref_slice %arg16[%dma_wait3A_891, %dma_wait3A_892] : memref<10240x64xf32, #tpu.memory_space<vmem_shared>> -> memref<10240x64xf32, #tpu.memory_space<vmem_shared>>
        tpu.wait_indirect_dma semaphore(%run_scoped3A_881 : memref<!tpu.dma_semaphore, #tpu.memory_space<semaphore_mem>>) src(%arg13 : memref<128x64xf32, #tpu.memory_space<vmem>>) dst(%dma_wait3A_893 : memref<10240x64xf32, #tpu.memory_space<vmem_shared>>)
        tpu.yield
      }) : () -> ()
      %add3A_450 = arith.constant 4 : i32
      %add3A_451 = arith.addi %add3A_441, %add3A_450 : i32
      %lt3A_452 = arith.constant 160 : i32
      %lt3A_453 = arith.cmpi slt, %add3A_451, %lt3A_452 : i32
      %convert_element_type3A_454 = arith.extui %lt3A_453 : i1 to i32
      %cond3A_455 = arith.constant 0 : i32
      %cond3A_456 = arith.cmpi ne, %convert_element_type3A_454, %cond3A_455 : i32
      scf.if %cond3A_456 {
        %dma_start3A_881 = arith.constant 14 : i32
        %dma_start3A_882 = arith.constant 0 : i32
        %dma_start3A_883 = tpu.memref_slice %arg7[%dma_start3A_881, %dma_start3A_882] : memref<16x128xi32, #tpu.memory_space<vmem>> -> memref<1x128xi32, #tpu.memory_space<vmem>>
        %dma_start3A_884 = tpu.memref_squeeze %dma_start3A_883 : memref<1x128xi32, #tpu.memory_space<vmem>> -> memref<128xi32, #tpu.memory_space<vmem>>
        %dma_start3A_885 = arith.constant 0 : i32
        %dma_start3A_886 = arith.constant 0 : i32
        %dma_start3A_887 = tpu.memref_slice %arg15[%dma_start3A_885, %dma_start3A_886] : memref<10240x64xf32, #tpu.memory_space<vmem_shared>> -> memref<10240x64xf32, #tpu.memory_space<vmem_shared>>
        tpu.enqueue_indirect_dma source(%dma_start3A_887 : memref<10240x64xf32, #tpu.memory_space<vmem_shared>>) target(%arg13 : memref<128x64xf32, #tpu.memory_space<vmem>>) offsets(%dma_start3A_884 : memref<128xi32, #tpu.memory_space<vmem>>) semaphore(%arg19 : memref<!tpu.dma_semaphore, #tpu.memory_space<semaphore_mem>>)
      } else {
      }
      %mul3A_457 = arith.constant 16 : i32
      %mul3A_458 = arith.muli %add3A_244, %mul3A_457 : i32
      %add3A_459 = arith.constant 11 : i32
      %add3A_460 = arith.addi %mul3A_458, %add3A_459 : i32
      %dma_wait3A_461 = arith.constant 11 : i32
      %dma_wait3A_462 = arith.constant 0 : i32
      %dma_wait3A_463 = tpu.memref_slice %arg7[%dma_wait3A_461, %dma_wait3A_462] : memref<16x128xi32, #tpu.memory_space<vmem>> -> memref<1x128xi32, #tpu.memory_space<vmem>>
      %dma_wait3A_464 = tpu.memref_squeeze %dma_wait3A_463 : memref<1x128xi32, #tpu.memory_space<vmem>> -> memref<128xi32, #tpu.memory_space<vmem>>
      %dma_wait3A_465 = arith.constant 0 : i32
      %dma_wait3A_466 = arith.constant 0 : i32
      %dma_wait3A_467 = tpu.memref_slice %arg15[%dma_wait3A_465, %dma_wait3A_466] : memref<10240x64xf32, #tpu.memory_space<vmem_shared>> -> memref<10240x64xf32, #tpu.memory_space<vmem_shared>>
      tpu.wait_indirect_dma semaphore(%arg20 : memref<!tpu.dma_semaphore, #tpu.memory_space<semaphore_mem>>) src(%dma_wait3A_467 : memref<10240x64xf32, #tpu.memory_space<vmem_shared>>) dst(%arg14 : memref<128x64xf32, #tpu.memory_space<vmem>>)
      %run_scoped3A_468 = arith.constant 11 : i32
      "tpu.region"() ({
        %run_scoped3A_881 = tpu.sem_alloc : memref<!tpu.dma_semaphore, #tpu.memory_space<semaphore_mem>>
        %dma_start3A_882 = arith.constant 0 : i32
        %dma_start3A_883 = tpu.memref_slice %arg9[%run_scoped3A_468, %dma_start3A_882] : memref<16x128xi32, #tpu.memory_space<vmem>> -> memref<1x128xi32, #tpu.memory_space<vmem>>
        %dma_start3A_884 = tpu.memref_squeeze %dma_start3A_883 : memref<1x128xi32, #tpu.memory_space<vmem>> -> memref<128xi32, #tpu.memory_space<vmem>>
        %dma_start3A_885 = arith.constant 0 : i32
        %dma_start3A_886 = arith.constant 0 : i32
        %dma_start3A_887 = tpu.memref_slice %arg16[%dma_start3A_885, %dma_start3A_886] : memref<10240x64xf32, #tpu.memory_space<vmem_shared>> -> memref<10240x64xf32, #tpu.memory_space<vmem_shared>>
        tpu.enqueue_indirect_dma source(%arg14 : memref<128x64xf32, #tpu.memory_space<vmem>>) target(%dma_start3A_887 : memref<10240x64xf32, #tpu.memory_space<vmem_shared>>) offsets(%dma_start3A_884 : memref<128xi32, #tpu.memory_space<vmem>>) semaphore(%run_scoped3A_881 : memref<!tpu.dma_semaphore, #tpu.memory_space<semaphore_mem>>) {add = true}
        %dma_wait3A_888 = arith.constant 0 : i32
        %dma_wait3A_889 = tpu.memref_slice %arg9[%run_scoped3A_468, %dma_wait3A_888] : memref<16x128xi32, #tpu.memory_space<vmem>> -> memref<1x128xi32, #tpu.memory_space<vmem>>
        %dma_wait3A_890 = tpu.memref_squeeze %dma_wait3A_889 : memref<1x128xi32, #tpu.memory_space<vmem>> -> memref<128xi32, #tpu.memory_space<vmem>>
        %dma_wait3A_891 = arith.constant 0 : i32
        %dma_wait3A_892 = arith.constant 0 : i32
        %dma_wait3A_893 = tpu.memref_slice %arg16[%dma_wait3A_891, %dma_wait3A_892] : memref<10240x64xf32, #tpu.memory_space<vmem_shared>> -> memref<10240x64xf32, #tpu.memory_space<vmem_shared>>
        tpu.wait_indirect_dma semaphore(%run_scoped3A_881 : memref<!tpu.dma_semaphore, #tpu.memory_space<semaphore_mem>>) src(%arg14 : memref<128x64xf32, #tpu.memory_space<vmem>>) dst(%dma_wait3A_893 : memref<10240x64xf32, #tpu.memory_space<vmem_shared>>)
        tpu.yield
      }) : () -> ()
      %add3A_469 = arith.constant 4 : i32
      %add3A_470 = arith.addi %add3A_460, %add3A_469 : i32
      %lt3A_471 = arith.constant 160 : i32
      %lt3A_472 = arith.cmpi slt, %add3A_470, %lt3A_471 : i32
      %convert_element_type3A_473 = arith.extui %lt3A_472 : i1 to i32
      %cond3A_474 = arith.constant 0 : i32
      %cond3A_475 = arith.cmpi ne, %convert_element_type3A_473, %cond3A_474 : i32
      scf.if %cond3A_475 {
        %dma_start3A_881 = arith.constant 15 : i32
        %dma_start3A_882 = arith.constant 0 : i32
        %dma_start3A_883 = tpu.memref_slice %arg7[%dma_start3A_881, %dma_start3A_882] : memref<16x128xi32, #tpu.memory_space<vmem>> -> memref<1x128xi32, #tpu.memory_space<vmem>>
        %dma_start3A_884 = tpu.memref_squeeze %dma_start3A_883 : memref<1x128xi32, #tpu.memory_space<vmem>> -> memref<128xi32, #tpu.memory_space<vmem>>
        %dma_start3A_885 = arith.constant 0 : i32
        %dma_start3A_886 = arith.constant 0 : i32
        %dma_start3A_887 = tpu.memref_slice %arg15[%dma_start3A_885, %dma_start3A_886] : memref<10240x64xf32, #tpu.memory_space<vmem_shared>> -> memref<10240x64xf32, #tpu.memory_space<vmem_shared>>
        tpu.enqueue_indirect_dma source(%dma_start3A_887 : memref<10240x64xf32, #tpu.memory_space<vmem_shared>>) target(%arg14 : memref<128x64xf32, #tpu.memory_space<vmem>>) offsets(%dma_start3A_884 : memref<128xi32, #tpu.memory_space<vmem>>) semaphore(%arg20 : memref<!tpu.dma_semaphore, #tpu.memory_space<semaphore_mem>>)
      } else {
      }
      %mul3A_476 = arith.constant 16 : i32
      %mul3A_477 = arith.muli %add3A_244, %mul3A_476 : i32
      %add3A_478 = arith.constant 12 : i32
      %add3A_479 = arith.addi %mul3A_477, %add3A_478 : i32
      %dma_wait3A_480 = arith.constant 12 : i32
      %dma_wait3A_481 = arith.constant 0 : i32
      %dma_wait3A_482 = tpu.memref_slice %arg7[%dma_wait3A_480, %dma_wait3A_481] : memref<16x128xi32, #tpu.memory_space<vmem>> -> memref<1x128xi32, #tpu.memory_space<vmem>>
      %dma_wait3A_483 = tpu.memref_squeeze %dma_wait3A_482 : memref<1x128xi32, #tpu.memory_space<vmem>> -> memref<128xi32, #tpu.memory_space<vmem>>
      %dma_wait3A_484 = arith.constant 0 : i32
      %dma_wait3A_485 = arith.constant 0 : i32
      %dma_wait3A_486 = tpu.memref_slice %arg15[%dma_wait3A_484, %dma_wait3A_485] : memref<10240x64xf32, #tpu.memory_space<vmem_shared>> -> memref<10240x64xf32, #tpu.memory_space<vmem_shared>>
      tpu.wait_indirect_dma semaphore(%arg17 : memref<!tpu.dma_semaphore, #tpu.memory_space<semaphore_mem>>) src(%dma_wait3A_486 : memref<10240x64xf32, #tpu.memory_space<vmem_shared>>) dst(%arg11 : memref<128x64xf32, #tpu.memory_space<vmem>>)
      %run_scoped3A_487 = arith.constant 12 : i32
      "tpu.region"() ({
        %run_scoped3A_881 = tpu.sem_alloc : memref<!tpu.dma_semaphore, #tpu.memory_space<semaphore_mem>>
        %dma_start3A_882 = arith.constant 0 : i32
        %dma_start3A_883 = tpu.memref_slice %arg9[%run_scoped3A_487, %dma_start3A_882] : memref<16x128xi32, #tpu.memory_space<vmem>> -> memref<1x128xi32, #tpu.memory_space<vmem>>
        %dma_start3A_884 = tpu.memref_squeeze %dma_start3A_883 : memref<1x128xi32, #tpu.memory_space<vmem>> -> memref<128xi32, #tpu.memory_space<vmem>>
        %dma_start3A_885 = arith.constant 0 : i32
        %dma_start3A_886 = arith.constant 0 : i32
        %dma_start3A_887 = tpu.memref_slice %arg16[%dma_start3A_885, %dma_start3A_886] : memref<10240x64xf32, #tpu.memory_space<vmem_shared>> -> memref<10240x64xf32, #tpu.memory_space<vmem_shared>>
        tpu.enqueue_indirect_dma source(%arg11 : memref<128x64xf32, #tpu.memory_space<vmem>>) target(%dma_start3A_887 : memref<10240x64xf32, #tpu.memory_space<vmem_shared>>) offsets(%dma_start3A_884 : memref<128xi32, #tpu.memory_space<vmem>>) semaphore(%run_scoped3A_881 : memref<!tpu.dma_semaphore, #tpu.memory_space<semaphore_mem>>) {add = true}
        %dma_wait3A_888 = arith.constant 0 : i32
        %dma_wait3A_889 = tpu.memref_slice %arg9[%run_scoped3A_487, %dma_wait3A_888] : memref<16x128xi32, #tpu.memory_space<vmem>> -> memref<1x128xi32, #tpu.memory_space<vmem>>
        %dma_wait3A_890 = tpu.memref_squeeze %dma_wait3A_889 : memref<1x128xi32, #tpu.memory_space<vmem>> -> memref<128xi32, #tpu.memory_space<vmem>>
        %dma_wait3A_891 = arith.constant 0 : i32
        %dma_wait3A_892 = arith.constant 0 : i32
        %dma_wait3A_893 = tpu.memref_slice %arg16[%dma_wait3A_891, %dma_wait3A_892] : memref<10240x64xf32, #tpu.memory_space<vmem_shared>> -> memref<10240x64xf32, #tpu.memory_space<vmem_shared>>
        tpu.wait_indirect_dma semaphore(%run_scoped3A_881 : memref<!tpu.dma_semaphore, #tpu.memory_space<semaphore_mem>>) src(%arg11 : memref<128x64xf32, #tpu.memory_space<vmem>>) dst(%dma_wait3A_893 : memref<10240x64xf32, #tpu.memory_space<vmem_shared>>)
        tpu.yield
      }) : () -> ()
      %add3A_488 = arith.constant 4 : i32
      %add3A_489 = arith.addi %add3A_479, %add3A_488 : i32
      %lt3A_490 = arith.constant 160 : i32
      %lt3A_491 = arith.cmpi slt, %add3A_489, %lt3A_490 : i32
      %convert_element_type3A_492 = arith.extui %lt3A_491 : i1 to i32
      %cond3A_493 = arith.constant 0 : i32
      %cond3A_494 = arith.cmpi ne, %convert_element_type3A_492, %cond3A_493 : i32
      scf.if %cond3A_494 {
        %dma_start3A_881 = arith.constant 0 : i32
        %dma_start3A_882 = arith.constant 0 : i32
        %dma_start3A_883 = tpu.memref_slice %arg8[%dma_start3A_881, %dma_start3A_882] : memref<16x128xi32, #tpu.memory_space<vmem>> -> memref<1x128xi32, #tpu.memory_space<vmem>>
        %dma_start3A_884 = tpu.memref_squeeze %dma_start3A_883 : memref<1x128xi32, #tpu.memory_space<vmem>> -> memref<128xi32, #tpu.memory_space<vmem>>
        %dma_start3A_885 = arith.constant 0 : i32
        %dma_start3A_886 = arith.constant 0 : i32
        %dma_start3A_887 = tpu.memref_slice %arg15[%dma_start3A_885, %dma_start3A_886] : memref<10240x64xf32, #tpu.memory_space<vmem_shared>> -> memref<10240x64xf32, #tpu.memory_space<vmem_shared>>
        tpu.enqueue_indirect_dma source(%dma_start3A_887 : memref<10240x64xf32, #tpu.memory_space<vmem_shared>>) target(%arg11 : memref<128x64xf32, #tpu.memory_space<vmem>>) offsets(%dma_start3A_884 : memref<128xi32, #tpu.memory_space<vmem>>) semaphore(%arg17 : memref<!tpu.dma_semaphore, #tpu.memory_space<semaphore_mem>>)
      } else {
      }
      %mul3A_495 = arith.constant 16 : i32
      %mul3A_496 = arith.muli %add3A_244, %mul3A_495 : i32
      %add3A_497 = arith.constant 13 : i32
      %add3A_498 = arith.addi %mul3A_496, %add3A_497 : i32
      %dma_wait3A_499 = arith.constant 13 : i32
      %dma_wait3A_500 = arith.constant 0 : i32
      %dma_wait3A_501 = tpu.memref_slice %arg7[%dma_wait3A_499, %dma_wait3A_500] : memref<16x128xi32, #tpu.memory_space<vmem>> -> memref<1x128xi32, #tpu.memory_space<vmem>>
      %dma_wait3A_502 = tpu.memref_squeeze %dma_wait3A_501 : memref<1x128xi32, #tpu.memory_space<vmem>> -> memref<128xi32, #tpu.memory_space<vmem>>
      %dma_wait3A_503 = arith.constant 0 : i32
      %dma_wait3A_504 = arith.constant 0 : i32
      %dma_wait3A_505 = tpu.memref_slice %arg15[%dma_wait3A_503, %dma_wait3A_504] : memref<10240x64xf32, #tpu.memory_space<vmem_shared>> -> memref<10240x64xf32, #tpu.memory_space<vmem_shared>>
      tpu.wait_indirect_dma semaphore(%arg18 : memref<!tpu.dma_semaphore, #tpu.memory_space<semaphore_mem>>) src(%dma_wait3A_505 : memref<10240x64xf32, #tpu.memory_space<vmem_shared>>) dst(%arg12 : memref<128x64xf32, #tpu.memory_space<vmem>>)
      %run_scoped3A_506 = arith.constant 13 : i32
      "tpu.region"() ({
        %run_scoped3A_881 = tpu.sem_alloc : memref<!tpu.dma_semaphore, #tpu.memory_space<semaphore_mem>>
        %dma_start3A_882 = arith.constant 0 : i32
        %dma_start3A_883 = tpu.memref_slice %arg9[%run_scoped3A_506, %dma_start3A_882] : memref<16x128xi32, #tpu.memory_space<vmem>> -> memref<1x128xi32, #tpu.memory_space<vmem>>
        %dma_start3A_884 = tpu.memref_squeeze %dma_start3A_883 : memref<1x128xi32, #tpu.memory_space<vmem>> -> memref<128xi32, #tpu.memory_space<vmem>>
        %dma_start3A_885 = arith.constant 0 : i32
        %dma_start3A_886 = arith.constant 0 : i32
        %dma_start3A_887 = tpu.memref_slice %arg16[%dma_start3A_885, %dma_start3A_886] : memref<10240x64xf32, #tpu.memory_space<vmem_shared>> -> memref<10240x64xf32, #tpu.memory_space<vmem_shared>>
        tpu.enqueue_indirect_dma source(%arg12 : memref<128x64xf32, #tpu.memory_space<vmem>>) target(%dma_start3A_887 : memref<10240x64xf32, #tpu.memory_space<vmem_shared>>) offsets(%dma_start3A_884 : memref<128xi32, #tpu.memory_space<vmem>>) semaphore(%run_scoped3A_881 : memref<!tpu.dma_semaphore, #tpu.memory_space<semaphore_mem>>) {add = true}
        %dma_wait3A_888 = arith.constant 0 : i32
        %dma_wait3A_889 = tpu.memref_slice %arg9[%run_scoped3A_506, %dma_wait3A_888] : memref<16x128xi32, #tpu.memory_space<vmem>> -> memref<1x128xi32, #tpu.memory_space<vmem>>
        %dma_wait3A_890 = tpu.memref_squeeze %dma_wait3A_889 : memref<1x128xi32, #tpu.memory_space<vmem>> -> memref<128xi32, #tpu.memory_space<vmem>>
        %dma_wait3A_891 = arith.constant 0 : i32
        %dma_wait3A_892 = arith.constant 0 : i32
        %dma_wait3A_893 = tpu.memref_slice %arg16[%dma_wait3A_891, %dma_wait3A_892] : memref<10240x64xf32, #tpu.memory_space<vmem_shared>> -> memref<10240x64xf32, #tpu.memory_space<vmem_shared>>
        tpu.wait_indirect_dma semaphore(%run_scoped3A_881 : memref<!tpu.dma_semaphore, #tpu.memory_space<semaphore_mem>>) src(%arg12 : memref<128x64xf32, #tpu.memory_space<vmem>>) dst(%dma_wait3A_893 : memref<10240x64xf32, #tpu.memory_space<vmem_shared>>)
        tpu.yield
      }) : () -> ()
      %add3A_507 = arith.constant 4 : i32
      %add3A_508 = arith.addi %add3A_498, %add3A_507 : i32
      %lt3A_509 = arith.constant 160 : i32
      %lt3A_510 = arith.cmpi slt, %add3A_508, %lt3A_509 : i32
      %convert_element_type3A_511 = arith.extui %lt3A_510 : i1 to i32
      %cond3A_512 = arith.constant 0 : i32
      %cond3A_513 = arith.cmpi ne, %convert_element_type3A_511, %cond3A_512 : i32
      scf.if %cond3A_513 {
        %dma_start3A_881 = arith.constant 1 : i32
        %dma_start3A_882 = arith.constant 0 : i32
        %dma_start3A_883 = tpu.memref_slice %arg8[%dma_start3A_881, %dma_start3A_882] : memref<16x128xi32, #tpu.memory_space<vmem>> -> memref<1x128xi32, #tpu.memory_space<vmem>>
        %dma_start3A_884 = tpu.memref_squeeze %dma_start3A_883 : memref<1x128xi32, #tpu.memory_space<vmem>> -> memref<128xi32, #tpu.memory_space<vmem>>
        %dma_start3A_885 = arith.constant 0 : i32
        %dma_start3A_886 = arith.constant 0 : i32
        %dma_start3A_887 = tpu.memref_slice %arg15[%dma_start3A_885, %dma_start3A_886] : memref<10240x64xf32, #tpu.memory_space<vmem_shared>> -> memref<10240x64xf32, #tpu.memory_space<vmem_shared>>
        tpu.enqueue_indirect_dma source(%dma_start3A_887 : memref<10240x64xf32, #tpu.memory_space<vmem_shared>>) target(%arg12 : memref<128x64xf32, #tpu.memory_space<vmem>>) offsets(%dma_start3A_884 : memref<128xi32, #tpu.memory_space<vmem>>) semaphore(%arg18 : memref<!tpu.dma_semaphore, #tpu.memory_space<semaphore_mem>>)
      } else {
      }
      %mul3A_514 = arith.constant 16 : i32
      %mul3A_515 = arith.muli %add3A_244, %mul3A_514 : i32
      %add3A_516 = arith.constant 14 : i32
      %add3A_517 = arith.addi %mul3A_515, %add3A_516 : i32
      %dma_wait3A_518 = arith.constant 14 : i32
      %dma_wait3A_519 = arith.constant 0 : i32
      %dma_wait3A_520 = tpu.memref_slice %arg7[%dma_wait3A_518, %dma_wait3A_519] : memref<16x128xi32, #tpu.memory_space<vmem>> -> memref<1x128xi32, #tpu.memory_space<vmem>>
      %dma_wait3A_521 = tpu.memref_squeeze %dma_wait3A_520 : memref<1x128xi32, #tpu.memory_space<vmem>> -> memref<128xi32, #tpu.memory_space<vmem>>
      %dma_wait3A_522 = arith.constant 0 : i32
      %dma_wait3A_523 = arith.constant 0 : i32
      %dma_wait3A_524 = tpu.memref_slice %arg15[%dma_wait3A_522, %dma_wait3A_523] : memref<10240x64xf32, #tpu.memory_space<vmem_shared>> -> memref<10240x64xf32, #tpu.memory_space<vmem_shared>>
      tpu.wait_indirect_dma semaphore(%arg19 : memref<!tpu.dma_semaphore, #tpu.memory_space<semaphore_mem>>) src(%dma_wait3A_524 : memref<10240x64xf32, #tpu.memory_space<vmem_shared>>) dst(%arg13 : memref<128x64xf32, #tpu.memory_space<vmem>>)
      %run_scoped3A_525 = arith.constant 14 : i32
      "tpu.region"() ({
        %run_scoped3A_881 = tpu.sem_alloc : memref<!tpu.dma_semaphore, #tpu.memory_space<semaphore_mem>>
        %dma_start3A_882 = arith.constant 0 : i32
        %dma_start3A_883 = tpu.memref_slice %arg9[%run_scoped3A_525, %dma_start3A_882] : memref<16x128xi32, #tpu.memory_space<vmem>> -> memref<1x128xi32, #tpu.memory_space<vmem>>
        %dma_start3A_884 = tpu.memref_squeeze %dma_start3A_883 : memref<1x128xi32, #tpu.memory_space<vmem>> -> memref<128xi32, #tpu.memory_space<vmem>>
        %dma_start3A_885 = arith.constant 0 : i32
        %dma_start3A_886 = arith.constant 0 : i32
        %dma_start3A_887 = tpu.memref_slice %arg16[%dma_start3A_885, %dma_start3A_886] : memref<10240x64xf32, #tpu.memory_space<vmem_shared>> -> memref<10240x64xf32, #tpu.memory_space<vmem_shared>>
        tpu.enqueue_indirect_dma source(%arg13 : memref<128x64xf32, #tpu.memory_space<vmem>>) target(%dma_start3A_887 : memref<10240x64xf32, #tpu.memory_space<vmem_shared>>) offsets(%dma_start3A_884 : memref<128xi32, #tpu.memory_space<vmem>>) semaphore(%run_scoped3A_881 : memref<!tpu.dma_semaphore, #tpu.memory_space<semaphore_mem>>) {add = true}
        %dma_wait3A_888 = arith.constant 0 : i32
        %dma_wait3A_889 = tpu.memref_slice %arg9[%run_scoped3A_525, %dma_wait3A_888] : memref<16x128xi32, #tpu.memory_space<vmem>> -> memref<1x128xi32, #tpu.memory_space<vmem>>
        %dma_wait3A_890 = tpu.memref_squeeze %dma_wait3A_889 : memref<1x128xi32, #tpu.memory_space<vmem>> -> memref<128xi32, #tpu.memory_space<vmem>>
        %dma_wait3A_891 = arith.constant 0 : i32
        %dma_wait3A_892 = arith.constant 0 : i32
        %dma_wait3A_893 = tpu.memref_slice %arg16[%dma_wait3A_891, %dma_wait3A_892] : memref<10240x64xf32, #tpu.memory_space<vmem_shared>> -> memref<10240x64xf32, #tpu.memory_space<vmem_shared>>
        tpu.wait_indirect_dma semaphore(%run_scoped3A_881 : memref<!tpu.dma_semaphore, #tpu.memory_space<semaphore_mem>>) src(%arg13 : memref<128x64xf32, #tpu.memory_space<vmem>>) dst(%dma_wait3A_893 : memref<10240x64xf32, #tpu.memory_space<vmem_shared>>)
        tpu.yield
      }) : () -> ()
      %add3A_526 = arith.constant 4 : i32
      %add3A_527 = arith.addi %add3A_517, %add3A_526 : i32
      %lt3A_528 = arith.constant 160 : i32
      %lt3A_529 = arith.cmpi slt, %add3A_527, %lt3A_528 : i32
      %convert_element_type3A_530 = arith.extui %lt3A_529 : i1 to i32
      %cond3A_531 = arith.constant 0 : i32
      %cond3A_532 = arith.cmpi ne, %convert_element_type3A_530, %cond3A_531 : i32
      scf.if %cond3A_532 {
        %dma_start3A_881 = arith.constant 2 : i32
        %dma_start3A_882 = arith.constant 0 : i32
        %dma_start3A_883 = tpu.memref_slice %arg8[%dma_start3A_881, %dma_start3A_882] : memref<16x128xi32, #tpu.memory_space<vmem>> -> memref<1x128xi32, #tpu.memory_space<vmem>>
        %dma_start3A_884 = tpu.memref_squeeze %dma_start3A_883 : memref<1x128xi32, #tpu.memory_space<vmem>> -> memref<128xi32, #tpu.memory_space<vmem>>
        %dma_start3A_885 = arith.constant 0 : i32
        %dma_start3A_886 = arith.constant 0 : i32
        %dma_start3A_887 = tpu.memref_slice %arg15[%dma_start3A_885, %dma_start3A_886] : memref<10240x64xf32, #tpu.memory_space<vmem_shared>> -> memref<10240x64xf32, #tpu.memory_space<vmem_shared>>
        tpu.enqueue_indirect_dma source(%dma_start3A_887 : memref<10240x64xf32, #tpu.memory_space<vmem_shared>>) target(%arg13 : memref<128x64xf32, #tpu.memory_space<vmem>>) offsets(%dma_start3A_884 : memref<128xi32, #tpu.memory_space<vmem>>) semaphore(%arg19 : memref<!tpu.dma_semaphore, #tpu.memory_space<semaphore_mem>>)
      } else {
      }
      %mul3A_533 = arith.constant 16 : i32
      %mul3A_534 = arith.muli %add3A_244, %mul3A_533 : i32
      %add3A_535 = arith.constant 15 : i32
      %add3A_536 = arith.addi %mul3A_534, %add3A_535 : i32
      %dma_wait3A_537 = arith.constant 15 : i32
      %dma_wait3A_538 = arith.constant 0 : i32
      %dma_wait3A_539 = tpu.memref_slice %arg7[%dma_wait3A_537, %dma_wait3A_538] : memref<16x128xi32, #tpu.memory_space<vmem>> -> memref<1x128xi32, #tpu.memory_space<vmem>>
      %dma_wait3A_540 = tpu.memref_squeeze %dma_wait3A_539 : memref<1x128xi32, #tpu.memory_space<vmem>> -> memref<128xi32, #tpu.memory_space<vmem>>
      %dma_wait3A_541 = arith.constant 0 : i32
      %dma_wait3A_542 = arith.constant 0 : i32
      %dma_wait3A_543 = tpu.memref_slice %arg15[%dma_wait3A_541, %dma_wait3A_542] : memref<10240x64xf32, #tpu.memory_space<vmem_shared>> -> memref<10240x64xf32, #tpu.memory_space<vmem_shared>>
      tpu.wait_indirect_dma semaphore(%arg20 : memref<!tpu.dma_semaphore, #tpu.memory_space<semaphore_mem>>) src(%dma_wait3A_543 : memref<10240x64xf32, #tpu.memory_space<vmem_shared>>) dst(%arg14 : memref<128x64xf32, #tpu.memory_space<vmem>>)
      %run_scoped3A_544 = arith.constant 15 : i32
      "tpu.region"() ({
        %run_scoped3A_881 = tpu.sem_alloc : memref<!tpu.dma_semaphore, #tpu.memory_space<semaphore_mem>>
        %dma_start3A_882 = arith.constant 0 : i32
        %dma_start3A_883 = tpu.memref_slice %arg9[%run_scoped3A_544, %dma_start3A_882] : memref<16x128xi32, #tpu.memory_space<vmem>> -> memref<1x128xi32, #tpu.memory_space<vmem>>
        %dma_start3A_884 = tpu.memref_squeeze %dma_start3A_883 : memref<1x128xi32, #tpu.memory_space<vmem>> -> memref<128xi32, #tpu.memory_space<vmem>>
        %dma_start3A_885 = arith.constant 0 : i32
        %dma_start3A_886 = arith.constant 0 : i32
        %dma_start3A_887 = tpu.memref_slice %arg16[%dma_start3A_885, %dma_start3A_886] : memref<10240x64xf32, #tpu.memory_space<vmem_shared>> -> memref<10240x64xf32, #tpu.memory_space<vmem_shared>>
        tpu.enqueue_indirect_dma source(%arg14 : memref<128x64xf32, #tpu.memory_space<vmem>>) target(%dma_start3A_887 : memref<10240x64xf32, #tpu.memory_space<vmem_shared>>) offsets(%dma_start3A_884 : memref<128xi32, #tpu.memory_space<vmem>>) semaphore(%run_scoped3A_881 : memref<!tpu.dma_semaphore, #tpu.memory_space<semaphore_mem>>) {add = true}
        %dma_wait3A_888 = arith.constant 0 : i32
        %dma_wait3A_889 = tpu.memref_slice %arg9[%run_scoped3A_544, %dma_wait3A_888] : memref<16x128xi32, #tpu.memory_space<vmem>> -> memref<1x128xi32, #tpu.memory_space<vmem>>
        %dma_wait3A_890 = tpu.memref_squeeze %dma_wait3A_889 : memref<1x128xi32, #tpu.memory_space<vmem>> -> memref<128xi32, #tpu.memory_space<vmem>>
        %dma_wait3A_891 = arith.constant 0 : i32
        %dma_wait3A_892 = arith.constant 0 : i32
        %dma_wait3A_893 = tpu.memref_slice %arg16[%dma_wait3A_891, %dma_wait3A_892] : memref<10240x64xf32, #tpu.memory_space<vmem_shared>> -> memref<10240x64xf32, #tpu.memory_space<vmem_shared>>
        tpu.wait_indirect_dma semaphore(%run_scoped3A_881 : memref<!tpu.dma_semaphore, #tpu.memory_space<semaphore_mem>>) src(%arg14 : memref<128x64xf32, #tpu.memory_space<vmem>>) dst(%dma_wait3A_893 : memref<10240x64xf32, #tpu.memory_space<vmem_shared>>)
        tpu.yield
      }) : () -> ()
      %add3A_545 = arith.constant 4 : i32
      %add3A_546 = arith.addi %add3A_536, %add3A_545 : i32
      %lt3A_547 = arith.constant 160 : i32
      %lt3A_548 = arith.cmpi slt, %add3A_546, %lt3A_547 : i32
      %convert_element_type3A_549 = arith.extui %lt3A_548 : i1 to i32
      %cond3A_550 = arith.constant 0 : i32
      %cond3A_551 = arith.cmpi ne, %convert_element_type3A_549, %cond3A_550 : i32
      scf.if %cond3A_551 {
        %dma_start3A_881 = arith.constant 3 : i32
        %dma_start3A_882 = arith.constant 0 : i32
        %dma_start3A_883 = tpu.memref_slice %arg8[%dma_start3A_881, %dma_start3A_882] : memref<16x128xi32, #tpu.memory_space<vmem>> -> memref<1x128xi32, #tpu.memory_space<vmem>>
        %dma_start3A_884 = tpu.memref_squeeze %dma_start3A_883 : memref<1x128xi32, #tpu.memory_space<vmem>> -> memref<128xi32, #tpu.memory_space<vmem>>
        %dma_start3A_885 = arith.constant 0 : i32
        %dma_start3A_886 = arith.constant 0 : i32
        %dma_start3A_887 = tpu.memref_slice %arg15[%dma_start3A_885, %dma_start3A_886] : memref<10240x64xf32, #tpu.memory_space<vmem_shared>> -> memref<10240x64xf32, #tpu.memory_space<vmem_shared>>
        tpu.enqueue_indirect_dma source(%dma_start3A_887 : memref<10240x64xf32, #tpu.memory_space<vmem_shared>>) target(%arg14 : memref<128x64xf32, #tpu.memory_space<vmem>>) offsets(%dma_start3A_884 : memref<128xi32, #tpu.memory_space<vmem>>) semaphore(%arg20 : memref<!tpu.dma_semaphore, #tpu.memory_space<semaphore_mem>>)
      } else {
      }
      %add3A_552 = arith.constant 2 : i32
      %add3A_553 = arith.addi %add3A_244, %add3A_552 : i32
      %lt3A_554 = arith.constant 10 : i32
      %lt3A_555 = arith.cmpi slt, %add3A_553, %lt3A_554 : i32
      %convert_element_type3A_556 = arith.extui %lt3A_555 : i1 to i32
      %cond3A_557 = arith.constant 0 : i32
      %cond3A_558 = arith.cmpi ne, %convert_element_type3A_556, %cond3A_557 : i32
      scf.if %cond3A_558 {
        %add3A_881 = arith.constant 2 : i32
        %add3A_882 = arith.addi %add3A_244, %add3A_881 : i32
        %mul3A_883 = arith.constant 16 : i32
        %mul3A_884 = arith.muli %add3A_882, %mul3A_883 : i32
        %dma_start3A_885 = arith.constant 0 : i32
        %dma_start3A_886 = tpu.memref_slice %arg4[%arg1, %mul3A_884, %dma_start3A_885] : memref<16x160x128xi32, #tpu.memory_space<hbm>> -> memref<1x16x128xi32, #tpu.memory_space<hbm>>
        %dma_start3A_887 = tpu.memref_squeeze %dma_start3A_886 : memref<1x16x128xi32, #tpu.memory_space<hbm>> -> memref<16x128xi32, #tpu.memory_space<hbm>>
        %dma_start3A_888 = arith.constant 0 : i32
        %dma_start3A_889 = tpu.memref_slice %arg4[%arg1, %mul3A_884, %dma_start3A_888] : memref<16x160x128xi32, #tpu.memory_space<hbm>> -> memref<1x16x128xi32, #tpu.memory_space<hbm>>
        %dma_start3A_890 = tpu.memref_squeeze %dma_start3A_889 : memref<1x16x128xi32, #tpu.memory_space<hbm>> -> memref<16x128xi32, #tpu.memory_space<hbm>>
        tpu.enqueue_dma source(%dma_start3A_890 : memref<16x128xi32, #tpu.memory_space<hbm>>) target(%arg7 : memref<16x128xi32, #tpu.memory_space<vmem>>) target_semaphore(%arg21 : memref<!tpu.dma_semaphore, #tpu.memory_space<semaphore_mem>>)
        %mul3A_891 = arith.constant 16 : i32
        %mul3A_892 = arith.muli %add3A_882, %mul3A_891 : i32
        %dma_start3A_893 = arith.constant 0 : i32
        %dma_start3A_894 = tpu.memref_slice %arg3[%arg1, %mul3A_892, %dma_start3A_893] : memref<16x160x128xi32, #tpu.memory_space<hbm>> -> memref<1x16x128xi32, #tpu.memory_space<hbm>>
        %dma_start3A_895 = tpu.memref_squeeze %dma_start3A_894 : memref<1x16x128xi32, #tpu.memory_space<hbm>> -> memref<16x128xi32, #tpu.memory_space<hbm>>
        %dma_start3A_896 = arith.constant 0 : i32
        %dma_start3A_897 = tpu.memref_slice %arg3[%arg1, %mul3A_892, %dma_start3A_896] : memref<16x160x128xi32, #tpu.memory_space<hbm>> -> memref<1x16x128xi32, #tpu.memory_space<hbm>>
        %dma_start3A_898 = tpu.memref_squeeze %dma_start3A_897 : memref<1x16x128xi32, #tpu.memory_space<hbm>> -> memref<16x128xi32, #tpu.memory_space<hbm>>
        tpu.enqueue_dma source(%dma_start3A_898 : memref<16x128xi32, #tpu.memory_space<hbm>>) target(%arg9 : memref<16x128xi32, #tpu.memory_space<vmem>>) target_semaphore(%arg21 : memref<!tpu.dma_semaphore, #tpu.memory_space<semaphore_mem>>)
      } else {
      }
      %mul3A_559 = arith.constant 2 : i32
      %mul3A_560 = arith.muli %mul3A_559, %scan3A_240 : i32
      %add3A_561 = arith.constant 1 : i32
      %add3A_562 = arith.addi %mul3A_560, %add3A_561 : i32
      %add3A_563 = arith.constant 1 : i32
      %add3A_564 = arith.addi %add3A_562, %add3A_563 : i32
      %lt3A_565 = arith.constant 10 : i32
      %lt3A_566 = arith.cmpi slt, %add3A_564, %lt3A_565 : i32
      %convert_element_type3A_567 = arith.extui %lt3A_566 : i1 to i32
      %cond3A_568 = arith.constant 0 : i32
      %cond3A_569 = arith.cmpi ne, %convert_element_type3A_567, %cond3A_568 : i32
      scf.if %cond3A_569 {
        %add3A_881 = arith.constant 1 : i32
        %add3A_882 = arith.addi %add3A_562, %add3A_881 : i32
        %mul3A_883 = arith.constant 16 : i32
        %mul3A_884 = arith.muli %add3A_882, %mul3A_883 : i32
        %dma_wait3A_885 = arith.constant 0 : i32
        %dma_wait3A_886 = tpu.memref_slice %arg4[%arg1, %mul3A_884, %dma_wait3A_885] : memref<16x160x128xi32, #tpu.memory_space<hbm>> -> memref<1x16x128xi32, #tpu.memory_space<hbm>>
        %dma_wait3A_887 = tpu.memref_squeeze %dma_wait3A_886 : memref<1x16x128xi32, #tpu.memory_space<hbm>> -> memref<16x128xi32, #tpu.memory_space<hbm>>
        %dma_wait3A_888 = arith.constant 0 : i32
        %dma_wait3A_889 = tpu.memref_slice %arg4[%arg1, %mul3A_884, %dma_wait3A_888] : memref<16x160x128xi32, #tpu.memory_space<hbm>> -> memref<1x16x128xi32, #tpu.memory_space<hbm>>
        %dma_wait3A_890 = tpu.memref_squeeze %dma_wait3A_889 : memref<1x16x128xi32, #tpu.memory_space<hbm>> -> memref<16x128xi32, #tpu.memory_space<hbm>>
        tpu.wait_dma2 semaphore(%arg21 : memref<!tpu.dma_semaphore, #tpu.memory_space<semaphore_mem>>) src(%dma_wait3A_890 : memref<16x128xi32, #tpu.memory_space<hbm>>) dst(%arg7 : memref<16x128xi32, #tpu.memory_space<vmem>>)
        %mul3A_891 = arith.constant 16 : i32
        %mul3A_892 = arith.muli %add3A_882, %mul3A_891 : i32
        %dma_wait3A_893 = arith.constant 0 : i32
        %dma_wait3A_894 = tpu.memref_slice %arg3[%arg1, %mul3A_892, %dma_wait3A_893] : memref<16x160x128xi32, #tpu.memory_space<hbm>> -> memref<1x16x128xi32, #tpu.memory_space<hbm>>
        %dma_wait3A_895 = tpu.memref_squeeze %dma_wait3A_894 : memref<1x16x128xi32, #tpu.memory_space<hbm>> -> memref<16x128xi32, #tpu.memory_space<hbm>>
        %dma_wait3A_896 = arith.constant 0 : i32
        %dma_wait3A_897 = tpu.memref_slice %arg3[%arg1, %mul3A_892, %dma_wait3A_896] : memref<16x160x128xi32, #tpu.memory_space<hbm>> -> memref<1x16x128xi32, #tpu.memory_space<hbm>>
        %dma_wait3A_898 = tpu.memref_squeeze %dma_wait3A_897 : memref<1x16x128xi32, #tpu.memory_space<hbm>> -> memref<16x128xi32, #tpu.memory_space<hbm>>
        tpu.wait_dma2 semaphore(%arg21 : memref<!tpu.dma_semaphore, #tpu.memory_space<semaphore_mem>>) src(%dma_wait3A_898 : memref<16x128xi32, #tpu.memory_space<hbm>>) dst(%arg9 : memref<16x128xi32, #tpu.memory_space<vmem>>)
      } else {
      }
      %mul3A_570 = arith.constant 16 : i32
      %mul3A_571 = arith.muli %add3A_562, %mul3A_570 : i32
      %add3A_572 = arith.constant 0 : i32
      %add3A_573 = arith.addi %mul3A_571, %add3A_572 : i32
      %dma_wait3A_574 = arith.constant 0 : i32
      %dma_wait3A_575 = arith.constant 0 : i32
      %dma_wait3A_576 = tpu.memref_slice %arg8[%dma_wait3A_574, %dma_wait3A_575] : memref<16x128xi32, #tpu.memory_space<vmem>> -> memref<1x128xi32, #tpu.memory_space<vmem>>
      %dma_wait3A_577 = tpu.memref_squeeze %dma_wait3A_576 : memref<1x128xi32, #tpu.memory_space<vmem>> -> memref<128xi32, #tpu.memory_space<vmem>>
      %dma_wait3A_578 = arith.constant 0 : i32
      %dma_wait3A_579 = arith.constant 0 : i32
      %dma_wait3A_580 = tpu.memref_slice %arg15[%dma_wait3A_578, %dma_wait3A_579] : memref<10240x64xf32, #tpu.memory_space<vmem_shared>> -> memref<10240x64xf32, #tpu.memory_space<vmem_shared>>
      tpu.wait_indirect_dma semaphore(%arg17 : memref<!tpu.dma_semaphore, #tpu.memory_space<semaphore_mem>>) src(%dma_wait3A_580 : memref<10240x64xf32, #tpu.memory_space<vmem_shared>>) dst(%arg11 : memref<128x64xf32, #tpu.memory_space<vmem>>)
      %run_scoped3A_581 = arith.constant 0 : i32
      "tpu.region"() ({
        %run_scoped3A_881 = tpu.sem_alloc : memref<!tpu.dma_semaphore, #tpu.memory_space<semaphore_mem>>
        %dma_start3A_882 = arith.constant 0 : i32
        %dma_start3A_883 = tpu.memref_slice %arg10[%run_scoped3A_581, %dma_start3A_882] : memref<16x128xi32, #tpu.memory_space<vmem>> -> memref<1x128xi32, #tpu.memory_space<vmem>>
        %dma_start3A_884 = tpu.memref_squeeze %dma_start3A_883 : memref<1x128xi32, #tpu.memory_space<vmem>> -> memref<128xi32, #tpu.memory_space<vmem>>
        %dma_start3A_885 = arith.constant 0 : i32
        %dma_start3A_886 = arith.constant 0 : i32
        %dma_start3A_887 = tpu.memref_slice %arg16[%dma_start3A_885, %dma_start3A_886] : memref<10240x64xf32, #tpu.memory_space<vmem_shared>> -> memref<10240x64xf32, #tpu.memory_space<vmem_shared>>
        tpu.enqueue_indirect_dma source(%arg11 : memref<128x64xf32, #tpu.memory_space<vmem>>) target(%dma_start3A_887 : memref<10240x64xf32, #tpu.memory_space<vmem_shared>>) offsets(%dma_start3A_884 : memref<128xi32, #tpu.memory_space<vmem>>) semaphore(%run_scoped3A_881 : memref<!tpu.dma_semaphore, #tpu.memory_space<semaphore_mem>>) {add = true}
        %dma_wait3A_888 = arith.constant 0 : i32
        %dma_wait3A_889 = tpu.memref_slice %arg10[%run_scoped3A_581, %dma_wait3A_888] : memref<16x128xi32, #tpu.memory_space<vmem>> -> memref<1x128xi32, #tpu.memory_space<vmem>>
        %dma_wait3A_890 = tpu.memref_squeeze %dma_wait3A_889 : memref<1x128xi32, #tpu.memory_space<vmem>> -> memref<128xi32, #tpu.memory_space<vmem>>
        %dma_wait3A_891 = arith.constant 0 : i32
        %dma_wait3A_892 = arith.constant 0 : i32
        %dma_wait3A_893 = tpu.memref_slice %arg16[%dma_wait3A_891, %dma_wait3A_892] : memref<10240x64xf32, #tpu.memory_space<vmem_shared>> -> memref<10240x64xf32, #tpu.memory_space<vmem_shared>>
        tpu.wait_indirect_dma semaphore(%run_scoped3A_881 : memref<!tpu.dma_semaphore, #tpu.memory_space<semaphore_mem>>) src(%arg11 : memref<128x64xf32, #tpu.memory_space<vmem>>) dst(%dma_wait3A_893 : memref<10240x64xf32, #tpu.memory_space<vmem_shared>>)
        tpu.yield
      }) : () -> ()
      %add3A_582 = arith.constant 4 : i32
      %add3A_583 = arith.addi %add3A_573, %add3A_582 : i32
      %lt3A_584 = arith.constant 160 : i32
      %lt3A_585 = arith.cmpi slt, %add3A_583, %lt3A_584 : i32
      %convert_element_type3A_586 = arith.extui %lt3A_585 : i1 to i32
      %cond3A_587 = arith.constant 0 : i32
      %cond3A_588 = arith.cmpi ne, %convert_element_type3A_586, %cond3A_587 : i32
      scf.if %cond3A_588 {
        %dma_start3A_881 = arith.constant 4 : i32
        %dma_start3A_882 = arith.constant 0 : i32
        %dma_start3A_883 = tpu.memref_slice %arg8[%dma_start3A_881, %dma_start3A_882] : memref<16x128xi32, #tpu.memory_space<vmem>> -> memref<1x128xi32, #tpu.memory_space<vmem>>
        %dma_start3A_884 = tpu.memref_squeeze %dma_start3A_883 : memref<1x128xi32, #tpu.memory_space<vmem>> -> memref<128xi32, #tpu.memory_space<vmem>>
        %dma_start3A_885 = arith.constant 0 : i32
        %dma_start3A_886 = arith.constant 0 : i32
        %dma_start3A_887 = tpu.memref_slice %arg15[%dma_start3A_885, %dma_start3A_886] : memref<10240x64xf32, #tpu.memory_space<vmem_shared>> -> memref<10240x64xf32, #tpu.memory_space<vmem_shared>>
        tpu.enqueue_indirect_dma source(%dma_start3A_887 : memref<10240x64xf32, #tpu.memory_space<vmem_shared>>) target(%arg11 : memref<128x64xf32, #tpu.memory_space<vmem>>) offsets(%dma_start3A_884 : memref<128xi32, #tpu.memory_space<vmem>>) semaphore(%arg17 : memref<!tpu.dma_semaphore, #tpu.memory_space<semaphore_mem>>)
      } else {
      }
      %mul3A_589 = arith.constant 16 : i32
      %mul3A_590 = arith.muli %add3A_562, %mul3A_589 : i32
      %add3A_591 = arith.constant 1 : i32
      %add3A_592 = arith.addi %mul3A_590, %add3A_591 : i32
      %dma_wait3A_593 = arith.constant 1 : i32
      %dma_wait3A_594 = arith.constant 0 : i32
      %dma_wait3A_595 = tpu.memref_slice %arg8[%dma_wait3A_593, %dma_wait3A_594] : memref<16x128xi32, #tpu.memory_space<vmem>> -> memref<1x128xi32, #tpu.memory_space<vmem>>
      %dma_wait3A_596 = tpu.memref_squeeze %dma_wait3A_595 : memref<1x128xi32, #tpu.memory_space<vmem>> -> memref<128xi32, #tpu.memory_space<vmem>>
      %dma_wait3A_597 = arith.constant 0 : i32
      %dma_wait3A_598 = arith.constant 0 : i32
      %dma_wait3A_599 = tpu.memref_slice %arg15[%dma_wait3A_597, %dma_wait3A_598] : memref<10240x64xf32, #tpu.memory_space<vmem_shared>> -> memref<10240x64xf32, #tpu.memory_space<vmem_shared>>
      tpu.wait_indirect_dma semaphore(%arg18 : memref<!tpu.dma_semaphore, #tpu.memory_space<semaphore_mem>>) src(%dma_wait3A_599 : memref<10240x64xf32, #tpu.memory_space<vmem_shared>>) dst(%arg12 : memref<128x64xf32, #tpu.memory_space<vmem>>)
      %run_scoped3A_600 = arith.constant 1 : i32
      "tpu.region"() ({
        %run_scoped3A_881 = tpu.sem_alloc : memref<!tpu.dma_semaphore, #tpu.memory_space<semaphore_mem>>
        %dma_start3A_882 = arith.constant 0 : i32
        %dma_start3A_883 = tpu.memref_slice %arg10[%run_scoped3A_600, %dma_start3A_882] : memref<16x128xi32, #tpu.memory_space<vmem>> -> memref<1x128xi32, #tpu.memory_space<vmem>>
        %dma_start3A_884 = tpu.memref_squeeze %dma_start3A_883 : memref<1x128xi32, #tpu.memory_space<vmem>> -> memref<128xi32, #tpu.memory_space<vmem>>
        %dma_start3A_885 = arith.constant 0 : i32
        %dma_start3A_886 = arith.constant 0 : i32
        %dma_start3A_887 = tpu.memref_slice %arg16[%dma_start3A_885, %dma_start3A_886] : memref<10240x64xf32, #tpu.memory_space<vmem_shared>> -> memref<10240x64xf32, #tpu.memory_space<vmem_shared>>
        tpu.enqueue_indirect_dma source(%arg12 : memref<128x64xf32, #tpu.memory_space<vmem>>) target(%dma_start3A_887 : memref<10240x64xf32, #tpu.memory_space<vmem_shared>>) offsets(%dma_start3A_884 : memref<128xi32, #tpu.memory_space<vmem>>) semaphore(%run_scoped3A_881 : memref<!tpu.dma_semaphore, #tpu.memory_space<semaphore_mem>>) {add = true}
        %dma_wait3A_888 = arith.constant 0 : i32
        %dma_wait3A_889 = tpu.memref_slice %arg10[%run_scoped3A_600, %dma_wait3A_888] : memref<16x128xi32, #tpu.memory_space<vmem>> -> memref<1x128xi32, #tpu.memory_space<vmem>>
        %dma_wait3A_890 = tpu.memref_squeeze %dma_wait3A_889 : memref<1x128xi32, #tpu.memory_space<vmem>> -> memref<128xi32, #tpu.memory_space<vmem>>
        %dma_wait3A_891 = arith.constant 0 : i32
        %dma_wait3A_892 = arith.constant 0 : i32
        %dma_wait3A_893 = tpu.memref_slice %arg16[%dma_wait3A_891, %dma_wait3A_892] : memref<10240x64xf32, #tpu.memory_space<vmem_shared>> -> memref<10240x64xf32, #tpu.memory_space<vmem_shared>>
        tpu.wait_indirect_dma semaphore(%run_scoped3A_881 : memref<!tpu.dma_semaphore, #tpu.memory_space<semaphore_mem>>) src(%arg12 : memref<128x64xf32, #tpu.memory_space<vmem>>) dst(%dma_wait3A_893 : memref<10240x64xf32, #tpu.memory_space<vmem_shared>>)
        tpu.yield
      }) : () -> ()
      %add3A_601 = arith.constant 4 : i32
      %add3A_602 = arith.addi %add3A_592, %add3A_601 : i32
      %lt3A_603 = arith.constant 160 : i32
      %lt3A_604 = arith.cmpi slt, %add3A_602, %lt3A_603 : i32
      %convert_element_type3A_605 = arith.extui %lt3A_604 : i1 to i32
      %cond3A_606 = arith.constant 0 : i32
      %cond3A_607 = arith.cmpi ne, %convert_element_type3A_605, %cond3A_606 : i32
      scf.if %cond3A_607 {
        %dma_start3A_881 = arith.constant 5 : i32
        %dma_start3A_882 = arith.constant 0 : i32
        %dma_start3A_883 = tpu.memref_slice %arg8[%dma_start3A_881, %dma_start3A_882] : memref<16x128xi32, #tpu.memory_space<vmem>> -> memref<1x128xi32, #tpu.memory_space<vmem>>
        %dma_start3A_884 = tpu.memref_squeeze %dma_start3A_883 : memref<1x128xi32, #tpu.memory_space<vmem>> -> memref<128xi32, #tpu.memory_space<vmem>>
        %dma_start3A_885 = arith.constant 0 : i32
        %dma_start3A_886 = arith.constant 0 : i32
        %dma_start3A_887 = tpu.memref_slice %arg15[%dma_start3A_885, %dma_start3A_886] : memref<10240x64xf32, #tpu.memory_space<vmem_shared>> -> memref<10240x64xf32, #tpu.memory_space<vmem_shared>>
        tpu.enqueue_indirect_dma source(%dma_start3A_887 : memref<10240x64xf32, #tpu.memory_space<vmem_shared>>) target(%arg12 : memref<128x64xf32, #tpu.memory_space<vmem>>) offsets(%dma_start3A_884 : memref<128xi32, #tpu.memory_space<vmem>>) semaphore(%arg18 : memref<!tpu.dma_semaphore, #tpu.memory_space<semaphore_mem>>)
      } else {
      }
      %mul3A_608 = arith.constant 16 : i32
      %mul3A_609 = arith.muli %add3A_562, %mul3A_608 : i32
      %add3A_610 = arith.constant 2 : i32
      %add3A_611 = arith.addi %mul3A_609, %add3A_610 : i32
      %dma_wait3A_612 = arith.constant 2 : i32
      %dma_wait3A_613 = arith.constant 0 : i32
      %dma_wait3A_614 = tpu.memref_slice %arg8[%dma_wait3A_612, %dma_wait3A_613] : memref<16x128xi32, #tpu.memory_space<vmem>> -> memref<1x128xi32, #tpu.memory_space<vmem>>
      %dma_wait3A_615 = tpu.memref_squeeze %dma_wait3A_614 : memref<1x128xi32, #tpu.memory_space<vmem>> -> memref<128xi32, #tpu.memory_space<vmem>>
      %dma_wait3A_616 = arith.constant 0 : i32
      %dma_wait3A_617 = arith.constant 0 : i32
      %dma_wait3A_618 = tpu.memref_slice %arg15[%dma_wait3A_616, %dma_wait3A_617] : memref<10240x64xf32, #tpu.memory_space<vmem_shared>> -> memref<10240x64xf32, #tpu.memory_space<vmem_shared>>
      tpu.wait_indirect_dma semaphore(%arg19 : memref<!tpu.dma_semaphore, #tpu.memory_space<semaphore_mem>>) src(%dma_wait3A_618 : memref<10240x64xf32, #tpu.memory_space<vmem_shared>>) dst(%arg13 : memref<128x64xf32, #tpu.memory_space<vmem>>)
      %run_scoped3A_619 = arith.constant 2 : i32
      "tpu.region"() ({
        %run_scoped3A_881 = tpu.sem_alloc : memref<!tpu.dma_semaphore, #tpu.memory_space<semaphore_mem>>
        %dma_start3A_882 = arith.constant 0 : i32
        %dma_start3A_883 = tpu.memref_slice %arg10[%run_scoped3A_619, %dma_start3A_882] : memref<16x128xi32, #tpu.memory_space<vmem>> -> memref<1x128xi32, #tpu.memory_space<vmem>>
        %dma_start3A_884 = tpu.memref_squeeze %dma_start3A_883 : memref<1x128xi32, #tpu.memory_space<vmem>> -> memref<128xi32, #tpu.memory_space<vmem>>
        %dma_start3A_885 = arith.constant 0 : i32
        %dma_start3A_886 = arith.constant 0 : i32
        %dma_start3A_887 = tpu.memref_slice %arg16[%dma_start3A_885, %dma_start3A_886] : memref<10240x64xf32, #tpu.memory_space<vmem_shared>> -> memref<10240x64xf32, #tpu.memory_space<vmem_shared>>
        tpu.enqueue_indirect_dma source(%arg13 : memref<128x64xf32, #tpu.memory_space<vmem>>) target(%dma_start3A_887 : memref<10240x64xf32, #tpu.memory_space<vmem_shared>>) offsets(%dma_start3A_884 : memref<128xi32, #tpu.memory_space<vmem>>) semaphore(%run_scoped3A_881 : memref<!tpu.dma_semaphore, #tpu.memory_space<semaphore_mem>>) {add = true}
        %dma_wait3A_888 = arith.constant 0 : i32
        %dma_wait3A_889 = tpu.memref_slice %arg10[%run_scoped3A_619, %dma_wait3A_888] : memref<16x128xi32, #tpu.memory_space<vmem>> -> memref<1x128xi32, #tpu.memory_space<vmem>>
        %dma_wait3A_890 = tpu.memref_squeeze %dma_wait3A_889 : memref<1x128xi32, #tpu.memory_space<vmem>> -> memref<128xi32, #tpu.memory_space<vmem>>
        %dma_wait3A_891 = arith.constant 0 : i32
        %dma_wait3A_892 = arith.constant 0 : i32
        %dma_wait3A_893 = tpu.memref_slice %arg16[%dma_wait3A_891, %dma_wait3A_892] : memref<10240x64xf32, #tpu.memory_space<vmem_shared>> -> memref<10240x64xf32, #tpu.memory_space<vmem_shared>>
        tpu.wait_indirect_dma semaphore(%run_scoped3A_881 : memref<!tpu.dma_semaphore, #tpu.memory_space<semaphore_mem>>) src(%arg13 : memref<128x64xf32, #tpu.memory_space<vmem>>) dst(%dma_wait3A_893 : memref<10240x64xf32, #tpu.memory_space<vmem_shared>>)
        tpu.yield
      }) : () -> ()
      %add3A_620 = arith.constant 4 : i32
      %add3A_621 = arith.addi %add3A_611, %add3A_620 : i32
      %lt3A_622 = arith.constant 160 : i32
      %lt3A_623 = arith.cmpi slt, %add3A_621, %lt3A_622 : i32
      %convert_element_type3A_624 = arith.extui %lt3A_623 : i1 to i32
      %cond3A_625 = arith.constant 0 : i32
      %cond3A_626 = arith.cmpi ne, %convert_element_type3A_624, %cond3A_625 : i32
      scf.if %cond3A_626 {
        %dma_start3A_881 = arith.constant 6 : i32
        %dma_start3A_882 = arith.constant 0 : i32
        %dma_start3A_883 = tpu.memref_slice %arg8[%dma_start3A_881, %dma_start3A_882] : memref<16x128xi32, #tpu.memory_space<vmem>> -> memref<1x128xi32, #tpu.memory_space<vmem>>
        %dma_start3A_884 = tpu.memref_squeeze %dma_start3A_883 : memref<1x128xi32, #tpu.memory_space<vmem>> -> memref<128xi32, #tpu.memory_space<vmem>>
        %dma_start3A_885 = arith.constant 0 : i32
        %dma_start3A_886 = arith.constant 0 : i32
        %dma_start3A_887 = tpu.memref_slice %arg15[%dma_start3A_885, %dma_start3A_886] : memref<10240x64xf32, #tpu.memory_space<vmem_shared>> -> memref<10240x64xf32, #tpu.memory_space<vmem_shared>>
        tpu.enqueue_indirect_dma source(%dma_start3A_887 : memref<10240x64xf32, #tpu.memory_space<vmem_shared>>) target(%arg13 : memref<128x64xf32, #tpu.memory_space<vmem>>) offsets(%dma_start3A_884 : memref<128xi32, #tpu.memory_space<vmem>>) semaphore(%arg19 : memref<!tpu.dma_semaphore, #tpu.memory_space<semaphore_mem>>)
      } else {
      }
      %mul3A_627 = arith.constant 16 : i32
      %mul3A_628 = arith.muli %add3A_562, %mul3A_627 : i32
      %add3A_629 = arith.constant 3 : i32
      %add3A_630 = arith.addi %mul3A_628, %add3A_629 : i32
      %dma_wait3A_631 = arith.constant 3 : i32
      %dma_wait3A_632 = arith.constant 0 : i32
      %dma_wait3A_633 = tpu.memref_slice %arg8[%dma_wait3A_631, %dma_wait3A_632] : memref<16x128xi32, #tpu.memory_space<vmem>> -> memref<1x128xi32, #tpu.memory_space<vmem>>
      %dma_wait3A_634 = tpu.memref_squeeze %dma_wait3A_633 : memref<1x128xi32, #tpu.memory_space<vmem>> -> memref<128xi32, #tpu.memory_space<vmem>>
      %dma_wait3A_635 = arith.constant 0 : i32
      %dma_wait3A_636 = arith.constant 0 : i32
      %dma_wait3A_637 = tpu.memref_slice %arg15[%dma_wait3A_635, %dma_wait3A_636] : memref<10240x64xf32, #tpu.memory_space<vmem_shared>> -> memref<10240x64xf32, #tpu.memory_space<vmem_shared>>
      tpu.wait_indirect_dma semaphore(%arg20 : memref<!tpu.dma_semaphore, #tpu.memory_space<semaphore_mem>>) src(%dma_wait3A_637 : memref<10240x64xf32, #tpu.memory_space<vmem_shared>>) dst(%arg14 : memref<128x64xf32, #tpu.memory_space<vmem>>)
      %run_scoped3A_638 = arith.constant 3 : i32
      "tpu.region"() ({
        %run_scoped3A_881 = tpu.sem_alloc : memref<!tpu.dma_semaphore, #tpu.memory_space<semaphore_mem>>
        %dma_start3A_882 = arith.constant 0 : i32
        %dma_start3A_883 = tpu.memref_slice %arg10[%run_scoped3A_638, %dma_start3A_882] : memref<16x128xi32, #tpu.memory_space<vmem>> -> memref<1x128xi32, #tpu.memory_space<vmem>>
        %dma_start3A_884 = tpu.memref_squeeze %dma_start3A_883 : memref<1x128xi32, #tpu.memory_space<vmem>> -> memref<128xi32, #tpu.memory_space<vmem>>
        %dma_start3A_885 = arith.constant 0 : i32
        %dma_start3A_886 = arith.constant 0 : i32
        %dma_start3A_887 = tpu.memref_slice %arg16[%dma_start3A_885, %dma_start3A_886] : memref<10240x64xf32, #tpu.memory_space<vmem_shared>> -> memref<10240x64xf32, #tpu.memory_space<vmem_shared>>
        tpu.enqueue_indirect_dma source(%arg14 : memref<128x64xf32, #tpu.memory_space<vmem>>) target(%dma_start3A_887 : memref<10240x64xf32, #tpu.memory_space<vmem_shared>>) offsets(%dma_start3A_884 : memref<128xi32, #tpu.memory_space<vmem>>) semaphore(%run_scoped3A_881 : memref<!tpu.dma_semaphore, #tpu.memory_space<semaphore_mem>>) {add = true}
        %dma_wait3A_888 = arith.constant 0 : i32
        %dma_wait3A_889 = tpu.memref_slice %arg10[%run_scoped3A_638, %dma_wait3A_888] : memref<16x128xi32, #tpu.memory_space<vmem>> -> memref<1x128xi32, #tpu.memory_space<vmem>>
        %dma_wait3A_890 = tpu.memref_squeeze %dma_wait3A_889 : memref<1x128xi32, #tpu.memory_space<vmem>> -> memref<128xi32, #tpu.memory_space<vmem>>
        %dma_wait3A_891 = arith.constant 0 : i32
        %dma_wait3A_892 = arith.constant 0 : i32
        %dma_wait3A_893 = tpu.memref_slice %arg16[%dma_wait3A_891, %dma_wait3A_892] : memref<10240x64xf32, #tpu.memory_space<vmem_shared>> -> memref<10240x64xf32, #tpu.memory_space<vmem_shared>>
        tpu.wait_indirect_dma semaphore(%run_scoped3A_881 : memref<!tpu.dma_semaphore, #tpu.memory_space<semaphore_mem>>) src(%arg14 : memref<128x64xf32, #tpu.memory_space<vmem>>) dst(%dma_wait3A_893 : memref<10240x64xf32, #tpu.memory_space<vmem_shared>>)
        tpu.yield
      }) : () -> ()
      %add3A_639 = arith.constant 4 : i32
      %add3A_640 = arith.addi %add3A_630, %add3A_639 : i32
      %lt3A_641 = arith.constant 160 : i32
      %lt3A_642 = arith.cmpi slt, %add3A_640, %lt3A_641 : i32
      %convert_element_type3A_643 = arith.extui %lt3A_642 : i1 to i32
      %cond3A_644 = arith.constant 0 : i32
      %cond3A_645 = arith.cmpi ne, %convert_element_type3A_643, %cond3A_644 : i32
      scf.if %cond3A_645 {
        %dma_start3A_881 = arith.constant 7 : i32
        %dma_start3A_882 = arith.constant 0 : i32
        %dma_start3A_883 = tpu.memref_slice %arg8[%dma_start3A_881, %dma_start3A_882] : memref<16x128xi32, #tpu.memory_space<vmem>> -> memref<1x128xi32, #tpu.memory_space<vmem>>
        %dma_start3A_884 = tpu.memref_squeeze %dma_start3A_883 : memref<1x128xi32, #tpu.memory_space<vmem>> -> memref<128xi32, #tpu.memory_space<vmem>>
        %dma_start3A_885 = arith.constant 0 : i32
        %dma_start3A_886 = arith.constant 0 : i32
        %dma_start3A_887 = tpu.memref_slice %arg15[%dma_start3A_885, %dma_start3A_886] : memref<10240x64xf32, #tpu.memory_space<vmem_shared>> -> memref<10240x64xf32, #tpu.memory_space<vmem_shared>>
        tpu.enqueue_indirect_dma source(%dma_start3A_887 : memref<10240x64xf32, #tpu.memory_space<vmem_shared>>) target(%arg14 : memref<128x64xf32, #tpu.memory_space<vmem>>) offsets(%dma_start3A_884 : memref<128xi32, #tpu.memory_space<vmem>>) semaphore(%arg20 : memref<!tpu.dma_semaphore, #tpu.memory_space<semaphore_mem>>)
      } else {
      }
      %mul3A_646 = arith.constant 16 : i32
      %mul3A_647 = arith.muli %add3A_562, %mul3A_646 : i32
      %add3A_648 = arith.constant 4 : i32
      %add3A_649 = arith.addi %mul3A_647, %add3A_648 : i32
      %dma_wait3A_650 = arith.constant 4 : i32
      %dma_wait3A_651 = arith.constant 0 : i32
      %dma_wait3A_652 = tpu.memref_slice %arg8[%dma_wait3A_650, %dma_wait3A_651] : memref<16x128xi32, #tpu.memory_space<vmem>> -> memref<1x128xi32, #tpu.memory_space<vmem>>
      %dma_wait3A_653 = tpu.memref_squeeze %dma_wait3A_652 : memref<1x128xi32, #tpu.memory_space<vmem>> -> memref<128xi32, #tpu.memory_space<vmem>>
      %dma_wait3A_654 = arith.constant 0 : i32
      %dma_wait3A_655 = arith.constant 0 : i32
      %dma_wait3A_656 = tpu.memref_slice %arg15[%dma_wait3A_654, %dma_wait3A_655] : memref<10240x64xf32, #tpu.memory_space<vmem_shared>> -> memref<10240x64xf32, #tpu.memory_space<vmem_shared>>
      tpu.wait_indirect_dma semaphore(%arg17 : memref<!tpu.dma_semaphore, #tpu.memory_space<semaphore_mem>>) src(%dma_wait3A_656 : memref<10240x64xf32, #tpu.memory_space<vmem_shared>>) dst(%arg11 : memref<128x64xf32, #tpu.memory_space<vmem>>)
      %run_scoped3A_657 = arith.constant 4 : i32
      "tpu.region"() ({
        %run_scoped3A_881 = tpu.sem_alloc : memref<!tpu.dma_semaphore, #tpu.memory_space<semaphore_mem>>
        %dma_start3A_882 = arith.constant 0 : i32
        %dma_start3A_883 = tpu.memref_slice %arg10[%run_scoped3A_657, %dma_start3A_882] : memref<16x128xi32, #tpu.memory_space<vmem>> -> memref<1x128xi32, #tpu.memory_space<vmem>>
        %dma_start3A_884 = tpu.memref_squeeze %dma_start3A_883 : memref<1x128xi32, #tpu.memory_space<vmem>> -> memref<128xi32, #tpu.memory_space<vmem>>
        %dma_start3A_885 = arith.constant 0 : i32
        %dma_start3A_886 = arith.constant 0 : i32
        %dma_start3A_887 = tpu.memref_slice %arg16[%dma_start3A_885, %dma_start3A_886] : memref<10240x64xf32, #tpu.memory_space<vmem_shared>> -> memref<10240x64xf32, #tpu.memory_space<vmem_shared>>
        tpu.enqueue_indirect_dma source(%arg11 : memref<128x64xf32, #tpu.memory_space<vmem>>) target(%dma_start3A_887 : memref<10240x64xf32, #tpu.memory_space<vmem_shared>>) offsets(%dma_start3A_884 : memref<128xi32, #tpu.memory_space<vmem>>) semaphore(%run_scoped3A_881 : memref<!tpu.dma_semaphore, #tpu.memory_space<semaphore_mem>>) {add = true}
        %dma_wait3A_888 = arith.constant 0 : i32
        %dma_wait3A_889 = tpu.memref_slice %arg10[%run_scoped3A_657, %dma_wait3A_888] : memref<16x128xi32, #tpu.memory_space<vmem>> -> memref<1x128xi32, #tpu.memory_space<vmem>>
        %dma_wait3A_890 = tpu.memref_squeeze %dma_wait3A_889 : memref<1x128xi32, #tpu.memory_space<vmem>> -> memref<128xi32, #tpu.memory_space<vmem>>
        %dma_wait3A_891 = arith.constant 0 : i32
        %dma_wait3A_892 = arith.constant 0 : i32
        %dma_wait3A_893 = tpu.memref_slice %arg16[%dma_wait3A_891, %dma_wait3A_892] : memref<10240x64xf32, #tpu.memory_space<vmem_shared>> -> memref<10240x64xf32, #tpu.memory_space<vmem_shared>>
        tpu.wait_indirect_dma semaphore(%run_scoped3A_881 : memref<!tpu.dma_semaphore, #tpu.memory_space<semaphore_mem>>) src(%arg11 : memref<128x64xf32, #tpu.memory_space<vmem>>) dst(%dma_wait3A_893 : memref<10240x64xf32, #tpu.memory_space<vmem_shared>>)
        tpu.yield
      }) : () -> ()
      %add3A_658 = arith.constant 4 : i32
      %add3A_659 = arith.addi %add3A_649, %add3A_658 : i32
      %lt3A_660 = arith.constant 160 : i32
      %lt3A_661 = arith.cmpi slt, %add3A_659, %lt3A_660 : i32
      %convert_element_type3A_662 = arith.extui %lt3A_661 : i1 to i32
      %cond3A_663 = arith.constant 0 : i32
      %cond3A_664 = arith.cmpi ne, %convert_element_type3A_662, %cond3A_663 : i32
      scf.if %cond3A_664 {
        %dma_start3A_881 = arith.constant 8 : i32
        %dma_start3A_882 = arith.constant 0 : i32
        %dma_start3A_883 = tpu.memref_slice %arg8[%dma_start3A_881, %dma_start3A_882] : memref<16x128xi32, #tpu.memory_space<vmem>> -> memref<1x128xi32, #tpu.memory_space<vmem>>
        %dma_start3A_884 = tpu.memref_squeeze %dma_start3A_883 : memref<1x128xi32, #tpu.memory_space<vmem>> -> memref<128xi32, #tpu.memory_space<vmem>>
        %dma_start3A_885 = arith.constant 0 : i32
        %dma_start3A_886 = arith.constant 0 : i32
        %dma_start3A_887 = tpu.memref_slice %arg15[%dma_start3A_885, %dma_start3A_886] : memref<10240x64xf32, #tpu.memory_space<vmem_shared>> -> memref<10240x64xf32, #tpu.memory_space<vmem_shared>>
        tpu.enqueue_indirect_dma source(%dma_start3A_887 : memref<10240x64xf32, #tpu.memory_space<vmem_shared>>) target(%arg11 : memref<128x64xf32, #tpu.memory_space<vmem>>) offsets(%dma_start3A_884 : memref<128xi32, #tpu.memory_space<vmem>>) semaphore(%arg17 : memref<!tpu.dma_semaphore, #tpu.memory_space<semaphore_mem>>)
      } else {
      }
      %mul3A_665 = arith.constant 16 : i32
      %mul3A_666 = arith.muli %add3A_562, %mul3A_665 : i32
      %add3A_667 = arith.constant 5 : i32
      %add3A_668 = arith.addi %mul3A_666, %add3A_667 : i32
      %dma_wait3A_669 = arith.constant 5 : i32
      %dma_wait3A_670 = arith.constant 0 : i32
      %dma_wait3A_671 = tpu.memref_slice %arg8[%dma_wait3A_669, %dma_wait3A_670] : memref<16x128xi32, #tpu.memory_space<vmem>> -> memref<1x128xi32, #tpu.memory_space<vmem>>
      %dma_wait3A_672 = tpu.memref_squeeze %dma_wait3A_671 : memref<1x128xi32, #tpu.memory_space<vmem>> -> memref<128xi32, #tpu.memory_space<vmem>>
      %dma_wait3A_673 = arith.constant 0 : i32
      %dma_wait3A_674 = arith.constant 0 : i32
      %dma_wait3A_675 = tpu.memref_slice %arg15[%dma_wait3A_673, %dma_wait3A_674] : memref<10240x64xf32, #tpu.memory_space<vmem_shared>> -> memref<10240x64xf32, #tpu.memory_space<vmem_shared>>
      tpu.wait_indirect_dma semaphore(%arg18 : memref<!tpu.dma_semaphore, #tpu.memory_space<semaphore_mem>>) src(%dma_wait3A_675 : memref<10240x64xf32, #tpu.memory_space<vmem_shared>>) dst(%arg12 : memref<128x64xf32, #tpu.memory_space<vmem>>)
      %run_scoped3A_676 = arith.constant 5 : i32
      "tpu.region"() ({
        %run_scoped3A_881 = tpu.sem_alloc : memref<!tpu.dma_semaphore, #tpu.memory_space<semaphore_mem>>
        %dma_start3A_882 = arith.constant 0 : i32
        %dma_start3A_883 = tpu.memref_slice %arg10[%run_scoped3A_676, %dma_start3A_882] : memref<16x128xi32, #tpu.memory_space<vmem>> -> memref<1x128xi32, #tpu.memory_space<vmem>>
        %dma_start3A_884 = tpu.memref_squeeze %dma_start3A_883 : memref<1x128xi32, #tpu.memory_space<vmem>> -> memref<128xi32, #tpu.memory_space<vmem>>
        %dma_start3A_885 = arith.constant 0 : i32
        %dma_start3A_886 = arith.constant 0 : i32
        %dma_start3A_887 = tpu.memref_slice %arg16[%dma_start3A_885, %dma_start3A_886] : memref<10240x64xf32, #tpu.memory_space<vmem_shared>> -> memref<10240x64xf32, #tpu.memory_space<vmem_shared>>
        tpu.enqueue_indirect_dma source(%arg12 : memref<128x64xf32, #tpu.memory_space<vmem>>) target(%dma_start3A_887 : memref<10240x64xf32, #tpu.memory_space<vmem_shared>>) offsets(%dma_start3A_884 : memref<128xi32, #tpu.memory_space<vmem>>) semaphore(%run_scoped3A_881 : memref<!tpu.dma_semaphore, #tpu.memory_space<semaphore_mem>>) {add = true}
        %dma_wait3A_888 = arith.constant 0 : i32
        %dma_wait3A_889 = tpu.memref_slice %arg10[%run_scoped3A_676, %dma_wait3A_888] : memref<16x128xi32, #tpu.memory_space<vmem>> -> memref<1x128xi32, #tpu.memory_space<vmem>>
        %dma_wait3A_890 = tpu.memref_squeeze %dma_wait3A_889 : memref<1x128xi32, #tpu.memory_space<vmem>> -> memref<128xi32, #tpu.memory_space<vmem>>
        %dma_wait3A_891 = arith.constant 0 : i32
        %dma_wait3A_892 = arith.constant 0 : i32
        %dma_wait3A_893 = tpu.memref_slice %arg16[%dma_wait3A_891, %dma_wait3A_892] : memref<10240x64xf32, #tpu.memory_space<vmem_shared>> -> memref<10240x64xf32, #tpu.memory_space<vmem_shared>>
        tpu.wait_indirect_dma semaphore(%run_scoped3A_881 : memref<!tpu.dma_semaphore, #tpu.memory_space<semaphore_mem>>) src(%arg12 : memref<128x64xf32, #tpu.memory_space<vmem>>) dst(%dma_wait3A_893 : memref<10240x64xf32, #tpu.memory_space<vmem_shared>>)
        tpu.yield
      }) : () -> ()
      %add3A_677 = arith.constant 4 : i32
      %add3A_678 = arith.addi %add3A_668, %add3A_677 : i32
      %lt3A_679 = arith.constant 160 : i32
      %lt3A_680 = arith.cmpi slt, %add3A_678, %lt3A_679 : i32
      %convert_element_type3A_681 = arith.extui %lt3A_680 : i1 to i32
      %cond3A_682 = arith.constant 0 : i32
      %cond3A_683 = arith.cmpi ne, %convert_element_type3A_681, %cond3A_682 : i32
      scf.if %cond3A_683 {
        %dma_start3A_881 = arith.constant 9 : i32
        %dma_start3A_882 = arith.constant 0 : i32
        %dma_start3A_883 = tpu.memref_slice %arg8[%dma_start3A_881, %dma_start3A_882] : memref<16x128xi32, #tpu.memory_space<vmem>> -> memref<1x128xi32, #tpu.memory_space<vmem>>
        %dma_start3A_884 = tpu.memref_squeeze %dma_start3A_883 : memref<1x128xi32, #tpu.memory_space<vmem>> -> memref<128xi32, #tpu.memory_space<vmem>>
        %dma_start3A_885 = arith.constant 0 : i32
        %dma_start3A_886 = arith.constant 0 : i32
        %dma_start3A_887 = tpu.memref_slice %arg15[%dma_start3A_885, %dma_start3A_886] : memref<10240x64xf32, #tpu.memory_space<vmem_shared>> -> memref<10240x64xf32, #tpu.memory_space<vmem_shared>>
        tpu.enqueue_indirect_dma source(%dma_start3A_887 : memref<10240x64xf32, #tpu.memory_space<vmem_shared>>) target(%arg12 : memref<128x64xf32, #tpu.memory_space<vmem>>) offsets(%dma_start3A_884 : memref<128xi32, #tpu.memory_space<vmem>>) semaphore(%arg18 : memref<!tpu.dma_semaphore, #tpu.memory_space<semaphore_mem>>)
      } else {
      }
      %mul3A_684 = arith.constant 16 : i32
      %mul3A_685 = arith.muli %add3A_562, %mul3A_684 : i32
      %add3A_686 = arith.constant 6 : i32
      %add3A_687 = arith.addi %mul3A_685, %add3A_686 : i32
      %dma_wait3A_688 = arith.constant 6 : i32
      %dma_wait3A_689 = arith.constant 0 : i32
      %dma_wait3A_690 = tpu.memref_slice %arg8[%dma_wait3A_688, %dma_wait3A_689] : memref<16x128xi32, #tpu.memory_space<vmem>> -> memref<1x128xi32, #tpu.memory_space<vmem>>
      %dma_wait3A_691 = tpu.memref_squeeze %dma_wait3A_690 : memref<1x128xi32, #tpu.memory_space<vmem>> -> memref<128xi32, #tpu.memory_space<vmem>>
      %dma_wait3A_692 = arith.constant 0 : i32
      %dma_wait3A_693 = arith.constant 0 : i32
      %dma_wait3A_694 = tpu.memref_slice %arg15[%dma_wait3A_692, %dma_wait3A_693] : memref<10240x64xf32, #tpu.memory_space<vmem_shared>> -> memref<10240x64xf32, #tpu.memory_space<vmem_shared>>
      tpu.wait_indirect_dma semaphore(%arg19 : memref<!tpu.dma_semaphore, #tpu.memory_space<semaphore_mem>>) src(%dma_wait3A_694 : memref<10240x64xf32, #tpu.memory_space<vmem_shared>>) dst(%arg13 : memref<128x64xf32, #tpu.memory_space<vmem>>)
      %run_scoped3A_695 = arith.constant 6 : i32
      "tpu.region"() ({
        %run_scoped3A_881 = tpu.sem_alloc : memref<!tpu.dma_semaphore, #tpu.memory_space<semaphore_mem>>
        %dma_start3A_882 = arith.constant 0 : i32
        %dma_start3A_883 = tpu.memref_slice %arg10[%run_scoped3A_695, %dma_start3A_882] : memref<16x128xi32, #tpu.memory_space<vmem>> -> memref<1x128xi32, #tpu.memory_space<vmem>>
        %dma_start3A_884 = tpu.memref_squeeze %dma_start3A_883 : memref<1x128xi32, #tpu.memory_space<vmem>> -> memref<128xi32, #tpu.memory_space<vmem>>
        %dma_start3A_885 = arith.constant 0 : i32
        %dma_start3A_886 = arith.constant 0 : i32
        %dma_start3A_887 = tpu.memref_slice %arg16[%dma_start3A_885, %dma_start3A_886] : memref<10240x64xf32, #tpu.memory_space<vmem_shared>> -> memref<10240x64xf32, #tpu.memory_space<vmem_shared>>
        tpu.enqueue_indirect_dma source(%arg13 : memref<128x64xf32, #tpu.memory_space<vmem>>) target(%dma_start3A_887 : memref<10240x64xf32, #tpu.memory_space<vmem_shared>>) offsets(%dma_start3A_884 : memref<128xi32, #tpu.memory_space<vmem>>) semaphore(%run_scoped3A_881 : memref<!tpu.dma_semaphore, #tpu.memory_space<semaphore_mem>>) {add = true}
        %dma_wait3A_888 = arith.constant 0 : i32
        %dma_wait3A_889 = tpu.memref_slice %arg10[%run_scoped3A_695, %dma_wait3A_888] : memref<16x128xi32, #tpu.memory_space<vmem>> -> memref<1x128xi32, #tpu.memory_space<vmem>>
        %dma_wait3A_890 = tpu.memref_squeeze %dma_wait3A_889 : memref<1x128xi32, #tpu.memory_space<vmem>> -> memref<128xi32, #tpu.memory_space<vmem>>
        %dma_wait3A_891 = arith.constant 0 : i32
        %dma_wait3A_892 = arith.constant 0 : i32
        %dma_wait3A_893 = tpu.memref_slice %arg16[%dma_wait3A_891, %dma_wait3A_892] : memref<10240x64xf32, #tpu.memory_space<vmem_shared>> -> memref<10240x64xf32, #tpu.memory_space<vmem_shared>>
        tpu.wait_indirect_dma semaphore(%run_scoped3A_881 : memref<!tpu.dma_semaphore, #tpu.memory_space<semaphore_mem>>) src(%arg13 : memref<128x64xf32, #tpu.memory_space<vmem>>) dst(%dma_wait3A_893 : memref<10240x64xf32, #tpu.memory_space<vmem_shared>>)
        tpu.yield
      }) : () -> ()
      %add3A_696 = arith.constant 4 : i32
      %add3A_697 = arith.addi %add3A_687, %add3A_696 : i32
      %lt3A_698 = arith.constant 160 : i32
      %lt3A_699 = arith.cmpi slt, %add3A_697, %lt3A_698 : i32
      %convert_element_type3A_700 = arith.extui %lt3A_699 : i1 to i32
      %cond3A_701 = arith.constant 0 : i32
      %cond3A_702 = arith.cmpi ne, %convert_element_type3A_700, %cond3A_701 : i32
      scf.if %cond3A_702 {
        %dma_start3A_881 = arith.constant 10 : i32
        %dma_start3A_882 = arith.constant 0 : i32
        %dma_start3A_883 = tpu.memref_slice %arg8[%dma_start3A_881, %dma_start3A_882] : memref<16x128xi32, #tpu.memory_space<vmem>> -> memref<1x128xi32, #tpu.memory_space<vmem>>
        %dma_start3A_884 = tpu.memref_squeeze %dma_start3A_883 : memref<1x128xi32, #tpu.memory_space<vmem>> -> memref<128xi32, #tpu.memory_space<vmem>>
        %dma_start3A_885 = arith.constant 0 : i32
        %dma_start3A_886 = arith.constant 0 : i32
        %dma_start3A_887 = tpu.memref_slice %arg15[%dma_start3A_885, %dma_start3A_886] : memref<10240x64xf32, #tpu.memory_space<vmem_shared>> -> memref<10240x64xf32, #tpu.memory_space<vmem_shared>>
        tpu.enqueue_indirect_dma source(%dma_start3A_887 : memref<10240x64xf32, #tpu.memory_space<vmem_shared>>) target(%arg13 : memref<128x64xf32, #tpu.memory_space<vmem>>) offsets(%dma_start3A_884 : memref<128xi32, #tpu.memory_space<vmem>>) semaphore(%arg19 : memref<!tpu.dma_semaphore, #tpu.memory_space<semaphore_mem>>)
      } else {
      }
      %mul3A_703 = arith.constant 16 : i32
      %mul3A_704 = arith.muli %add3A_562, %mul3A_703 : i32
      %add3A_705 = arith.constant 7 : i32
      %add3A_706 = arith.addi %mul3A_704, %add3A_705 : i32
      %dma_wait3A_707 = arith.constant 7 : i32
      %dma_wait3A_708 = arith.constant 0 : i32
      %dma_wait3A_709 = tpu.memref_slice %arg8[%dma_wait3A_707, %dma_wait3A_708] : memref<16x128xi32, #tpu.memory_space<vmem>> -> memref<1x128xi32, #tpu.memory_space<vmem>>
      %dma_wait3A_710 = tpu.memref_squeeze %dma_wait3A_709 : memref<1x128xi32, #tpu.memory_space<vmem>> -> memref<128xi32, #tpu.memory_space<vmem>>
      %dma_wait3A_711 = arith.constant 0 : i32
      %dma_wait3A_712 = arith.constant 0 : i32
      %dma_wait3A_713 = tpu.memref_slice %arg15[%dma_wait3A_711, %dma_wait3A_712] : memref<10240x64xf32, #tpu.memory_space<vmem_shared>> -> memref<10240x64xf32, #tpu.memory_space<vmem_shared>>
      tpu.wait_indirect_dma semaphore(%arg20 : memref<!tpu.dma_semaphore, #tpu.memory_space<semaphore_mem>>) src(%dma_wait3A_713 : memref<10240x64xf32, #tpu.memory_space<vmem_shared>>) dst(%arg14 : memref<128x64xf32, #tpu.memory_space<vmem>>)
      %run_scoped3A_714 = arith.constant 7 : i32
      "tpu.region"() ({
        %run_scoped3A_881 = tpu.sem_alloc : memref<!tpu.dma_semaphore, #tpu.memory_space<semaphore_mem>>
        %dma_start3A_882 = arith.constant 0 : i32
        %dma_start3A_883 = tpu.memref_slice %arg10[%run_scoped3A_714, %dma_start3A_882] : memref<16x128xi32, #tpu.memory_space<vmem>> -> memref<1x128xi32, #tpu.memory_space<vmem>>
        %dma_start3A_884 = tpu.memref_squeeze %dma_start3A_883 : memref<1x128xi32, #tpu.memory_space<vmem>> -> memref<128xi32, #tpu.memory_space<vmem>>
        %dma_start3A_885 = arith.constant 0 : i32
        %dma_start3A_886 = arith.constant 0 : i32
        %dma_start3A_887 = tpu.memref_slice %arg16[%dma_start3A_885, %dma_start3A_886] : memref<10240x64xf32, #tpu.memory_space<vmem_shared>> -> memref<10240x64xf32, #tpu.memory_space<vmem_shared>>
        tpu.enqueue_indirect_dma source(%arg14 : memref<128x64xf32, #tpu.memory_space<vmem>>) target(%dma_start3A_887 : memref<10240x64xf32, #tpu.memory_space<vmem_shared>>) offsets(%dma_start3A_884 : memref<128xi32, #tpu.memory_space<vmem>>) semaphore(%run_scoped3A_881 : memref<!tpu.dma_semaphore, #tpu.memory_space<semaphore_mem>>) {add = true}
        %dma_wait3A_888 = arith.constant 0 : i32
        %dma_wait3A_889 = tpu.memref_slice %arg10[%run_scoped3A_714, %dma_wait3A_888] : memref<16x128xi32, #tpu.memory_space<vmem>> -> memref<1x128xi32, #tpu.memory_space<vmem>>
        %dma_wait3A_890 = tpu.memref_squeeze %dma_wait3A_889 : memref<1x128xi32, #tpu.memory_space<vmem>> -> memref<128xi32, #tpu.memory_space<vmem>>
        %dma_wait3A_891 = arith.constant 0 : i32
        %dma_wait3A_892 = arith.constant 0 : i32
        %dma_wait3A_893 = tpu.memref_slice %arg16[%dma_wait3A_891, %dma_wait3A_892] : memref<10240x64xf32, #tpu.memory_space<vmem_shared>> -> memref<10240x64xf32, #tpu.memory_space<vmem_shared>>
        tpu.wait_indirect_dma semaphore(%run_scoped3A_881 : memref<!tpu.dma_semaphore, #tpu.memory_space<semaphore_mem>>) src(%arg14 : memref<128x64xf32, #tpu.memory_space<vmem>>) dst(%dma_wait3A_893 : memref<10240x64xf32, #tpu.memory_space<vmem_shared>>)
        tpu.yield
      }) : () -> ()
      %add3A_715 = arith.constant 4 : i32
      %add3A_716 = arith.addi %add3A_706, %add3A_715 : i32
      %lt3A_717 = arith.constant 160 : i32
      %lt3A_718 = arith.cmpi slt, %add3A_716, %lt3A_717 : i32
      %convert_element_type3A_719 = arith.extui %lt3A_718 : i1 to i32
      %cond3A_720 = arith.constant 0 : i32
      %cond3A_721 = arith.cmpi ne, %convert_element_type3A_719, %cond3A_720 : i32
      scf.if %cond3A_721 {
        %dma_start3A_881 = arith.constant 11 : i32
        %dma_start3A_882 = arith.constant 0 : i32
        %dma_start3A_883 = tpu.memref_slice %arg8[%dma_start3A_881, %dma_start3A_882] : memref<16x128xi32, #tpu.memory_space<vmem>> -> memref<1x128xi32, #tpu.memory_space<vmem>>
        %dma_start3A_884 = tpu.memref_squeeze %dma_start3A_883 : memref<1x128xi32, #tpu.memory_space<vmem>> -> memref<128xi32, #tpu.memory_space<vmem>>
        %dma_start3A_885 = arith.constant 0 : i32
        %dma_start3A_886 = arith.constant 0 : i32
        %dma_start3A_887 = tpu.memref_slice %arg15[%dma_start3A_885, %dma_start3A_886] : memref<10240x64xf32, #tpu.memory_space<vmem_shared>> -> memref<10240x64xf32, #tpu.memory_space<vmem_shared>>
        tpu.enqueue_indirect_dma source(%dma_start3A_887 : memref<10240x64xf32, #tpu.memory_space<vmem_shared>>) target(%arg14 : memref<128x64xf32, #tpu.memory_space<vmem>>) offsets(%dma_start3A_884 : memref<128xi32, #tpu.memory_space<vmem>>) semaphore(%arg20 : memref<!tpu.dma_semaphore, #tpu.memory_space<semaphore_mem>>)
      } else {
      }
      %mul3A_722 = arith.constant 16 : i32
      %mul3A_723 = arith.muli %add3A_562, %mul3A_722 : i32
      %add3A_724 = arith.constant 8 : i32
      %add3A_725 = arith.addi %mul3A_723, %add3A_724 : i32
      %dma_wait3A_726 = arith.constant 8 : i32
      %dma_wait3A_727 = arith.constant 0 : i32
      %dma_wait3A_728 = tpu.memref_slice %arg8[%dma_wait3A_726, %dma_wait3A_727] : memref<16x128xi32, #tpu.memory_space<vmem>> -> memref<1x128xi32, #tpu.memory_space<vmem>>
      %dma_wait3A_729 = tpu.memref_squeeze %dma_wait3A_728 : memref<1x128xi32, #tpu.memory_space<vmem>> -> memref<128xi32, #tpu.memory_space<vmem>>
      %dma_wait3A_730 = arith.constant 0 : i32
      %dma_wait3A_731 = arith.constant 0 : i32
      %dma_wait3A_732 = tpu.memref_slice %arg15[%dma_wait3A_730, %dma_wait3A_731] : memref<10240x64xf32, #tpu.memory_space<vmem_shared>> -> memref<10240x64xf32, #tpu.memory_space<vmem_shared>>
      tpu.wait_indirect_dma semaphore(%arg17 : memref<!tpu.dma_semaphore, #tpu.memory_space<semaphore_mem>>) src(%dma_wait3A_732 : memref<10240x64xf32, #tpu.memory_space<vmem_shared>>) dst(%arg11 : memref<128x64xf32, #tpu.memory_space<vmem>>)
      %run_scoped3A_733 = arith.constant 8 : i32
      "tpu.region"() ({
        %run_scoped3A_881 = tpu.sem_alloc : memref<!tpu.dma_semaphore, #tpu.memory_space<semaphore_mem>>
        %dma_start3A_882 = arith.constant 0 : i32
        %dma_start3A_883 = tpu.memref_slice %arg10[%run_scoped3A_733, %dma_start3A_882] : memref<16x128xi32, #tpu.memory_space<vmem>> -> memref<1x128xi32, #tpu.memory_space<vmem>>
        %dma_start3A_884 = tpu.memref_squeeze %dma_start3A_883 : memref<1x128xi32, #tpu.memory_space<vmem>> -> memref<128xi32, #tpu.memory_space<vmem>>
        %dma_start3A_885 = arith.constant 0 : i32
        %dma_start3A_886 = arith.constant 0 : i32
        %dma_start3A_887 = tpu.memref_slice %arg16[%dma_start3A_885, %dma_start3A_886] : memref<10240x64xf32, #tpu.memory_space<vmem_shared>> -> memref<10240x64xf32, #tpu.memory_space<vmem_shared>>
        tpu.enqueue_indirect_dma source(%arg11 : memref<128x64xf32, #tpu.memory_space<vmem>>) target(%dma_start3A_887 : memref<10240x64xf32, #tpu.memory_space<vmem_shared>>) offsets(%dma_start3A_884 : memref<128xi32, #tpu.memory_space<vmem>>) semaphore(%run_scoped3A_881 : memref<!tpu.dma_semaphore, #tpu.memory_space<semaphore_mem>>) {add = true}
        %dma_wait3A_888 = arith.constant 0 : i32
        %dma_wait3A_889 = tpu.memref_slice %arg10[%run_scoped3A_733, %dma_wait3A_888] : memref<16x128xi32, #tpu.memory_space<vmem>> -> memref<1x128xi32, #tpu.memory_space<vmem>>
        %dma_wait3A_890 = tpu.memref_squeeze %dma_wait3A_889 : memref<1x128xi32, #tpu.memory_space<vmem>> -> memref<128xi32, #tpu.memory_space<vmem>>
        %dma_wait3A_891 = arith.constant 0 : i32
        %dma_wait3A_892 = arith.constant 0 : i32
        %dma_wait3A_893 = tpu.memref_slice %arg16[%dma_wait3A_891, %dma_wait3A_892] : memref<10240x64xf32, #tpu.memory_space<vmem_shared>> -> memref<10240x64xf32, #tpu.memory_space<vmem_shared>>
        tpu.wait_indirect_dma semaphore(%run_scoped3A_881 : memref<!tpu.dma_semaphore, #tpu.memory_space<semaphore_mem>>) src(%arg11 : memref<128x64xf32, #tpu.memory_space<vmem>>) dst(%dma_wait3A_893 : memref<10240x64xf32, #tpu.memory_space<vmem_shared>>)
        tpu.yield
      }) : () -> ()
      %add3A_734 = arith.constant 4 : i32
      %add3A_735 = arith.addi %add3A_725, %add3A_734 : i32
      %lt3A_736 = arith.constant 160 : i32
      %lt3A_737 = arith.cmpi slt, %add3A_735, %lt3A_736 : i32
      %convert_element_type3A_738 = arith.extui %lt3A_737 : i1 to i32
      %cond3A_739 = arith.constant 0 : i32
      %cond3A_740 = arith.cmpi ne, %convert_element_type3A_738, %cond3A_739 : i32
      scf.if %cond3A_740 {
        %dma_start3A_881 = arith.constant 12 : i32
        %dma_start3A_882 = arith.constant 0 : i32
        %dma_start3A_883 = tpu.memref_slice %arg8[%dma_start3A_881, %dma_start3A_882] : memref<16x128xi32, #tpu.memory_space<vmem>> -> memref<1x128xi32, #tpu.memory_space<vmem>>
        %dma_start3A_884 = tpu.memref_squeeze %dma_start3A_883 : memref<1x128xi32, #tpu.memory_space<vmem>> -> memref<128xi32, #tpu.memory_space<vmem>>
        %dma_start3A_885 = arith.constant 0 : i32
        %dma_start3A_886 = arith.constant 0 : i32
        %dma_start3A_887 = tpu.memref_slice %arg15[%dma_start3A_885, %dma_start3A_886] : memref<10240x64xf32, #tpu.memory_space<vmem_shared>> -> memref<10240x64xf32, #tpu.memory_space<vmem_shared>>
        tpu.enqueue_indirect_dma source(%dma_start3A_887 : memref<10240x64xf32, #tpu.memory_space<vmem_shared>>) target(%arg11 : memref<128x64xf32, #tpu.memory_space<vmem>>) offsets(%dma_start3A_884 : memref<128xi32, #tpu.memory_space<vmem>>) semaphore(%arg17 : memref<!tpu.dma_semaphore, #tpu.memory_space<semaphore_mem>>)
      } else {
      }
      %mul3A_741 = arith.constant 16 : i32
      %mul3A_742 = arith.muli %add3A_562, %mul3A_741 : i32
      %add3A_743 = arith.constant 9 : i32
      %add3A_744 = arith.addi %mul3A_742, %add3A_743 : i32
      %dma_wait3A_745 = arith.constant 9 : i32
      %dma_wait3A_746 = arith.constant 0 : i32
      %dma_wait3A_747 = tpu.memref_slice %arg8[%dma_wait3A_745, %dma_wait3A_746] : memref<16x128xi32, #tpu.memory_space<vmem>> -> memref<1x128xi32, #tpu.memory_space<vmem>>
      %dma_wait3A_748 = tpu.memref_squeeze %dma_wait3A_747 : memref<1x128xi32, #tpu.memory_space<vmem>> -> memref<128xi32, #tpu.memory_space<vmem>>
      %dma_wait3A_749 = arith.constant 0 : i32
      %dma_wait3A_750 = arith.constant 0 : i32
      %dma_wait3A_751 = tpu.memref_slice %arg15[%dma_wait3A_749, %dma_wait3A_750] : memref<10240x64xf32, #tpu.memory_space<vmem_shared>> -> memref<10240x64xf32, #tpu.memory_space<vmem_shared>>
      tpu.wait_indirect_dma semaphore(%arg18 : memref<!tpu.dma_semaphore, #tpu.memory_space<semaphore_mem>>) src(%dma_wait3A_751 : memref<10240x64xf32, #tpu.memory_space<vmem_shared>>) dst(%arg12 : memref<128x64xf32, #tpu.memory_space<vmem>>)
      %run_scoped3A_752 = arith.constant 9 : i32
      "tpu.region"() ({
        %run_scoped3A_881 = tpu.sem_alloc : memref<!tpu.dma_semaphore, #tpu.memory_space<semaphore_mem>>
        %dma_start3A_882 = arith.constant 0 : i32
        %dma_start3A_883 = tpu.memref_slice %arg10[%run_scoped3A_752, %dma_start3A_882] : memref<16x128xi32, #tpu.memory_space<vmem>> -> memref<1x128xi32, #tpu.memory_space<vmem>>
        %dma_start3A_884 = tpu.memref_squeeze %dma_start3A_883 : memref<1x128xi32, #tpu.memory_space<vmem>> -> memref<128xi32, #tpu.memory_space<vmem>>
        %dma_start3A_885 = arith.constant 0 : i32
        %dma_start3A_886 = arith.constant 0 : i32
        %dma_start3A_887 = tpu.memref_slice %arg16[%dma_start3A_885, %dma_start3A_886] : memref<10240x64xf32, #tpu.memory_space<vmem_shared>> -> memref<10240x64xf32, #tpu.memory_space<vmem_shared>>
        tpu.enqueue_indirect_dma source(%arg12 : memref<128x64xf32, #tpu.memory_space<vmem>>) target(%dma_start3A_887 : memref<10240x64xf32, #tpu.memory_space<vmem_shared>>) offsets(%dma_start3A_884 : memref<128xi32, #tpu.memory_space<vmem>>) semaphore(%run_scoped3A_881 : memref<!tpu.dma_semaphore, #tpu.memory_space<semaphore_mem>>) {add = true}
        %dma_wait3A_888 = arith.constant 0 : i32
        %dma_wait3A_889 = tpu.memref_slice %arg10[%run_scoped3A_752, %dma_wait3A_888] : memref<16x128xi32, #tpu.memory_space<vmem>> -> memref<1x128xi32, #tpu.memory_space<vmem>>
        %dma_wait3A_890 = tpu.memref_squeeze %dma_wait3A_889 : memref<1x128xi32, #tpu.memory_space<vmem>> -> memref<128xi32, #tpu.memory_space<vmem>>
        %dma_wait3A_891 = arith.constant 0 : i32
        %dma_wait3A_892 = arith.constant 0 : i32
        %dma_wait3A_893 = tpu.memref_slice %arg16[%dma_wait3A_891, %dma_wait3A_892] : memref<10240x64xf32, #tpu.memory_space<vmem_shared>> -> memref<10240x64xf32, #tpu.memory_space<vmem_shared>>
        tpu.wait_indirect_dma semaphore(%run_scoped3A_881 : memref<!tpu.dma_semaphore, #tpu.memory_space<semaphore_mem>>) src(%arg12 : memref<128x64xf32, #tpu.memory_space<vmem>>) dst(%dma_wait3A_893 : memref<10240x64xf32, #tpu.memory_space<vmem_shared>>)
        tpu.yield
      }) : () -> ()
      %add3A_753 = arith.constant 4 : i32
      %add3A_754 = arith.addi %add3A_744, %add3A_753 : i32
      %lt3A_755 = arith.constant 160 : i32
      %lt3A_756 = arith.cmpi slt, %add3A_754, %lt3A_755 : i32
      %convert_element_type3A_757 = arith.extui %lt3A_756 : i1 to i32
      %cond3A_758 = arith.constant 0 : i32
      %cond3A_759 = arith.cmpi ne, %convert_element_type3A_757, %cond3A_758 : i32
      scf.if %cond3A_759 {
        %dma_start3A_881 = arith.constant 13 : i32
        %dma_start3A_882 = arith.constant 0 : i32
        %dma_start3A_883 = tpu.memref_slice %arg8[%dma_start3A_881, %dma_start3A_882] : memref<16x128xi32, #tpu.memory_space<vmem>> -> memref<1x128xi32, #tpu.memory_space<vmem>>
        %dma_start3A_884 = tpu.memref_squeeze %dma_start3A_883 : memref<1x128xi32, #tpu.memory_space<vmem>> -> memref<128xi32, #tpu.memory_space<vmem>>
        %dma_start3A_885 = arith.constant 0 : i32
        %dma_start3A_886 = arith.constant 0 : i32
        %dma_start3A_887 = tpu.memref_slice %arg15[%dma_start3A_885, %dma_start3A_886] : memref<10240x64xf32, #tpu.memory_space<vmem_shared>> -> memref<10240x64xf32, #tpu.memory_space<vmem_shared>>
        tpu.enqueue_indirect_dma source(%dma_start3A_887 : memref<10240x64xf32, #tpu.memory_space<vmem_shared>>) target(%arg12 : memref<128x64xf32, #tpu.memory_space<vmem>>) offsets(%dma_start3A_884 : memref<128xi32, #tpu.memory_space<vmem>>) semaphore(%arg18 : memref<!tpu.dma_semaphore, #tpu.memory_space<semaphore_mem>>)
      } else {
      }
      %mul3A_760 = arith.constant 16 : i32
      %mul3A_761 = arith.muli %add3A_562, %mul3A_760 : i32
      %add3A_762 = arith.constant 10 : i32
      %add3A_763 = arith.addi %mul3A_761, %add3A_762 : i32
      %dma_wait3A_764 = arith.constant 10 : i32
      %dma_wait3A_765 = arith.constant 0 : i32
      %dma_wait3A_766 = tpu.memref_slice %arg8[%dma_wait3A_764, %dma_wait3A_765] : memref<16x128xi32, #tpu.memory_space<vmem>> -> memref<1x128xi32, #tpu.memory_space<vmem>>
      %dma_wait3A_767 = tpu.memref_squeeze %dma_wait3A_766 : memref<1x128xi32, #tpu.memory_space<vmem>> -> memref<128xi32, #tpu.memory_space<vmem>>
      %dma_wait3A_768 = arith.constant 0 : i32
      %dma_wait3A_769 = arith.constant 0 : i32
      %dma_wait3A_770 = tpu.memref_slice %arg15[%dma_wait3A_768, %dma_wait3A_769] : memref<10240x64xf32, #tpu.memory_space<vmem_shared>> -> memref<10240x64xf32, #tpu.memory_space<vmem_shared>>
      tpu.wait_indirect_dma semaphore(%arg19 : memref<!tpu.dma_semaphore, #tpu.memory_space<semaphore_mem>>) src(%dma_wait3A_770 : memref<10240x64xf32, #tpu.memory_space<vmem_shared>>) dst(%arg13 : memref<128x64xf32, #tpu.memory_space<vmem>>)
      %run_scoped3A_771 = arith.constant 10 : i32
      "tpu.region"() ({
        %run_scoped3A_881 = tpu.sem_alloc : memref<!tpu.dma_semaphore, #tpu.memory_space<semaphore_mem>>
        %dma_start3A_882 = arith.constant 0 : i32
        %dma_start3A_883 = tpu.memref_slice %arg10[%run_scoped3A_771, %dma_start3A_882] : memref<16x128xi32, #tpu.memory_space<vmem>> -> memref<1x128xi32, #tpu.memory_space<vmem>>
        %dma_start3A_884 = tpu.memref_squeeze %dma_start3A_883 : memref<1x128xi32, #tpu.memory_space<vmem>> -> memref<128xi32, #tpu.memory_space<vmem>>
        %dma_start3A_885 = arith.constant 0 : i32
        %dma_start3A_886 = arith.constant 0 : i32
        %dma_start3A_887 = tpu.memref_slice %arg16[%dma_start3A_885, %dma_start3A_886] : memref<10240x64xf32, #tpu.memory_space<vmem_shared>> -> memref<10240x64xf32, #tpu.memory_space<vmem_shared>>
        tpu.enqueue_indirect_dma source(%arg13 : memref<128x64xf32, #tpu.memory_space<vmem>>) target(%dma_start3A_887 : memref<10240x64xf32, #tpu.memory_space<vmem_shared>>) offsets(%dma_start3A_884 : memref<128xi32, #tpu.memory_space<vmem>>) semaphore(%run_scoped3A_881 : memref<!tpu.dma_semaphore, #tpu.memory_space<semaphore_mem>>) {add = true}
        %dma_wait3A_888 = arith.constant 0 : i32
        %dma_wait3A_889 = tpu.memref_slice %arg10[%run_scoped3A_771, %dma_wait3A_888] : memref<16x128xi32, #tpu.memory_space<vmem>> -> memref<1x128xi32, #tpu.memory_space<vmem>>
        %dma_wait3A_890 = tpu.memref_squeeze %dma_wait3A_889 : memref<1x128xi32, #tpu.memory_space<vmem>> -> memref<128xi32, #tpu.memory_space<vmem>>
        %dma_wait3A_891 = arith.constant 0 : i32
        %dma_wait3A_892 = arith.constant 0 : i32
        %dma_wait3A_893 = tpu.memref_slice %arg16[%dma_wait3A_891, %dma_wait3A_892] : memref<10240x64xf32, #tpu.memory_space<vmem_shared>> -> memref<10240x64xf32, #tpu.memory_space<vmem_shared>>
        tpu.wait_indirect_dma semaphore(%run_scoped3A_881 : memref<!tpu.dma_semaphore, #tpu.memory_space<semaphore_mem>>) src(%arg13 : memref<128x64xf32, #tpu.memory_space<vmem>>) dst(%dma_wait3A_893 : memref<10240x64xf32, #tpu.memory_space<vmem_shared>>)
        tpu.yield
      }) : () -> ()
      %add3A_772 = arith.constant 4 : i32
      %add3A_773 = arith.addi %add3A_763, %add3A_772 : i32
      %lt3A_774 = arith.constant 160 : i32
      %lt3A_775 = arith.cmpi slt, %add3A_773, %lt3A_774 : i32
      %convert_element_type3A_776 = arith.extui %lt3A_775 : i1 to i32
      %cond3A_777 = arith.constant 0 : i32
      %cond3A_778 = arith.cmpi ne, %convert_element_type3A_776, %cond3A_777 : i32
      scf.if %cond3A_778 {
        %dma_start3A_881 = arith.constant 14 : i32
        %dma_start3A_882 = arith.constant 0 : i32
        %dma_start3A_883 = tpu.memref_slice %arg8[%dma_start3A_881, %dma_start3A_882] : memref<16x128xi32, #tpu.memory_space<vmem>> -> memref<1x128xi32, #tpu.memory_space<vmem>>
        %dma_start3A_884 = tpu.memref_squeeze %dma_start3A_883 : memref<1x128xi32, #tpu.memory_space<vmem>> -> memref<128xi32, #tpu.memory_space<vmem>>
        %dma_start3A_885 = arith.constant 0 : i32
        %dma_start3A_886 = arith.constant 0 : i32
        %dma_start3A_887 = tpu.memref_slice %arg15[%dma_start3A_885, %dma_start3A_886] : memref<10240x64xf32, #tpu.memory_space<vmem_shared>> -> memref<10240x64xf32, #tpu.memory_space<vmem_shared>>
        tpu.enqueue_indirect_dma source(%dma_start3A_887 : memref<10240x64xf32, #tpu.memory_space<vmem_shared>>) target(%arg13 : memref<128x64xf32, #tpu.memory_space<vmem>>) offsets(%dma_start3A_884 : memref<128xi32, #tpu.memory_space<vmem>>) semaphore(%arg19 : memref<!tpu.dma_semaphore, #tpu.memory_space<semaphore_mem>>)
      } else {
      }
      %mul3A_779 = arith.constant 16 : i32
      %mul3A_780 = arith.muli %add3A_562, %mul3A_779 : i32
      %add3A_781 = arith.constant 11 : i32
      %add3A_782 = arith.addi %mul3A_780, %add3A_781 : i32
      %dma_wait3A_783 = arith.constant 11 : i32
      %dma_wait3A_784 = arith.constant 0 : i32
      %dma_wait3A_785 = tpu.memref_slice %arg8[%dma_wait3A_783, %dma_wait3A_784] : memref<16x128xi32, #tpu.memory_space<vmem>> -> memref<1x128xi32, #tpu.memory_space<vmem>>
      %dma_wait3A_786 = tpu.memref_squeeze %dma_wait3A_785 : memref<1x128xi32, #tpu.memory_space<vmem>> -> memref<128xi32, #tpu.memory_space<vmem>>
      %dma_wait3A_787 = arith.constant 0 : i32
      %dma_wait3A_788 = arith.constant 0 : i32
      %dma_wait3A_789 = tpu.memref_slice %arg15[%dma_wait3A_787, %dma_wait3A_788] : memref<10240x64xf32, #tpu.memory_space<vmem_shared>> -> memref<10240x64xf32, #tpu.memory_space<vmem_shared>>
      tpu.wait_indirect_dma semaphore(%arg20 : memref<!tpu.dma_semaphore, #tpu.memory_space<semaphore_mem>>) src(%dma_wait3A_789 : memref<10240x64xf32, #tpu.memory_space<vmem_shared>>) dst(%arg14 : memref<128x64xf32, #tpu.memory_space<vmem>>)
      %run_scoped3A_790 = arith.constant 11 : i32
      "tpu.region"() ({
        %run_scoped3A_881 = tpu.sem_alloc : memref<!tpu.dma_semaphore, #tpu.memory_space<semaphore_mem>>
        %dma_start3A_882 = arith.constant 0 : i32
        %dma_start3A_883 = tpu.memref_slice %arg10[%run_scoped3A_790, %dma_start3A_882] : memref<16x128xi32, #tpu.memory_space<vmem>> -> memref<1x128xi32, #tpu.memory_space<vmem>>
        %dma_start3A_884 = tpu.memref_squeeze %dma_start3A_883 : memref<1x128xi32, #tpu.memory_space<vmem>> -> memref<128xi32, #tpu.memory_space<vmem>>
        %dma_start3A_885 = arith.constant 0 : i32
        %dma_start3A_886 = arith.constant 0 : i32
        %dma_start3A_887 = tpu.memref_slice %arg16[%dma_start3A_885, %dma_start3A_886] : memref<10240x64xf32, #tpu.memory_space<vmem_shared>> -> memref<10240x64xf32, #tpu.memory_space<vmem_shared>>
        tpu.enqueue_indirect_dma source(%arg14 : memref<128x64xf32, #tpu.memory_space<vmem>>) target(%dma_start3A_887 : memref<10240x64xf32, #tpu.memory_space<vmem_shared>>) offsets(%dma_start3A_884 : memref<128xi32, #tpu.memory_space<vmem>>) semaphore(%run_scoped3A_881 : memref<!tpu.dma_semaphore, #tpu.memory_space<semaphore_mem>>) {add = true}
        %dma_wait3A_888 = arith.constant 0 : i32
        %dma_wait3A_889 = tpu.memref_slice %arg10[%run_scoped3A_790, %dma_wait3A_888] : memref<16x128xi32, #tpu.memory_space<vmem>> -> memref<1x128xi32, #tpu.memory_space<vmem>>
        %dma_wait3A_890 = tpu.memref_squeeze %dma_wait3A_889 : memref<1x128xi32, #tpu.memory_space<vmem>> -> memref<128xi32, #tpu.memory_space<vmem>>
        %dma_wait3A_891 = arith.constant 0 : i32
        %dma_wait3A_892 = arith.constant 0 : i32
        %dma_wait3A_893 = tpu.memref_slice %arg16[%dma_wait3A_891, %dma_wait3A_892] : memref<10240x64xf32, #tpu.memory_space<vmem_shared>> -> memref<10240x64xf32, #tpu.memory_space<vmem_shared>>
        tpu.wait_indirect_dma semaphore(%run_scoped3A_881 : memref<!tpu.dma_semaphore, #tpu.memory_space<semaphore_mem>>) src(%arg14 : memref<128x64xf32, #tpu.memory_space<vmem>>) dst(%dma_wait3A_893 : memref<10240x64xf32, #tpu.memory_space<vmem_shared>>)
        tpu.yield
      }) : () -> ()
      %add3A_791 = arith.constant 4 : i32
      %add3A_792 = arith.addi %add3A_782, %add3A_791 : i32
      %lt3A_793 = arith.constant 160 : i32
      %lt3A_794 = arith.cmpi slt, %add3A_792, %lt3A_793 : i32
      %convert_element_type3A_795 = arith.extui %lt3A_794 : i1 to i32
      %cond3A_796 = arith.constant 0 : i32
      %cond3A_797 = arith.cmpi ne, %convert_element_type3A_795, %cond3A_796 : i32
      scf.if %cond3A_797 {
        %dma_start3A_881 = arith.constant 15 : i32
        %dma_start3A_882 = arith.constant 0 : i32
        %dma_start3A_883 = tpu.memref_slice %arg8[%dma_start3A_881, %dma_start3A_882] : memref<16x128xi32, #tpu.memory_space<vmem>> -> memref<1x128xi32, #tpu.memory_space<vmem>>
        %dma_start3A_884 = tpu.memref_squeeze %dma_start3A_883 : memref<1x128xi32, #tpu.memory_space<vmem>> -> memref<128xi32, #tpu.memory_space<vmem>>
        %dma_start3A_885 = arith.constant 0 : i32
        %dma_start3A_886 = arith.constant 0 : i32
        %dma_start3A_887 = tpu.memref_slice %arg15[%dma_start3A_885, %dma_start3A_886] : memref<10240x64xf32, #tpu.memory_space<vmem_shared>> -> memref<10240x64xf32, #tpu.memory_space<vmem_shared>>
        tpu.enqueue_indirect_dma source(%dma_start3A_887 : memref<10240x64xf32, #tpu.memory_space<vmem_shared>>) target(%arg14 : memref<128x64xf32, #tpu.memory_space<vmem>>) offsets(%dma_start3A_884 : memref<128xi32, #tpu.memory_space<vmem>>) semaphore(%arg20 : memref<!tpu.dma_semaphore, #tpu.memory_space<semaphore_mem>>)
      } else {
      }
      %mul3A_798 = arith.constant 16 : i32
      %mul3A_799 = arith.muli %add3A_562, %mul3A_798 : i32
      %add3A_800 = arith.constant 12 : i32
      %add3A_801 = arith.addi %mul3A_799, %add3A_800 : i32
      %dma_wait3A_802 = arith.constant 12 : i32
      %dma_wait3A_803 = arith.constant 0 : i32
      %dma_wait3A_804 = tpu.memref_slice %arg8[%dma_wait3A_802, %dma_wait3A_803] : memref<16x128xi32, #tpu.memory_space<vmem>> -> memref<1x128xi32, #tpu.memory_space<vmem>>
      %dma_wait3A_805 = tpu.memref_squeeze %dma_wait3A_804 : memref<1x128xi32, #tpu.memory_space<vmem>> -> memref<128xi32, #tpu.memory_space<vmem>>
      %dma_wait3A_806 = arith.constant 0 : i32
      %dma_wait3A_807 = arith.constant 0 : i32
      %dma_wait3A_808 = tpu.memref_slice %arg15[%dma_wait3A_806, %dma_wait3A_807] : memref<10240x64xf32, #tpu.memory_space<vmem_shared>> -> memref<10240x64xf32, #tpu.memory_space<vmem_shared>>
      tpu.wait_indirect_dma semaphore(%arg17 : memref<!tpu.dma_semaphore, #tpu.memory_space<semaphore_mem>>) src(%dma_wait3A_808 : memref<10240x64xf32, #tpu.memory_space<vmem_shared>>) dst(%arg11 : memref<128x64xf32, #tpu.memory_space<vmem>>)
      %run_scoped3A_809 = arith.constant 12 : i32
      "tpu.region"() ({
        %run_scoped3A_881 = tpu.sem_alloc : memref<!tpu.dma_semaphore, #tpu.memory_space<semaphore_mem>>
        %dma_start3A_882 = arith.constant 0 : i32
        %dma_start3A_883 = tpu.memref_slice %arg10[%run_scoped3A_809, %dma_start3A_882] : memref<16x128xi32, #tpu.memory_space<vmem>> -> memref<1x128xi32, #tpu.memory_space<vmem>>
        %dma_start3A_884 = tpu.memref_squeeze %dma_start3A_883 : memref<1x128xi32, #tpu.memory_space<vmem>> -> memref<128xi32, #tpu.memory_space<vmem>>
        %dma_start3A_885 = arith.constant 0 : i32
        %dma_start3A_886 = arith.constant 0 : i32
        %dma_start3A_887 = tpu.memref_slice %arg16[%dma_start3A_885, %dma_start3A_886] : memref<10240x64xf32, #tpu.memory_space<vmem_shared>> -> memref<10240x64xf32, #tpu.memory_space<vmem_shared>>
        tpu.enqueue_indirect_dma source(%arg11 : memref<128x64xf32, #tpu.memory_space<vmem>>) target(%dma_start3A_887 : memref<10240x64xf32, #tpu.memory_space<vmem_shared>>) offsets(%dma_start3A_884 : memref<128xi32, #tpu.memory_space<vmem>>) semaphore(%run_scoped3A_881 : memref<!tpu.dma_semaphore, #tpu.memory_space<semaphore_mem>>) {add = true}
        %dma_wait3A_888 = arith.constant 0 : i32
        %dma_wait3A_889 = tpu.memref_slice %arg10[%run_scoped3A_809, %dma_wait3A_888] : memref<16x128xi32, #tpu.memory_space<vmem>> -> memref<1x128xi32, #tpu.memory_space<vmem>>
        %dma_wait3A_890 = tpu.memref_squeeze %dma_wait3A_889 : memref<1x128xi32, #tpu.memory_space<vmem>> -> memref<128xi32, #tpu.memory_space<vmem>>
        %dma_wait3A_891 = arith.constant 0 : i32
        %dma_wait3A_892 = arith.constant 0 : i32
        %dma_wait3A_893 = tpu.memref_slice %arg16[%dma_wait3A_891, %dma_wait3A_892] : memref<10240x64xf32, #tpu.memory_space<vmem_shared>> -> memref<10240x64xf32, #tpu.memory_space<vmem_shared>>
        tpu.wait_indirect_dma semaphore(%run_scoped3A_881 : memref<!tpu.dma_semaphore, #tpu.memory_space<semaphore_mem>>) src(%arg11 : memref<128x64xf32, #tpu.memory_space<vmem>>) dst(%dma_wait3A_893 : memref<10240x64xf32, #tpu.memory_space<vmem_shared>>)
        tpu.yield
      }) : () -> ()
      %add3A_810 = arith.constant 4 : i32
      %add3A_811 = arith.addi %add3A_801, %add3A_810 : i32
      %lt3A_812 = arith.constant 160 : i32
      %lt3A_813 = arith.cmpi slt, %add3A_811, %lt3A_812 : i32
      %convert_element_type3A_814 = arith.extui %lt3A_813 : i1 to i32
      %cond3A_815 = arith.constant 0 : i32
      %cond3A_816 = arith.cmpi ne, %convert_element_type3A_814, %cond3A_815 : i32
      scf.if %cond3A_816 {
        %dma_start3A_881 = arith.constant 0 : i32
        %dma_start3A_882 = arith.constant 0 : i32
        %dma_start3A_883 = tpu.memref_slice %arg7[%dma_start3A_881, %dma_start3A_882] : memref<16x128xi32, #tpu.memory_space<vmem>> -> memref<1x128xi32, #tpu.memory_space<vmem>>
        %dma_start3A_884 = tpu.memref_squeeze %dma_start3A_883 : memref<1x128xi32, #tpu.memory_space<vmem>> -> memref<128xi32, #tpu.memory_space<vmem>>
        %dma_start3A_885 = arith.constant 0 : i32
        %dma_start3A_886 = arith.constant 0 : i32
        %dma_start3A_887 = tpu.memref_slice %arg15[%dma_start3A_885, %dma_start3A_886] : memref<10240x64xf32, #tpu.memory_space<vmem_shared>> -> memref<10240x64xf32, #tpu.memory_space<vmem_shared>>
        tpu.enqueue_indirect_dma source(%dma_start3A_887 : memref<10240x64xf32, #tpu.memory_space<vmem_shared>>) target(%arg11 : memref<128x64xf32, #tpu.memory_space<vmem>>) offsets(%dma_start3A_884 : memref<128xi32, #tpu.memory_space<vmem>>) semaphore(%arg17 : memref<!tpu.dma_semaphore, #tpu.memory_space<semaphore_mem>>)
      } else {
      }
      %mul3A_817 = arith.constant 16 : i32
      %mul3A_818 = arith.muli %add3A_562, %mul3A_817 : i32
      %add3A_819 = arith.constant 13 : i32
      %add3A_820 = arith.addi %mul3A_818, %add3A_819 : i32
      %dma_wait3A_821 = arith.constant 13 : i32
      %dma_wait3A_822 = arith.constant 0 : i32
      %dma_wait3A_823 = tpu.memref_slice %arg8[%dma_wait3A_821, %dma_wait3A_822] : memref<16x128xi32, #tpu.memory_space<vmem>> -> memref<1x128xi32, #tpu.memory_space<vmem>>
      %dma_wait3A_824 = tpu.memref_squeeze %dma_wait3A_823 : memref<1x128xi32, #tpu.memory_space<vmem>> -> memref<128xi32, #tpu.memory_space<vmem>>
      %dma_wait3A_825 = arith.constant 0 : i32
      %dma_wait3A_826 = arith.constant 0 : i32
      %dma_wait3A_827 = tpu.memref_slice %arg15[%dma_wait3A_825, %dma_wait3A_826] : memref<10240x64xf32, #tpu.memory_space<vmem_shared>> -> memref<10240x64xf32, #tpu.memory_space<vmem_shared>>
      tpu.wait_indirect_dma semaphore(%arg18 : memref<!tpu.dma_semaphore, #tpu.memory_space<semaphore_mem>>) src(%dma_wait3A_827 : memref<10240x64xf32, #tpu.memory_space<vmem_shared>>) dst(%arg12 : memref<128x64xf32, #tpu.memory_space<vmem>>)
      %run_scoped3A_828 = arith.constant 13 : i32
      "tpu.region"() ({
        %run_scoped3A_881 = tpu.sem_alloc : memref<!tpu.dma_semaphore, #tpu.memory_space<semaphore_mem>>
        %dma_start3A_882 = arith.constant 0 : i32
        %dma_start3A_883 = tpu.memref_slice %arg10[%run_scoped3A_828, %dma_start3A_882] : memref<16x128xi32, #tpu.memory_space<vmem>> -> memref<1x128xi32, #tpu.memory_space<vmem>>
        %dma_start3A_884 = tpu.memref_squeeze %dma_start3A_883 : memref<1x128xi32, #tpu.memory_space<vmem>> -> memref<128xi32, #tpu.memory_space<vmem>>
        %dma_start3A_885 = arith.constant 0 : i32
        %dma_start3A_886 = arith.constant 0 : i32
        %dma_start3A_887 = tpu.memref_slice %arg16[%dma_start3A_885, %dma_start3A_886] : memref<10240x64xf32, #tpu.memory_space<vmem_shared>> -> memref<10240x64xf32, #tpu.memory_space<vmem_shared>>
        tpu.enqueue_indirect_dma source(%arg12 : memref<128x64xf32, #tpu.memory_space<vmem>>) target(%dma_start3A_887 : memref<10240x64xf32, #tpu.memory_space<vmem_shared>>) offsets(%dma_start3A_884 : memref<128xi32, #tpu.memory_space<vmem>>) semaphore(%run_scoped3A_881 : memref<!tpu.dma_semaphore, #tpu.memory_space<semaphore_mem>>) {add = true}
        %dma_wait3A_888 = arith.constant 0 : i32
        %dma_wait3A_889 = tpu.memref_slice %arg10[%run_scoped3A_828, %dma_wait3A_888] : memref<16x128xi32, #tpu.memory_space<vmem>> -> memref<1x128xi32, #tpu.memory_space<vmem>>
        %dma_wait3A_890 = tpu.memref_squeeze %dma_wait3A_889 : memref<1x128xi32, #tpu.memory_space<vmem>> -> memref<128xi32, #tpu.memory_space<vmem>>
        %dma_wait3A_891 = arith.constant 0 : i32
        %dma_wait3A_892 = arith.constant 0 : i32
        %dma_wait3A_893 = tpu.memref_slice %arg16[%dma_wait3A_891, %dma_wait3A_892] : memref<10240x64xf32, #tpu.memory_space<vmem_shared>> -> memref<10240x64xf32, #tpu.memory_space<vmem_shared>>
        tpu.wait_indirect_dma semaphore(%run_scoped3A_881 : memref<!tpu.dma_semaphore, #tpu.memory_space<semaphore_mem>>) src(%arg12 : memref<128x64xf32, #tpu.memory_space<vmem>>) dst(%dma_wait3A_893 : memref<10240x64xf32, #tpu.memory_space<vmem_shared>>)
        tpu.yield
      }) : () -> ()
      %add3A_829 = arith.constant 4 : i32
      %add3A_830 = arith.addi %add3A_820, %add3A_829 : i32
      %lt3A_831 = arith.constant 160 : i32
      %lt3A_832 = arith.cmpi slt, %add3A_830, %lt3A_831 : i32
      %convert_element_type3A_833 = arith.extui %lt3A_832 : i1 to i32
      %cond3A_834 = arith.constant 0 : i32
      %cond3A_835 = arith.cmpi ne, %convert_element_type3A_833, %cond3A_834 : i32
      scf.if %cond3A_835 {
        %dma_start3A_881 = arith.constant 1 : i32
        %dma_start3A_882 = arith.constant 0 : i32
        %dma_start3A_883 = tpu.memref_slice %arg7[%dma_start3A_881, %dma_start3A_882] : memref<16x128xi32, #tpu.memory_space<vmem>> -> memref<1x128xi32, #tpu.memory_space<vmem>>
        %dma_start3A_884 = tpu.memref_squeeze %dma_start3A_883 : memref<1x128xi32, #tpu.memory_space<vmem>> -> memref<128xi32, #tpu.memory_space<vmem>>
        %dma_start3A_885 = arith.constant 0 : i32
        %dma_start3A_886 = arith.constant 0 : i32
        %dma_start3A_887 = tpu.memref_slice %arg15[%dma_start3A_885, %dma_start3A_886] : memref<10240x64xf32, #tpu.memory_space<vmem_shared>> -> memref<10240x64xf32, #tpu.memory_space<vmem_shared>>
        tpu.enqueue_indirect_dma source(%dma_start3A_887 : memref<10240x64xf32, #tpu.memory_space<vmem_shared>>) target(%arg12 : memref<128x64xf32, #tpu.memory_space<vmem>>) offsets(%dma_start3A_884 : memref<128xi32, #tpu.memory_space<vmem>>) semaphore(%arg18 : memref<!tpu.dma_semaphore, #tpu.memory_space<semaphore_mem>>)
      } else {
      }
      %mul3A_836 = arith.constant 16 : i32
      %mul3A_837 = arith.muli %add3A_562, %mul3A_836 : i32
      %add3A_838 = arith.constant 14 : i32
      %add3A_839 = arith.addi %mul3A_837, %add3A_838 : i32
      %dma_wait3A_840 = arith.constant 14 : i32
      %dma_wait3A_841 = arith.constant 0 : i32
      %dma_wait3A_842 = tpu.memref_slice %arg8[%dma_wait3A_840, %dma_wait3A_841] : memref<16x128xi32, #tpu.memory_space<vmem>> -> memref<1x128xi32, #tpu.memory_space<vmem>>
      %dma_wait3A_843 = tpu.memref_squeeze %dma_wait3A_842 : memref<1x128xi32, #tpu.memory_space<vmem>> -> memref<128xi32, #tpu.memory_space<vmem>>
      %dma_wait3A_844 = arith.constant 0 : i32
      %dma_wait3A_845 = arith.constant 0 : i32
      %dma_wait3A_846 = tpu.memref_slice %arg15[%dma_wait3A_844, %dma_wait3A_845] : memref<10240x64xf32, #tpu.memory_space<vmem_shared>> -> memref<10240x64xf32, #tpu.memory_space<vmem_shared>>
      tpu.wait_indirect_dma semaphore(%arg19 : memref<!tpu.dma_semaphore, #tpu.memory_space<semaphore_mem>>) src(%dma_wait3A_846 : memref<10240x64xf32, #tpu.memory_space<vmem_shared>>) dst(%arg13 : memref<128x64xf32, #tpu.memory_space<vmem>>)
      %run_scoped3A_847 = arith.constant 14 : i32
      "tpu.region"() ({
        %run_scoped3A_881 = tpu.sem_alloc : memref<!tpu.dma_semaphore, #tpu.memory_space<semaphore_mem>>
        %dma_start3A_882 = arith.constant 0 : i32
        %dma_start3A_883 = tpu.memref_slice %arg10[%run_scoped3A_847, %dma_start3A_882] : memref<16x128xi32, #tpu.memory_space<vmem>> -> memref<1x128xi32, #tpu.memory_space<vmem>>
        %dma_start3A_884 = tpu.memref_squeeze %dma_start3A_883 : memref<1x128xi32, #tpu.memory_space<vmem>> -> memref<128xi32, #tpu.memory_space<vmem>>
        %dma_start3A_885 = arith.constant 0 : i32
        %dma_start3A_886 = arith.constant 0 : i32
        %dma_start3A_887 = tpu.memref_slice %arg16[%dma_start3A_885, %dma_start3A_886] : memref<10240x64xf32, #tpu.memory_space<vmem_shared>> -> memref<10240x64xf32, #tpu.memory_space<vmem_shared>>
        tpu.enqueue_indirect_dma source(%arg13 : memref<128x64xf32, #tpu.memory_space<vmem>>) target(%dma_start3A_887 : memref<10240x64xf32, #tpu.memory_space<vmem_shared>>) offsets(%dma_start3A_884 : memref<128xi32, #tpu.memory_space<vmem>>) semaphore(%run_scoped3A_881 : memref<!tpu.dma_semaphore, #tpu.memory_space<semaphore_mem>>) {add = true}
        %dma_wait3A_888 = arith.constant 0 : i32
        %dma_wait3A_889 = tpu.memref_slice %arg10[%run_scoped3A_847, %dma_wait3A_888] : memref<16x128xi32, #tpu.memory_space<vmem>> -> memref<1x128xi32, #tpu.memory_space<vmem>>
        %dma_wait3A_890 = tpu.memref_squeeze %dma_wait3A_889 : memref<1x128xi32, #tpu.memory_space<vmem>> -> memref<128xi32, #tpu.memory_space<vmem>>
        %dma_wait3A_891 = arith.constant 0 : i32
        %dma_wait3A_892 = arith.constant 0 : i32
        %dma_wait3A_893 = tpu.memref_slice %arg16[%dma_wait3A_891, %dma_wait3A_892] : memref<10240x64xf32, #tpu.memory_space<vmem_shared>> -> memref<10240x64xf32, #tpu.memory_space<vmem_shared>>
        tpu.wait_indirect_dma semaphore(%run_scoped3A_881 : memref<!tpu.dma_semaphore, #tpu.memory_space<semaphore_mem>>) src(%arg13 : memref<128x64xf32, #tpu.memory_space<vmem>>) dst(%dma_wait3A_893 : memref<10240x64xf32, #tpu.memory_space<vmem_shared>>)
        tpu.yield
      }) : () -> ()
      %add3A_848 = arith.constant 4 : i32
      %add3A_849 = arith.addi %add3A_839, %add3A_848 : i32
      %lt3A_850 = arith.constant 160 : i32
      %lt3A_851 = arith.cmpi slt, %add3A_849, %lt3A_850 : i32
      %convert_element_type3A_852 = arith.extui %lt3A_851 : i1 to i32
      %cond3A_853 = arith.constant 0 : i32
      %cond3A_854 = arith.cmpi ne, %convert_element_type3A_852, %cond3A_853 : i32
      scf.if %cond3A_854 {
        %dma_start3A_881 = arith.constant 2 : i32
        %dma_start3A_882 = arith.constant 0 : i32
        %dma_start3A_883 = tpu.memref_slice %arg7[%dma_start3A_881, %dma_start3A_882] : memref<16x128xi32, #tpu.memory_space<vmem>> -> memref<1x128xi32, #tpu.memory_space<vmem>>
        %dma_start3A_884 = tpu.memref_squeeze %dma_start3A_883 : memref<1x128xi32, #tpu.memory_space<vmem>> -> memref<128xi32, #tpu.memory_space<vmem>>
        %dma_start3A_885 = arith.constant 0 : i32
        %dma_start3A_886 = arith.constant 0 : i32
        %dma_start3A_887 = tpu.memref_slice %arg15[%dma_start3A_885, %dma_start3A_886] : memref<10240x64xf32, #tpu.memory_space<vmem_shared>> -> memref<10240x64xf32, #tpu.memory_space<vmem_shared>>
        tpu.enqueue_indirect_dma source(%dma_start3A_887 : memref<10240x64xf32, #tpu.memory_space<vmem_shared>>) target(%arg13 : memref<128x64xf32, #tpu.memory_space<vmem>>) offsets(%dma_start3A_884 : memref<128xi32, #tpu.memory_space<vmem>>) semaphore(%arg19 : memref<!tpu.dma_semaphore, #tpu.memory_space<semaphore_mem>>)
      } else {
      }
      %mul3A_855 = arith.constant 16 : i32
      %mul3A_856 = arith.muli %add3A_562, %mul3A_855 : i32
      %add3A_857 = arith.constant 15 : i32
      %add3A_858 = arith.addi %mul3A_856, %add3A_857 : i32
      %dma_wait3A_859 = arith.constant 15 : i32
      %dma_wait3A_860 = arith.constant 0 : i32
      %dma_wait3A_861 = tpu.memref_slice %arg8[%dma_wait3A_859, %dma_wait3A_860] : memref<16x128xi32, #tpu.memory_space<vmem>> -> memref<1x128xi32, #tpu.memory_space<vmem>>
      %dma_wait3A_862 = tpu.memref_squeeze %dma_wait3A_861 : memref<1x128xi32, #tpu.memory_space<vmem>> -> memref<128xi32, #tpu.memory_space<vmem>>
      %dma_wait3A_863 = arith.constant 0 : i32
      %dma_wait3A_864 = arith.constant 0 : i32
      %dma_wait3A_865 = tpu.memref_slice %arg15[%dma_wait3A_863, %dma_wait3A_864] : memref<10240x64xf32, #tpu.memory_space<vmem_shared>> -> memref<10240x64xf32, #tpu.memory_space<vmem_shared>>
      tpu.wait_indirect_dma semaphore(%arg20 : memref<!tpu.dma_semaphore, #tpu.memory_space<semaphore_mem>>) src(%dma_wait3A_865 : memref<10240x64xf32, #tpu.memory_space<vmem_shared>>) dst(%arg14 : memref<128x64xf32, #tpu.memory_space<vmem>>)
      %run_scoped3A_866 = arith.constant 15 : i32
      "tpu.region"() ({
        %run_scoped3A_881 = tpu.sem_alloc : memref<!tpu.dma_semaphore, #tpu.memory_space<semaphore_mem>>
        %dma_start3A_882 = arith.constant 0 : i32
        %dma_start3A_883 = tpu.memref_slice %arg10[%run_scoped3A_866, %dma_start3A_882] : memref<16x128xi32, #tpu.memory_space<vmem>> -> memref<1x128xi32, #tpu.memory_space<vmem>>
        %dma_start3A_884 = tpu.memref_squeeze %dma_start3A_883 : memref<1x128xi32, #tpu.memory_space<vmem>> -> memref<128xi32, #tpu.memory_space<vmem>>
        %dma_start3A_885 = arith.constant 0 : i32
        %dma_start3A_886 = arith.constant 0 : i32
        %dma_start3A_887 = tpu.memref_slice %arg16[%dma_start3A_885, %dma_start3A_886] : memref<10240x64xf32, #tpu.memory_space<vmem_shared>> -> memref<10240x64xf32, #tpu.memory_space<vmem_shared>>
        tpu.enqueue_indirect_dma source(%arg14 : memref<128x64xf32, #tpu.memory_space<vmem>>) target(%dma_start3A_887 : memref<10240x64xf32, #tpu.memory_space<vmem_shared>>) offsets(%dma_start3A_884 : memref<128xi32, #tpu.memory_space<vmem>>) semaphore(%run_scoped3A_881 : memref<!tpu.dma_semaphore, #tpu.memory_space<semaphore_mem>>) {add = true}
        %dma_wait3A_888 = arith.constant 0 : i32
        %dma_wait3A_889 = tpu.memref_slice %arg10[%run_scoped3A_866, %dma_wait3A_888] : memref<16x128xi32, #tpu.memory_space<vmem>> -> memref<1x128xi32, #tpu.memory_space<vmem>>
        %dma_wait3A_890 = tpu.memref_squeeze %dma_wait3A_889 : memref<1x128xi32, #tpu.memory_space<vmem>> -> memref<128xi32, #tpu.memory_space<vmem>>
        %dma_wait3A_891 = arith.constant 0 : i32
        %dma_wait3A_892 = arith.constant 0 : i32
        %dma_wait3A_893 = tpu.memref_slice %arg16[%dma_wait3A_891, %dma_wait3A_892] : memref<10240x64xf32, #tpu.memory_space<vmem_shared>> -> memref<10240x64xf32, #tpu.memory_space<vmem_shared>>
        tpu.wait_indirect_dma semaphore(%run_scoped3A_881 : memref<!tpu.dma_semaphore, #tpu.memory_space<semaphore_mem>>) src(%arg14 : memref<128x64xf32, #tpu.memory_space<vmem>>) dst(%dma_wait3A_893 : memref<10240x64xf32, #tpu.memory_space<vmem_shared>>)
        tpu.yield
      }) : () -> ()
      %add3A_867 = arith.constant 4 : i32
      %add3A_868 = arith.addi %add3A_858, %add3A_867 : i32
      %lt3A_869 = arith.constant 160 : i32
      %lt3A_870 = arith.cmpi slt, %add3A_868, %lt3A_869 : i32
      %convert_element_type3A_871 = arith.extui %lt3A_870 : i1 to i32
      %cond3A_872 = arith.constant 0 : i32
      %cond3A_873 = arith.cmpi ne, %convert_element_type3A_871, %cond3A_872 : i32
      scf.if %cond3A_873 {
        %dma_start3A_881 = arith.constant 3 : i32
        %dma_start3A_882 = arith.constant 0 : i32
        %dma_start3A_883 = tpu.memref_slice %arg7[%dma_start3A_881, %dma_start3A_882] : memref<16x128xi32, #tpu.memory_space<vmem>> -> memref<1x128xi32, #tpu.memory_space<vmem>>
        %dma_start3A_884 = tpu.memref_squeeze %dma_start3A_883 : memref<1x128xi32, #tpu.memory_space<vmem>> -> memref<128xi32, #tpu.memory_space<vmem>>
        %dma_start3A_885 = arith.constant 0 : i32
        %dma_start3A_886 = arith.constant 0 : i32
        %dma_start3A_887 = tpu.memref_slice %arg15[%dma_start3A_885, %dma_start3A_886] : memref<10240x64xf32, #tpu.memory_space<vmem_shared>> -> memref<10240x64xf32, #tpu.memory_space<vmem_shared>>
        tpu.enqueue_indirect_dma source(%dma_start3A_887 : memref<10240x64xf32, #tpu.memory_space<vmem_shared>>) target(%arg14 : memref<128x64xf32, #tpu.memory_space<vmem>>) offsets(%dma_start3A_884 : memref<128xi32, #tpu.memory_space<vmem>>) semaphore(%arg20 : memref<!tpu.dma_semaphore, #tpu.memory_space<semaphore_mem>>)
      } else {
      }
      %add3A_874 = arith.constant 2 : i32
      %add3A_875 = arith.addi %add3A_562, %add3A_874 : i32
      %lt3A_876 = arith.constant 10 : i32
      %lt3A_877 = arith.cmpi slt, %add3A_875, %lt3A_876 : i32
      %convert_element_type3A_878 = arith.extui %lt3A_877 : i1 to i32
      %cond3A_879 = arith.constant 0 : i32
      %cond3A_880 = arith.cmpi ne, %convert_element_type3A_878, %cond3A_879 : i32
      scf.if %cond3A_880 {
        %add3A_881 = arith.constant 2 : i32
        %add3A_882 = arith.addi %add3A_562, %add3A_881 : i32
        %mul3A_883 = arith.constant 16 : i32
        %mul3A_884 = arith.muli %add3A_882, %mul3A_883 : i32
        %dma_start3A_885 = arith.constant 0 : i32
        %dma_start3A_886 = tpu.memref_slice %arg4[%arg1, %mul3A_884, %dma_start3A_885] : memref<16x160x128xi32, #tpu.memory_space<hbm>> -> memref<1x16x128xi32, #tpu.memory_space<hbm>>
        %dma_start3A_887 = tpu.memref_squeeze %dma_start3A_886 : memref<1x16x128xi32, #tpu.memory_space<hbm>> -> memref<16x128xi32, #tpu.memory_space<hbm>>
        %dma_start3A_888 = arith.constant 0 : i32
        %dma_start3A_889 = tpu.memref_slice %arg4[%arg1, %mul3A_884, %dma_start3A_888] : memref<16x160x128xi32, #tpu.memory_space<hbm>> -> memref<1x16x128xi32, #tpu.memory_space<hbm>>
        %dma_start3A_890 = tpu.memref_squeeze %dma_start3A_889 : memref<1x16x128xi32, #tpu.memory_space<hbm>> -> memref<16x128xi32, #tpu.memory_space<hbm>>
        tpu.enqueue_dma source(%dma_start3A_890 : memref<16x128xi32, #tpu.memory_space<hbm>>) target(%arg8 : memref<16x128xi32, #tpu.memory_space<vmem>>) target_semaphore(%arg22 : memref<!tpu.dma_semaphore, #tpu.memory_space<semaphore_mem>>)
        %mul3A_891 = arith.constant 16 : i32
        %mul3A_892 = arith.muli %add3A_882, %mul3A_891 : i32
        %dma_start3A_893 = arith.constant 0 : i32
        %dma_start3A_894 = tpu.memref_slice %arg3[%arg1, %mul3A_892, %dma_start3A_893] : memref<16x160x128xi32, #tpu.memory_space<hbm>> -> memref<1x16x128xi32, #tpu.memory_space<hbm>>
        %dma_start3A_895 = tpu.memref_squeeze %dma_start3A_894 : memref<1x16x128xi32, #tpu.memory_space<hbm>> -> memref<16x128xi32, #tpu.memory_space<hbm>>
        %dma_start3A_896 = arith.constant 0 : i32
        %dma_start3A_897 = tpu.memref_slice %arg3[%arg1, %mul3A_892, %dma_start3A_896] : memref<16x160x128xi32, #tpu.memory_space<hbm>> -> memref<1x16x128xi32, #tpu.memory_space<hbm>>
        %dma_start3A_898 = tpu.memref_squeeze %dma_start3A_897 : memref<1x16x128xi32, #tpu.memory_space<hbm>> -> memref<16x128xi32, #tpu.memory_space<hbm>>
        tpu.enqueue_dma source(%dma_start3A_898 : memref<16x128xi32, #tpu.memory_space<hbm>>) target(%arg10 : memref<16x128xi32, #tpu.memory_space<vmem>>) target_semaphore(%arg22 : memref<!tpu.dma_semaphore, #tpu.memory_space<semaphore_mem>>)
      } else {
      }
    }
    %scan3A_168 = arith.constant 5 : i32
    %barrier3A_169 = arith.constant 0 : index
    tpu.barrier barrier_id(%barrier3A_169)
    %add3A_170 = arith.constant 0 : i32
    %add3A_171 = arith.addi %mul3A_0, %add3A_170 : i32
    %dma_start3A_172 = arith.constant 0 : i32
    %dma_start3A_173 = tpu.memref_slice %arg6[%arg0, %add3A_171, %dma_start3A_172] : memref<2x10240x64xf32, #tpu.memory_space<hbm>> -> memref<1x128x64xf32, #tpu.memory_space<hbm>>
    %dma_start3A_174 = tpu.memref_squeeze %dma_start3A_173 : memref<1x128x64xf32, #tpu.memory_space<hbm>> -> memref<128x64xf32, #tpu.memory_space<hbm>>
    %dma_start3A_175 = arith.constant 0 : i32
    %dma_start3A_176 = tpu.memref_slice %arg16[%add3A_171, %dma_start3A_175] : memref<10240x64xf32, #tpu.memory_space<vmem_shared>> -> memref<128x64xf32, #tpu.memory_space<vmem_shared>>
    tpu.enqueue_dma source(%dma_start3A_176 : memref<128x64xf32, #tpu.memory_space<vmem_shared>>) target(%dma_start3A_174 : memref<128x64xf32, #tpu.memory_space<hbm>>) target_semaphore(%arg19 : memref<!tpu.dma_semaphore, #tpu.memory_space<semaphore_mem>>)
    %add3A_177 = arith.constant 128 : i32
    %add3A_178 = arith.addi %mul3A_0, %add3A_177 : i32
    %dma_start3A_179 = arith.constant 0 : i32
    %dma_start3A_180 = tpu.memref_slice %arg6[%arg0, %add3A_178, %dma_start3A_179] : memref<2x10240x64xf32, #tpu.memory_space<hbm>> -> memref<1x128x64xf32, #tpu.memory_space<hbm>>
    %dma_start3A_181 = tpu.memref_squeeze %dma_start3A_180 : memref<1x128x64xf32, #tpu.memory_space<hbm>> -> memref<128x64xf32, #tpu.memory_space<hbm>>
    %dma_start3A_182 = arith.constant 0 : i32
    %dma_start3A_183 = tpu.memref_slice %arg16[%add3A_178, %dma_start3A_182] : memref<10240x64xf32, #tpu.memory_space<vmem_shared>> -> memref<128x64xf32, #tpu.memory_space<vmem_shared>>
    tpu.enqueue_dma source(%dma_start3A_183 : memref<128x64xf32, #tpu.memory_space<vmem_shared>>) target(%dma_start3A_181 : memref<128x64xf32, #tpu.memory_space<hbm>>) target_semaphore(%arg19 : memref<!tpu.dma_semaphore, #tpu.memory_space<semaphore_mem>>)
    %add3A_184 = arith.constant 256 : i32
    %add3A_185 = arith.addi %mul3A_0, %add3A_184 : i32
    %dma_start3A_186 = arith.constant 0 : i32
    %dma_start3A_187 = tpu.memref_slice %arg6[%arg0, %add3A_185, %dma_start3A_186] : memref<2x10240x64xf32, #tpu.memory_space<hbm>> -> memref<1x128x64xf32, #tpu.memory_space<hbm>>
    %dma_start3A_188 = tpu.memref_squeeze %dma_start3A_187 : memref<1x128x64xf32, #tpu.memory_space<hbm>> -> memref<128x64xf32, #tpu.memory_space<hbm>>
    %dma_start3A_189 = arith.constant 0 : i32
    %dma_start3A_190 = tpu.memref_slice %arg16[%add3A_185, %dma_start3A_189] : memref<10240x64xf32, #tpu.memory_space<vmem_shared>> -> memref<128x64xf32, #tpu.memory_space<vmem_shared>>
    tpu.enqueue_dma source(%dma_start3A_190 : memref<128x64xf32, #tpu.memory_space<vmem_shared>>) target(%dma_start3A_188 : memref<128x64xf32, #tpu.memory_space<hbm>>) target_semaphore(%arg19 : memref<!tpu.dma_semaphore, #tpu.memory_space<semaphore_mem>>)
    %add3A_191 = arith.constant 384 : i32
    %add3A_192 = arith.addi %mul3A_0, %add3A_191 : i32
    %dma_start3A_193 = arith.constant 0 : i32
    %dma_start3A_194 = tpu.memref_slice %arg6[%arg0, %add3A_192, %dma_start3A_193] : memref<2x10240x64xf32, #tpu.memory_space<hbm>> -> memref<1x128x64xf32, #tpu.memory_space<hbm>>
    %dma_start3A_195 = tpu.memref_squeeze %dma_start3A_194 : memref<1x128x64xf32, #tpu.memory_space<hbm>> -> memref<128x64xf32, #tpu.memory_space<hbm>>
    %dma_start3A_196 = arith.constant 0 : i32
    %dma_start3A_197 = tpu.memref_slice %arg16[%add3A_192, %dma_start3A_196] : memref<10240x64xf32, #tpu.memory_space<vmem_shared>> -> memref<128x64xf32, #tpu.memory_space<vmem_shared>>
    tpu.enqueue_dma source(%dma_start3A_197 : memref<128x64xf32, #tpu.memory_space<vmem_shared>>) target(%dma_start3A_195 : memref<128x64xf32, #tpu.memory_space<hbm>>) target_semaphore(%arg19 : memref<!tpu.dma_semaphore, #tpu.memory_space<semaphore_mem>>)
    %add3A_198 = arith.constant 512 : i32
    %add3A_199 = arith.addi %mul3A_0, %add3A_198 : i32
    %dma_start3A_200 = arith.constant 0 : i32
    %dma_start3A_201 = tpu.memref_slice %arg6[%arg0, %add3A_199, %dma_start3A_200] : memref<2x10240x64xf32, #tpu.memory_space<hbm>> -> memref<1x128x64xf32, #tpu.memory_space<hbm>>
    %dma_start3A_202 = tpu.memref_squeeze %dma_start3A_201 : memref<1x128x64xf32, #tpu.memory_space<hbm>> -> memref<128x64xf32, #tpu.memory_space<hbm>>
    %dma_start3A_203 = arith.constant 0 : i32
    %dma_start3A_204 = tpu.memref_slice %arg16[%add3A_199, %dma_start3A_203] : memref<10240x64xf32, #tpu.memory_space<vmem_shared>> -> memref<128x64xf32, #tpu.memory_space<vmem_shared>>
    tpu.enqueue_dma source(%dma_start3A_204 : memref<128x64xf32, #tpu.memory_space<vmem_shared>>) target(%dma_start3A_202 : memref<128x64xf32, #tpu.memory_space<hbm>>) target_semaphore(%arg19 : memref<!tpu.dma_semaphore, #tpu.memory_space<semaphore_mem>>)
    %add3A_205 = arith.constant 0 : i32
    %add3A_206 = arith.addi %mul3A_0, %add3A_205 : i32
    %dma_wait3A_207 = arith.constant 0 : i32
    %dma_wait3A_208 = tpu.memref_slice %arg6[%arg0, %add3A_206, %dma_wait3A_207] : memref<2x10240x64xf32, #tpu.memory_space<hbm>> -> memref<1x128x64xf32, #tpu.memory_space<hbm>>
    %dma_wait3A_209 = tpu.memref_squeeze %dma_wait3A_208 : memref<1x128x64xf32, #tpu.memory_space<hbm>> -> memref<128x64xf32, #tpu.memory_space<hbm>>
    %dma_wait3A_210 = arith.constant 0 : i32
    %dma_wait3A_211 = tpu.memref_slice %arg16[%add3A_206, %dma_wait3A_210] : memref<10240x64xf32, #tpu.memory_space<vmem_shared>> -> memref<128x64xf32, #tpu.memory_space<vmem_shared>>
    tpu.wait_dma2 semaphore(%arg19 : memref<!tpu.dma_semaphore, #tpu.memory_space<semaphore_mem>>) src(%dma_wait3A_211 : memref<128x64xf32, #tpu.memory_space<vmem_shared>>) dst(%dma_wait3A_209 : memref<128x64xf32, #tpu.memory_space<hbm>>)
    %add3A_212 = arith.constant 128 : i32
    %add3A_213 = arith.addi %mul3A_0, %add3A_212 : i32
    %dma_wait3A_214 = arith.constant 0 : i32
    %dma_wait3A_215 = tpu.memref_slice %arg6[%arg0, %add3A_213, %dma_wait3A_214] : memref<2x10240x64xf32, #tpu.memory_space<hbm>> -> memref<1x128x64xf32, #tpu.memory_space<hbm>>
    %dma_wait3A_216 = tpu.memref_squeeze %dma_wait3A_215 : memref<1x128x64xf32, #tpu.memory_space<hbm>> -> memref<128x64xf32, #tpu.memory_space<hbm>>
    %dma_wait3A_217 = arith.constant 0 : i32
    %dma_wait3A_218 = tpu.memref_slice %arg16[%add3A_213, %dma_wait3A_217] : memref<10240x64xf32, #tpu.memory_space<vmem_shared>> -> memref<128x64xf32, #tpu.memory_space<vmem_shared>>
    tpu.wait_dma2 semaphore(%arg19 : memref<!tpu.dma_semaphore, #tpu.memory_space<semaphore_mem>>) src(%dma_wait3A_218 : memref<128x64xf32, #tpu.memory_space<vmem_shared>>) dst(%dma_wait3A_216 : memref<128x64xf32, #tpu.memory_space<hbm>>)
    %add3A_219 = arith.constant 256 : i32
    %add3A_220 = arith.addi %mul3A_0, %add3A_219 : i32
    %dma_wait3A_221 = arith.constant 0 : i32
    %dma_wait3A_222 = tpu.memref_slice %arg6[%arg0, %add3A_220, %dma_wait3A_221] : memref<2x10240x64xf32, #tpu.memory_space<hbm>> -> memref<1x128x64xf32, #tpu.memory_space<hbm>>
    %dma_wait3A_223 = tpu.memref_squeeze %dma_wait3A_222 : memref<1x128x64xf32, #tpu.memory_space<hbm>> -> memref<128x64xf32, #tpu.memory_space<hbm>>
    %dma_wait3A_224 = arith.constant 0 : i32
    %dma_wait3A_225 = tpu.memref_slice %arg16[%add3A_220, %dma_wait3A_224] : memref<10240x64xf32, #tpu.memory_space<vmem_shared>> -> memref<128x64xf32, #tpu.memory_space<vmem_shared>>
    tpu.wait_dma2 semaphore(%arg19 : memref<!tpu.dma_semaphore, #tpu.memory_space<semaphore_mem>>) src(%dma_wait3A_225 : memref<128x64xf32, #tpu.memory_space<vmem_shared>>) dst(%dma_wait3A_223 : memref<128x64xf32, #tpu.memory_space<hbm>>)
    %add3A_226 = arith.constant 384 : i32
    %add3A_227 = arith.addi %mul3A_0, %add3A_226 : i32
    %dma_wait3A_228 = arith.constant 0 : i32
    %dma_wait3A_229 = tpu.memref_slice %arg6[%arg0, %add3A_227, %dma_wait3A_228] : memref<2x10240x64xf32, #tpu.memory_space<hbm>> -> memref<1x128x64xf32, #tpu.memory_space<hbm>>
    %dma_wait3A_230 = tpu.memref_squeeze %dma_wait3A_229 : memref<1x128x64xf32, #tpu.memory_space<hbm>> -> memref<128x64xf32, #tpu.memory_space<hbm>>
    %dma_wait3A_231 = arith.constant 0 : i32
    %dma_wait3A_232 = tpu.memref_slice %arg16[%add3A_227, %dma_wait3A_231] : memref<10240x64xf32, #tpu.memory_space<vmem_shared>> -> memref<128x64xf32, #tpu.memory_space<vmem_shared>>
    tpu.wait_dma2 semaphore(%arg19 : memref<!tpu.dma_semaphore, #tpu.memory_space<semaphore_mem>>) src(%dma_wait3A_232 : memref<128x64xf32, #tpu.memory_space<vmem_shared>>) dst(%dma_wait3A_230 : memref<128x64xf32, #tpu.memory_space<hbm>>)
    %add3A_233 = arith.constant 512 : i32
    %add3A_234 = arith.addi %mul3A_0, %add3A_233 : i32
    %dma_wait3A_235 = arith.constant 0 : i32
    %dma_wait3A_236 = tpu.memref_slice %arg6[%arg0, %add3A_234, %dma_wait3A_235] : memref<2x10240x64xf32, #tpu.memory_space<hbm>> -> memref<1x128x64xf32, #tpu.memory_space<hbm>>
    %dma_wait3A_237 = tpu.memref_squeeze %dma_wait3A_236 : memref<1x128x64xf32, #tpu.memory_space<hbm>> -> memref<128x64xf32, #tpu.memory_space<hbm>>
    %dma_wait3A_238 = arith.constant 0 : i32
    %dma_wait3A_239 = tpu.memref_slice %arg16[%add3A_234, %dma_wait3A_238] : memref<10240x64xf32, #tpu.memory_space<vmem_shared>> -> memref<128x64xf32, #tpu.memory_space<vmem_shared>>
    tpu.wait_dma2 semaphore(%arg19 : memref<!tpu.dma_semaphore, #tpu.memory_space<semaphore_mem>>) src(%dma_wait3A_239 : memref<128x64xf32, #tpu.memory_space<vmem_shared>>) dst(%dma_wait3A_237 : memref<128x64xf32, #tpu.memory_space<hbm>>)
    return
  }
}

module attributes {stable_mosaic.version = 14 : i64} {
  func.func @kfn(%arg0: i32, %arg1: memref<1024x128xf32, #tpu.memory_space<vmem>>, %arg2: memref<128x128xf32, #tpu.memory_space<vmem>>, %arg3: memref<2x1024x64xf32, #tpu.memory_space<vmem>>) attributes {dimension_semantics = [#tpu.dimension_semantics<arbitrary>], iteration_bounds = array<i64: 10>, scalar_prefetch = 0 : i64, scratch_operands = 0 : i64, tpu.core_type = #tpu.core_type<tc>, window_params = [{transform_indices = @transform_0, window_bounds = array<i64: 1024, 128>}, {pipeline_mode = #tpu.pipeline_mode<synchronous>, transform_indices = @transform_1, window_bounds = array<i64: 128, 128>}, {transform_indices = @transform_2, window_bounds = array<i64: 2, 1024, 64>}]} {
    %get3A = arith.constant 0 : index
    %get3A_0 = arith.constant 0 : index
    %get3A_1 = vector.load %arg1[%get3A, %get3A_0] : memref<1024x128xf32, #tpu.memory_space<vmem>>, vector<1024x128xf32>
    %get3A_2 = arith.constant 0 : index
    %get3A_3 = arith.constant 0 : index
    %get3A_4 = vector.load %arg2[%get3A_2, %get3A_3] : memref<128x128xf32, #tpu.memory_space<vmem>>, vector<128x128xf32>
    %dot_general3A = arith.constant dense<0.000000e+00> : vector<1024x128xf32>
    %dot_general3A_5 = tpu.matmul %get3A_1, %get3A_4, %dot_general3A {dimension_numbers = #tpu.dot_dimension_numbers<[1], [0], [0], [1], [0, 0, 1, 1], [], []>, transpose_lhs_hint = false} : vector<1024x128xf32>, vector<128x128xf32>, vector<1024x128xf32> -> vector<1024x128xf32>
    %slice3A = vector.extract_strided_slice %dot_general3A_5 {offsets = [0, 0], sizes = [1024, 64], strides = [1, 1]} : vector<1024x128xf32> to vector<1024x64xf32>
    %swap3A = arith.constant 0 : index
    %swap3A_6 = arith.constant 0 : index
    %swap3A_7 = arith.constant 0 : index
    %swap3A_8 = vector.load %arg3[%swap3A, %swap3A_6, %swap3A_7] : memref<2x1024x64xf32, #tpu.memory_space<vmem>>, vector<1x1024x64xf32>
    %swap3A_9 = vector.shape_cast %swap3A_8 : vector<1x1024x64xf32> to vector<1024x64xf32>
    %swap3A_10 = vector.shape_cast %slice3A : vector<1024x64xf32> to vector<1x1024x64xf32>
    tpu.vector_store %arg3[%swap3A, %swap3A_6, %swap3A_7], %swap3A_10 {strides = array<i32>} : memref<2x1024x64xf32, #tpu.memory_space<vmem>>, vector<1x1024x64xf32>,
    %slice3A_11 = vector.extract_strided_slice %dot_general3A_5 {offsets = [0, 64], sizes = [1024, 64], strides = [1, 1]} : vector<1024x128xf32> to vector<1024x64xf32>
    %swap3A_12 = arith.constant 1 : index
    %swap3A_13 = arith.constant 0 : index
    %swap3A_14 = arith.constant 0 : index
    %swap3A_15 = vector.load %arg3[%swap3A_12, %swap3A_13, %swap3A_14] : memref<2x1024x64xf32, #tpu.memory_space<vmem>>, vector<1x1024x64xf32>
    %swap3A_16 = vector.shape_cast %swap3A_15 : vector<1x1024x64xf32> to vector<1024x64xf32>
    %swap3A_17 = vector.shape_cast %slice3A_11 : vector<1024x64xf32> to vector<1x1024x64xf32>
    tpu.vector_store %arg3[%swap3A_12, %swap3A_13, %swap3A_14], %swap3A_17 {strides = array<i32>} : memref<2x1024x64xf32, #tpu.memory_space<vmem>>, vector<1x1024x64xf32>,
    return
  }
  func.func @transform_0(%arg0: i32) -> (i32, i32) {
    %c0_i32 = arith.constant 0 : i32
    %c0_i32_0 = arith.constant 0 : i32
    return %arg0, %c0_i32 : i32, i32
  }
  func.func @transform_1(%arg0: i32) -> (i32, i32) {
    %c0_i32 = arith.constant 0 : i32
    %c0_i32_0 = arith.constant 0 : i32
    %c0_i32_1 = arith.constant 0 : i32
    return %c0_i32, %c0_i32_0 : i32, i32
  }
  func.func @transform_2(%arg0: i32) -> (i32, i32, i32) {
    %c0_i32 = arith.constant 0 : i32
    %c0_i32_0 = arith.constant 0 : i32
    %c0_i32_1 = arith.constant 0 : i32
    return %c0_i32, %arg0, %c0_i32_0 : i32, i32, i32
  }
}

module attributes {stable_mosaic.version = 14 : i64} {
  func.func @kfn(%arg0: i32, %arg1: memref<2x1000x64xf32, #tpu.memory_space<vmem>>, %arg2: memref<1x128xf32, #tpu.memory_space<vmem>>, %arg3: memref<1x128xf32, #tpu.memory_space<vmem>>, %arg4: memref<1x128xf32, #tpu.memory_space<vmem>>, %arg5: memref<1000x128xf32, #tpu.memory_space<vmem>>, %arg6: memref<1000x128xf32, #tpu.memory_space<vmem>>) attributes {dimension_semantics = [#tpu.dimension_semantics<arbitrary>], iteration_bounds = array<i64: 10>, scalar_prefetch = 0 : i64, scratch_operands = 0 : i64, tpu.core_type = #tpu.core_type<tc>, window_params = [{transform_indices = @transform_0, window_bounds = array<i64: 2, 1000, 64>}, {pipeline_mode = #tpu.pipeline_mode<synchronous>, transform_indices = @transform_1, window_bounds = array<i64: 1, 128>}, {pipeline_mode = #tpu.pipeline_mode<synchronous>, transform_indices = @transform_2, window_bounds = array<i64: 1, 128>}, {pipeline_mode = #tpu.pipeline_mode<synchronous>, transform_indices = @transform_3, window_bounds = array<i64: 1, 128>}, {transform_indices = @transform_4, window_bounds = array<i64: 1000, 128>}, {transform_indices = @transform_5, window_bounds = array<i64: 1000, 128>}]} {
    %get3A = arith.constant 0 : index
    %get3A_0 = arith.constant 0 : index
    %get3A_1 = arith.constant 0 : index
    %get3A_2 = vector.load %arg1[%get3A, %get3A_0, %get3A_1] : memref<2x1000x64xf32, #tpu.memory_space<vmem>>, vector<1x1000x64xf32>
    %get3A_3 = vector.shape_cast %get3A_2 : vector<1x1000x64xf32> to vector<1000x64xf32>
    %get3A_4 = arith.constant 1 : index
    %get3A_5 = arith.constant 0 : index
    %get3A_6 = arith.constant 0 : index
    %get3A_7 = vector.load %arg1[%get3A_4, %get3A_5, %get3A_6] : memref<2x1000x64xf32, #tpu.memory_space<vmem>>, vector<1x1000x64xf32>
    %get3A_8 = vector.shape_cast %get3A_7 : vector<1x1000x64xf32> to vector<1000x64xf32>
    %concatenate3A = tpu.concatenate %get3A_3, %get3A_8 in 1 : vector<1000x64xf32>, vector<1000x64xf32> -> vector<1000x128xf32>
    %get3A_9 = arith.constant 0 : index
    %get3A_10 = arith.constant 0 : index
    %get3A_11 = vector.load %arg2[%get3A_9, %get3A_10] : memref<1x128xf32, #tpu.memory_space<vmem>>, vector<1x128xf32>
    %add3A = vector.broadcast %get3A_11 : vector<1x128xf32> to vector<1000x128xf32>
    %add3A_12 = arith.addf %concatenate3A, %add3A : vector<1000x128xf32>
    %reduce_sum3A = arith.constant dense<0.000000e+00> : vector<1000xf32>
    %reduce_sum3A_13 = vector.multi_reduction <add>, %add3A_12, %reduce_sum3A [1] : vector<1000x128xf32> to vector<1000xf32>
    %broadcast_in_dim3A = vector.shape_cast %reduce_sum3A_13 : vector<1000xf32> to vector<1000x1xf32>
    %div3A = arith.constant 1.280000e+02 : f32
    %div3A_14 = vector.broadcast %div3A : f32 to vector<1000x1xf32>
    %div3A_15 = arith.divf %broadcast_in_dim3A, %div3A_14 : vector<1000x1xf32>
    %sub3A = vector.broadcast %div3A_15 : vector<1000x1xf32> to vector<1000x128xf32>
    %sub3A_16 = arith.subf %add3A_12, %sub3A : vector<1000x128xf32>
    %integer_pow3A = arith.mulf %sub3A_16, %sub3A_16 : vector<1000x128xf32>
    %reduce_sum3A_17 = arith.constant dense<0.000000e+00> : vector<1000xf32>
    %reduce_sum3A_18 = vector.multi_reduction <add>, %integer_pow3A, %reduce_sum3A_17 [1] : vector<1000x128xf32> to vector<1000xf32>
    %broadcast_in_dim3A_19 = vector.shape_cast %reduce_sum3A_18 : vector<1000xf32> to vector<1000x1xf32>
    %div3A_20 = arith.constant 1.280000e+02 : f32
    %div3A_21 = vector.broadcast %div3A_20 : f32 to vector<1000x1xf32>
    %div3A_22 = arith.divf %broadcast_in_dim3A_19, %div3A_21 : vector<1000x1xf32>
    %sub3A_23 = vector.broadcast %div3A_15 : vector<1000x1xf32> to vector<1000x128xf32>
    %sub3A_24 = arith.subf %add3A_12, %sub3A_23 : vector<1000x128xf32>
    %add3A_25 = arith.constant 9.99999974E-6 : f32
    %add3A_26 = vector.broadcast %add3A_25 : f32 to vector<1000x1xf32>
    %add3A_27 = arith.addf %div3A_22, %add3A_26 : vector<1000x1xf32>
    %rsqrt3A = math.rsqrt %add3A_27 : vector<1000x1xf32>
    %mul3A = vector.broadcast %rsqrt3A : vector<1000x1xf32> to vector<1000x128xf32>
    %mul3A_28 = arith.mulf %sub3A_24, %mul3A : vector<1000x128xf32>
    %get3A_29 = arith.constant 0 : index
    %get3A_30 = arith.constant 0 : index
    %get3A_31 = vector.load %arg3[%get3A_29, %get3A_30] : memref<1x128xf32, #tpu.memory_space<vmem>>, vector<1x128xf32>
    %mul3A_32 = vector.broadcast %get3A_31 : vector<1x128xf32> to vector<1000x128xf32>
    %mul3A_33 = arith.mulf %mul3A_28, %mul3A_32 : vector<1000x128xf32>
    %get3A_34 = arith.constant 0 : index
    %get3A_35 = arith.constant 0 : index
    %get3A_36 = vector.load %arg4[%get3A_34, %get3A_35] : memref<1x128xf32, #tpu.memory_space<vmem>>, vector<1x128xf32>
    %add3A_37 = vector.broadcast %get3A_36 : vector<1x128xf32> to vector<1000x128xf32>
    %add3A_38 = arith.addf %mul3A_33, %add3A_37 : vector<1000x128xf32>
    %get3A_39 = arith.constant 0 : index
    %get3A_40 = arith.constant 0 : index
    %get3A_41 = vector.load %arg5[%get3A_39, %get3A_40] : memref<1000x128xf32, #tpu.memory_space<vmem>>, vector<1000x128xf32>
    %add3A_42 = arith.addf %add3A_38, %get3A_41 : vector<1000x128xf32>
    %swap3A = arith.constant 0 : index
    %swap3A_43 = arith.constant 0 : index
    %swap3A_44 = vector.load %arg6[%swap3A, %swap3A_43] : memref<1000x128xf32, #tpu.memory_space<vmem>>, vector<1000x128xf32>
    tpu.vector_store %arg6[%swap3A, %swap3A_43], %add3A_42 {strides = array<i32>} : memref<1000x128xf32, #tpu.memory_space<vmem>>, vector<1000x128xf32>,
    return
  }
  func.func @transform_0(%arg0: i32) -> (i32, i32, i32) {
    %c0_i32 = arith.constant 0 : i32
    %c0_i32_0 = arith.constant 0 : i32
    %c0_i32_1 = arith.constant 0 : i32
    return %c0_i32, %arg0, %c0_i32_0 : i32, i32, i32
  }
  func.func @transform_1(%arg0: i32) -> (i32, i32) {
    %c0_i32 = arith.constant 0 : i32
    %c0_i32_0 = arith.constant 0 : i32
    %c0_i32_1 = arith.constant 0 : i32
    return %c0_i32, %c0_i32_0 : i32, i32
  }
  func.func @transform_2(%arg0: i32) -> (i32, i32) {
    %c0_i32 = arith.constant 0 : i32
    %c0_i32_0 = arith.constant 0 : i32
    %c0_i32_1 = arith.constant 0 : i32
    return %c0_i32, %c0_i32_0 : i32, i32
  }
  func.func @transform_3(%arg0: i32) -> (i32, i32) {
    %c0_i32 = arith.constant 0 : i32
    %c0_i32_0 = arith.constant 0 : i32
    %c0_i32_1 = arith.constant 0 : i32
    return %c0_i32, %c0_i32_0 : i32, i32
  }
  func.func @transform_4(%arg0: i32) -> (i32, i32) {
    %c0_i32 = arith.constant 0 : i32
    %c0_i32_0 = arith.constant 0 : i32
    return %arg0, %c0_i32 : i32, i32
  }
  func.func @transform_5(%arg0: i32) -> (i32, i32) {
    %c0_i32 = arith.constant 0 : i32
    %c0_i32_0 = arith.constant 0 : i32
    return %arg0, %c0_i32 : i32, i32
  }
}

module attributes {stable_mosaic.version = 14 : i64} {
  func.func @kfn(%arg0: i32, %arg1: memref<2x1024x64xf32, #tpu.memory_space<vmem>>, %arg2: memref<1x128xf32, #tpu.memory_space<vmem>>, %arg3: memref<1x128xf32, #tpu.memory_space<vmem>>, %arg4: memref<1x128xf32, #tpu.memory_space<vmem>>, %arg5: memref<128x128xf32, #tpu.memory_space<vmem>>, %arg6: memref<2x1024x64xf32, #tpu.memory_space<vmem>>) attributes {dimension_semantics = [#tpu.dimension_semantics<arbitrary>], iteration_bounds = array<i64: 10>, scalar_prefetch = 0 : i64, scratch_operands = 0 : i64, tpu.core_type = #tpu.core_type<tc>, window_params = [{transform_indices = @transform_0, window_bounds = array<i64: 2, 1024, 64>}, {pipeline_mode = #tpu.pipeline_mode<synchronous>, transform_indices = @transform_1, window_bounds = array<i64: 1, 128>}, {pipeline_mode = #tpu.pipeline_mode<synchronous>, transform_indices = @transform_2, window_bounds = array<i64: 1, 128>}, {pipeline_mode = #tpu.pipeline_mode<synchronous>, transform_indices = @transform_3, window_bounds = array<i64: 1, 128>}, {pipeline_mode = #tpu.pipeline_mode<synchronous>, transform_indices = @transform_4, window_bounds = array<i64: 128, 128>}, {transform_indices = @transform_5, window_bounds = array<i64: 2, 1024, 64>}]} {
    %get3A = arith.constant 0 : index
    %get3A_0 = arith.constant 0 : index
    %get3A_1 = arith.constant 0 : index
    %get3A_2 = vector.load %arg1[%get3A, %get3A_0, %get3A_1] : memref<2x1024x64xf32, #tpu.memory_space<vmem>>, vector<1x1024x64xf32>
    %get3A_3 = vector.shape_cast %get3A_2 : vector<1x1024x64xf32> to vector<1024x64xf32>
    %get3A_4 = arith.constant 1 : index
    %get3A_5 = arith.constant 0 : index
    %get3A_6 = arith.constant 0 : index
    %get3A_7 = vector.load %arg1[%get3A_4, %get3A_5, %get3A_6] : memref<2x1024x64xf32, #tpu.memory_space<vmem>>, vector<1x1024x64xf32>
    %get3A_8 = vector.shape_cast %get3A_7 : vector<1x1024x64xf32> to vector<1024x64xf32>
    %concatenate3A = tpu.concatenate %get3A_3, %get3A_8 in 1 : vector<1024x64xf32>, vector<1024x64xf32> -> vector<1024x128xf32>
    %get3A_9 = arith.constant 0 : index
    %get3A_10 = arith.constant 0 : index
    %get3A_11 = vector.load %arg2[%get3A_9, %get3A_10] : memref<1x128xf32, #tpu.memory_space<vmem>>, vector<1x128xf32>
    %add3A = vector.broadcast %get3A_11 : vector<1x128xf32> to vector<1024x128xf32>
    %add3A_12 = arith.addf %concatenate3A, %add3A : vector<1024x128xf32>
    %reduce_sum3A = arith.constant dense<0.000000e+00> : vector<1024xf32>
    %reduce_sum3A_13 = vector.multi_reduction <add>, %add3A_12, %reduce_sum3A [1] : vector<1024x128xf32> to vector<1024xf32>
    %broadcast_in_dim3A = vector.shape_cast %reduce_sum3A_13 : vector<1024xf32> to vector<1024x1xf32>
    %div3A = arith.constant 1.280000e+02 : f32
    %div3A_14 = vector.broadcast %div3A : f32 to vector<1024x1xf32>
    %div3A_15 = arith.divf %broadcast_in_dim3A, %div3A_14 : vector<1024x1xf32>
    %sub3A = vector.broadcast %div3A_15 : vector<1024x1xf32> to vector<1024x128xf32>
    %sub3A_16 = arith.subf %add3A_12, %sub3A : vector<1024x128xf32>
    %integer_pow3A = arith.mulf %sub3A_16, %sub3A_16 : vector<1024x128xf32>
    %reduce_sum3A_17 = arith.constant dense<0.000000e+00> : vector<1024xf32>
    %reduce_sum3A_18 = vector.multi_reduction <add>, %integer_pow3A, %reduce_sum3A_17 [1] : vector<1024x128xf32> to vector<1024xf32>
    %broadcast_in_dim3A_19 = vector.shape_cast %reduce_sum3A_18 : vector<1024xf32> to vector<1024x1xf32>
    %div3A_20 = arith.constant 1.280000e+02 : f32
    %div3A_21 = vector.broadcast %div3A_20 : f32 to vector<1024x1xf32>
    %div3A_22 = arith.divf %broadcast_in_dim3A_19, %div3A_21 : vector<1024x1xf32>
    %sub3A_23 = vector.broadcast %div3A_15 : vector<1024x1xf32> to vector<1024x128xf32>
    %sub3A_24 = arith.subf %add3A_12, %sub3A_23 : vector<1024x128xf32>
    %add3A_25 = arith.constant 9.99999974E-6 : f32
    %add3A_26 = vector.broadcast %add3A_25 : f32 to vector<1024x1xf32>
    %add3A_27 = arith.addf %div3A_22, %add3A_26 : vector<1024x1xf32>
    %rsqrt3A = math.rsqrt %add3A_27 : vector<1024x1xf32>
    %mul3A = vector.broadcast %rsqrt3A : vector<1024x1xf32> to vector<1024x128xf32>
    %mul3A_28 = arith.mulf %sub3A_24, %mul3A : vector<1024x128xf32>
    %get3A_29 = arith.constant 0 : index
    %get3A_30 = arith.constant 0 : index
    %get3A_31 = vector.load %arg3[%get3A_29, %get3A_30] : memref<1x128xf32, #tpu.memory_space<vmem>>, vector<1x128xf32>
    %mul3A_32 = vector.broadcast %get3A_31 : vector<1x128xf32> to vector<1024x128xf32>
    %mul3A_33 = arith.mulf %mul3A_28, %mul3A_32 : vector<1024x128xf32>
    %get3A_34 = arith.constant 0 : index
    %get3A_35 = arith.constant 0 : index
    %get3A_36 = vector.load %arg4[%get3A_34, %get3A_35] : memref<1x128xf32, #tpu.memory_space<vmem>>, vector<1x128xf32>
    %add3A_37 = vector.broadcast %get3A_36 : vector<1x128xf32> to vector<1024x128xf32>
    %add3A_38 = arith.addf %mul3A_33, %add3A_37 : vector<1024x128xf32>
    %max3A = arith.constant 0.000000e+00 : f32
    %max3A_39 = vector.broadcast %max3A : f32 to vector<1024x128xf32>
    %max3A_40 = arith.maximumf %add3A_38, %max3A_39 : vector<1024x128xf32>
    %get3A_41 = arith.constant 0 : index
    %get3A_42 = arith.constant 0 : index
    %get3A_43 = vector.load %arg5[%get3A_41, %get3A_42] : memref<128x128xf32, #tpu.memory_space<vmem>>, vector<128x128xf32>
    %dot_general3A = arith.constant dense<0.000000e+00> : vector<1024x128xf32>
    %dot_general3A_44 = tpu.matmul %max3A_40, %get3A_43, %dot_general3A {dimension_numbers = #tpu.dot_dimension_numbers<[1], [0], [0], [1], [0, 0, 1, 1], [], []>, transpose_lhs_hint = false} : vector<1024x128xf32>, vector<128x128xf32>, vector<1024x128xf32> -> vector<1024x128xf32>
    %slice3A = vector.extract_strided_slice %dot_general3A_44 {offsets = [0, 0], sizes = [1024, 64], strides = [1, 1]} : vector<1024x128xf32> to vector<1024x64xf32>
    %swap3A = arith.constant 0 : index
    %swap3A_45 = arith.constant 0 : index
    %swap3A_46 = arith.constant 0 : index
    %swap3A_47 = vector.load %arg6[%swap3A, %swap3A_45, %swap3A_46] : memref<2x1024x64xf32, #tpu.memory_space<vmem>>, vector<1x1024x64xf32>
    %swap3A_48 = vector.shape_cast %swap3A_47 : vector<1x1024x64xf32> to vector<1024x64xf32>
    %swap3A_49 = vector.shape_cast %slice3A : vector<1024x64xf32> to vector<1x1024x64xf32>
    tpu.vector_store %arg6[%swap3A, %swap3A_45, %swap3A_46], %swap3A_49 {strides = array<i32>} : memref<2x1024x64xf32, #tpu.memory_space<vmem>>, vector<1x1024x64xf32>,
    %slice3A_50 = vector.extract_strided_slice %dot_general3A_44 {offsets = [0, 64], sizes = [1024, 64], strides = [1, 1]} : vector<1024x128xf32> to vector<1024x64xf32>
    %swap3A_51 = arith.constant 1 : index
    %swap3A_52 = arith.constant 0 : index
    %swap3A_53 = arith.constant 0 : index
    %swap3A_54 = vector.load %arg6[%swap3A_51, %swap3A_52, %swap3A_53] : memref<2x1024x64xf32, #tpu.memory_space<vmem>>, vector<1x1024x64xf32>
    %swap3A_55 = vector.shape_cast %swap3A_54 : vector<1x1024x64xf32> to vector<1024x64xf32>
    %swap3A_56 = vector.shape_cast %slice3A_50 : vector<1024x64xf32> to vector<1x1024x64xf32>
    tpu.vector_store %arg6[%swap3A_51, %swap3A_52, %swap3A_53], %swap3A_56 {strides = array<i32>} : memref<2x1024x64xf32, #tpu.memory_space<vmem>>, vector<1x1024x64xf32>,
    return
  }
  func.func @transform_0(%arg0: i32) -> (i32, i32, i32) {
    %c0_i32 = arith.constant 0 : i32
    %c0_i32_0 = arith.constant 0 : i32
    %c0_i32_1 = arith.constant 0 : i32
    return %c0_i32, %arg0, %c0_i32_0 : i32, i32, i32
  }
  func.func @transform_1(%arg0: i32) -> (i32, i32) {
    %c0_i32 = arith.constant 0 : i32
    %c0_i32_0 = arith.constant 0 : i32
    %c0_i32_1 = arith.constant 0 : i32
    return %c0_i32, %c0_i32_0 : i32, i32
  }
  func.func @transform_2(%arg0: i32) -> (i32, i32) {
    %c0_i32 = arith.constant 0 : i32
    %c0_i32_0 = arith.constant 0 : i32
    %c0_i32_1 = arith.constant 0 : i32
    return %c0_i32, %c0_i32_0 : i32, i32
  }
  func.func @transform_3(%arg0: i32) -> (i32, i32) {
    %c0_i32 = arith.constant 0 : i32
    %c0_i32_0 = arith.constant 0 : i32
    %c0_i32_1 = arith.constant 0 : i32
    return %c0_i32, %c0_i32_0 : i32, i32
  }
  func.func @transform_4(%arg0: i32) -> (i32, i32) {
    %c0_i32 = arith.constant 0 : i32
    %c0_i32_0 = arith.constant 0 : i32
    %c0_i32_1 = arith.constant 0 : i32
    return %c0_i32, %c0_i32_0 : i32, i32
  }
  func.func @transform_5(%arg0: i32) -> (i32, i32, i32) {
    %c0_i32 = arith.constant 0 : i32
    %c0_i32_0 = arith.constant 0 : i32
    %c0_i32_1 = arith.constant 0 : i32
    return %c0_i32, %arg0, %c0_i32_0 : i32, i32, i32
  }
}

</mosaic_0001>

<sc_bundles>
// kernel: kernel.10.cloned.1.call-start
scs
__scs_entry_jumppad:
0x0: {  	(pc) =	sbr.rel $0x88, $3  }
0x1: {  	(tag) =	ssettag $0x0;
	lr =	simm.s32 $0x1  }
0x2: {  	[smem:$0x3F97] =	sst lr;
	_ =	strace $0xD0000000  }
0x3: {  	_ = 	snop  }
0x4: {  	_ = 	snop  }
0x5: {  	_ = 	snop  }
0x6: {  	_ = 	snop  }
0x7: {  	_ = 	snop  }
__scs_overlays_trampoline_lowered:
0x8: {  	[smem:$0x3FA6] =	sst s0  }
0x9: {  	[smem:$0x3FA7] =	sst s1  }
0xa: {  	[smem:$0x3FA8] =	sst s2  }
0xb: {  	[smem:$0x3FA9] =	sst s3  }
0xc: {  	[smem:$0x3FAA] =	sst s4  }
0xd: {  	[smem:$0x3FAB] =	sst s5  }
0xe: {  	[smem:$0x3FAC] =	sst s6  }
0xf: {  	[smem:$0x3FAD] =	sst s7  }
0x10: {  	[smem:$0x3FAE] =	sst s8  }
0x11: {  	[smem:$0x3FAF] =	sst s9;
	s0 =	simm.s32 @!p0 $0x0  }
0x12: {  	s1 =	sld [smem:$0x3F95];
	s0 =	simm.s32 @p0 $0x1  }
0x13: {  	[smem:$0x3FB0] =	sst s0;
	s0 =	simm.s32 @!p1 $0x0  }
0x14: {  	s2 =	sld [smem:$0x3F94];
	s0 =	simm.s32 @p1 $0x1  }
0x15: {  	[smem:$0x3FB1] =	sst s0;
	s0 =	simm.s32 @!p2 $0x0  }
0x16: {  	s3 =	sld [smem:$0x3FDB];
	s0 =	simm.s32 @p2 $0x1  }
0x17: {  	s4 =	simm.s32 $0x1BF5;
	[smem:$0x3FB3] =	sst s0  }
0x18: {  	s0 =	sld [smem:$0x3F96];
	_ =	swait.ge [sflag:s4], $0x0  }
0x19: {  	s7 =	sld [smem:$0x3F97]  }
0x1a: {  	s8 =	sadd.s32 $0xFFFFE003, lr  }
0x1b: {  	s9 =	sadd.s32 $0xFFFFFEF7, lr;
	s5 =	simm.s32 $0xFFFFFFFF;
	p2 =	slt.u32 s8, $0xFFFFF086  }
0x1c: {  	p1 =	slt.u32 s9, $0xF7A;
	s5 =	simm.s32 @!p2 $0x0  }
0x1d: {  	s5 =	simm.s32 @p1 $0x1;
	p0 =	seq.s32 s7, s2  }
0x1e: {  	s7 =	smul.u32 @!p0 $0xF7A, s2;
	p2 =	seq.s32 @!p0 s5, $0x0  }
0x1f: {  	s9 =	smul.u32 $0xF7A, s1;
	s8 =	simm.s32 @!p0 $0x1BF5;
	p2 =	por !p2, p0  }
0x20: {  	[sflag:s8] =	ssyncset.s32 @!p0 $0xFFFFF086;
	s6 =	sadd.s32 @!p0 s3, s7;
	s7 =	simm.s32 @!p0 $0x108  }
0x21: {  	s3 =	sadd.s32 s3, s9;
	s6 =	sadd.s32 @!p0 $0x88, s6;
	s7 =	simm.s32 @p2 $0x1082  }
0x22: {  	[simem:s7], [sflag:s8] =	dma.local @!p0 [hbm:s6], $0xF7A  }
0x23: {  	s9 =	sor.u32 $0xD0000000, s2;
	s6 =	simm.s32 $0x108;
	_ =	swait.ge @!p0 [sflag:s8], $0x0  }
0x24: {  	s3 =	sadd.s32 $0x88, s3;
	s6 =	simm.s32 @!p1 $0x1082;
	[sflag:s4] =	ssyncset.s32 $0xFFFFF086  }
0x25: {  	[simem:s6], [sflag:s4] =	dma.local [hbm:s3], $0xF7A  }
0x26: {  	[smem:$0x3F97] =	sst s1;
	(tag) =	ssettag s2;
	_ =	strace s9  }
0x27: {  	s1 =	sld [smem:$0x3FA7]  }
0x28: {  	s2 =	sld [smem:$0x3FA8]  }
0x29: {  	s4 =	sld [smem:$0x3FAA]  }
0x2a: {  	p0 =	seq.s32 s5, $0x0;
	s5 =	sld [smem:$0x3FAB]  }
0x2b: {  	s6 =	sld [smem:$0x3FAC]  }
0x2c: {  	s7 =	sld [smem:$0x3FAD]  }
0x2d: {  	s3 =	simm.s32 $0x108;
	s8 =	sld [smem:$0x3FAE]  }
0x2e: {  	s3 =	simm.s32 @!p0 $0x1082;
	s9 =	sld [smem:$0x3FAF]  }
0x2f: {  	lr =	sadd.s32 s0, s3;
	s0 =	sld [smem:$0x3FA6]  }
0x30: {  	s3 =	sld [smem:$0x3FA9]  }
0x31: {  	[smem:$0x3FB2] =	sst s10  }
0x32: {  	s10 =	sld [smem:$0x3FB0];
	_ =	sdelay $0x3  }
0x33: {  	p0 =	seq.s32 s10, $0x1;
	s10 =	sld [smem:$0x3FB2];
	_ =	sdelay $0x3  }
0x34: {  	[smem:$0x3FB2] =	sst s10  }
0x35: {  	s10 =	sld [smem:$0x3FB1];
	_ =	sdelay $0x3  }
0x36: {  	p1 =	seq.s32 s10, $0x1;
	s10 =	sld [smem:$0x3FB2];
	_ =	sdelay $0x3  }
0x37: {  	[smem:$0x3FB2] =	sst s10  }
0x38: {  	s10 =	sld [smem:$0x3FB3]  }
0x39: {  	_ = 	snop;
	(pc) =	sbr.ind lr, $3  }
0x3a: {  	_ = 	snop  }
0x3b: {  	_ = 	snop  }
0x3c: {  	p2 =	seq.s32 s10, $0x1;
	s10 =	sld [smem:$0x3FB2]  }
0x3d: {  	_ =	shalt  }
0x3e: {  	_ =	shalt  }
0x3f: {  	_ =	shalt  }
0x40: {  	_ =	shalt  }
0x41: {  	_ =	shalt  }
0x42: {  	_ =	shalt  }
0x43: {  	_ =	shalt  }
0x44: {  	_ =	shalt  }
0x45: {  	_ =	shalt  }
0x46: {  	_ =	shalt  }
0x47: {  	_ =	shalt  }
0x48: {  	_ =	shalt  }
0x49: {  	_ =	shalt  }
0x4a: {  	_ =	shalt  }
0x4b: {  	_ =	shalt  }
0x4c: {  	_ =	shalt  }
0x4d: {  	_ =	shalt  }
0x4e: {  	_ =	shalt  }
0x4f: {  	_ =	shalt  }
0x50: {  	_ =	shalt  }
0x51: {  	_ =	shalt  }
0x52: {  	_ =	shalt  }
0x53: {  	_ =	shalt  }
0x54: {  	_ =	shalt  }
0x55: {  	_ =	shalt  }
0x56: {  	_ =	shalt  }
0x57: {  	_ =	shalt  }
0x58: {  	_ =	shalt  }
0x59: {  	_ =	shalt  }
0x5a: {  	_ =	shalt  }
0x5b: {  	_ =	shalt  }
0x5c: {  	_ =	shalt  }
0x5d: {  	_ =	shalt  }
0x5e: {  	_ =	shalt  }
0x5f: {  	_ =	shalt  }
0x60: {  	_ =	shalt  }
0x61: {  	_ =	shalt  }
0x62: {  	_ =	shalt  }
0x63: {  	_ =	shalt  }
0x64: {  	_ =	shalt  }
0x65: {  	_ =	shalt  }
0x66: {  	_ =	shalt  }
0x67: {  	_ =	shalt  }
0x68: {  	_ =	shalt  }
0x69: {  	_ =	shalt  }
0x6a: {  	_ =	shalt  }
0x6b: {  	_ =	shalt  }
0x6c: {  	_ =	shalt  }
0x6d: {  	_ =	shalt  }
0x6e: {  	_ =	shalt  }
0x6f: {  	_ =	shalt  }
0x70: {  	_ =	shalt  }
0x71: {  	_ =	shalt  }
0x72: {  	_ =	shalt  }
0x73: {  	_ =	shalt  }
0x74: {  	_ =	shalt  }
0x75: {  	_ =	shalt  }
0x76: {  	_ =	shalt  }
0x77: {  	_ =	shalt  }
0x78: {  	_ =	shalt  }
0x79: {  	_ =	shalt  }
0x7a: {  	_ =	shalt  }
0x7b: {  	_ =	shalt  }
0x7c: {  	_ =	shalt  }
0x7d: {  	_ =	shalt  }
0x7e: {  	_ =	shalt  }
0x7f: {  	_ =	shalt  }
0x80: {  	_ =	shalt  }
0x81: {  	_ =	shalt  }
0x82: {  	_ =	shalt  }
0x83: {  	_ =	shalt  }
0x84: {  	_ =	shalt  }
0x85: {  	_ =	shalt  }
0x86: {  	_ =	shalt  }
0x87: {  	_ =	shalt  }
.Lfunc_end0:
.L_simem_size_0:
called_computation.1_lowered:
.L_overlay_start_0:
0x88: {  	s2 =	sld [smem:$0x3FD9]  }
0x89: {  	s3 =	sld [smem:$0x3FFE];
	_ =	sdelay $0x1  }
0x8a: {  	s1 =	srdreg.scid  }
0x8b: {  	s0 =	sand.u32 $0x1, s1  }
0x8c: {  	s17 =	sshll.u32 s0, $0xA;
	s2 =	sadd.s32 s3, s2  }
0x8d: {  	s2 =	sadd.s32 s2, s17  }
0x8e: {  	[smem:$0x3FBE] =	sst s2  }
0x8f: {  	_ = 	snop  }
0x90: {  	s2 =	sld [smem:$0x3FD0];
	(tm) =	ssettm $0x1  }
0x91: {  	s18 =	sld [smem:$0x3FFB];
	_ =	sdelay $0x3  }
0x92: {  	_ =	strace s18  }
0x93: {  	s3 =	sld [smem:$0x3FFC];
	_ =	sdelay $0x3  }
0x94: {  	_ =	strace s3  }
0x95: {  	s3 =	sld [smem:$0x3FFD];
	_ =	sdelay $0x3  }
0x96: {  	_ =	strace s3  }
0x97: {  	_ =	strace $0x8FFFFFFF  }
0x98: {  	s19 =	sld [smem:$0x3FDB];
	_ =	sdelay $0x1  }
0x99: {  	s4 =	simm.s32 $_scs_section_size  }
0x9a: {  	s5 =	simm.s32 $_size__tile_overlayer_lowered;
	s6 =	simm.s32 $_tile_overlayer_lowered  }
0x9b: {  	s22 =	simm.s32 $0x1BFF;
	s21 =	sshll.u32 s6, $0x1;
	s3 =	sadd.s32 s4, s19  }
0x9c: {  	s7 =	simm.s32 $0x0;
	s20 =	sshll.u32 s5, $0x1;
	s5 =	sadd.s32 s21, s3  }
0x9d: {  	[timem:s7], [sflag:s22] =	dma.local [hbm:s5], s20  }
0x9e: {  	_ =	swait.ge [sflag:s22], s20  }
0x9f: {  	s4 =	ssub.s32 $0x0, s20;
	[sflag:s22] =	ssyncset.done $0x0  }
0xa0: {  	[sflag:s22] =	ssyncadd.s32 s4;
	_ =	sdelay $0x1  }
0xa1: {  	s23 =	simm.s32 $0x1B8B  }
0xa2: {  	_ =	swait.ge [sflag:s23], $0x1  }
0xa3: {  	[sflag:s23] =	ssyncset.done $0x0  }
0xa4: {  	s25 =	simm.s32 $0x1B8E;
	s24 =	sld [smem:$0x3FFE];
	[sflag:s23] =	ssyncadd.s32 $0xFFFFFFFF  }
0xa5: {  	s26 =	simm.s32 $execute0_lowered;
	[smem:$0x3FD2] =	sst s25  }
0xa6: {  	s5 =	sshll.u32 s26, $0x1;
	_ =	strace $0x80000049;
	[dreg:$0x1] =	wrdreg $0xFFFFFFFF  }
0xa7: {  	s28 =	simm.s32 $_size_execute0_lowered;
	s3 =	sadd.s32 s3, s5;
	[dreg:$0x0] =	wrdreg $0x0  }
0xa8: {  	s5 =	sshll.u32 s28, $0x1;
	[dreg:$0x2] =	wrdreg s3  }
0xa9: {  	[dreg:$0x3] =	wrdreg s5  }
0xaa: {  	[dreg:$0x4] =	wrdreg $0xC0  }
0xab: {  	_ =	task [dreg:s7], $0x5FFFF  }
0xac: {  	[dreg:$0x1] =	wrdreg $0xFFFFFFFF  }
0xad: {  	[dreg:$0x0] =	wrdreg $0x60  }
0xae: {  	[dreg:$0x2] =	wrdreg s24  }
0xaf: {  	[dreg:$0x3] =	wrdreg s2  }
0xb0: {  	[dreg:$0x4] =	wrdreg $0xA0000  }
0xb1: {  	[dreg:$0x5] =	wrdreg $0x140000  }
0xb2: {  	[dreg:$0x6] =	wrdreg $0x9  }
0xb3: {  	_ =	task.clear_ibuf [dreg:s7], $0x7FFFF;
	_ =	strace $0x90000049  }
0xb4: {  	s29 =	simm.s32 $0x9;
	_ =	strace $0x8000004B  }
0xb5: {  	_ =	swait.ge [sflag:s29], $0x1  }
0xb6: {  	[sflag:s29] =	ssyncadd.s32 $0xFFFFFFFF  }
0xb7: {  	_ =	strace $0x9000004B  }
0xb8: {  	_ =	sfence  }
0xb9: {  	s30 =	sld [smem:$0x0];
	_ =	sdelay $0x2  }
0xba: {  	s31 =	sshll.u32 s1, $0xD;
	s1 =	sshrl.u32 s1, $0x2  }
0xbb: {  	s3 =	sand.u32 $0x4000, s31;
	s1 =	sadd.s32 s1, s30  }
0xbc: {  	s0 =	sor.u32 s3, s0;
	s1 =	sshll.u32 s1, $0x11  }
0xbd: {  	s0 =	sor.u32 s1, s0  }
0xbe: {  	s0 =	sadd.s32 $0x8F2B, s0  }
0xbf: {  	[sflag:s0] =	ssyncadd.remote.s32 $0x1  }
0xc0: {  	_ =	sfence.sel $0xFFFF  }
0xc1: {  	[dreg:$0x0] =	wrdreg $0xFFFFFFFF;
	(pc) =	sbr.abs _section_cstart, $3  }
0xc2: {  	[dreg:$0x1] =	wrdreg $0xFFFFFFFF  }
0xc3: {  	_ =	task.clear_ibuf [dreg:s7], $0x2FFFF;
	_ =	strace $0x9FFFFFFF  }
0xc4: {  	(tm) =	ssettm $0x7FFFFFFF  }
0xc5: {  	_ =	shalt  }
tec
execute0_lowered:
.L_overlay_start_1:
0x0: {  	(tag) =	ssettag $0x1  }
0x1: {  	s1 =	rddreg [dreg:$0x0]  }
0x2: {  	s4 =	rddreg [dreg:$0x1]  }
0x3: {  	s0 =	rddreg [dreg:$0x2]  }
0x4: {  	s2 =	rddreg [dreg:$0x3];
	s3 =	simm.s32 $0x0  }
0x5: {  	s5 =	srdreg.scid;
	s21 =	stileid.u32;
	s29 =	simm.s32 $0x3  }
0x6: {  	s28 =	simm.s32 $0x1E00;
	s30 =	simm.s32 $0x1F80;
	[smem:$0x7FF] =	sst s3  }
0x7: {  	s6 =	sadd.s32 $0xB200, s1;
	s5 =	sand.u32 $0x1, s5;
	s7 =	smul.u32 $0xA000, s21  }
0x8: {  	s8 =	sadd.s32 $0x1200, s1;
	s10 =	sadd.s32 $0x33600, s1;
	s19 =	smul.u32 $0x5000, s21  }
0x9: {  	s1 =	sadd.s32 $0x33200, s1;
	s9 =	ssub.s32 $0x2, s5;
	s5 =	smul.u32 $0xA0000, s5  }
0xa: {  	s11 =	sshrl.u32 s9, $0x1;
	s12 =	sadd.s32 $0x2000, s7;
	s14 =	sadd.s32 $0x4000, s7  }
0xb: {  	s16 =	sadd.s32 $0x6000, s7;
	s17 =	sadd.s32 $0x8000, s7;
	s31 =	sshrl.u32 s19, $0x3  }
0xc: {  	s9 =	ssub.s32 s9, s11;
	s23 =	sadd.s32 s7, s5;
	s13 =	sadd.s32 s5, s12  }
0xd: {  	s25 =	sadd.s32 s5, s14;
	s18 =	sadd.s32 s5, s16;
	s19 =	sadd.s32 s8, s31  }
0xe: {  	s11 =	sshrl.u32 s23, $0x3;
	[dreg:$0xa] =	wrdreg s19;
	s23 =	sadd.s32 s4, s31  }
0xf: {  	s13 =	sshrl.u32 s13, $0x3;
	s15 =	sadd.s32 s6, s11;
	[dreg:$0x10] =	wrdreg s23  }
0x10: {  	s18 =	sshrl.u32 s18, $0x3;
	s24 =	sadd.s32 s6, s13;
	[dreg:$0x5] =	wrdreg s15  }
0x11: {  	s5 =	sadd.s32 s5, s17;
	s26 =	sadd.s32 s6, s18;
	[dreg:$0x6] =	wrdreg s24  }
0x12: {  	s5 =	sshrl.u32 s5, $0x3;
	s11 =	sadd.s32 s10, s11;
	[dreg:$0x8] =	wrdreg s26  }
0x13: {  	s19 =	sadd.s32 s10, s13;
	s22 =	sadd.s32 s10, s18;
	[dreg:$0xb] =	wrdreg s11  }
0x14: {  	s13 =	sadd.s32 s14, s2;
	s15 =	sshrl.u32 s25, $0x3;
	[dreg:$0xc] =	wrdreg s19  }
0x15: {  	s18 =	sadd.s32 s17, s2;
	[dreg:$0xe] =	wrdreg s22;
	s20 =	sadd.s32 s6, s15  }
0x16: {  	s24 =	sor.u32 $0x100, s31;
	s6 =	sadd.s32 s6, s5;
	[dreg:$0x7] =	wrdreg s20  }
0x17: {  	s25 =	smul.u32 $0xA00, s21;
	s5 =	sadd.s32 s10, s5;
	[dreg:$0x9] =	wrdreg s6  }
0x18: {  	s31 =	sadd.s32 s7, s0;
	s26 =	sadd.s32 s8, s24;
	[dreg:$0xf] =	wrdreg s5  }
0x19: {  	s11 =	sadd.s32 s12, s2;
	s20 =	sadd.s32 s10, s15;
	[dreg:$0x11] =	wrdreg s26  }
0x1a: {  	s22 =	smax.u32 s9, $0x1;
	s5 =	sadd.s32 s4, s24;
	[dreg:$0xd] =	wrdreg s20  }
0x1b: {  	s9 =	simm.s32 $0x800;
	[dreg:$0x12] =	wrdreg s5;
	s20 =	sadd.s32 s25, s8  }
0x1c: {  	s8 =	sadd.s32 s7, s2;
	_ =	strace $0x8000004A;
	[dreg:$0x13] =	wrdreg s1  }
0x1d: {  	s19 =	sadd.s32 s25, s4;
	s10 =	sadd.s32 s12, s0;
	[dreg:$0x14] =	wrdreg s8  }
0x1e: {  	s12 =	sadd.s32 s14, s0;
	s14 =	sadd.s32 s16, s0;
	[dreg:$0x15] =	wrdreg s11  }
0x1f: {  	s15 =	sadd.s32 s16, s2;
	s16 =	sadd.s32 s17, s0;
	[dreg:$0x16] =	wrdreg s13  }
0x20: {  	s6 =	simm.s32 $0x1;
	s17 =	simm.s32 $0x6000;
	[dreg:$0x17] =	wrdreg s15  }
0x21: {  	s4 =	simm.s32 $0x0;
	s23 =	sshrl.u32 s10, $0x3;
	[dreg:$0x18] =	wrdreg s18  }
0x22: {  	s24 =	sshrl.u32 s12, $0x3;
	s25 =	sshrl.u32 s14, $0x3;
	[dreg:$0x19] =	wrdreg s22  }
0x23: {  	s26 =	sshrl.u32 s16, $0x3;
	s7 =	simm.s32 $0x2;
	[dreg:$0x1b] =	wrdreg s23  }
0x24: {  	s10 =	simm.s32 $0x1800;
	s12 =	simm.s32 $0x80;
	[dreg:$0x1c] =	wrdreg s24  }
0x25: {  	s14 =	simm.s32 $0x4;
	s5 =	simm.s32 $0xE80;
	[dreg:$0x1d] =	wrdreg s25  }
0x26: {  	s16 =	simm.s32 $0x1D00;
	s1 =	sshrl.u32 s31, $0x3;
	[dreg:$0x1e] =	wrdreg s26  }
.Ltmp0:
0x27: {  	s11 =	sshll.u32 s21, $0x6;
	s13 =	simm.s32 $0x2000;
	(pc) =	sbr.rel .LBB2_1-.Ltmp0, $4  }
0x28: {  	s15 =	simm.s32 $0x4000;
	s22 =	simm.s32 $0x8000;
	s23 =	simm.s32 $0x6  }
0x29: {  	s24 =	simm.s32 $0x7;
	s18 =	simm.s32 $0xF00;
	[dreg:$0x1a] =	wrdreg s1  }
0x2a: {  	s25 =	simm.s32 $0x1D80;
	s31 =	sor.u32 $0x1C01, s11;
	[dreg:$0x1f] =	wrdreg s11  }
0x2b: {  	s26 =	simm.s32 $0xF80;
	s8 =	simm.s32 $0x1F00;
	[smem:$0x7FD] =	sst s31  }
.LBB2_4:
0x2c: {  	_ =	swait.ge [sflag:s14], $0x2000  }
0x2d: {  	[sflag:s14] =	ssyncset.done $0x0  }
0x2e: {  	[sflag:s14] =	ssyncadd.s32 $0xFFFFE000  }
0x2f: {  	[spmem:s2] =	stream.indirect.scatter.add.f32 [tilespmem:s22], [sflag:$0x7], $0x40, s30, s12, $0xb8;
	[tilespmem:$0x1E000] =	vst v63  }
0x30: {  	_ =	swait.ge [sflag:s24], $0x2000  }
0x31: {  	[sflag:s24] =	ssyncset.done $0x0  }
0x32: {  	[sflag:s24] =	ssyncadd.s32 $0xFFFFE000  }
0x33: {  	[bflag:$0x0] =	sbarrier.arrive $0xFFFF  }
0x34: {  	s21 =	sld [smem:$0x7F8]  }
0x35: {  	s11 =	rddreg [dreg:$0x1f]  }
0x36: {  	s4 =	rddreg [dreg:$0xb];
	s1 =	sor.u32 $0x1C03, s11  }
0x37: {  	[hbm:s4], [sflag:s1] =	dma.local [spmem:s21], $0x400  }
0x38: {  	s21 =	sld [smem:$0x7F9];
	_ =	sdelay $0x1  }
0x39: {  	s4 =	rddreg [dreg:$0xc]  }
0x3a: {  	[hbm:s4], [sflag:s1] =	dma.local [spmem:s21], $0x400  }
0x3b: {  	s21 =	sld [smem:$0x7FA];
	_ =	sdelay $0x1  }
0x3c: {  	s4 =	rddreg [dreg:$0xd]  }
0x3d: {  	[hbm:s4], [sflag:s1] =	dma.local [spmem:s21], $0x400  }
0x3e: {  	s21 =	sld [smem:$0x7FB];
	_ =	sdelay $0x1  }
0x3f: {  	s4 =	rddreg [dreg:$0xe]  }
0x40: {  	[hbm:s4], [sflag:s1] =	dma.local [spmem:s21], $0x400  }
0x41: {  	s21 =	sld [smem:$0x7FC];
	_ =	sdelay $0x1  }
0x42: {  	s4 =	rddreg [dreg:$0xf]  }
0x43: {  	[hbm:s4], [sflag:s1] =	dma.local [spmem:s21], $0x400  }
0x44: {  	_ =	swait.ge [sflag:s29], $0x400  }
0x45: {  	[sflag:s29] =	ssyncset.done $0x0  }
0x46: {  	[sflag:s29] =	ssyncadd.s32 $0xFFFFFC00  }
0x47: {  	_ =	swait.ge [sflag:s29], $0x400  }
0x48: {  	[sflag:s29] =	ssyncset.done $0x0  }
0x49: {  	[sflag:s29] =	ssyncadd.s32 $0xFFFFFC00  }
0x4a: {  	_ =	swait.ge [sflag:s29], $0x400  }
0x4b: {  	[sflag:s29] =	ssyncset.done $0x0  }
0x4c: {  	[sflag:s29] =	ssyncadd.s32 $0xFFFFFC00  }
0x4d: {  	_ =	swait.ge [sflag:s29], $0x400  }
0x4e: {  	[sflag:s29] =	ssyncset.done $0x0  }
0x4f: {  	[sflag:s29] =	ssyncadd.s32 $0xFFFFFC00  }
0x50: {  	_ =	swait.ge [sflag:s29], $0x400  }
0x51: {  	s21 =	sld [smem:$0x7F7];
	_ =	sdelay $0x2  }
0x52: {  	s31 =	rddreg [dreg:$0x19];
	s4 =	sadd.s32 $0x1, s21  }
0x53: {  	p0 =	sne.s32 s4, s31  }
.Ltmp1:
0x54: {  	_ = 	snop;
	(pc) =	sbr.rel @!p0 .LBB2_5-.Ltmp1, $3  }
0x55: {  	_ =	sdelay $0x1  }
0x56: {  	[sflag:s29] =	ssyncset.done $0x0  }
0x57: {  	[sflag:s29] =	ssyncadd.s32 $0xFFFFFC00  }
.LBB2_1:
0x58: {  	[smem:$0x7F7] =	sst s4  }
0x59: {  	s31 =	sld [smem:$0x7FD]  }
0x5a: {  	s1 =	rddreg [dreg:$0x5]  }
0x5b: {  	s21 =	rddreg [dreg:$0x1a]  }
0x5c: {  	[spmem:s21], [sflag:s31] =	dma.local [hbm:s1], $0x400  }
0x5d: {  	s4 =	rddreg [dreg:$0x14]  }
0x5e: {  	s1 =	sor.u32 $0x1C02, s11;
	s11 =	rddreg [dreg:$0x13];
	s4 =	sshrl.u32 s4, $0x3  }
0x5f: {  	[smem:$0x7F8] =	sst s4  }
0x60: {  	[spmem:s4], [sflag:s1] =	dma.local [hbm:s11], $0x400  }
0x61: {  	s4 =	rddreg [dreg:$0x6]  }
0x62: {  	s21 =	rddreg [dreg:$0x1b]  }
0x63: {  	[spmem:s21], [sflag:s31] =	dma.local [hbm:s4], $0x400  }
0x64: {  	s4 =	rddreg [dreg:$0x15]  }
0x65: {  	s4 =	sshrl.u32 s4, $0x3  }
0x66: {  	[smem:$0x7F9] =	sst s4  }
0x67: {  	[spmem:s4], [sflag:s1] =	dma.local [hbm:s11], $0x400  }
0x68: {  	s4 =	rddreg [dreg:$0x7]  }
0x69: {  	s21 =	rddreg [dreg:$0x1c]  }
0x6a: {  	[spmem:s21], [sflag:s31] =	dma.local [hbm:s4], $0x400  }
0x6b: {  	s4 =	rddreg [dreg:$0x16]  }
0x6c: {  	s4 =	sshrl.u32 s4, $0x3  }
0x6d: {  	[smem:$0x7FA] =	sst s4  }
0x6e: {  	[spmem:s4], [sflag:s1] =	dma.local [hbm:s11], $0x400  }
0x6f: {  	s4 =	rddreg [dreg:$0x8]  }
0x70: {  	s21 =	rddreg [dreg:$0x1d]  }
0x71: {  	[spmem:s21], [sflag:s31] =	dma.local [hbm:s4], $0x400  }
0x72: {  	s4 =	rddreg [dreg:$0x17]  }
0x73: {  	s4 =	sshrl.u32 s4, $0x3  }
0x74: {  	[smem:$0x7FB] =	sst s4  }
0x75: {  	[spmem:s4], [sflag:s1] =	dma.local [hbm:s11], $0x400  }
0x76: {  	s4 =	rddreg [dreg:$0x9]  }
0x77: {  	s21 =	rddreg [dreg:$0x1e]  }
0x78: {  	[spmem:s21], [sflag:s31] =	dma.local [hbm:s4], $0x400  }
0x79: {  	s4 =	rddreg [dreg:$0x18]  }
0x7a: {  	s4 =	sshrl.u32 s4, $0x3  }
0x7b: {  	[smem:$0x7FC] =	sst s4  }
0x7c: {  	[spmem:s4], [sflag:s1] =	dma.local [hbm:s11], $0x400  }
0x7d: {  	_ =	swait.ge [sflag:s6], $0x400  }
0x7e: {  	[sflag:s6] =	ssyncset.done $0x0  }
0x7f: {  	[sflag:s6] =	ssyncadd.s32 $0xFFFFFC00  }
0x80: {  	_ =	swait.ge [sflag:s7], $0x400  }
0x81: {  	[sflag:s7] =	ssyncset.done $0x0  }
0x82: {  	[sflag:s7] =	ssyncadd.s32 $0xFFFFFC00  }
0x83: {  	_ =	swait.ge [sflag:s6], $0x400  }
0x84: {  	[sflag:s6] =	ssyncset.done $0x0  }
0x85: {  	[sflag:s6] =	ssyncadd.s32 $0xFFFFFC00  }
0x86: {  	_ =	swait.ge [sflag:s7], $0x400  }
0x87: {  	[sflag:s7] =	ssyncset.done $0x0  }
0x88: {  	[sflag:s7] =	ssyncadd.s32 $0xFFFFFC00  }
0x89: {  	_ =	swait.ge [sflag:s6], $0x400  }
0x8a: {  	[sflag:s6] =	ssyncset.done $0x0  }
0x8b: {  	[sflag:s6] =	ssyncadd.s32 $0xFFFFFC00  }
0x8c: {  	_ =	swait.ge [sflag:s7], $0x400  }
0x8d: {  	[sflag:s7] =	ssyncset.done $0x0  }
0x8e: {  	[sflag:s7] =	ssyncadd.s32 $0xFFFFFC00  }
0x8f: {  	_ =	swait.ge [sflag:s6], $0x400  }
0x90: {  	[sflag:s6] =	ssyncset.done $0x0  }
0x91: {  	[sflag:s6] =	ssyncadd.s32 $0xFFFFFC00  }
0x92: {  	_ =	swait.ge [sflag:s7], $0x400  }
0x93: {  	[sflag:s7] =	ssyncset.done $0x0  }
0x94: {  	[sflag:s7] =	ssyncadd.s32 $0xFFFFFC00  }
0x95: {  	_ =	swait.ge [sflag:s6], $0x400  }
0x96: {  	[sflag:s6] =	ssyncset.done $0x0  }
0x97: {  	[sflag:s6] =	ssyncadd.s32 $0xFFFFFC00  }
0x98: {  	_ =	swait.ge [sflag:s7], $0x400  }
0x99: {  	[sflag:s7] =	ssyncset.done $0x0  }
0x9a: {  	s4 =	rddreg [dreg:$0xa];
	[sflag:s7] =	ssyncadd.s32 $0xFFFFFC00  }
0x9b: {  	[tilespmem:s3], [sflag:$0x5] =	stream.linear.gather [hbm4b:s4+s3], $0x800, $0x38;
	[tilespmem:$0x1E000] =	vst v63  }
0x9c: {  	s21 =	simm.s32 $0x1000;
	s11 =	rddreg [dreg:$0x10]  }
0x9d: {  	[tilespmem:s21], [sflag:$0x5] =	stream.linear.gather [hbm4b:s11+s3], $0x800, $0x38;
	[tilespmem:$0x1E000] =	vst v63  }
0x9e: {  	s11 =	rddreg [dreg:$0x11]  }
0x9f: {  	[tilespmem:s9], [sflag:$0x6] =	stream.linear.gather [hbm4b:s11+s3], $0x800, $0x38;
	[tilespmem:$0x1E000] =	vst v63  }
0xa0: {  	s21 =	rddreg [dreg:$0x12]  }
0xa1: {  	[tilespmem:s10], [sflag:$0x6] =	stream.linear.gather [hbm4b:s21+s3], $0x800, $0x38;
	[tilespmem:$0x1E000] =	vst v63  }
0xa2: {  	s4 =	simm.s32 $0x5;
	[bflag:$0x0] =	sbarrier.arrive $0xFFFF  }
0xa3: {  	_ =	swait.ge [sflag:s4], $0x800  }
0xa4: {  	[sflag:s4] =	ssyncset.done $0x0  }
0xa5: {  	[sflag:s4] =	ssyncadd.s32 $0xFFFFF800  }
0xa6: {  	_ =	swait.ge [sflag:s4], $0x800  }
0xa7: {  	[sflag:s4] =	ssyncset.done $0x0  }
0xa8: {  	[sflag:s4] =	ssyncadd.s32 $0xFFFFF800  }
0xa9: {  	[tilespmem:s13], [sflag:$0x1] =	stream.indirect.gather [spmem:s0], $0x40, s3, s12, $0xb8;
	[tilespmem:$0x1E000] =	vst v63  }
0xaa: {  	_ = 	snop  }
0xab: {  	[tilespmem:s15], [sflag:$0x2] =	stream.indirect.gather [spmem:s0], $0x40, s12, s12, $0xb8;
	[tilespmem:$0x1E000] =	vst v63  }
0xac: {  	s11 =	simm.s32 $0x100  }
0xad: {  	[tilespmem:s17], [sflag:$0x3] =	stream.indirect.gather [spmem:s0], $0x40, s11, s12, $0xb8;
	[tilespmem:$0x1E000] =	vst v63  }
0xae: {  	s31 =	simm.s32 $0xFFFFF800;
	s21 =	simm.s32 $0x180  }
0xaf: {  	[tilespmem:s22], [sflag:$0x4] =	stream.indirect.gather [spmem:s0], $0x40, s21, s12, $0xb8;
	[tilespmem:$0x1E000] =	vst v63  }
.LBB2_2:
0xb0: {  	_ =	swait.ge [sflag:s23], $0x800  }
0xb1: {  	[sflag:s23] =	ssyncset.done $0x0  }
0xb2: {  	[sflag:s23] =	ssyncadd.s32 $0xFFFFF800  }
0xb3: {  	_ =	swait.ge [sflag:s23], $0x800  }
0xb4: {  	[sflag:s23] =	ssyncset.done $0x0  }
0xb5: {  	[sflag:s23] =	ssyncadd.s32 $0xFFFFF800  }
0xb6: {  	_ =	swait.ge [sflag:s6], $0x2000  }
0xb7: {  	[sflag:s6] =	ssyncset.done $0x0  }
0xb8: {  	s1 =	simm.s32 $0x1000;
	[sflag:s6] =	ssyncadd.s32 $0xFFFFE000  }
0xb9: {  	[spmem:s2] =	stream.indirect.scatter.add.f32 [tilespmem:s13], [sflag:$0x7], $0x40, s1, s12, $0xb8;
	[tilespmem:$0x1E000] =	vst v63  }
0xba: {  	_ =	swait.ge [sflag:s24], $0x2000  }
0xbb: {  	[sflag:s24] =	ssyncset.done $0x0  }
0xbc: {  	s11 =	simm.s32 $0x200;
	[sflag:s24] =	ssyncadd.s32 $0xFFFFE000  }
0xbd: {  	[tilespmem:s13], [sflag:$0x1] =	stream.indirect.gather [spmem:s0], $0x40, s11, s12, $0xb8;
	[tilespmem:$0x1E000] =	vst v63  }
0xbe: {  	_ =	swait.ge [sflag:s7], $0x2000  }
0xbf: {  	[sflag:s7] =	ssyncset.done $0x0  }
0xc0: {  	s21 =	simm.s32 $0x1080;
	[sflag:s7] =	ssyncadd.s32 $0xFFFFE000  }
0xc1: {  	[spmem:s2] =	stream.indirect.scatter.add.f32 [tilespmem:s15], [sflag:$0x7], $0x40, s21, s12, $0xb8;
	[tilespmem:$0x1E000] =	vst v63  }
0xc2: {  	_ =	swait.ge [sflag:s24], $0x2000  }
0xc3: {  	[sflag:s24] =	ssyncset.done $0x0  }
0xc4: {  	s4 =	simm.s32 $0x280;
	[sflag:s24] =	ssyncadd.s32 $0xFFFFE000  }
0xc5: {  	[tilespmem:s15], [sflag:$0x2] =	stream.indirect.gather [spmem:s0], $0x40, s4, s12, $0xb8;
	[tilespmem:$0x1E000] =	vst v63  }
0xc6: {  	_ =	swait.ge [sflag:s29], $0x2000  }
0xc7: {  	[sflag:s29] =	ssyncset.done $0x0  }
0xc8: {  	s11 =	simm.s32 $0x1100;
	[sflag:s29] =	ssyncadd.s32 $0xFFFFE000  }
0xc9: {  	[spmem:s2] =	stream.indirect.scatter.add.f32 [tilespmem:s17], [sflag:$0x7], $0x40, s11, s12, $0xb8;
	[tilespmem:$0x1E000] =	vst v63  }
0xca: {  	_ =	swait.ge [sflag:s24], $0x2000  }
0xcb: {  	[sflag:s24] =	ssyncset.done $0x0  }
0xcc: {  	s21 =	simm.s32 $0x300;
	[sflag:s24] =	ssyncadd.s32 $0xFFFFE000  }
0xcd: {  	[tilespmem:s17], [sflag:$0x3] =	stream.indirect.gather [spmem:s0], $0x40, s21, s12, $0xb8;
	[tilespmem:$0x1E000] =	vst v63  }
0xce: {  	_ =	swait.ge [sflag:s14], $0x2000  }
0xcf: {  	[sflag:s14] =	ssyncset.done $0x0  }
0xd0: {  	s4 =	simm.s32 $0x1180;
	[sflag:s14] =	ssyncadd.s32 $0xFFFFE000  }
0xd1: {  	[spmem:s2] =	stream.indirect.scatter.add.f32 [tilespmem:s22], [sflag:$0x7], $0x40, s4, s12, $0xb8;
	[tilespmem:$0x1E000] =	vst v63  }
0xd2: {  	_ =	swait.ge [sflag:s24], $0x2000  }
0xd3: {  	[sflag:s24] =	ssyncset.done $0x0  }
0xd4: {  	s11 =	simm.s32 $0x380;
	[sflag:s24] =	ssyncadd.s32 $0xFFFFE000  }
0xd5: {  	[tilespmem:s22], [sflag:$0x4] =	stream.indirect.gather [spmem:s0], $0x40, s11, s12, $0xb8;
	[tilespmem:$0x1E000] =	vst v63  }
0xd6: {  	_ =	swait.ge [sflag:s6], $0x2000  }
0xd7: {  	[sflag:s6] =	ssyncset.done $0x0  }
0xd8: {  	s21 =	simm.s32 $0x1200;
	[sflag:s6] =	ssyncadd.s32 $0xFFFFE000  }
0xd9: {  	[spmem:s2] =	stream.indirect.scatter.add.f32 [tilespmem:s13], [sflag:$0x7], $0x40, s21, s12, $0xb8;
	[tilespmem:$0x1E000] =	vst v63  }
0xda: {  	_ =	swait.ge [sflag:s24], $0x2000  }
0xdb: {  	[sflag:s24] =	ssyncset.done $0x0  }
0xdc: {  	s4 =	simm.s32 $0x400;
	[sflag:s24] =	ssyncadd.s32 $0xFFFFE000  }
0xdd: {  	[tilespmem:s13], [sflag:$0x1] =	stream.indirect.gather [spmem:s0], $0x40, s4, s12, $0xb8;
	[tilespmem:$0x1E000] =	vst v63  }
0xde: {  	_ =	swait.ge [sflag:s7], $0x2000  }
0xdf: {  	[sflag:s7] =	ssyncset.done $0x0  }
0xe0: {  	s11 =	simm.s32 $0x1280;
	[sflag:s7] =	ssyncadd.s32 $0xFFFFE000  }
0xe1: {  	[spmem:s2] =	stream.indirect.scatter.add.f32 [tilespmem:s15], [sflag:$0x7], $0x40, s11, s12, $0xb8;
	[tilespmem:$0x1E000] =	vst v63  }
0xe2: {  	_ =	swait.ge [sflag:s24], $0x2000  }
0xe3: {  	[sflag:s24] =	ssyncset.done $0x0  }
0xe4: {  	s21 =	simm.s32 $0x480;
	[sflag:s24] =	ssyncadd.s32 $0xFFFFE000  }
0xe5: {  	[tilespmem:s15], [sflag:$0x2] =	stream.indirect.gather [spmem:s0], $0x40, s21, s12, $0xb8;
	[tilespmem:$0x1E000] =	vst v63  }
0xe6: {  	_ =	swait.ge [sflag:s29], $0x2000  }
0xe7: {  	[sflag:s29] =	ssyncset.done $0x0  }
0xe8: {  	s4 =	simm.s32 $0x1300;
	[sflag:s29] =	ssyncadd.s32 $0xFFFFE000  }
0xe9: {  	[spmem:s2] =	stream.indirect.scatter.add.f32 [tilespmem:s17], [sflag:$0x7], $0x40, s4, s12, $0xb8;
	[tilespmem:$0x1E000] =	vst v63  }
0xea: {  	_ =	swait.ge [sflag:s24], $0x2000  }
0xeb: {  	[sflag:s24] =	ssyncset.done $0x0  }
0xec: {  	s11 =	simm.s32 $0x500;
	[sflag:s24] =	ssyncadd.s32 $0xFFFFE000  }
0xed: {  	[tilespmem:s17], [sflag:$0x3] =	stream.indirect.gather [spmem:s0], $0x40, s11, s12, $0xb8;
	[tilespmem:$0x1E000] =	vst v63  }
0xee: {  	_ =	swait.ge [sflag:s14], $0x2000  }
0xef: {  	[sflag:s14] =	ssyncset.done $0x0  }
0xf0: {  	s21 =	simm.s32 $0x1380;
	[sflag:s14] =	ssyncadd.s32 $0xFFFFE000  }
0xf1: {  	[spmem:s2] =	stream.indirect.scatter.add.f32 [tilespmem:s22], [sflag:$0x7], $0x40, s21, s12, $0xb8;
	[tilespmem:$0x1E000] =	vst v63  }
0xf2: {  	_ =	swait.ge [sflag:s24], $0x2000  }
0xf3: {  	[sflag:s24] =	ssyncset.done $0x0  }
0xf4: {  	s4 =	simm.s32 $0x580;
	[sflag:s24] =	ssyncadd.s32 $0xFFFFE000  }
0xf5: {  	[tilespmem:s22], [sflag:$0x4] =	stream.indirect.gather [spmem:s0], $0x40, s4, s12, $0xb8;
	[tilespmem:$0x1E000] =	vst v63  }
0xf6: {  	_ =	swait.ge [sflag:s6], $0x2000  }
0xf7: {  	[sflag:s6] =	ssyncset.done $0x0  }
0xf8: {  	s11 =	simm.s32 $0x1400;
	[sflag:s6] =	ssyncadd.s32 $0xFFFFE000  }
0xf9: {  	[spmem:s2] =	stream.indirect.scatter.add.f32 [tilespmem:s13], [sflag:$0x7], $0x40, s11, s12, $0xb8;
	[tilespmem:$0x1E000] =	vst v63  }
0xfa: {  	_ =	swait.ge [sflag:s24], $0x2000  }
0xfb: {  	[sflag:s24] =	ssyncset.done $0x0  }
0xfc: {  	s21 =	simm.s32 $0x600;
	[sflag:s24] =	ssyncadd.s32 $0xFFFFE000  }
0xfd: {  	[tilespmem:s13], [sflag:$0x1] =	stream.indirect.gather [spmem:s0], $0x40, s21, s12, $0xb8;
	[tilespmem:$0x1E000] =	vst v63  }
0xfe: {  	_ =	swait.ge [sflag:s7], $0x2000  }
0xff: {  	[sflag:s7] =	ssyncset.done $0x0  }
0x100: {  	s4 =	simm.s32 $0x1480;
	[sflag:s7] =	ssyncadd.s32 $0xFFFFE000  }
0x101: {  	[spmem:s2] =	stream.indirect.scatter.add.f32 [tilespmem:s15], [sflag:$0x7], $0x40, s4, s12, $0xb8;
	[tilespmem:$0x1E000] =	vst v63  }
0x102: {  	_ =	swait.ge [sflag:s24], $0x2000  }
0x103: {  	[sflag:s24] =	ssyncset.done $0x0  }
0x104: {  	s11 =	simm.s32 $0x680;
	[sflag:s24] =	ssyncadd.s32 $0xFFFFE000  }
0x105: {  	[tilespmem:s15], [sflag:$0x2] =	stream.indirect.gather [spmem:s0], $0x40, s11, s12, $0xb8;
	[tilespmem:$0x1E000] =	vst v63  }
0x106: {  	_ =	swait.ge [sflag:s29], $0x2000  }
0x107: {  	[sflag:s29] =	ssyncset.done $0x0  }
0x108: {  	s21 =	simm.s32 $0x1500;
	[sflag:s29] =	ssyncadd.s32 $0xFFFFE000  }
0x109: {  	[spmem:s2] =	stream.indirect.scatter.add.f32 [tilespmem:s17], [sflag:$0x7], $0x40, s21, s12, $0xb8;
	[tilespmem:$0x1E000] =	vst v63  }
0x10a: {  	_ =	swait.ge [sflag:s24], $0x2000  }
0x10b: {  	[sflag:s24] =	ssyncset.done $0x0  }
0x10c: {  	s4 =	simm.s32 $0x700;
	[sflag:s24] =	ssyncadd.s32 $0xFFFFE000  }
0x10d: {  	[tilespmem:s17], [sflag:$0x3] =	stream.indirect.gather [spmem:s0], $0x40, s4, s12, $0xb8;
	[tilespmem:$0x1E000] =	vst v63  }
0x10e: {  	_ =	swait.ge [sflag:s14], $0x2000  }
0x10f: {  	[sflag:s14] =	ssyncset.done $0x0  }
0x110: {  	s11 =	simm.s32 $0x1580;
	[sflag:s14] =	ssyncadd.s32 $0xFFFFE000  }
0x111: {  	[spmem:s2] =	stream.indirect.scatter.add.f32 [tilespmem:s22], [sflag:$0x7], $0x40, s11, s12, $0xb8;
	[tilespmem:$0x1E000] =	vst v63  }
0x112: {  	_ =	swait.ge [sflag:s24], $0x2000  }
0x113: {  	[sflag:s24] =	ssyncset.done $0x0  }
0x114: {  	s21 =	simm.s32 $0x780;
	[sflag:s24] =	ssyncadd.s32 $0xFFFFE000  }
0x115: {  	[tilespmem:s22], [sflag:$0x4] =	stream.indirect.gather [spmem:s0], $0x40, s21, s12, $0xb8;
	[tilespmem:$0x1E000] =	vst v63  }
0x116: {  	_ =	swait.ge [sflag:s6], $0x2000  }
0x117: {  	[sflag:s6] =	ssyncset.done $0x0  }
0x118: {  	s4 =	simm.s32 $0x1600;
	[sflag:s6] =	ssyncadd.s32 $0xFFFFE000  }
0x119: {  	[spmem:s2] =	stream.indirect.scatter.add.f32 [tilespmem:s13], [sflag:$0x7], $0x40, s4, s12, $0xb8;
	[tilespmem:$0x1E000] =	vst v63  }
0x11a: {  	_ =	swait.ge [sflag:s24], $0x2000  }
0x11b: {  	[sflag:s24] =	ssyncset.done $0x0  }
0x11c: {  	[sflag:s24] =	ssyncadd.s32 $0xFFFFE000  }
0x11d: {  	[tilespmem:s13], [sflag:$0x1] =	stream.indirect.gather [spmem:s0], $0x40, s9, s12, $0xb8;
	[tilespmem:$0x1E000] =	vst v63  }
0x11e: {  	_ =	swait.ge [sflag:s7], $0x2000  }
0x11f: {  	[sflag:s7] =	ssyncset.done $0x0  }
0x120: {  	s11 =	simm.s32 $0x1680;
	[sflag:s7] =	ssyncadd.s32 $0xFFFFE000  }
0x121: {  	[spmem:s2] =	stream.indirect.scatter.add.f32 [tilespmem:s15], [sflag:$0x7], $0x40, s11, s12, $0xb8;
	[tilespmem:$0x1E000] =	vst v63  }
0x122: {  	_ =	swait.ge [sflag:s24], $0x2000  }
0x123: {  	[sflag:s24] =	ssyncset.done $0x0  }
0x124: {  	s21 =	simm.s32 $0x880;
	[sflag:s24] =	ssyncadd.s32 $0xFFFFE000  }
0x125: {  	[tilespmem:s15], [sflag:$0x2] =	stream.indirect.gather [spmem:s0], $0x40, s21, s12, $0xb8;
	[tilespmem:$0x1E000] =	vst v63  }
0x126: {  	_ =	swait.ge [sflag:s29], $0x2000  }
0x127: {  	[sflag:s29] =	ssyncset.done $0x0  }
0x128: {  	s4 =	simm.s32 $0x1700;
	[sflag:s29] =	ssyncadd.s32 $0xFFFFE000  }
0x129: {  	[spmem:s2] =	stream.indirect.scatter.add.f32 [tilespmem:s17], [sflag:$0x7], $0x40, s4, s12, $0xb8;
	[tilespmem:$0x1E000] =	vst v63  }
0x12a: {  	_ =	swait.ge [sflag:s24], $0x2000  }
0x12b: {  	[sflag:s24] =	ssyncset.done $0x0  }
0x12c: {  	s11 =	simm.s32 $0x900;
	[sflag:s24] =	ssyncadd.s32 $0xFFFFE000  }
0x12d: {  	[tilespmem:s17], [sflag:$0x3] =	stream.indirect.gather [spmem:s0], $0x40, s11, s12, $0xb8;
	[tilespmem:$0x1E000] =	vst v63  }
0x12e: {  	_ =	swait.ge [sflag:s14], $0x2000  }
0x12f: {  	[sflag:s14] =	ssyncset.done $0x0  }
0x130: {  	s21 =	simm.s32 $0x1780;
	[sflag:s14] =	ssyncadd.s32 $0xFFFFE000  }
0x131: {  	[spmem:s2] =	stream.indirect.scatter.add.f32 [tilespmem:s22], [sflag:$0x7], $0x40, s21, s12, $0xb8;
	[tilespmem:$0x1E000] =	vst v63  }
0x132: {  	_ =	swait.ge [sflag:s24], $0x2000  }
0x133: {  	p0 =	seq.s32 s31, $0x0;
	[sflag:s24] =	ssyncset.done $0x0  }
0x134: {  	s1 =	sadd.s32 @!p0 s31, s20;
	s4 =	simm.s32 $0x980;
	[sflag:s24] =	ssyncadd.s32 $0xFFFFE000  }
0x135: {  	[tilespmem:s22], [sflag:$0x4] =	stream.indirect.gather [spmem:s0], $0x40, s4, s12, $0xb8;
	[tilespmem:$0x1E000] =	vst v63  }
0x136: {  	s4 =	sadd.s32 @!p0 $0xA00, s1;
	s1 =	simm.s32 @!p0 $0x0  }
0x137: {  	[tilespmem:s1], [sflag:$0x5] =	stream.linear.gather @!p0 [hbm4b:s4+s1], $0x800, $0x38;
	[tilespmem:$0x1E000] =	vst v63  }
0x138: {  	s4 =	sadd.s32 @!p0 s31, s19  }
0x139: {  	s11 =	simm.s32 @!p0 $0x1000;
	s4 =	sadd.s32 @!p0 $0xA00, s4  }
0x13a: {  	[tilespmem:s11], [sflag:$0x5] =	stream.linear.gather @!p0 [hbm4b:s4+s1], $0x800, $0x38;
	[tilespmem:$0x1E000] =	vst v63  }
0x13b: {  	s4 =	simm.s32 @!p0 $0x5  }
0x13c: {  	_ =	swait.ge @!p0 [sflag:s4], $0x800  }
0x13d: {  	[sflag:s4] =	ssyncset.done @!p0 $0x0  }
0x13e: {  	[sflag:s4] =	ssyncadd.s32 @!p0 $0xFFFFF800  }
0x13f: {  	_ =	swait.ge @!p0 [sflag:s4], $0x800  }
0x140: {  	[sflag:s4] =	ssyncset.done @!p0 $0x0  }
0x141: {  	[sflag:s4] =	ssyncadd.s32 @!p0 $0xFFFFF800  }
0x142: {  	_ =	swait.ge [sflag:s6], $0x2000  }
0x143: {  	[sflag:s6] =	ssyncset.done $0x0  }
0x144: {  	[sflag:s6] =	ssyncadd.s32 $0xFFFFE000  }
0x145: {  	[spmem:s2] =	stream.indirect.scatter.add.f32 [tilespmem:s13], [sflag:$0x7], $0x40, s10, s12, $0xb8;
	[tilespmem:$0x1E000] =	vst v63  }
0x146: {  	_ =	swait.ge [sflag:s24], $0x2000  }
0x147: {  	[sflag:s24] =	ssyncset.done $0x0  }
0x148: {  	s11 =	simm.s32 $0xA00;
	[sflag:s24] =	ssyncadd.s32 $0xFFFFE000  }
0x149: {  	[tilespmem:s13], [sflag:$0x1] =	stream.indirect.gather [spmem:s0], $0x40, s11, s12, $0xb8;
	[tilespmem:$0x1E000] =	vst v63  }
0x14a: {  	_ =	swait.ge [sflag:s7], $0x2000  }
0x14b: {  	[sflag:s7] =	ssyncset.done $0x0  }
0x14c: {  	s21 =	simm.s32 $0x1880;
	[sflag:s7] =	ssyncadd.s32 $0xFFFFE000  }
0x14d: {  	[spmem:s2] =	stream.indirect.scatter.add.f32 [tilespmem:s15], [sflag:$0x7], $0x40, s21, s12, $0xb8;
	[tilespmem:$0x1E000] =	vst v63  }
0x14e: {  	_ =	swait.ge [sflag:s24], $0x2000  }
0x14f: {  	[sflag:s24] =	ssyncset.done $0x0  }
0x150: {  	s11 =	simm.s32 $0xA80;
	[sflag:s24] =	ssyncadd.s32 $0xFFFFE000  }
0x151: {  	[tilespmem:s15], [sflag:$0x2] =	stream.indirect.gather [spmem:s0], $0x40, s11, s12, $0xb8;
	[tilespmem:$0x1E000] =	vst v63  }
0x152: {  	_ =	swait.ge [sflag:s29], $0x2000  }
0x153: {  	[sflag:s29] =	ssyncset.done $0x0  }
0x154: {  	s21 =	simm.s32 $0x1900;
	[sflag:s29] =	ssyncadd.s32 $0xFFFFE000  }
0x155: {  	[spmem:s2] =	stream.indirect.scatter.add.f32 [tilespmem:s17], [sflag:$0x7], $0x40, s21, s12, $0xb8;
	[tilespmem:$0x1E000] =	vst v63  }
0x156: {  	_ =	swait.ge [sflag:s24], $0x2000  }
0x157: {  	[sflag:s24] =	ssyncset.done $0x0  }
0x158: {  	s11 =	simm.s32 $0xB00;
	[sflag:s24] =	ssyncadd.s32 $0xFFFFE000  }
0x159: {  	[tilespmem:s17], [sflag:$0x3] =	stream.indirect.gather [spmem:s0], $0x40, s11, s12, $0xb8;
	[tilespmem:$0x1E000] =	vst v63  }
0x15a: {  	_ =	swait.ge [sflag:s14], $0x2000  }
0x15b: {  	[sflag:s14] =	ssyncset.done $0x0  }
0x15c: {  	s21 =	simm.s32 $0x1980;
	[sflag:s14] =	ssyncadd.s32 $0xFFFFE000  }
0x15d: {  	[spmem:s2] =	stream.indirect.scatter.add.f32 [tilespmem:s22], [sflag:$0x7], $0x40, s21, s12, $0xb8;
	[tilespmem:$0x1E000] =	vst v63  }
0x15e: {  	_ =	swait.ge [sflag:s24], $0x2000  }
0x15f: {  	[sflag:s24] =	ssyncset.done $0x0  }
0x160: {  	s11 =	simm.s32 $0xB80;
	[sflag:s24] =	ssyncadd.s32 $0xFFFFE000  }
0x161: {  	[tilespmem:s22], [sflag:$0x4] =	stream.indirect.gather [spmem:s0], $0x40, s11, s12, $0xb8;
	[tilespmem:$0x1E000] =	vst v63  }
0x162: {  	_ =	swait.ge [sflag:s6], $0x2000  }
0x163: {  	[sflag:s6] =	ssyncset.done $0x0  }
0x164: {  	s21 =	simm.s32 $0x1A00;
	[sflag:s6] =	ssyncadd.s32 $0xFFFFE000  }
0x165: {  	[spmem:s2] =	stream.indirect.scatter.add.f32 [tilespmem:s13], [sflag:$0x7], $0x40, s21, s12, $0xb8;
	[tilespmem:$0x1E000] =	vst v63  }
0x166: {  	_ =	swait.ge [sflag:s24], $0x2000  }
0x167: {  	[sflag:s24] =	ssyncset.done $0x0  }
0x168: {  	s11 =	simm.s32 $0xC00;
	[sflag:s24] =	ssyncadd.s32 $0xFFFFE000  }
0x169: {  	[tilespmem:s13], [sflag:$0x1] =	stream.indirect.gather [spmem:s0], $0x40, s11, s12, $0xb8;
	[tilespmem:$0x1E000] =	vst v63  }
0x16a: {  	_ =	swait.ge [sflag:s7], $0x2000  }
0x16b: {  	[sflag:s7] =	ssyncset.done $0x0  }
0x16c: {  	s21 =	simm.s32 $0x1A80;
	[sflag:s7] =	ssyncadd.s32 $0xFFFFE000  }
0x16d: {  	[spmem:s2] =	stream.indirect.scatter.add.f32 [tilespmem:s15], [sflag:$0x7], $0x40, s21, s12, $0xb8;
	[tilespmem:$0x1E000] =	vst v63  }
0x16e: {  	_ =	swait.ge [sflag:s24], $0x2000  }
0x16f: {  	[sflag:s24] =	ssyncset.done $0x0  }
0x170: {  	s11 =	simm.s32 $0xC80;
	[sflag:s24] =	ssyncadd.s32 $0xFFFFE000  }
0x171: {  	[tilespmem:s15], [sflag:$0x2] =	stream.indirect.gather [spmem:s0], $0x40, s11, s12, $0xb8;
	[tilespmem:$0x1E000] =	vst v63  }
0x172: {  	_ =	swait.ge [sflag:s29], $0x2000  }
0x173: {  	[sflag:s29] =	ssyncset.done $0x0  }
0x174: {  	s21 =	simm.s32 $0x1B00;
	[sflag:s29] =	ssyncadd.s32 $0xFFFFE000  }
0x175: {  	[spmem:s2] =	stream.indirect.scatter.add.f32 [tilespmem:s17], [sflag:$0x7], $0x40, s21, s12, $0xb8;
	[tilespmem:$0x1E000] =	vst v63  }
0x176: {  	_ =	swait.ge [sflag:s24], $0x2000  }
0x177: {  	[sflag:s24] =	ssyncset.done $0x0  }
0x178: {  	s11 =	simm.s32 $0xD00;
	[sflag:s24] =	ssyncadd.s32 $0xFFFFE000  }
0x179: {  	[tilespmem:s17], [sflag:$0x3] =	stream.indirect.gather [spmem:s0], $0x40, s11, s12, $0xb8;
	[tilespmem:$0x1E000] =	vst v63  }
0x17a: {  	_ =	swait.ge [sflag:s14], $0x2000  }
0x17b: {  	[sflag:s14] =	ssyncset.done $0x0  }
0x17c: {  	s21 =	simm.s32 $0x1B80;
	[sflag:s14] =	ssyncadd.s32 $0xFFFFE000  }
0x17d: {  	[spmem:s2] =	stream.indirect.scatter.add.f32 [tilespmem:s22], [sflag:$0x7], $0x40, s21, s12, $0xb8;
	[tilespmem:$0x1E000] =	vst v63  }
0x17e: {  	_ =	swait.ge [sflag:s24], $0x2000  }
0x17f: {  	[sflag:s24] =	ssyncset.done $0x0  }
0x180: {  	s11 =	simm.s32 $0xD80;
	[sflag:s24] =	ssyncadd.s32 $0xFFFFE000  }
0x181: {  	[tilespmem:s22], [sflag:$0x4] =	stream.indirect.gather [spmem:s0], $0x40, s11, s12, $0xb8;
	[tilespmem:$0x1E000] =	vst v63  }
0x182: {  	_ =	swait.ge [sflag:s6], $0x2000  }
0x183: {  	[sflag:s6] =	ssyncset.done $0x0  }
0x184: {  	s21 =	simm.s32 $0x1C00;
	[sflag:s6] =	ssyncadd.s32 $0xFFFFE000  }
0x185: {  	[spmem:s2] =	stream.indirect.scatter.add.f32 [tilespmem:s13], [sflag:$0x7], $0x40, s21, s12, $0xb8;
	[tilespmem:$0x1E000] =	vst v63  }
0x186: {  	_ =	swait.ge [sflag:s24], $0x2000  }
0x187: {  	[sflag:s24] =	ssyncset.done $0x0  }
0x188: {  	s11 =	simm.s32 $0xE00;
	[sflag:s24] =	ssyncadd.s32 $0xFFFFE000  }
0x189: {  	[tilespmem:s13], [sflag:$0x1] =	stream.indirect.gather [spmem:s0], $0x40, s11, s12, $0xb8;
	[tilespmem:$0x1E000] =	vst v63  }
0x18a: {  	_ =	swait.ge [sflag:s7], $0x2000  }
0x18b: {  	[sflag:s7] =	ssyncset.done $0x0  }
0x18c: {  	s21 =	simm.s32 $0x1C80;
	[sflag:s7] =	ssyncadd.s32 $0xFFFFE000  }
0x18d: {  	[spmem:s2] =	stream.indirect.scatter.add.f32 [tilespmem:s15], [sflag:$0x7], $0x40, s21, s12, $0xb8;
	[tilespmem:$0x1E000] =	vst v63  }
0x18e: {  	_ =	swait.ge [sflag:s24], $0x2000  }
0x18f: {  	[sflag:s24] =	ssyncset.done $0x0  }
0x190: {  	[sflag:s24] =	ssyncadd.s32 $0xFFFFE000  }
0x191: {  	[tilespmem:s15], [sflag:$0x2] =	stream.indirect.gather [spmem:s0], $0x40, s5, s12, $0xb8;
	[tilespmem:$0x1E000] =	vst v63  }
0x192: {  	_ =	swait.ge [sflag:s29], $0x2000  }
0x193: {  	[sflag:s29] =	ssyncset.done $0x0  }
0x194: {  	[sflag:s29] =	ssyncadd.s32 $0xFFFFE000  }
0x195: {  	[spmem:s2] =	stream.indirect.scatter.add.f32 [tilespmem:s17], [sflag:$0x7], $0x40, s16, s12, $0xb8;
	[tilespmem:$0x1E000] =	vst v63  }
0x196: {  	_ =	swait.ge [sflag:s24], $0x2000  }
0x197: {  	[sflag:s24] =	ssyncset.done $0x0  }
0x198: {  	[sflag:s24] =	ssyncadd.s32 $0xFFFFE000  }
0x199: {  	[tilespmem:s17], [sflag:$0x3] =	stream.indirect.gather [spmem:s0], $0x40, s18, s12, $0xb8;
	[tilespmem:$0x1E000] =	vst v63  }
0x19a: {  	_ =	swait.ge [sflag:s14], $0x2000  }
0x19b: {  	[sflag:s14] =	ssyncset.done $0x0  }
0x19c: {  	[sflag:s14] =	ssyncadd.s32 $0xFFFFE000  }
0x19d: {  	[spmem:s2] =	stream.indirect.scatter.add.f32 [tilespmem:s22], [sflag:$0x7], $0x40, s25, s12, $0xb8;
	[tilespmem:$0x1E000] =	vst v63  }
0x19e: {  	_ =	swait.ge [sflag:s24], $0x2000  }
0x19f: {  	[sflag:s24] =	ssyncset.done $0x0  }
0x1a0: {  	[sflag:s24] =	ssyncadd.s32 $0xFFFFE000  }
0x1a1: {  	[tilespmem:s22], [sflag:$0x4] =	stream.indirect.gather [spmem:s0], $0x40, s26, s12, $0xb8;
	[tilespmem:$0x1E000] =	vst v63  }
0x1a2: {  	_ =	swait.ge [sflag:s6], $0x2000  }
0x1a3: {  	[sflag:s6] =	ssyncset.done $0x0  }
0x1a4: {  	[sflag:s6] =	ssyncadd.s32 $0xFFFFE000  }
0x1a5: {  	[spmem:s2] =	stream.indirect.scatter.add.f32 [tilespmem:s13], [sflag:$0x7], $0x40, s28, s12, $0xb8;
	[tilespmem:$0x1E000] =	vst v63  }
0x1a6: {  	_ =	swait.ge [sflag:s24], $0x2000  }
0x1a7: {  	[sflag:s24] =	ssyncset.done $0x0  }
0x1a8: {  	s4 =	simm.s32 @p0 $0x2;
	[sflag:s24] =	ssyncadd.s32 $0xFFFFE000  }
0x1a9: {  	_ =	swait.ge @p0 [sflag:s4], $0x2000  }
0x1aa: {  	s11 =	simm.s32 @p0 $0x1E80;
	[sflag:s4] =	ssyncset.done @p0 $0x0  }
0x1ab: {  	s21 =	simm.s32 @p0 $0x4000;
	[sflag:s4] =	ssyncadd.s32 @p0 $0xFFFFE000;
	s4 =	simm.s32 @p0 $0x80  }
0x1ac: {  	[spmem:s2] =	stream.indirect.scatter.add.f32 @p0 [tilespmem:s21], [sflag:$0x7], $0x40, s11, s4, $0xb8;
	[tilespmem:$0x1E000] =	vst v63  }
0x1ad: {  	s4 =	simm.s32 @p0 $0x7  }
0x1ae: {  	_ =	swait.ge @p0 [sflag:s4], $0x2000  }
0x1af: {  	[sflag:s4] =	ssyncset.done @p0 $0x0  }
0x1b0: {  	s11 =	simm.s32 @!p0 $0x2000;
	[sflag:s4] =	ssyncadd.s32 @p0 $0xFFFFE000;
	s4 =	simm.s32 @!p0 $0x80  }
0x1b1: {  	[tilespmem:s11], [sflag:$0x1] =	stream.indirect.gather @!p0 [spmem:s0], $0x40, s1, s4, $0xb8;
	[tilespmem:$0x1E000] =	vst v63  }
0x1b2: {  	s1 =	simm.s32 @!p0 $0x2  }
0x1b3: {  	_ =	swait.ge @!p0 [sflag:s1], $0x2000  }
0x1b4: {  	[sflag:s1] =	ssyncset.done @!p0 $0x0  }
0x1b5: {  	s11 =	simm.s32 @!p0 $0x4000;
	[sflag:s1] =	ssyncadd.s32 @!p0 $0xFFFFE000;
	s1 =	simm.s32 @!p0 $0x1E80  }
0x1b6: {  	[spmem:s2] =	stream.indirect.scatter.add.f32 @!p0 [tilespmem:s11], [sflag:$0x7], $0x40, s1, s4, $0xb8;
	[tilespmem:$0x1E000] =	vst v63  }
0x1b7: {  	s1 =	simm.s32 @!p0 $0x7  }
0x1b8: {  	_ =	swait.ge @!p0 [sflag:s1], $0x2000  }
0x1b9: {  	[sflag:s1] =	ssyncset.done @!p0 $0x0  }
0x1ba: {  	[sflag:s1] =	ssyncadd.s32 @!p0 $0xFFFFE000  }
0x1bb: {  	[tilespmem:s11], [sflag:$0x2] =	stream.indirect.gather @!p0 [spmem:s0], $0x40, s4, s4, $0xb8;
	[tilespmem:$0x1E000] =	vst v63  }
0x1bc: {  	_ =	swait.ge [sflag:s29], $0x2000  }
0x1bd: {  	[sflag:s29] =	ssyncset.done $0x0  }
.Ltmp2:
0x1be: {  	[sflag:s29] =	ssyncadd.s32 $0xFFFFE000;
	(pc) =	sbr.rel @p0 .LBB2_4-.Ltmp2, $4  }
0x1bf: {  	[spmem:s2] =	stream.indirect.scatter.add.f32 [tilespmem:s17], [sflag:$0x7], $0x40, s8, s12, $0xb8;
	[tilespmem:$0x1E000] =	vst v63  }
0x1c0: {  	_ =	swait.ge [sflag:s24], $0x2000  }
0x1c1: {  	[sflag:s24] =	ssyncset.done $0x0  }
0x1c2: {  	[sflag:s24] =	ssyncadd.s32 $0xFFFFE000  }
0x1c3: {  	s1 =	simm.s32 $0x100  }
0x1c4: {  	[tilespmem:s17], [sflag:$0x3] =	stream.indirect.gather [spmem:s0], $0x40, s1, s12, $0xb8;
	[tilespmem:$0x1E000] =	vst v63  }
0x1c5: {  	_ =	swait.ge [sflag:s14], $0x2000  }
0x1c6: {  	[sflag:s14] =	ssyncset.done $0x0  }
0x1c7: {  	[sflag:s14] =	ssyncadd.s32 $0xFFFFE000  }
0x1c8: {  	[spmem:s2] =	stream.indirect.scatter.add.f32 [tilespmem:s22], [sflag:$0x7], $0x40, s30, s12, $0xb8;
	[tilespmem:$0x1E000] =	vst v63  }
0x1c9: {  	_ =	swait.ge [sflag:s24], $0x2000  }
0x1ca: {  	[sflag:s24] =	ssyncset.done $0x0  }
0x1cb: {  	s4 =	simm.s32 $0x180;
	[sflag:s24] =	ssyncadd.s32 $0xFFFFE000  }
0x1cc: {  	[tilespmem:s22], [sflag:$0x4] =	stream.indirect.gather [spmem:s0], $0x40, s4, s12, $0xb8;
	[tilespmem:$0x1E000] =	vst v63  }
.Ltmp3:
0x1cd: {  	s11 =	sadd.s32 s31, s20;
	(pc) =	sbr.rel .LBB2_2-.Ltmp3, $4  }
0x1ce: {  	s21 =	sadd.s32 s31, s19;
	s1 =	sadd.s32 $0xB00, s11  }
0x1cf: {  	[tilespmem:s9], [sflag:$0x6] =	stream.linear.gather [hbm4b:s1+s3], $0x800, $0x38;
	[tilespmem:$0x1E000] =	vst v63  }
0x1d0: {  	s31 =	sadd.s32 $0x200, s31;
	s1 =	sadd.s32 $0xB00, s21  }
0x1d1: {  	[tilespmem:s10], [sflag:$0x6] =	stream.linear.gather [hbm4b:s1+s3], $0x800, $0x38;
	[tilespmem:$0x1E000] =	vst v63  }
.LBB2_5:
0x1d2: {  	_ =	sfence.sel $0x180000  }
0x1d3: {  	[bflag:$0x0] =	sbarrier.arrive $0xFFFF  }
0x1d4: {  	_ =	strace $0x9000004A  }
0x1d5: {  	s0 =	stileid.u32;
	[bflag:$0x2] =	sbarrier.arrive $0xFFFF  }
0x1d6: {  	p0 =	sne.s32 s0, $0x0;
	s0 =	rddreg [dreg:$0x4]  }
0x1d7: {  	s0 =	sadd.s32 @!p0 $0x100000, s0  }
0x1d8: {  	[sflag:s0] =	ssyncadd.tile.s32 @!p0 $0x1;
	_ =	shalt  }
.Lfunc_end2:
_tile_overlayer_lowered:
.L_overlay_start_2:
0x1d9: {  	(tag) =	ssettag $0x2  }
0x1da: {  	s0 =	rddreg [dreg:$0x0];
	s2 =	stileid.u32  }
0x1db: {  	s1 =	rddreg [dreg:$0x1];
	p0 =	sne.s32 s2, $0x0  }
0x1dc: {  	s3 =	rddreg [dreg:$0x2];
	[bflag:$0x3] =	sbarrier.arrive $0xFFFF;
	s2 =	simm.s32 @!p0 $0x1C07  }
0x1dd: {  	[timem:s3], [sflag:s2] =	dma.local @!p0 [hbm:s0], s1  }
0x1de: {  	s0 =	simm.s32 @!p0 $0x7  }
0x1df: {  	_ =	swait.ge @!p0 [sflag:s0], s1  }
0x1e0: {  	s1 =	ssub.s32 @!p0 $0x0, s1;
	[sflag:s0] =	ssyncset.done @!p0 $0x0  }
0x1e1: {  	[sflag:s0] =	ssyncadd.s32 @!p0 s1  }
0x1e2: {  	[bflag:$0x3] =	sbarrier.arrive $0xFFFF  }
0x1e3: {  	_ =	shalt  }

// kernel: kernel.7.cloned.1.call-start
scs
__scs_entry_jumppad:
0x0: {  	(pc) =	sbr.rel $0x88, $3  }
0x1: {  	(tag) =	ssettag $0x0;
	lr =	simm.s32 $0x1  }
0x2: {  	[smem:$0x3F97] =	sst lr;
	_ =	strace $0xD0000000  }
0x3: {  	_ = 	snop  }
0x4: {  	_ = 	snop  }
0x5: {  	_ = 	snop  }
0x6: {  	_ = 	snop  }
0x7: {  	_ = 	snop  }
__scs_overlays_trampoline_lowered:
0x8: {  	[smem:$0x3FA6] =	sst s0  }
0x9: {  	[smem:$0x3FA7] =	sst s1  }
0xa: {  	[smem:$0x3FA8] =	sst s2  }
0xb: {  	[smem:$0x3FA9] =	sst s3  }
0xc: {  	[smem:$0x3FAA] =	sst s4  }
0xd: {  	[smem:$0x3FAB] =	sst s5  }
0xe: {  	[smem:$0x3FAC] =	sst s6  }
0xf: {  	[smem:$0x3FAD] =	sst s7  }
0x10: {  	[smem:$0x3FAE] =	sst s8  }
0x11: {  	[smem:$0x3FAF] =	sst s9;
	s0 =	simm.s32 @!p0 $0x0  }
0x12: {  	s1 =	sld [smem:$0x3F95];
	s0 =	simm.s32 @p0 $0x1  }
0x13: {  	[smem:$0x3FB0] =	sst s0;
	s0 =	simm.s32 @!p1 $0x0  }
0x14: {  	s2 =	sld [smem:$0x3F94];
	s0 =	simm.s32 @p1 $0x1  }
0x15: {  	[smem:$0x3FB1] =	sst s0;
	s0 =	simm.s32 @!p2 $0x0  }
0x16: {  	s3 =	sld [smem:$0x3FDB];
	s0 =	simm.s32 @p2 $0x1  }
0x17: {  	s4 =	simm.s32 $0x1BF5;
	[smem:$0x3FB3] =	sst s0  }
0x18: {  	s0 =	sld [smem:$0x3F96];
	_ =	swait.ge [sflag:s4], $0x0  }
0x19: {  	s7 =	sld [smem:$0x3F97]  }
0x1a: {  	s8 =	sadd.s32 $0xFFFFE003, lr  }
0x1b: {  	s9 =	sadd.s32 $0xFFFFFEF7, lr;
	s5 =	simm.s32 $0xFFFFFFFF;
	p2 =	slt.u32 s8, $0xFFFFF086  }
0x1c: {  	p1 =	slt.u32 s9, $0xF7A;
	s5 =	simm.s32 @!p2 $0x0  }
0x1d: {  	s5 =	simm.s32 @p1 $0x1;
	p0 =	seq.s32 s7, s2  }
0x1e: {  	s7 =	smul.u32 @!p0 $0xF7A, s2;
	p2 =	seq.s32 @!p0 s5, $0x0  }
0x1f: {  	s9 =	smul.u32 $0xF7A, s1;
	s8 =	simm.s32 @!p0 $0x1BF5;
	p2 =	por !p2, p0  }
0x20: {  	[sflag:s8] =	ssyncset.s32 @!p0 $0xFFFFF086;
	s6 =	sadd.s32 @!p0 s3, s7;
	s7 =	simm.s32 @!p0 $0x108  }
0x21: {  	s3 =	sadd.s32 s3, s9;
	s6 =	sadd.s32 @!p0 $0x88, s6;
	s7 =	simm.s32 @p2 $0x1082  }
0x22: {  	[simem:s7], [sflag:s8] =	dma.local @!p0 [hbm:s6], $0xF7A  }
0x23: {  	s9 =	sor.u32 $0xD0000000, s2;
	s6 =	simm.s32 $0x108;
	_ =	swait.ge @!p0 [sflag:s8], $0x0  }
0x24: {  	s3 =	sadd.s32 $0x88, s3;
	s6 =	simm.s32 @!p1 $0x1082;
	[sflag:s4] =	ssyncset.s32 $0xFFFFF086  }
0x25: {  	[simem:s6], [sflag:s4] =	dma.local [hbm:s3], $0xF7A  }
0x26: {  	[smem:$0x3F97] =	sst s1;
	(tag) =	ssettag s2;
	_ =	strace s9  }
0x27: {  	s1 =	sld [smem:$0x3FA7]  }
0x28: {  	s2 =	sld [smem:$0x3FA8]  }
0x29: {  	s4 =	sld [smem:$0x3FAA]  }
0x2a: {  	p0 =	seq.s32 s5, $0x0;
	s5 =	sld [smem:$0x3FAB]  }
0x2b: {  	s6 =	sld [smem:$0x3FAC]  }
0x2c: {  	s7 =	sld [smem:$0x3FAD]  }
0x2d: {  	s3 =	simm.s32 $0x108;
	s8 =	sld [smem:$0x3FAE]  }
0x2e: {  	s3 =	simm.s32 @!p0 $0x1082;
	s9 =	sld [smem:$0x3FAF]  }
0x2f: {  	lr =	sadd.s32 s0, s3;
	s0 =	sld [smem:$0x3FA6]  }
0x30: {  	s3 =	sld [smem:$0x3FA9]  }
0x31: {  	[smem:$0x3FB2] =	sst s10  }
0x32: {  	s10 =	sld [smem:$0x3FB0];
	_ =	sdelay $0x3  }
0x33: {  	p0 =	seq.s32 s10, $0x1;
	s10 =	sld [smem:$0x3FB2];
	_ =	sdelay $0x3  }
0x34: {  	[smem:$0x3FB2] =	sst s10  }
0x35: {  	s10 =	sld [smem:$0x3FB1];
	_ =	sdelay $0x3  }
0x36: {  	p1 =	seq.s32 s10, $0x1;
	s10 =	sld [smem:$0x3FB2];
	_ =	sdelay $0x3  }
0x37: {  	[smem:$0x3FB2] =	sst s10  }
0x38: {  	s10 =	sld [smem:$0x3FB3]  }
0x39: {  	_ = 	snop;
	(pc) =	sbr.ind lr, $3  }
0x3a: {  	_ = 	snop  }
0x3b: {  	_ = 	snop  }
0x3c: {  	p2 =	seq.s32 s10, $0x1;
	s10 =	sld [smem:$0x3FB2]  }
0x3d: {  	_ =	shalt  }
0x3e: {  	_ =	shalt  }
0x3f: {  	_ =	shalt  }
0x40: {  	_ =	shalt  }
0x41: {  	_ =	shalt  }
0x42: {  	_ =	shalt  }
0x43: {  	_ =	shalt  }
0x44: {  	_ =	shalt  }
0x45: {  	_ =	shalt  }
0x46: {  	_ =	shalt  }
0x47: {  	_ =	shalt  }
0x48: {  	_ =	shalt  }
0x49: {  	_ =	shalt  }
0x4a: {  	_ =	shalt  }
0x4b: {  	_ =	shalt  }
0x4c: {  	_ =	shalt  }
0x4d: {  	_ =	shalt  }
0x4e: {  	_ =	shalt  }
0x4f: {  	_ =	shalt  }
0x50: {  	_ =	shalt  }
0x51: {  	_ =	shalt  }
0x52: {  	_ =	shalt  }
0x53: {  	_ =	shalt  }
0x54: {  	_ =	shalt  }
0x55: {  	_ =	shalt  }
0x56: {  	_ =	shalt  }
0x57: {  	_ =	shalt  }
0x58: {  	_ =	shalt  }
0x59: {  	_ =	shalt  }
0x5a: {  	_ =	shalt  }
0x5b: {  	_ =	shalt  }
0x5c: {  	_ =	shalt  }
0x5d: {  	_ =	shalt  }
0x5e: {  	_ =	shalt  }
0x5f: {  	_ =	shalt  }
0x60: {  	_ =	shalt  }
0x61: {  	_ =	shalt  }
0x62: {  	_ =	shalt  }
0x63: {  	_ =	shalt  }
0x64: {  	_ =	shalt  }
0x65: {  	_ =	shalt  }
0x66: {  	_ =	shalt  }
0x67: {  	_ =	shalt  }
0x68: {  	_ =	shalt  }
0x69: {  	_ =	shalt  }
0x6a: {  	_ =	shalt  }
0x6b: {  	_ =	shalt  }
0x6c: {  	_ =	shalt  }
0x6d: {  	_ =	shalt  }
0x6e: {  	_ =	shalt  }
0x6f: {  	_ =	shalt  }
0x70: {  	_ =	shalt  }
0x71: {  	_ =	shalt  }
0x72: {  	_ =	shalt  }
0x73: {  	_ =	shalt  }
0x74: {  	_ =	shalt  }
0x75: {  	_ =	shalt  }
0x76: {  	_ =	shalt  }
0x77: {  	_ =	shalt  }
0x78: {  	_ =	shalt  }
0x79: {  	_ =	shalt  }
0x7a: {  	_ =	shalt  }
0x7b: {  	_ =	shalt  }
0x7c: {  	_ =	shalt  }
0x7d: {  	_ =	shalt  }
0x7e: {  	_ =	shalt  }
0x7f: {  	_ =	shalt  }
0x80: {  	_ =	shalt  }
0x81: {  	_ =	shalt  }
0x82: {  	_ =	shalt  }
0x83: {  	_ =	shalt  }
0x84: {  	_ =	shalt  }
0x85: {  	_ =	shalt  }
0x86: {  	_ =	shalt  }
0x87: {  	_ =	shalt  }
.Lfunc_end0:
.L_simem_size_0:
called_computation_lowered:
.L_overlay_start_0:
0x88: {  	s2 =	sld [smem:$0x3FD9]  }
0x89: {  	s3 =	sld [smem:$0x3FFE];
	_ =	sdelay $0x1  }
0x8a: {  	s1 =	srdreg.scid  }
0x8b: {  	s0 =	sand.u32 $0x1, s1  }
0x8c: {  	s17 =	sshll.u32 s0, $0xA;
	s2 =	sadd.s32 s3, s2  }
0x8d: {  	s2 =	sadd.s32 s2, s17  }
0x8e: {  	[smem:$0x3FBE] =	sst s2  }
0x8f: {  	_ = 	snop  }
0x90: {  	s2 =	sld [smem:$0x3FD0];
	(tm) =	ssettm $0x1  }
0x91: {  	s18 =	sld [smem:$0x3FFB];
	_ =	sdelay $0x3  }
0x92: {  	_ =	strace s18  }
0x93: {  	s3 =	sld [smem:$0x3FFC];
	_ =	sdelay $0x3  }
0x94: {  	_ =	strace s3  }
0x95: {  	s3 =	sld [smem:$0x3FFD];
	_ =	sdelay $0x3  }
0x96: {  	_ =	strace s3  }
0x97: {  	_ =	strace $0x8FFFFFFF  }
0x98: {  	s19 =	sld [smem:$0x3FDB];
	_ =	sdelay $0x1  }
0x99: {  	s4 =	simm.s32 $_scs_section_size  }
0x9a: {  	s5 =	simm.s32 $_size__tile_overlayer_lowered;
	s6 =	simm.s32 $_tile_overlayer_lowered  }
0x9b: {  	s22 =	simm.s32 $0x1BFF;
	s21 =	sshll.u32 s6, $0x1;
	s3 =	sadd.s32 s4, s19  }
0x9c: {  	s7 =	simm.s32 $0x0;
	s20 =	sshll.u32 s5, $0x1;
	s5 =	sadd.s32 s21, s3  }
0x9d: {  	[timem:s7], [sflag:s22] =	dma.local [hbm:s5], s20  }
0x9e: {  	_ =	swait.ge [sflag:s22], s20  }
0x9f: {  	s4 =	ssub.s32 $0x0, s20;
	[sflag:s22] =	ssyncset.done $0x0  }
0xa0: {  	[sflag:s22] =	ssyncadd.s32 s4;
	_ =	sdelay $0x1  }
0xa1: {  	s23 =	simm.s32 $0x1B8B  }
0xa2: {  	_ =	swait.ge [sflag:s23], $0x1  }
0xa3: {  	[sflag:s23] =	ssyncset.done $0x0  }
0xa4: {  	s25 =	simm.s32 $0x1B8E;
	s24 =	sld [smem:$0x3FFE];
	[sflag:s23] =	ssyncadd.s32 $0xFFFFFFFF  }
0xa5: {  	s26 =	simm.s32 $execute0_lowered;
	[smem:$0x3FD2] =	sst s25  }
0xa6: {  	s5 =	sshll.u32 s26, $0x1;
	_ =	strace $0x80000046;
	[dreg:$0x1] =	wrdreg $0xFFFFFFFF  }
0xa7: {  	s28 =	simm.s32 $_size_execute0_lowered;
	s3 =	sadd.s32 s3, s5;
	[dreg:$0x0] =	wrdreg $0x0  }
0xa8: {  	s5 =	sshll.u32 s28, $0x1;
	[dreg:$0x2] =	wrdreg s3  }
0xa9: {  	[dreg:$0x3] =	wrdreg s5  }
0xaa: {  	[dreg:$0x4] =	wrdreg $0xC0  }
0xab: {  	_ =	task [dreg:s7], $0x5FFFF  }
0xac: {  	[dreg:$0x1] =	wrdreg $0xFFFFFFFF  }
0xad: {  	[dreg:$0x0] =	wrdreg $0x60  }
0xae: {  	[dreg:$0x2] =	wrdreg s24  }
0xaf: {  	[dreg:$0x3] =	wrdreg s2  }
0xb0: {  	[dreg:$0x4] =	wrdreg $0xA0000  }
0xb1: {  	[dreg:$0x5] =	wrdreg $0x140000  }
0xb2: {  	[dreg:$0x6] =	wrdreg $0x9  }
0xb3: {  	_ =	task.clear_ibuf [dreg:s7], $0x7FFFF;
	_ =	strace $0x90000046  }
0xb4: {  	s29 =	simm.s32 $0x9;
	_ =	strace $0x80000048  }
0xb5: {  	_ =	swait.ge [sflag:s29], $0x1  }
0xb6: {  	[sflag:s29] =	ssyncadd.s32 $0xFFFFFFFF  }
0xb7: {  	_ =	strace $0x90000048  }
0xb8: {  	_ =	sfence  }
0xb9: {  	s30 =	sld [smem:$0x0];
	_ =	sdelay $0x2  }
0xba: {  	s31 =	sshll.u32 s1, $0xD;
	s1 =	sshrl.u32 s1, $0x2  }
0xbb: {  	s3 =	sand.u32 $0x4000, s31;
	s1 =	sadd.s32 s1, s30  }
0xbc: {  	s0 =	sor.u32 s3, s0;
	s1 =	sshll.u32 s1, $0x11  }
0xbd: {  	s0 =	sor.u32 s1, s0  }
0xbe: {  	s0 =	sadd.s32 $0x8F2B, s0  }
0xbf: {  	[sflag:s0] =	ssyncadd.remote.s32 $0x1  }
0xc0: {  	_ =	sfence.sel $0xFFFF  }
0xc1: {  	[dreg:$0x0] =	wrdreg $0xFFFFFFFF;
	(pc) =	sbr.abs _section_cstart, $3  }
0xc2: {  	[dreg:$0x1] =	wrdreg $0xFFFFFFFF  }
0xc3: {  	_ =	task.clear_ibuf [dreg:s7], $0x2FFFF;
	_ =	strace $0x9FFFFFFF  }
0xc4: {  	(tm) =	ssettm $0x7FFFFFFF  }
0xc5: {  	_ =	shalt  }
tec
execute0_lowered:
.L_overlay_start_1:
0x0: {  	(tag) =	ssettag $0x1  }
0x1: {  	s1 =	rddreg [dreg:$0x0]  }
0x2: {  	s4 =	rddreg [dreg:$0x1]  }
0x3: {  	s0 =	rddreg [dreg:$0x2]  }
0x4: {  	s2 =	rddreg [dreg:$0x3];
	s3 =	simm.s32 $0x0  }
0x5: {  	s5 =	srdreg.scid;
	s21 =	stileid.u32;
	s29 =	simm.s32 $0x3  }
0x6: {  	s28 =	simm.s32 $0x1E00;
	s30 =	simm.s32 $0x1F80;
	[smem:$0x7FF] =	sst s3  }
0x7: {  	s6 =	sadd.s32 $0xB200, s1;
	s5 =	sand.u32 $0x1, s5;
	s7 =	smul.u32 $0xA000, s21  }
0x8: {  	s8 =	sadd.s32 $0x1200, s1;
	s10 =	sadd.s32 $0x33600, s1;
	s19 =	smul.u32 $0x5000, s21  }
0x9: {  	s1 =	sadd.s32 $0x33200, s1;
	s9 =	ssub.s32 $0x2, s5;
	s5 =	smul.u32 $0xA0000, s5  }
0xa: {  	s11 =	sshrl.u32 s9, $0x1;
	s12 =	sadd.s32 $0x2000, s7;
	s14 =	sadd.s32 $0x4000, s7  }
0xb: {  	s16 =	sadd.s32 $0x6000, s7;
	s17 =	sadd.s32 $0x8000, s7;
	s31 =	sshrl.u32 s19, $0x3  }
0xc: {  	s9 =	ssub.s32 s9, s11;
	s23 =	sadd.s32 s7, s5;
	s13 =	sadd.s32 s5, s12  }
0xd: {  	s25 =	sadd.s32 s5, s14;
	s18 =	sadd.s32 s5, s16;
	s19 =	sadd.s32 s8, s31  }
0xe: {  	s11 =	sshrl.u32 s23, $0x3;
	[dreg:$0xa] =	wrdreg s19;
	s23 =	sadd.s32 s4, s31  }
0xf: {  	s13 =	sshrl.u32 s13, $0x3;
	s15 =	sadd.s32 s6, s11;
	[dreg:$0x10] =	wrdreg s23  }
0x10: {  	s18 =	sshrl.u32 s18, $0x3;
	s24 =	sadd.s32 s6, s13;
	[dreg:$0x5] =	wrdreg s15  }
0x11: {  	s5 =	sadd.s32 s5, s17;
	s26 =	sadd.s32 s6, s18;
	[dreg:$0x6] =	wrdreg s24  }
0x12: {  	s5 =	sshrl.u32 s5, $0x3;
	s11 =	sadd.s32 s10, s11;
	[dreg:$0x8] =	wrdreg s26  }
0x13: {  	s19 =	sadd.s32 s10, s13;
	s22 =	sadd.s32 s10, s18;
	[dreg:$0xb] =	wrdreg s11  }
0x14: {  	s13 =	sadd.s32 s14, s2;
	s15 =	sshrl.u32 s25, $0x3;
	[dreg:$0xc] =	wrdreg s19  }
0x15: {  	s18 =	sadd.s32 s17, s2;
	[dreg:$0xe] =	wrdreg s22;
	s20 =	sadd.s32 s6, s15  }
0x16: {  	s24 =	sor.u32 $0x100, s31;
	s6 =	sadd.s32 s6, s5;
	[dreg:$0x7] =	wrdreg s20  }
0x17: {  	s25 =	smul.u32 $0xA00, s21;
	s5 =	sadd.s32 s10, s5;
	[dreg:$0x9] =	wrdreg s6  }
0x18: {  	s31 =	sadd.s32 s7, s0;
	s26 =	sadd.s32 s8, s24;
	[dreg:$0xf] =	wrdreg s5  }
0x19: {  	s11 =	sadd.s32 s12, s2;
	s20 =	sadd.s32 s10, s15;
	[dreg:$0x11] =	wrdreg s26  }
0x1a: {  	s22 =	smax.u32 s9, $0x1;
	s5 =	sadd.s32 s4, s24;
	[dreg:$0xd] =	wrdreg s20  }
0x1b: {  	s9 =	simm.s32 $0x800;
	[dreg:$0x12] =	wrdreg s5;
	s20 =	sadd.s32 s25, s8  }
0x1c: {  	s8 =	sadd.s32 s7, s2;
	_ =	strace $0x80000047;
	[dreg:$0x13] =	wrdreg s1  }
0x1d: {  	s19 =	sadd.s32 s25, s4;
	s10 =	sadd.s32 s12, s0;
	[dreg:$0x14] =	wrdreg s8  }
0x1e: {  	s12 =	sadd.s32 s14, s0;
	s14 =	sadd.s32 s16, s0;
	[dreg:$0x15] =	wrdreg s11  }
0x1f: {  	s15 =	sadd.s32 s16, s2;
	s16 =	sadd.s32 s17, s0;
	[dreg:$0x16] =	wrdreg s13  }
0x20: {  	s6 =	simm.s32 $0x1;
	s17 =	simm.s32 $0x6000;
	[dreg:$0x17] =	wrdreg s15  }
0x21: {  	s4 =	simm.s32 $0x0;
	s23 =	sshrl.u32 s10, $0x3;
	[dreg:$0x18] =	wrdreg s18  }
0x22: {  	s24 =	sshrl.u32 s12, $0x3;
	s25 =	sshrl.u32 s14, $0x3;
	[dreg:$0x19] =	wrdreg s22  }
0x23: {  	s26 =	sshrl.u32 s16, $0x3;
	s7 =	simm.s32 $0x2;
	[dreg:$0x1b] =	wrdreg s23  }
0x24: {  	s10 =	simm.s32 $0x1800;
	s12 =	simm.s32 $0x80;
	[dreg:$0x1c] =	wrdreg s24  }
0x25: {  	s14 =	simm.s32 $0x4;
	s5 =	simm.s32 $0xE80;
	[dreg:$0x1d] =	wrdreg s25  }
0x26: {  	s16 =	simm.s32 $0x1D00;
	s1 =	sshrl.u32 s31, $0x3;
	[dreg:$0x1e] =	wrdreg s26  }
.Ltmp0:
0x27: {  	s11 =	sshll.u32 s21, $0x6;
	s13 =	simm.s32 $0x2000;
	(pc) =	sbr.rel .LBB2_1-.Ltmp0, $4  }
0x28: {  	s15 =	simm.s32 $0x4000;
	s22 =	simm.s32 $0x8000;
	s23 =	simm.s32 $0x6  }
0x29: {  	s24 =	simm.s32 $0x7;
	s18 =	simm.s32 $0xF00;
	[dreg:$0x1a] =	wrdreg s1  }
0x2a: {  	s25 =	simm.s32 $0x1D80;
	s31 =	sor.u32 $0x1C01, s11;
	[dreg:$0x1f] =	wrdreg s11  }
0x2b: {  	s26 =	simm.s32 $0xF80;
	s8 =	simm.s32 $0x1F00;
	[smem:$0x7FD] =	sst s31  }
.LBB2_4:
0x2c: {  	_ =	swait.ge [sflag:s14], $0x2000  }
0x2d: {  	[sflag:s14] =	ssyncset.done $0x0  }
0x2e: {  	[sflag:s14] =	ssyncadd.s32 $0xFFFFE000  }
0x2f: {  	[spmem:s2] =	stream.indirect.scatter.add.f32 [tilespmem:s22], [sflag:$0x7], $0x40, s30, s12, $0xb8;
	[tilespmem:$0x1E000] =	vst v63  }
0x30: {  	_ =	swait.ge [sflag:s24], $0x2000  }
0x31: {  	[sflag:s24] =	ssyncset.done $0x0  }
0x32: {  	[sflag:s24] =	ssyncadd.s32 $0xFFFFE000  }
0x33: {  	[bflag:$0x0] =	sbarrier.arrive $0xFFFF  }
0x34: {  	s21 =	sld [smem:$0x7F8]  }
0x35: {  	s11 =	rddreg [dreg:$0x1f]  }
0x36: {  	s4 =	rddreg [dreg:$0xb];
	s1 =	sor.u32 $0x1C03, s11  }
0x37: {  	[hbm:s4], [sflag:s1] =	dma.local [spmem:s21], $0x400  }
0x38: {  	s21 =	sld [smem:$0x7F9];
	_ =	sdelay $0x1  }
0x39: {  	s4 =	rddreg [dreg:$0xc]  }
0x3a: {  	[hbm:s4], [sflag:s1] =	dma.local [spmem:s21], $0x400  }
0x3b: {  	s21 =	sld [smem:$0x7FA];
	_ =	sdelay $0x1  }
0x3c: {  	s4 =	rddreg [dreg:$0xd]  }
0x3d: {  	[hbm:s4], [sflag:s1] =	dma.local [spmem:s21], $0x400  }
0x3e: {  	s21 =	sld [smem:$0x7FB];
	_ =	sdelay $0x1  }
0x3f: {  	s4 =	rddreg [dreg:$0xe]  }
0x40: {  	[hbm:s4], [sflag:s1] =	dma.local [spmem:s21], $0x400  }
0x41: {  	s21 =	sld [smem:$0x7FC];
	_ =	sdelay $0x1  }
0x42: {  	s4 =	rddreg [dreg:$0xf]  }
0x43: {  	[hbm:s4], [sflag:s1] =	dma.local [spmem:s21], $0x400  }
0x44: {  	_ =	swait.ge [sflag:s29], $0x400  }
0x45: {  	[sflag:s29] =	ssyncset.done $0x0  }
0x46: {  	[sflag:s29] =	ssyncadd.s32 $0xFFFFFC00  }
0x47: {  	_ =	swait.ge [sflag:s29], $0x400  }
0x48: {  	[sflag:s29] =	ssyncset.done $0x0  }
0x49: {  	[sflag:s29] =	ssyncadd.s32 $0xFFFFFC00  }
0x4a: {  	_ =	swait.ge [sflag:s29], $0x400  }
0x4b: {  	[sflag:s29] =	ssyncset.done $0x0  }
0x4c: {  	[sflag:s29] =	ssyncadd.s32 $0xFFFFFC00  }
0x4d: {  	_ =	swait.ge [sflag:s29], $0x400  }
0x4e: {  	[sflag:s29] =	ssyncset.done $0x0  }
0x4f: {  	[sflag:s29] =	ssyncadd.s32 $0xFFFFFC00  }
0x50: {  	_ =	swait.ge [sflag:s29], $0x400  }
0x51: {  	s21 =	sld [smem:$0x7F7];
	_ =	sdelay $0x2  }
0x52: {  	s31 =	rddreg [dreg:$0x19];
	s4 =	sadd.s32 $0x1, s21  }
0x53: {  	p0 =	sne.s32 s4, s31  }
.Ltmp1:
0x54: {  	_ = 	snop;
	(pc) =	sbr.rel @!p0 .LBB2_5-.Ltmp1, $3  }
0x55: {  	_ =	sdelay $0x1  }
0x56: {  	[sflag:s29] =	ssyncset.done $0x0  }
0x57: {  	[sflag:s29] =	ssyncadd.s32 $0xFFFFFC00  }
.LBB2_1:
0x58: {  	[smem:$0x7F7] =	sst s4  }
0x59: {  	s31 =	sld [smem:$0x7FD]  }
0x5a: {  	s1 =	rddreg [dreg:$0x5]  }
0x5b: {  	s21 =	rddreg [dreg:$0x1a]  }
0x5c: {  	[spmem:s21], [sflag:s31] =	dma.local [hbm:s1], $0x400  }
0x5d: {  	s4 =	rddreg [dreg:$0x14]  }
0x5e: {  	s1 =	sor.u32 $0x1C02, s11;
	s11 =	rddreg [dreg:$0x13];
	s4 =	sshrl.u32 s4, $0x3  }
0x5f: {  	[smem:$0x7F8] =	sst s4  }
0x60: {  	[spmem:s4], [sflag:s1] =	dma.local [hbm:s11], $0x400  }
0x61: {  	s4 =	rddreg [dreg:$0x6]  }
0x62: {  	s21 =	rddreg [dreg:$0x1b]  }
0x63: {  	[spmem:s21], [sflag:s31] =	dma.local [hbm:s4], $0x400  }
0x64: {  	s4 =	rddreg [dreg:$0x15]  }
0x65: {  	s4 =	sshrl.u32 s4, $0x3  }
0x66: {  	[smem:$0x7F9] =	sst s4  }
0x67: {  	[spmem:s4], [sflag:s1] =	dma.local [hbm:s11], $0x400  }
0x68: {  	s4 =	rddreg [dreg:$0x7]  }
0x69: {  	s21 =	rddreg [dreg:$0x1c]  }
0x6a: {  	[spmem:s21], [sflag:s31] =	dma.local [hbm:s4], $0x400  }
0x6b: {  	s4 =	rddreg [dreg:$0x16]  }
0x6c: {  	s4 =	sshrl.u32 s4, $0x3  }
0x6d: {  	[smem:$0x7FA] =	sst s4  }
0x6e: {  	[spmem:s4], [sflag:s1] =	dma.local [hbm:s11], $0x400  }
0x6f: {  	s4 =	rddreg [dreg:$0x8]  }
0x70: {  	s21 =	rddreg [dreg:$0x1d]  }
0x71: {  	[spmem:s21], [sflag:s31] =	dma.local [hbm:s4], $0x400  }
0x72: {  	s4 =	rddreg [dreg:$0x17]  }
0x73: {  	s4 =	sshrl.u32 s4, $0x3  }
0x74: {  	[smem:$0x7FB] =	sst s4  }
0x75: {  	[spmem:s4], [sflag:s1] =	dma.local [hbm:s11], $0x400  }
0x76: {  	s4 =	rddreg [dreg:$0x9]  }
0x77: {  	s21 =	rddreg [dreg:$0x1e]  }
0x78: {  	[spmem:s21], [sflag:s31] =	dma.local [hbm:s4], $0x400  }
0x79: {  	s4 =	rddreg [dreg:$0x18]  }
0x7a: {  	s4 =	sshrl.u32 s4, $0x3  }
0x7b: {  	[smem:$0x7FC] =	sst s4  }
0x7c: {  	[spmem:s4], [sflag:s1] =	dma.local [hbm:s11], $0x400  }
0x7d: {  	_ =	swait.ge [sflag:s6], $0x400  }
0x7e: {  	[sflag:s6] =	ssyncset.done $0x0  }
0x7f: {  	[sflag:s6] =	ssyncadd.s32 $0xFFFFFC00  }
0x80: {  	_ =	swait.ge [sflag:s7], $0x400  }
0x81: {  	[sflag:s7] =	ssyncset.done $0x0  }
0x82: {  	[sflag:s7] =	ssyncadd.s32 $0xFFFFFC00  }
0x83: {  	_ =	swait.ge [sflag:s6], $0x400  }
0x84: {  	[sflag:s6] =	ssyncset.done $0x0  }
0x85: {  	[sflag:s6] =	ssyncadd.s32 $0xFFFFFC00  }
0x86: {  	_ =	swait.ge [sflag:s7], $0x400  }
0x87: {  	[sflag:s7] =	ssyncset.done $0x0  }
0x88: {  	[sflag:s7] =	ssyncadd.s32 $0xFFFFFC00  }
0x89: {  	_ =	swait.ge [sflag:s6], $0x400  }
0x8a: {  	[sflag:s6] =	ssyncset.done $0x0  }
0x8b: {  	[sflag:s6] =	ssyncadd.s32 $0xFFFFFC00  }
0x8c: {  	_ =	swait.ge [sflag:s7], $0x400  }
0x8d: {  	[sflag:s7] =	ssyncset.done $0x0  }
0x8e: {  	[sflag:s7] =	ssyncadd.s32 $0xFFFFFC00  }
0x8f: {  	_ =	swait.ge [sflag:s6], $0x400  }
0x90: {  	[sflag:s6] =	ssyncset.done $0x0  }
0x91: {  	[sflag:s6] =	ssyncadd.s32 $0xFFFFFC00  }
0x92: {  	_ =	swait.ge [sflag:s7], $0x400  }
0x93: {  	[sflag:s7] =	ssyncset.done $0x0  }
0x94: {  	[sflag:s7] =	ssyncadd.s32 $0xFFFFFC00  }
0x95: {  	_ =	swait.ge [sflag:s6], $0x400  }
0x96: {  	[sflag:s6] =	ssyncset.done $0x0  }
0x97: {  	[sflag:s6] =	ssyncadd.s32 $0xFFFFFC00  }
0x98: {  	_ =	swait.ge [sflag:s7], $0x400  }
0x99: {  	[sflag:s7] =	ssyncset.done $0x0  }
0x9a: {  	s4 =	rddreg [dreg:$0xa];
	[sflag:s7] =	ssyncadd.s32 $0xFFFFFC00  }
0x9b: {  	[tilespmem:s3], [sflag:$0x5] =	stream.linear.gather [hbm4b:s4+s3], $0x800, $0x38;
	[tilespmem:$0x1E000] =	vst v63  }
0x9c: {  	s21 =	simm.s32 $0x1000;
	s11 =	rddreg [dreg:$0x10]  }
0x9d: {  	[tilespmem:s21], [sflag:$0x5] =	stream.linear.gather [hbm4b:s11+s3], $0x800, $0x38;
	[tilespmem:$0x1E000] =	vst v63  }
0x9e: {  	s11 =	rddreg [dreg:$0x11]  }
0x9f: {  	[tilespmem:s9], [sflag:$0x6] =	stream.linear.gather [hbm4b:s11+s3], $0x800, $0x38;
	[tilespmem:$0x1E000] =	vst v63  }
0xa0: {  	s21 =	rddreg [dreg:$0x12]  }
0xa1: {  	[tilespmem:s10], [sflag:$0x6] =	stream.linear.gather [hbm4b:s21+s3], $0x800, $0x38;
	[tilespmem:$0x1E000] =	vst v63  }
0xa2: {  	s4 =	simm.s32 $0x5;
	[bflag:$0x0] =	sbarrier.arrive $0xFFFF  }
0xa3: {  	_ =	swait.ge [sflag:s4], $0x800  }
0xa4: {  	[sflag:s4] =	ssyncset.done $0x0  }
0xa5: {  	[sflag:s4] =	ssyncadd.s32 $0xFFFFF800  }
0xa6: {  	_ =	swait.ge [sflag:s4], $0x800  }
0xa7: {  	[sflag:s4] =	ssyncset.done $0x0  }
0xa8: {  	[sflag:s4] =	ssyncadd.s32 $0xFFFFF800  }
0xa9: {  	[tilespmem:s13], [sflag:$0x1] =	stream.indirect.gather [spmem:s0], $0x40, s3, s12, $0xb8;
	[tilespmem:$0x1E000] =	vst v63  }
0xaa: {  	_ = 	snop  }
0xab: {  	[tilespmem:s15], [sflag:$0x2] =	stream.indirect.gather [spmem:s0], $0x40, s12, s12, $0xb8;
	[tilespmem:$0x1E000] =	vst v63  }
0xac: {  	s11 =	simm.s32 $0x100  }
0xad: {  	[tilespmem:s17], [sflag:$0x3] =	stream.indirect.gather [spmem:s0], $0x40, s11, s12, $0xb8;
	[tilespmem:$0x1E000] =	vst v63  }
0xae: {  	s31 =	simm.s32 $0xFFFFF800;
	s21 =	simm.s32 $0x180  }
0xaf: {  	[tilespmem:s22], [sflag:$0x4] =	stream.indirect.gather [spmem:s0], $0x40, s21, s12, $0xb8;
	[tilespmem:$0x1E000] =	vst v63  }
.LBB2_2:
0xb0: {  	_ =	swait.ge [sflag:s23], $0x800  }
0xb1: {  	[sflag:s23] =	ssyncset.done $0x0  }
0xb2: {  	[sflag:s23] =	ssyncadd.s32 $0xFFFFF800  }
0xb3: {  	_ =	swait.ge [sflag:s23], $0x800  }
0xb4: {  	[sflag:s23] =	ssyncset.done $0x0  }
0xb5: {  	[sflag:s23] =	ssyncadd.s32 $0xFFFFF800  }
0xb6: {  	_ =	swait.ge [sflag:s6], $0x2000  }
0xb7: {  	[sflag:s6] =	ssyncset.done $0x0  }
0xb8: {  	s1 =	simm.s32 $0x1000;
	[sflag:s6] =	ssyncadd.s32 $0xFFFFE000  }
0xb9: {  	[spmem:s2] =	stream.indirect.scatter.add.f32 [tilespmem:s13], [sflag:$0x7], $0x40, s1, s12, $0xb8;
	[tilespmem:$0x1E000] =	vst v63  }
0xba: {  	_ =	swait.ge [sflag:s24], $0x2000  }
0xbb: {  	[sflag:s24] =	ssyncset.done $0x0  }
0xbc: {  	s11 =	simm.s32 $0x200;
	[sflag:s24] =	ssyncadd.s32 $0xFFFFE000  }
0xbd: {  	[tilespmem:s13], [sflag:$0x1] =	stream.indirect.gather [spmem:s0], $0x40, s11, s12, $0xb8;
	[tilespmem:$0x1E000] =	vst v63  }
0xbe: {  	_ =	swait.ge [sflag:s7], $0x2000  }
0xbf: {  	[sflag:s7] =	ssyncset.done $0x0  }
0xc0: {  	s21 =	simm.s32 $0x1080;
	[sflag:s7] =	ssyncadd.s32 $0xFFFFE000  }
0xc1: {  	[spmem:s2] =	stream.indirect.scatter.add.f32 [tilespmem:s15], [sflag:$0x7], $0x40, s21, s12, $0xb8;
	[tilespmem:$0x1E000] =	vst v63  }
0xc2: {  	_ =	swait.ge [sflag:s24], $0x2000  }
0xc3: {  	[sflag:s24] =	ssyncset.done $0x0  }
0xc4: {  	s4 =	simm.s32 $0x280;
	[sflag:s24] =	ssyncadd.s32 $0xFFFFE000  }
0xc5: {  	[tilespmem:s15], [sflag:$0x2] =	stream.indirect.gather [spmem:s0], $0x40, s4, s12, $0xb8;
	[tilespmem:$0x1E000] =	vst v63  }
0xc6: {  	_ =	swait.ge [sflag:s29], $0x2000  }
0xc7: {  	[sflag:s29] =	ssyncset.done $0x0  }
0xc8: {  	s11 =	simm.s32 $0x1100;
	[sflag:s29] =	ssyncadd.s32 $0xFFFFE000  }
0xc9: {  	[spmem:s2] =	stream.indirect.scatter.add.f32 [tilespmem:s17], [sflag:$0x7], $0x40, s11, s12, $0xb8;
	[tilespmem:$0x1E000] =	vst v63  }
0xca: {  	_ =	swait.ge [sflag:s24], $0x2000  }
0xcb: {  	[sflag:s24] =	ssyncset.done $0x0  }
0xcc: {  	s21 =	simm.s32 $0x300;
	[sflag:s24] =	ssyncadd.s32 $0xFFFFE000  }
0xcd: {  	[tilespmem:s17], [sflag:$0x3] =	stream.indirect.gather [spmem:s0], $0x40, s21, s12, $0xb8;
	[tilespmem:$0x1E000] =	vst v63  }
0xce: {  	_ =	swait.ge [sflag:s14], $0x2000  }
0xcf: {  	[sflag:s14] =	ssyncset.done $0x0  }
0xd0: {  	s4 =	simm.s32 $0x1180;
	[sflag:s14] =	ssyncadd.s32 $0xFFFFE000  }
0xd1: {  	[spmem:s2] =	stream.indirect.scatter.add.f32 [tilespmem:s22], [sflag:$0x7], $0x40, s4, s12, $0xb8;
	[tilespmem:$0x1E000] =	vst v63  }
0xd2: {  	_ =	swait.ge [sflag:s24], $0x2000  }
0xd3: {  	[sflag:s24] =	ssyncset.done $0x0  }
0xd4: {  	s11 =	simm.s32 $0x380;
	[sflag:s24] =	ssyncadd.s32 $0xFFFFE000  }
0xd5: {  	[tilespmem:s22], [sflag:$0x4] =	stream.indirect.gather [spmem:s0], $0x40, s11, s12, $0xb8;
	[tilespmem:$0x1E000] =	vst v63  }
0xd6: {  	_ =	swait.ge [sflag:s6], $0x2000  }
0xd7: {  	[sflag:s6] =	ssyncset.done $0x0  }
0xd8: {  	s21 =	simm.s32 $0x1200;
	[sflag:s6] =	ssyncadd.s32 $0xFFFFE000  }
0xd9: {  	[spmem:s2] =	stream.indirect.scatter.add.f32 [tilespmem:s13], [sflag:$0x7], $0x40, s21, s12, $0xb8;
	[tilespmem:$0x1E000] =	vst v63  }
0xda: {  	_ =	swait.ge [sflag:s24], $0x2000  }
0xdb: {  	[sflag:s24] =	ssyncset.done $0x0  }
0xdc: {  	s4 =	simm.s32 $0x400;
	[sflag:s24] =	ssyncadd.s32 $0xFFFFE000  }
0xdd: {  	[tilespmem:s13], [sflag:$0x1] =	stream.indirect.gather [spmem:s0], $0x40, s4, s12, $0xb8;
	[tilespmem:$0x1E000] =	vst v63  }
0xde: {  	_ =	swait.ge [sflag:s7], $0x2000  }
0xdf: {  	[sflag:s7] =	ssyncset.done $0x0  }
0xe0: {  	s11 =	simm.s32 $0x1280;
	[sflag:s7] =	ssyncadd.s32 $0xFFFFE000  }
0xe1: {  	[spmem:s2] =	stream.indirect.scatter.add.f32 [tilespmem:s15], [sflag:$0x7], $0x40, s11, s12, $0xb8;
	[tilespmem:$0x1E000] =	vst v63  }
0xe2: {  	_ =	swait.ge [sflag:s24], $0x2000  }
0xe3: {  	[sflag:s24] =	ssyncset.done $0x0  }
0xe4: {  	s21 =	simm.s32 $0x480;
	[sflag:s24] =	ssyncadd.s32 $0xFFFFE000  }
0xe5: {  	[tilespmem:s15], [sflag:$0x2] =	stream.indirect.gather [spmem:s0], $0x40, s21, s12, $0xb8;
	[tilespmem:$0x1E000] =	vst v63  }
0xe6: {  	_ =	swait.ge [sflag:s29], $0x2000  }
0xe7: {  	[sflag:s29] =	ssyncset.done $0x0  }
0xe8: {  	s4 =	simm.s32 $0x1300;
	[sflag:s29] =	ssyncadd.s32 $0xFFFFE000  }
0xe9: {  	[spmem:s2] =	stream.indirect.scatter.add.f32 [tilespmem:s17], [sflag:$0x7], $0x40, s4, s12, $0xb8;
	[tilespmem:$0x1E000] =	vst v63  }
0xea: {  	_ =	swait.ge [sflag:s24], $0x2000  }
0xeb: {  	[sflag:s24] =	ssyncset.done $0x0  }
0xec: {  	s11 =	simm.s32 $0x500;
	[sflag:s24] =	ssyncadd.s32 $0xFFFFE000  }
0xed: {  	[tilespmem:s17], [sflag:$0x3] =	stream.indirect.gather [spmem:s0], $0x40, s11, s12, $0xb8;
	[tilespmem:$0x1E000] =	vst v63  }
0xee: {  	_ =	swait.ge [sflag:s14], $0x2000  }
0xef: {  	[sflag:s14] =	ssyncset.done $0x0  }
0xf0: {  	s21 =	simm.s32 $0x1380;
	[sflag:s14] =	ssyncadd.s32 $0xFFFFE000  }
0xf1: {  	[spmem:s2] =	stream.indirect.scatter.add.f32 [tilespmem:s22], [sflag:$0x7], $0x40, s21, s12, $0xb8;
	[tilespmem:$0x1E000] =	vst v63  }
0xf2: {  	_ =	swait.ge [sflag:s24], $0x2000  }
0xf3: {  	[sflag:s24] =	ssyncset.done $0x0  }
0xf4: {  	s4 =	simm.s32 $0x580;
	[sflag:s24] =	ssyncadd.s32 $0xFFFFE000  }
0xf5: {  	[tilespmem:s22], [sflag:$0x4] =	stream.indirect.gather [spmem:s0], $0x40, s4, s12, $0xb8;
	[tilespmem:$0x1E000] =	vst v63  }
0xf6: {  	_ =	swait.ge [sflag:s6], $0x2000  }
0xf7: {  	[sflag:s6] =	ssyncset.done $0x0  }
0xf8: {  	s11 =	simm.s32 $0x1400;
	[sflag:s6] =	ssyncadd.s32 $0xFFFFE000  }
0xf9: {  	[spmem:s2] =	stream.indirect.scatter.add.f32 [tilespmem:s13], [sflag:$0x7], $0x40, s11, s12, $0xb8;
	[tilespmem:$0x1E000] =	vst v63  }
0xfa: {  	_ =	swait.ge [sflag:s24], $0x2000  }
0xfb: {  	[sflag:s24] =	ssyncset.done $0x0  }
0xfc: {  	s21 =	simm.s32 $0x600;
	[sflag:s24] =	ssyncadd.s32 $0xFFFFE000  }
0xfd: {  	[tilespmem:s13], [sflag:$0x1] =	stream.indirect.gather [spmem:s0], $0x40, s21, s12, $0xb8;
	[tilespmem:$0x1E000] =	vst v63  }
0xfe: {  	_ =	swait.ge [sflag:s7], $0x2000  }
0xff: {  	[sflag:s7] =	ssyncset.done $0x0  }
0x100: {  	s4 =	simm.s32 $0x1480;
	[sflag:s7] =	ssyncadd.s32 $0xFFFFE000  }
0x101: {  	[spmem:s2] =	stream.indirect.scatter.add.f32 [tilespmem:s15], [sflag:$0x7], $0x40, s4, s12, $0xb8;
	[tilespmem:$0x1E000] =	vst v63  }
0x102: {  	_ =	swait.ge [sflag:s24], $0x2000  }
0x103: {  	[sflag:s24] =	ssyncset.done $0x0  }
0x104: {  	s11 =	simm.s32 $0x680;
	[sflag:s24] =	ssyncadd.s32 $0xFFFFE000  }
0x105: {  	[tilespmem:s15], [sflag:$0x2] =	stream.indirect.gather [spmem:s0], $0x40, s11, s12, $0xb8;
	[tilespmem:$0x1E000] =	vst v63  }
0x106: {  	_ =	swait.ge [sflag:s29], $0x2000  }
0x107: {  	[sflag:s29] =	ssyncset.done $0x0  }
0x108: {  	s21 =	simm.s32 $0x1500;
	[sflag:s29] =	ssyncadd.s32 $0xFFFFE000  }
0x109: {  	[spmem:s2] =	stream.indirect.scatter.add.f32 [tilespmem:s17], [sflag:$0x7], $0x40, s21, s12, $0xb8;
	[tilespmem:$0x1E000] =	vst v63  }
0x10a: {  	_ =	swait.ge [sflag:s24], $0x2000  }
0x10b: {  	[sflag:s24] =	ssyncset.done $0x0  }
0x10c: {  	s4 =	simm.s32 $0x700;
	[sflag:s24] =	ssyncadd.s32 $0xFFFFE000  }
0x10d: {  	[tilespmem:s17], [sflag:$0x3] =	stream.indirect.gather [spmem:s0], $0x40, s4, s12, $0xb8;
	[tilespmem:$0x1E000] =	vst v63  }
0x10e: {  	_ =	swait.ge [sflag:s14], $0x2000  }
0x10f: {  	[sflag:s14] =	ssyncset.done $0x0  }
0x110: {  	s11 =	simm.s32 $0x1580;
	[sflag:s14] =	ssyncadd.s32 $0xFFFFE000  }
0x111: {  	[spmem:s2] =	stream.indirect.scatter.add.f32 [tilespmem:s22], [sflag:$0x7], $0x40, s11, s12, $0xb8;
	[tilespmem:$0x1E000] =	vst v63  }
0x112: {  	_ =	swait.ge [sflag:s24], $0x2000  }
0x113: {  	[sflag:s24] =	ssyncset.done $0x0  }
0x114: {  	s21 =	simm.s32 $0x780;
	[sflag:s24] =	ssyncadd.s32 $0xFFFFE000  }
0x115: {  	[tilespmem:s22], [sflag:$0x4] =	stream.indirect.gather [spmem:s0], $0x40, s21, s12, $0xb8;
	[tilespmem:$0x1E000] =	vst v63  }
0x116: {  	_ =	swait.ge [sflag:s6], $0x2000  }
0x117: {  	[sflag:s6] =	ssyncset.done $0x0  }
0x118: {  	s4 =	simm.s32 $0x1600;
	[sflag:s6] =	ssyncadd.s32 $0xFFFFE000  }
0x119: {  	[spmem:s2] =	stream.indirect.scatter.add.f32 [tilespmem:s13], [sflag:$0x7], $0x40, s4, s12, $0xb8;
	[tilespmem:$0x1E000] =	vst v63  }
0x11a: {  	_ =	swait.ge [sflag:s24], $0x2000  }
0x11b: {  	[sflag:s24] =	ssyncset.done $0x0  }
0x11c: {  	[sflag:s24] =	ssyncadd.s32 $0xFFFFE000  }
0x11d: {  	[tilespmem:s13], [sflag:$0x1] =	stream.indirect.gather [spmem:s0], $0x40, s9, s12, $0xb8;
	[tilespmem:$0x1E000] =	vst v63  }
0x11e: {  	_ =	swait.ge [sflag:s7], $0x2000  }
0x11f: {  	[sflag:s7] =	ssyncset.done $0x0  }
0x120: {  	s11 =	simm.s32 $0x1680;
	[sflag:s7] =	ssyncadd.s32 $0xFFFFE000  }
0x121: {  	[spmem:s2] =	stream.indirect.scatter.add.f32 [tilespmem:s15], [sflag:$0x7], $0x40, s11, s12, $0xb8;
	[tilespmem:$0x1E000] =	vst v63  }
0x122: {  	_ =	swait.ge [sflag:s24], $0x2000  }
0x123: {  	[sflag:s24] =	ssyncset.done $0x0  }
0x124: {  	s21 =	simm.s32 $0x880;
	[sflag:s24] =	ssyncadd.s32 $0xFFFFE000  }
0x125: {  	[tilespmem:s15], [sflag:$0x2] =	stream.indirect.gather [spmem:s0], $0x40, s21, s12, $0xb8;
	[tilespmem:$0x1E000] =	vst v63  }
0x126: {  	_ =	swait.ge [sflag:s29], $0x2000  }
0x127: {  	[sflag:s29] =	ssyncset.done $0x0  }
0x128: {  	s4 =	simm.s32 $0x1700;
	[sflag:s29] =	ssyncadd.s32 $0xFFFFE000  }
0x129: {  	[spmem:s2] =	stream.indirect.scatter.add.f32 [tilespmem:s17], [sflag:$0x7], $0x40, s4, s12, $0xb8;
	[tilespmem:$0x1E000] =	vst v63  }
0x12a: {  	_ =	swait.ge [sflag:s24], $0x2000  }
0x12b: {  	[sflag:s24] =	ssyncset.done $0x0  }
0x12c: {  	s11 =	simm.s32 $0x900;
	[sflag:s24] =	ssyncadd.s32 $0xFFFFE000  }
0x12d: {  	[tilespmem:s17], [sflag:$0x3] =	stream.indirect.gather [spmem:s0], $0x40, s11, s12, $0xb8;
	[tilespmem:$0x1E000] =	vst v63  }
0x12e: {  	_ =	swait.ge [sflag:s14], $0x2000  }
0x12f: {  	[sflag:s14] =	ssyncset.done $0x0  }
0x130: {  	s21 =	simm.s32 $0x1780;
	[sflag:s14] =	ssyncadd.s32 $0xFFFFE000  }
0x131: {  	[spmem:s2] =	stream.indirect.scatter.add.f32 [tilespmem:s22], [sflag:$0x7], $0x40, s21, s12, $0xb8;
	[tilespmem:$0x1E000] =	vst v63  }
0x132: {  	_ =	swait.ge [sflag:s24], $0x2000  }
0x133: {  	p0 =	seq.s32 s31, $0x0;
	[sflag:s24] =	ssyncset.done $0x0  }
0x134: {  	s1 =	sadd.s32 @!p0 s31, s20;
	s4 =	simm.s32 $0x980;
	[sflag:s24] =	ssyncadd.s32 $0xFFFFE000  }
0x135: {  	[tilespmem:s22], [sflag:$0x4] =	stream.indirect.gather [spmem:s0], $0x40, s4, s12, $0xb8;
	[tilespmem:$0x1E000] =	vst v63  }
0x136: {  	s4 =	sadd.s32 @!p0 $0xA00, s1;
	s1 =	simm.s32 @!p0 $0x0  }
0x137: {  	[tilespmem:s1], [sflag:$0x5] =	stream.linear.gather @!p0 [hbm4b:s4+s1], $0x800, $0x38;
	[tilespmem:$0x1E000] =	vst v63  }
0x138: {  	s4 =	sadd.s32 @!p0 s31, s19  }
0x139: {  	s11 =	simm.s32 @!p0 $0x1000;
	s4 =	sadd.s32 @!p0 $0xA00, s4  }
0x13a: {  	[tilespmem:s11], [sflag:$0x5] =	stream.linear.gather @!p0 [hbm4b:s4+s1], $0x800, $0x38;
	[tilespmem:$0x1E000] =	vst v63  }
0x13b: {  	s4 =	simm.s32 @!p0 $0x5  }
0x13c: {  	_ =	swait.ge @!p0 [sflag:s4], $0x800  }
0x13d: {  	[sflag:s4] =	ssyncset.done @!p0 $0x0  }
0x13e: {  	[sflag:s4] =	ssyncadd.s32 @!p0 $0xFFFFF800  }
0x13f: {  	_ =	swait.ge @!p0 [sflag:s4], $0x800  }
0x140: {  	[sflag:s4] =	ssyncset.done @!p0 $0x0  }
0x141: {  	[sflag:s4] =	ssyncadd.s32 @!p0 $0xFFFFF800  }
0x142: {  	_ =	swait.ge [sflag:s6], $0x2000  }
0x143: {  	[sflag:s6] =	ssyncset.done $0x0  }
0x144: {  	[sflag:s6] =	ssyncadd.s32 $0xFFFFE000  }
0x145: {  	[spmem:s2] =	stream.indirect.scatter.add.f32 [tilespmem:s13], [sflag:$0x7], $0x40, s10, s12, $0xb8;
	[tilespmem:$0x1E000] =	vst v63  }
0x146: {  	_ =	swait.ge [sflag:s24], $0x2000  }
0x147: {  	[sflag:s24] =	ssyncset.done $0x0  }
0x148: {  	s11 =	simm.s32 $0xA00;
	[sflag:s24] =	ssyncadd.s32 $0xFFFFE000  }
0x149: {  	[tilespmem:s13], [sflag:$0x1] =	stream.indirect.gather [spmem:s0], $0x40, s11, s12, $0xb8;
	[tilespmem:$0x1E000] =	vst v63  }
0x14a: {  	_ =	swait.ge [sflag:s7], $0x2000  }
0x14b: {  	[sflag:s7] =	ssyncset.done $0x0  }
0x14c: {  	s21 =	simm.s32 $0x1880;
	[sflag:s7] =	ssyncadd.s32 $0xFFFFE000  }
0x14d: {  	[spmem:s2] =	stream.indirect.scatter.add.f32 [tilespmem:s15], [sflag:$0x7], $0x40, s21, s12, $0xb8;
	[tilespmem:$0x1E000] =	vst v63  }
0x14e: {  	_ =	swait.ge [sflag:s24], $0x2000  }
0x14f: {  	[sflag:s24] =	ssyncset.done $0x0  }
0x150: {  	s11 =	simm.s32 $0xA80;
	[sflag:s24] =	ssyncadd.s32 $0xFFFFE000  }
0x151: {  	[tilespmem:s15], [sflag:$0x2] =	stream.indirect.gather [spmem:s0], $0x40, s11, s12, $0xb8;
	[tilespmem:$0x1E000] =	vst v63  }
0x152: {  	_ =	swait.ge [sflag:s29], $0x2000  }
0x153: {  	[sflag:s29] =	ssyncset.done $0x0  }
0x154: {  	s21 =	simm.s32 $0x1900;
	[sflag:s29] =	ssyncadd.s32 $0xFFFFE000  }
0x155: {  	[spmem:s2] =	stream.indirect.scatter.add.f32 [tilespmem:s17], [sflag:$0x7], $0x40, s21, s12, $0xb8;
	[tilespmem:$0x1E000] =	vst v63  }
0x156: {  	_ =	swait.ge [sflag:s24], $0x2000  }
0x157: {  	[sflag:s24] =	ssyncset.done $0x0  }
0x158: {  	s11 =	simm.s32 $0xB00;
	[sflag:s24] =	ssyncadd.s32 $0xFFFFE000  }
0x159: {  	[tilespmem:s17], [sflag:$0x3] =	stream.indirect.gather [spmem:s0], $0x40, s11, s12, $0xb8;
	[tilespmem:$0x1E000] =	vst v63  }
0x15a: {  	_ =	swait.ge [sflag:s14], $0x2000  }
0x15b: {  	[sflag:s14] =	ssyncset.done $0x0  }
0x15c: {  	s21 =	simm.s32 $0x1980;
	[sflag:s14] =	ssyncadd.s32 $0xFFFFE000  }
0x15d: {  	[spmem:s2] =	stream.indirect.scatter.add.f32 [tilespmem:s22], [sflag:$0x7], $0x40, s21, s12, $0xb8;
	[tilespmem:$0x1E000] =	vst v63  }
0x15e: {  	_ =	swait.ge [sflag:s24], $0x2000  }
0x15f: {  	[sflag:s24] =	ssyncset.done $0x0  }
0x160: {  	s11 =	simm.s32 $0xB80;
	[sflag:s24] =	ssyncadd.s32 $0xFFFFE000  }
0x161: {  	[tilespmem:s22], [sflag:$0x4] =	stream.indirect.gather [spmem:s0], $0x40, s11, s12, $0xb8;
	[tilespmem:$0x1E000] =	vst v63  }
0x162: {  	_ =	swait.ge [sflag:s6], $0x2000  }
0x163: {  	[sflag:s6] =	ssyncset.done $0x0  }
0x164: {  	s21 =	simm.s32 $0x1A00;
	[sflag:s6] =	ssyncadd.s32 $0xFFFFE000  }
0x165: {  	[spmem:s2] =	stream.indirect.scatter.add.f32 [tilespmem:s13], [sflag:$0x7], $0x40, s21, s12, $0xb8;
	[tilespmem:$0x1E000] =	vst v63  }
0x166: {  	_ =	swait.ge [sflag:s24], $0x2000  }
0x167: {  	[sflag:s24] =	ssyncset.done $0x0  }
0x168: {  	s11 =	simm.s32 $0xC00;
	[sflag:s24] =	ssyncadd.s32 $0xFFFFE000  }
0x169: {  	[tilespmem:s13], [sflag:$0x1] =	stream.indirect.gather [spmem:s0], $0x40, s11, s12, $0xb8;
	[tilespmem:$0x1E000] =	vst v63  }
0x16a: {  	_ =	swait.ge [sflag:s7], $0x2000  }
0x16b: {  	[sflag:s7] =	ssyncset.done $0x0  }
0x16c: {  	s21 =	simm.s32 $0x1A80;
	[sflag:s7] =	ssyncadd.s32 $0xFFFFE000  }
0x16d: {  	[spmem:s2] =	stream.indirect.scatter.add.f32 [tilespmem:s15], [sflag:$0x7], $0x40, s21, s12, $0xb8;
	[tilespmem:$0x1E000] =	vst v63  }
0x16e: {  	_ =	swait.ge [sflag:s24], $0x2000  }
0x16f: {  	[sflag:s24] =	ssyncset.done $0x0  }
0x170: {  	s11 =	simm.s32 $0xC80;
	[sflag:s24] =	ssyncadd.s32 $0xFFFFE000  }
0x171: {  	[tilespmem:s15], [sflag:$0x2] =	stream.indirect.gather [spmem:s0], $0x40, s11, s12, $0xb8;
	[tilespmem:$0x1E000] =	vst v63  }
0x172: {  	_ =	swait.ge [sflag:s29], $0x2000  }
0x173: {  	[sflag:s29] =	ssyncset.done $0x0  }
0x174: {  	s21 =	simm.s32 $0x1B00;
	[sflag:s29] =	ssyncadd.s32 $0xFFFFE000  }
0x175: {  	[spmem:s2] =	stream.indirect.scatter.add.f32 [tilespmem:s17], [sflag:$0x7], $0x40, s21, s12, $0xb8;
	[tilespmem:$0x1E000] =	vst v63  }
0x176: {  	_ =	swait.ge [sflag:s24], $0x2000  }
0x177: {  	[sflag:s24] =	ssyncset.done $0x0  }
0x178: {  	s11 =	simm.s32 $0xD00;
	[sflag:s24] =	ssyncadd.s32 $0xFFFFE000  }
0x179: {  	[tilespmem:s17], [sflag:$0x3] =	stream.indirect.gather [spmem:s0], $0x40, s11, s12, $0xb8;
	[tilespmem:$0x1E000] =	vst v63  }
0x17a: {  	_ =	swait.ge [sflag:s14], $0x2000  }
0x17b: {  	[sflag:s14] =	ssyncset.done $0x0  }
0x17c: {  	s21 =	simm.s32 $0x1B80;
	[sflag:s14] =	ssyncadd.s32 $0xFFFFE000  }
0x17d: {  	[spmem:s2] =	stream.indirect.scatter.add.f32 [tilespmem:s22], [sflag:$0x7], $0x40, s21, s12, $0xb8;
	[tilespmem:$0x1E000] =	vst v63  }
0x17e: {  	_ =	swait.ge [sflag:s24], $0x2000  }
0x17f: {  	[sflag:s24] =	ssyncset.done $0x0  }
0x180: {  	s11 =	simm.s32 $0xD80;
	[sflag:s24] =	ssyncadd.s32 $0xFFFFE000  }
0x181: {  	[tilespmem:s22], [sflag:$0x4] =	stream.indirect.gather [spmem:s0], $0x40, s11, s12, $0xb8;
	[tilespmem:$0x1E000] =	vst v63  }
0x182: {  	_ =	swait.ge [sflag:s6], $0x2000  }
0x183: {  	[sflag:s6] =	ssyncset.done $0x0  }
0x184: {  	s21 =	simm.s32 $0x1C00;
	[sflag:s6] =	ssyncadd.s32 $0xFFFFE000  }
0x185: {  	[spmem:s2] =	stream.indirect.scatter.add.f32 [tilespmem:s13], [sflag:$0x7], $0x40, s21, s12, $0xb8;
	[tilespmem:$0x1E000] =	vst v63  }
0x186: {  	_ =	swait.ge [sflag:s24], $0x2000  }
0x187: {  	[sflag:s24] =	ssyncset.done $0x0  }
0x188: {  	s11 =	simm.s32 $0xE00;
	[sflag:s24] =	ssyncadd.s32 $0xFFFFE000  }
0x189: {  	[tilespmem:s13], [sflag:$0x1] =	stream.indirect.gather [spmem:s0], $0x40, s11, s12, $0xb8;
	[tilespmem:$0x1E000] =	vst v63  }
0x18a: {  	_ =	swait.ge [sflag:s7], $0x2000  }
0x18b: {  	[sflag:s7] =	ssyncset.done $0x0  }
0x18c: {  	s21 =	simm.s32 $0x1C80;
	[sflag:s7] =	ssyncadd.s32 $0xFFFFE000  }
0x18d: {  	[spmem:s2] =	stream.indirect.scatter.add.f32 [tilespmem:s15], [sflag:$0x7], $0x40, s21, s12, $0xb8;
	[tilespmem:$0x1E000] =	vst v63  }
0x18e: {  	_ =	swait.ge [sflag:s24], $0x2000  }
0x18f: {  	[sflag:s24] =	ssyncset.done $0x0  }
0x190: {  	[sflag:s24] =	ssyncadd.s32 $0xFFFFE000  }
0x191: {  	[tilespmem:s15], [sflag:$0x2] =	stream.indirect.gather [spmem:s0], $0x40, s5, s12, $0xb8;
	[tilespmem:$0x1E000] =	vst v63  }
0x192: {  	_ =	swait.ge [sflag:s29], $0x2000  }
0x193: {  	[sflag:s29] =	ssyncset.done $0x0  }
0x194: {  	[sflag:s29] =	ssyncadd.s32 $0xFFFFE000  }
0x195: {  	[spmem:s2] =	stream.indirect.scatter.add.f32 [tilespmem:s17], [sflag:$0x7], $0x40, s16, s12, $0xb8;
	[tilespmem:$0x1E000] =	vst v63  }
0x196: {  	_ =	swait.ge [sflag:s24], $0x2000  }
0x197: {  	[sflag:s24] =	ssyncset.done $0x0  }
0x198: {  	[sflag:s24] =	ssyncadd.s32 $0xFFFFE000  }
0x199: {  	[tilespmem:s17], [sflag:$0x3] =	stream.indirect.gather [spmem:s0], $0x40, s18, s12, $0xb8;
	[tilespmem:$0x1E000] =	vst v63  }
0x19a: {  	_ =	swait.ge [sflag:s14], $0x2000  }
0x19b: {  	[sflag:s14] =	ssyncset.done $0x0  }
0x19c: {  	[sflag:s14] =	ssyncadd.s32 $0xFFFFE000  }
0x19d: {  	[spmem:s2] =	stream.indirect.scatter.add.f32 [tilespmem:s22], [sflag:$0x7], $0x40, s25, s12, $0xb8;
	[tilespmem:$0x1E000] =	vst v63  }
0x19e: {  	_ =	swait.ge [sflag:s24], $0x2000  }
0x19f: {  	[sflag:s24] =	ssyncset.done $0x0  }
0x1a0: {  	[sflag:s24] =	ssyncadd.s32 $0xFFFFE000  }
0x1a1: {  	[tilespmem:s22], [sflag:$0x4] =	stream.indirect.gather [spmem:s0], $0x40, s26, s12, $0xb8;
	[tilespmem:$0x1E000] =	vst v63  }
0x1a2: {  	_ =	swait.ge [sflag:s6], $0x2000  }
0x1a3: {  	[sflag:s6] =	ssyncset.done $0x0  }
0x1a4: {  	[sflag:s6] =	ssyncadd.s32 $0xFFFFE000  }
0x1a5: {  	[spmem:s2] =	stream.indirect.scatter.add.f32 [tilespmem:s13], [sflag:$0x7], $0x40, s28, s12, $0xb8;
	[tilespmem:$0x1E000] =	vst v63  }
0x1a6: {  	_ =	swait.ge [sflag:s24], $0x2000  }
0x1a7: {  	[sflag:s24] =	ssyncset.done $0x0  }
0x1a8: {  	s4 =	simm.s32 @p0 $0x2;
	[sflag:s24] =	ssyncadd.s32 $0xFFFFE000  }
0x1a9: {  	_ =	swait.ge @p0 [sflag:s4], $0x2000  }
0x1aa: {  	s11 =	simm.s32 @p0 $0x1E80;
	[sflag:s4] =	ssyncset.done @p0 $0x0  }
0x1ab: {  	s21 =	simm.s32 @p0 $0x4000;
	[sflag:s4] =	ssyncadd.s32 @p0 $0xFFFFE000;
	s4 =	simm.s32 @p0 $0x80  }
0x1ac: {  	[spmem:s2] =	stream.indirect.scatter.add.f32 @p0 [tilespmem:s21], [sflag:$0x7], $0x40, s11, s4, $0xb8;
	[tilespmem:$0x1E000] =	vst v63  }
0x1ad: {  	s4 =	simm.s32 @p0 $0x7  }
0x1ae: {  	_ =	swait.ge @p0 [sflag:s4], $0x2000  }
0x1af: {  	[sflag:s4] =	ssyncset.done @p0 $0x0  }
0x1b0: {  	s11 =	simm.s32 @!p0 $0x2000;
	[sflag:s4] =	ssyncadd.s32 @p0 $0xFFFFE000;
	s4 =	simm.s32 @!p0 $0x80  }
0x1b1: {  	[tilespmem:s11], [sflag:$0x1] =	stream.indirect.gather @!p0 [spmem:s0], $0x40, s1, s4, $0xb8;
	[tilespmem:$0x1E000] =	vst v63  }
0x1b2: {  	s1 =	simm.s32 @!p0 $0x2  }
0x1b3: {  	_ =	swait.ge @!p0 [sflag:s1], $0x2000  }
0x1b4: {  	[sflag:s1] =	ssyncset.done @!p0 $0x0  }
0x1b5: {  	s11 =	simm.s32 @!p0 $0x4000;
	[sflag:s1] =	ssyncadd.s32 @!p0 $0xFFFFE000;
	s1 =	simm.s32 @!p0 $0x1E80  }
0x1b6: {  	[spmem:s2] =	stream.indirect.scatter.add.f32 @!p0 [tilespmem:s11], [sflag:$0x7], $0x40, s1, s4, $0xb8;
	[tilespmem:$0x1E000] =	vst v63  }
0x1b7: {  	s1 =	simm.s32 @!p0 $0x7  }
0x1b8: {  	_ =	swait.ge @!p0 [sflag:s1], $0x2000  }
0x1b9: {  	[sflag:s1] =	ssyncset.done @!p0 $0x0  }
0x1ba: {  	[sflag:s1] =	ssyncadd.s32 @!p0 $0xFFFFE000  }
0x1bb: {  	[tilespmem:s11], [sflag:$0x2] =	stream.indirect.gather @!p0 [spmem:s0], $0x40, s4, s4, $0xb8;
	[tilespmem:$0x1E000] =	vst v63  }
0x1bc: {  	_ =	swait.ge [sflag:s29], $0x2000  }
0x1bd: {  	[sflag:s29] =	ssyncset.done $0x0  }
.Ltmp2:
0x1be: {  	[sflag:s29] =	ssyncadd.s32 $0xFFFFE000;
	(pc) =	sbr.rel @p0 .LBB2_4-.Ltmp2, $4  }
0x1bf: {  	[spmem:s2] =	stream.indirect.scatter.add.f32 [tilespmem:s17], [sflag:$0x7], $0x40, s8, s12, $0xb8;
	[tilespmem:$0x1E000] =	vst v63  }
0x1c0: {  	_ =	swait.ge [sflag:s24], $0x2000  }
0x1c1: {  	[sflag:s24] =	ssyncset.done $0x0  }
0x1c2: {  	[sflag:s24] =	ssyncadd.s32 $0xFFFFE000  }
0x1c3: {  	s1 =	simm.s32 $0x100  }
0x1c4: {  	[tilespmem:s17], [sflag:$0x3] =	stream.indirect.gather [spmem:s0], $0x40, s1, s12, $0xb8;
	[tilespmem:$0x1E000] =	vst v63  }
0x1c5: {  	_ =	swait.ge [sflag:s14], $0x2000  }
0x1c6: {  	[sflag:s14] =	ssyncset.done $0x0  }
0x1c7: {  	[sflag:s14] =	ssyncadd.s32 $0xFFFFE000  }
0x1c8: {  	[spmem:s2] =	stream.indirect.scatter.add.f32 [tilespmem:s22], [sflag:$0x7], $0x40, s30, s12, $0xb8;
	[tilespmem:$0x1E000] =	vst v63  }
0x1c9: {  	_ =	swait.ge [sflag:s24], $0x2000  }
0x1ca: {  	[sflag:s24] =	ssyncset.done $0x0  }
0x1cb: {  	s4 =	simm.s32 $0x180;
	[sflag:s24] =	ssyncadd.s32 $0xFFFFE000  }
0x1cc: {  	[tilespmem:s22], [sflag:$0x4] =	stream.indirect.gather [spmem:s0], $0x40, s4, s12, $0xb8;
	[tilespmem:$0x1E000] =	vst v63  }
.Ltmp3:
0x1cd: {  	s11 =	sadd.s32 s31, s20;
	(pc) =	sbr.rel .LBB2_2-.Ltmp3, $4  }
0x1ce: {  	s21 =	sadd.s32 s31, s19;
	s1 =	sadd.s32 $0xB00, s11  }
0x1cf: {  	[tilespmem:s9], [sflag:$0x6] =	stream.linear.gather [hbm4b:s1+s3], $0x800, $0x38;
	[tilespmem:$0x1E000] =	vst v63  }
0x1d0: {  	s31 =	sadd.s32 $0x200, s31;
	s1 =	sadd.s32 $0xB00, s21  }
0x1d1: {  	[tilespmem:s10], [sflag:$0x6] =	stream.linear.gather [hbm4b:s1+s3], $0x800, $0x38;
	[tilespmem:$0x1E000] =	vst v63  }
.LBB2_5:
0x1d2: {  	_ =	sfence.sel $0x180000  }
0x1d3: {  	[bflag:$0x0] =	sbarrier.arrive $0xFFFF  }
0x1d4: {  	_ =	strace $0x90000047  }
0x1d5: {  	s0 =	stileid.u32;
	[bflag:$0x2] =	sbarrier.arrive $0xFFFF  }
0x1d6: {  	p0 =	sne.s32 s0, $0x0;
	s0 =	rddreg [dreg:$0x4]  }
0x1d7: {  	s0 =	sadd.s32 @!p0 $0x100000, s0  }
0x1d8: {  	[sflag:s0] =	ssyncadd.tile.s32 @!p0 $0x1;
	_ =	shalt  }
.Lfunc_end2:
_tile_overlayer_lowered:
.L_overlay_start_2:
0x1d9: {  	(tag) =	ssettag $0x2  }
0x1da: {  	s0 =	rddreg [dreg:$0x0];
	s2 =	stileid.u32  }
0x1db: {  	s1 =	rddreg [dreg:$0x1];
	p0 =	sne.s32 s2, $0x0  }
0x1dc: {  	s3 =	rddreg [dreg:$0x2];
	[bflag:$0x3] =	sbarrier.arrive $0xFFFF;
	s2 =	simm.s32 @!p0 $0x1C07  }
0x1dd: {  	[timem:s3], [sflag:s2] =	dma.local @!p0 [hbm:s0], s1  }
0x1de: {  	s0 =	simm.s32 @!p0 $0x7  }
0x1df: {  	_ =	swait.ge @!p0 [sflag:s0], s1  }
0x1e0: {  	s1 =	ssub.s32 @!p0 $0x0, s1;
	[sflag:s0] =	ssyncset.done @!p0 $0x0  }
0x1e1: {  	[sflag:s0] =	ssyncadd.s32 @!p0 s1  }
0x1e2: {  	[bflag:$0x3] =	sbarrier.arrive $0xFFFF  }
0x1e3: {  	_ =	shalt  }

</sc_bundles>
